<compile_context>
chip_gen: v7x
topology: tpu7x:2x2x1
jax: 0.10.2.dev20260603
libtpu: 0.0.44.dev20260713+nightly
codegen_flags: <defaults>
</compile_context>

<pallas_src>
import functools

import jax
import jax.numpy as jnp
from jax import lax
from jax.experimental import pallas as pl
from jax.experimental.pallas import tpu as pltpu
from jax.experimental.pallas import tpu_sc as plsc

VOCAB = 100000
HIDDEN = 64
BATCH = 4096
SEQ = 50
LETTERS = 20
SEQ_FLAT = SEQ * LETTERS
OUT_ROW = SEQ * HIDDEN
POS_STAGE = 56
RING = 2
NBLK = HIDDEN // 32

CHUNKS = [(0, SEQ_FLAT)]

_info = plsc.get_sparse_core_info()
NC, NS = _info.num_cores, _info.num_subcores
NW = NC * NS
B_PER_W = BATCH // NW


def _sc_body(ids_hbm, table_hbm, pos_hbm, out_hbm, idx_v, rows_v, pos_v, out_v, *sems):
    wid = lax.axis_index("s") * NC + lax.axis_index("c")
    pltpu.sync_copy(pos_hbm.at[pl.ds(0, POS_STAGE * HIDDEN)], pos_v)

    sem_g = sems[0:RING]
    sem_i = sems[RING : 2 * RING]
    sem_o = sems[2 * RING : 3 * RING]

    def fire_idx(i, ip):
        pltpu.async_copy(ids_hbm.at[wid * B_PER_W + i], idx_v.at[ip], sem_i[ip])

    def wait_idx(ip):
        pltpu.make_async_copy(ids_hbm.at[0], idx_v.at[0], sem_i[ip]).wait()

    def fire_gathers(ip):
        for off, sz in CHUNKS:
            pltpu.async_copy(
                table_hbm.at[idx_v.at[ip, pl.ds(off, sz)]],
                rows_v.at[pl.ds(ip * SEQ_FLAT + off, sz)],
                sem_g[ip],
            )

    def wait_gathers(ip):
        pltpu.make_async_copy(
            table_hbm.at[pl.ds(0, SEQ_FLAT)],
            rows_v.at[pl.ds(0, SEQ_FLAT)],
            sem_g[ip],
        ).wait()

    def fire_out(i, ip):
        pltpu.async_copy(
            out_v.at[pl.ds(ip * OUT_ROW, OUT_ROW)],
            out_hbm.at[wid * B_PER_W + i],
            sem_o[ip],
        )

    def wait_out(ip):
        pltpu.make_async_copy(
            out_v.at[pl.ds(0, OUT_ROW)],
            out_hbm.at[0],
            sem_o[ip],
        ).wait()

    def reduce_row(ip):
        row_base = ip * SEQ_FLAT
        out_base = ip * OUT_ROW
        ve = lax.iota(jnp.int32, 16) * 2

        def per_seg(so, carry):
            for si in range(5):
                s = so * 5 + si
                r0 = row_base + s * LETTERS
                for k in range(NBLK):
                    acc_e = pos_v[pl.ds(s * HIDDEN + k * 32, 16)]
                    acc_o = pos_v[pl.ds(s * HIDDEN + k * 32 + 16, 16)]
                    for l in range(LETTERS):
                        v = rows_v[r0 + l, pl.ds(k * 32, 32)]
                        e, o = plsc.unpack(v, format=plsc.PackFormat.INTERLEAVED)
                        acc_e = acc_e + e
                        acc_o = acc_o + o
                    base = out_base + s * HIDDEN + 32 * k
                    plsc.store_scatter(out_v, [ve + base], acc_e)
                    plsc.store_scatter(out_v, [ve + (base + 1)], acc_o)
            return carry

        lax.fori_loop(0, SEQ // 5, per_seg, 0)

    def row_step(i, ip):
        wait_gathers(ip)

        @pl.when(i + 2 < B_PER_W)
        def _():
            fire_idx(i + 2, ip)

        @pl.when(i + 1 < B_PER_W)
        def _():
            wait_idx(1 - ip)
            fire_gathers(1 - ip)

        @pl.when(i >= 2)
        def _():
            wait_out(ip)

        reduce_row(ip)
        fire_out(i, ip)

    fire_idx(0, 0)
    fire_idx(1, 1)
    wait_idx(0)
    fire_gathers(0)

    def step(ii, carry):
        row_step(2 * ii, 0)
        row_step(2 * ii + 1, 1)
        return carry

    lax.fori_loop(0, B_PER_W // 2, step, 0)
    wait_out(0)
    wait_out(1)


_sc_kernel = functools.partial(
    pl.kernel,
    out_type=jax.ShapeDtypeStruct((BATCH, SEQ * HIDDEN), jnp.float32),
    mesh=plsc.VectorSubcoreMesh(core_axis_name="c", subcore_axis_name="s"),
    scratch_types=[
        pltpu.VMEM((RING, SEQ_FLAT), jnp.int32),
        pltpu.VMEM((RING * SEQ_FLAT, HIDDEN), jnp.bfloat16),
        pltpu.VMEM((POS_STAGE * HIDDEN,), jnp.float32),
        pltpu.VMEM((RING * OUT_ROW,), jnp.float32),
    ]
    + [pltpu.SemaphoreType.DMA] * (3 * RING),
    compiler_params=pltpu.CompilerParams(
        use_tc_tiling_on_sc=False, needs_layout_passes=False
    ),
)(_sc_body)


@jax.jit
def kernel(input_ids, tri_table, pos_table):
    table16 = tri_table.astype(jnp.bfloat16)
    pos_de = pos_table.reshape(-1, NBLK, 16, 2).transpose(0, 1, 3, 2).reshape(-1)
    return _sc_kernel(input_ids, table16, pos_de).reshape(BATCH, SEQ, HIDDEN)

# --- scband reference (transcript-rebuilt; emitter-appended) ---
"""Pipeline reference for scband-tri-embeddings-61117384622100 (READ-ONLY COPY).

The authoritative reference and input builder live on the scoring server;
editing this copy changes nothing except your own understanding.
"""

import jax, jax.numpy as jnp
import numpy as np

VOCAB = 100000
HIDDEN = 64
MAX_POS = 512
MAX_N_LETTERS = 20
BATCH = 4096
SEQ_FLAT = 1000  # max_seq_length(50) * max_n_letters(20)


def setup_inputs(seed: int = 0) -> dict:
    key = jax.random.key(seed)
    k1, k2, k3 = jax.random.split(key, 3)
    input_ids = jax.random.randint(k1, (BATCH, SEQ_FLAT), 0, VOCAB, dtype=jnp.int32)
    tri_table = jax.random.normal(k2, (VOCAB, HIDDEN), dtype=jnp.float32) * 0.02
    tri_table = tri_table.at[0].set(0.0)  # padding_idx=0
    pos_table = jax.random.normal(k3, (MAX_POS, HIDDEN), dtype=jnp.float32) * 0.02
    pos_table = pos_table.at[0].set(0.0)  # padding_idx=0
    return {"input_ids": input_ids, "tri_table": tri_table, "pos_table": pos_table}


def reference(input_ids, tri_table, pos_table):
    max_seq_length = input_ids.shape[1] // MAX_N_LETTERS
    position_ids = jnp.arange(max_seq_length, dtype=jnp.int32)
    pos_embeddings = jnp.take(pos_table, position_ids, axis=0)  # [S, H]
    embeddings = jnp.take(tri_table, input_ids, axis=0)  # [B, S*L, H]
    embeddings = embeddings.reshape(-1, max_seq_length, MAX_N_LETTERS, embeddings.shape[-1])
    embeddings = embeddings.sum(axis=2).reshape(-1, max_seq_length, embeddings.shape[-1])
    embeddings = embeddings + pos_embeddings
    return embeddings

if __name__ == "__main__":
    import jax
    _d = setup_inputs()
    print(jax.jit(kernel)(*tuple(_d.values())))

</pallas_src>

<mosaic_0001>
#map = affine_map<(d0, d1) -> (0, 0)>
#map1 = affine_map<(d0, d1) -> (0)>
module attributes {stable_mosaic.version = 14 : i64} {
  func.func @_sc_body(%arg0: i32, %arg1: i32, %arg2: memref<4096x1000xi32, #tpu.memory_space<hbm>>, %arg3: memref<100000x64xbf16, #tpu.memory_space<hbm>>, %arg4: memref<32768xf32, #tpu.memory_space<hbm>>, %arg5: memref<4096x3200xf32, #tpu.memory_space<hbm>>, %arg6: memref<2x1000xi32, #tpu.memory_space<vmem>>, %arg7: memref<2000x64xbf16, #tpu.memory_space<vmem>>, %arg8: memref<3584xf32, #tpu.memory_space<vmem>>, %arg9: memref<6400xf32, #tpu.memory_space<vmem>>, %arg10: memref<!tpu.dma_semaphore, #tpu.memory_space<semaphore_mem>>, %arg11: memref<!tpu.dma_semaphore, #tpu.memory_space<semaphore_mem>>, %arg12: memref<!tpu.dma_semaphore, #tpu.memory_space<semaphore_mem>>, %arg13: memref<!tpu.dma_semaphore, #tpu.memory_space<semaphore_mem>>, %arg14: memref<!tpu.dma_semaphore, #tpu.memory_space<semaphore_mem>>, %arg15: memref<!tpu.dma_semaphore, #tpu.memory_space<semaphore_mem>>) attributes {dimension_semantics = [#tpu.dimension_semantics<core_parallel>, #tpu.dimension_semantics<subcore_parallel>], iteration_bounds = array<i64: 2, 16>, scalar_prefetch = 0 : i64, scratch_operands = 10 : i64, tpu.core_type = #tpu.core_type<sc_vector_subcore>, window_params = [{transform_indices = #map}, {transform_indices = #map}, {transform_indices = #map1}, {transform_indices = #map}]} {
    %mul3A = arith.constant 2 : i32
    %mul3A_0 = arith.muli %arg1, %mul3A : i32
    %add3A = arith.addi %mul3A_0, %arg0 : i32
    "tpu.region"() ({
      %run_scoped3A = tpu.sem_alloc : memref<!tpu.dma_semaphore, #tpu.memory_space<semaphore_mem>>
      %dma_start3A_84 = arith.constant 0 : i32
      %dma_start3A_85 = tpu.memref_slice %arg4[%dma_start3A_84] : memref<32768xf32, #tpu.memory_space<hbm>> -> memref<3584xf32, #tpu.memory_space<hbm>>
      %dma_start3A_86 = arith.constant 0 : i32
      %dma_start3A_87 = tpu.memref_slice %arg4[%dma_start3A_86] : memref<32768xf32, #tpu.memory_space<hbm>> -> memref<3584xf32, #tpu.memory_space<hbm>>
      tpu.enqueue_dma source(%dma_start3A_87 : memref<3584xf32, #tpu.memory_space<hbm>>) target(%arg8 : memref<3584xf32, #tpu.memory_space<vmem>>) target_semaphore(%run_scoped3A : memref<!tpu.dma_semaphore, #tpu.memory_space<semaphore_mem>>)
      %dma_wait3A_88 = arith.constant 0 : i32
      %dma_wait3A_89 = tpu.memref_slice %arg4[%dma_wait3A_88] : memref<32768xf32, #tpu.memory_space<hbm>> -> memref<3584xf32, #tpu.memory_space<hbm>>
      %dma_wait3A_90 = arith.constant 0 : i32
      %dma_wait3A_91 = tpu.memref_slice %arg4[%dma_wait3A_90] : memref<32768xf32, #tpu.memory_space<hbm>> -> memref<3584xf32, #tpu.memory_space<hbm>>
      tpu.wait_dma2 semaphore(%run_scoped3A : memref<!tpu.dma_semaphore, #tpu.memory_space<semaphore_mem>>) src(%dma_wait3A_91 : memref<3584xf32, #tpu.memory_space<hbm>>) dst(%arg8 : memref<3584xf32, #tpu.memory_space<vmem>>)
      tpu.yield
    }) : () -> ()
    %mul3A_1 = arith.constant 128 : i32
    %mul3A_2 = arith.muli %add3A, %mul3A_1 : i32
    %add3A_3 = arith.constant 0 : i32
    %add3A_4 = arith.addi %mul3A_2, %add3A_3 : i32
    %dma_start3A = arith.constant 0 : i32
    %dma_start3A_5 = arith.constant 0 : i32
    %dma_start3A_6 = tpu.memref_slice %arg6[%dma_start3A, %dma_start3A_5] : memref<2x1000xi32, #tpu.memory_space<vmem>> -> memref<1x1000xi32, #tpu.memory_space<vmem>>
    %dma_start3A_7 = tpu.memref_squeeze %dma_start3A_6 : memref<1x1000xi32, #tpu.memory_space<vmem>> -> memref<1000xi32, #tpu.memory_space<vmem>>
    %dma_start3A_8 = arith.constant 0 : i32
    %dma_start3A_9 = tpu.memref_slice %arg2[%add3A_4, %dma_start3A_8] : memref<4096x1000xi32, #tpu.memory_space<hbm>> -> memref<1x1000xi32, #tpu.memory_space<hbm>>
    %dma_start3A_10 = tpu.memref_squeeze %dma_start3A_9 : memref<1x1000xi32, #tpu.memory_space<hbm>> -> memref<1000xi32, #tpu.memory_space<hbm>>
    %dma_start3A_11 = arith.constant 0 : i32
    %dma_start3A_12 = tpu.memref_slice %arg6[%dma_start3A, %dma_start3A_11] : memref<2x1000xi32, #tpu.memory_space<vmem>> -> memref<1x1000xi32, #tpu.memory_space<vmem>>
    %dma_start3A_13 = tpu.memref_squeeze %dma_start3A_12 : memref<1x1000xi32, #tpu.memory_space<vmem>> -> memref<1000xi32, #tpu.memory_space<vmem>>
    %dma_start3A_14 = arith.constant 0 : i32
    %dma_start3A_15 = tpu.memref_slice %arg2[%add3A_4, %dma_start3A_14] : memref<4096x1000xi32, #tpu.memory_space<hbm>> -> memref<1x1000xi32, #tpu.memory_space<hbm>>
    %dma_start3A_16 = tpu.memref_squeeze %dma_start3A_15 : memref<1x1000xi32, #tpu.memory_space<hbm>> -> memref<1000xi32, #tpu.memory_space<hbm>>
    tpu.enqueue_dma source(%dma_start3A_16 : memref<1000xi32, #tpu.memory_space<hbm>>) target(%dma_start3A_13 : memref<1000xi32, #tpu.memory_space<vmem>>) target_semaphore(%arg12 : memref<!tpu.dma_semaphore, #tpu.memory_space<semaphore_mem>>)
    %mul3A_17 = arith.constant 128 : i32
    %mul3A_18 = arith.muli %add3A, %mul3A_17 : i32
    %add3A_19 = arith.constant 1 : i32
    %add3A_20 = arith.addi %mul3A_18, %add3A_19 : i32
    %dma_start3A_21 = arith.constant 1 : i32
    %dma_start3A_22 = arith.constant 0 : i32
    %dma_start3A_23 = tpu.memref_slice %arg6[%dma_start3A_21, %dma_start3A_22] : memref<2x1000xi32, #tpu.memory_space<vmem>> -> memref<1x1000xi32, #tpu.memory_space<vmem>>
    %dma_start3A_24 = tpu.memref_squeeze %dma_start3A_23 : memref<1x1000xi32, #tpu.memory_space<vmem>> -> memref<1000xi32, #tpu.memory_space<vmem>>
    %dma_start3A_25 = arith.constant 0 : i32
    %dma_start3A_26 = tpu.memref_slice %arg2[%add3A_20, %dma_start3A_25] : memref<4096x1000xi32, #tpu.memory_space<hbm>> -> memref<1x1000xi32, #tpu.memory_space<hbm>>
    %dma_start3A_27 = tpu.memref_squeeze %dma_start3A_26 : memref<1x1000xi32, #tpu.memory_space<hbm>> -> memref<1000xi32, #tpu.memory_space<hbm>>
    %dma_start3A_28 = arith.constant 0 : i32
    %dma_start3A_29 = tpu.memref_slice %arg6[%dma_start3A_21, %dma_start3A_28] : memref<2x1000xi32, #tpu.memory_space<vmem>> -> memref<1x1000xi32, #tpu.memory_space<vmem>>
    %dma_start3A_30 = tpu.memref_squeeze %dma_start3A_29 : memref<1x1000xi32, #tpu.memory_space<vmem>> -> memref<1000xi32, #tpu.memory_space<vmem>>
    %dma_start3A_31 = arith.constant 0 : i32
    %dma_start3A_32 = tpu.memref_slice %arg2[%add3A_20, %dma_start3A_31] : memref<4096x1000xi32, #tpu.memory_space<hbm>> -> memref<1x1000xi32, #tpu.memory_space<hbm>>
    %dma_start3A_33 = tpu.memref_squeeze %dma_start3A_32 : memref<1x1000xi32, #tpu.memory_space<hbm>> -> memref<1000xi32, #tpu.memory_space<hbm>>
    tpu.enqueue_dma source(%dma_start3A_33 : memref<1000xi32, #tpu.memory_space<hbm>>) target(%dma_start3A_30 : memref<1000xi32, #tpu.memory_space<vmem>>) target_semaphore(%arg13 : memref<!tpu.dma_semaphore, #tpu.memory_space<semaphore_mem>>)
    %dma_wait3A = arith.constant 0 : i32
    %dma_wait3A_34 = arith.constant 0 : i32
    %dma_wait3A_35 = arith.constant 0 : i32
    %dma_wait3A_36 = tpu.memref_slice %arg6[%dma_wait3A_34, %dma_wait3A_35] : memref<2x1000xi32, #tpu.memory_space<vmem>> -> memref<1x1000xi32, #tpu.memory_space<vmem>>
    %dma_wait3A_37 = tpu.memref_squeeze %dma_wait3A_36 : memref<1x1000xi32, #tpu.memory_space<vmem>> -> memref<1000xi32, #tpu.memory_space<vmem>>
    %dma_wait3A_38 = arith.constant 0 : i32
    %dma_wait3A_39 = tpu.memref_slice %arg2[%dma_wait3A, %dma_wait3A_38] : memref<4096x1000xi32, #tpu.memory_space<hbm>> -> memref<1x1000xi32, #tpu.memory_space<hbm>>
    %dma_wait3A_40 = tpu.memref_squeeze %dma_wait3A_39 : memref<1x1000xi32, #tpu.memory_space<hbm>> -> memref<1000xi32, #tpu.memory_space<hbm>>
    %dma_wait3A_41 = arith.constant 0 : i32
    %dma_wait3A_42 = tpu.memref_slice %arg6[%dma_wait3A_34, %dma_wait3A_41] : memref<2x1000xi32, #tpu.memory_space<vmem>> -> memref<1x1000xi32, #tpu.memory_space<vmem>>
    %dma_wait3A_43 = tpu.memref_squeeze %dma_wait3A_42 : memref<1x1000xi32, #tpu.memory_space<vmem>> -> memref<1000xi32, #tpu.memory_space<vmem>>
    %dma_wait3A_44 = arith.constant 0 : i32
    %dma_wait3A_45 = tpu.memref_slice %arg2[%dma_wait3A, %dma_wait3A_44] : memref<4096x1000xi32, #tpu.memory_space<hbm>> -> memref<1x1000xi32, #tpu.memory_space<hbm>>
    %dma_wait3A_46 = tpu.memref_squeeze %dma_wait3A_45 : memref<1x1000xi32, #tpu.memory_space<hbm>> -> memref<1000xi32, #tpu.memory_space<hbm>>
    tpu.wait_dma2 semaphore(%arg12 : memref<!tpu.dma_semaphore, #tpu.memory_space<semaphore_mem>>) src(%dma_wait3A_46 : memref<1000xi32, #tpu.memory_space<hbm>>) dst(%dma_wait3A_43 : memref<1000xi32, #tpu.memory_space<vmem>>)
    %dma_start3A_47 = arith.constant 0 : i32
    %dma_start3A_48 = arith.constant 0 : i32
    %dma_start3A_49 = arith.constant 0 : i32
    %dma_start3A_50 = tpu.memref_slice %arg7[%dma_start3A_48, %dma_start3A_49] : memref<2000x64xbf16, #tpu.memory_space<vmem>> -> memref<1000x64xbf16, #tpu.memory_space<vmem>>
    %dma_start3A_51 = arith.constant 0 : i32
    %dma_start3A_52 = tpu.memref_slice %arg6[%dma_start3A_47, %dma_start3A_51] : memref<2x1000xi32, #tpu.memory_space<vmem>> -> memref<1x1000xi32, #tpu.memory_space<vmem>>
    %dma_start3A_53 = tpu.memref_squeeze %dma_start3A_52 : memref<1x1000xi32, #tpu.memory_space<vmem>> -> memref<1000xi32, #tpu.memory_space<vmem>>
    %dma_start3A_54 = arith.constant 0 : i32
    %dma_start3A_55 = arith.constant 0 : i32
    %dma_start3A_56 = tpu.memref_slice %arg3[%dma_start3A_54, %dma_start3A_55] : memref<100000x64xbf16, #tpu.memory_space<hbm>> -> memref<100000x64xbf16, #tpu.memory_space<hbm>>
    tpu.enqueue_indirect_dma source(%dma_start3A_56 : memref<100000x64xbf16, #tpu.memory_space<hbm>>) target(%dma_start3A_50 : memref<1000x64xbf16, #tpu.memory_space<vmem>>) offsets(%dma_start3A_53 : memref<1000xi32, #tpu.memory_space<vmem>>) semaphore(%arg10 : memref<!tpu.dma_semaphore, #tpu.memory_space<semaphore_mem>>)
    %scan3A = arith.constant 0 : i32
    %scan3A_57 = arith.constant 0 : i32
    %scan3A_58 = arith.constant 64 : i32
    %scan3A_59 = arith.addi %scan3A_57, %scan3A_58 : i32
    %scan3A_60 = arith.constant 1 : i32
    scf.for %scan3A_84 = %scan3A_57 to %scan3A_59 step %scan3A_60  : i32 {
      %mul3A_85 = arith.constant 2 : i32
      %mul3A_86 = arith.muli %mul3A_85, %scan3A_84 : i32
      %dma_wait3A_87 = arith.constant 0 : i32
      %dma_wait3A_88 = arith.constant 0 : i32
      %dma_wait3A_89 = tpu.memref_slice %arg7[%dma_wait3A_87, %dma_wait3A_88] : memref<2000x64xbf16, #tpu.memory_space<vmem>> -> memref<1000x64xbf16, #tpu.memory_space<vmem>>
      %dma_wait3A_90 = arith.constant 0 : i32
      %dma_wait3A_91 = arith.constant 0 : i32
      %dma_wait3A_92 = tpu.memref_slice %arg3[%dma_wait3A_90, %dma_wait3A_91] : memref<100000x64xbf16, #tpu.memory_space<hbm>> -> memref<1000x64xbf16, #tpu.memory_space<hbm>>
      %dma_wait3A_93 = arith.constant 0 : i32
      %dma_wait3A_94 = arith.constant 0 : i32
      %dma_wait3A_95 = tpu.memref_slice %arg7[%dma_wait3A_93, %dma_wait3A_94] : memref<2000x64xbf16, #tpu.memory_space<vmem>> -> memref<1000x64xbf16, #tpu.memory_space<vmem>>
      %dma_wait3A_96 = arith.constant 0 : i32
      %dma_wait3A_97 = arith.constant 0 : i32
      %dma_wait3A_98 = tpu.memref_slice %arg3[%dma_wait3A_96, %dma_wait3A_97] : memref<100000x64xbf16, #tpu.memory_space<hbm>> -> memref<1000x64xbf16, #tpu.memory_space<hbm>>
      tpu.wait_dma2 semaphore(%arg10 : memref<!tpu.dma_semaphore, #tpu.memory_space<semaphore_mem>>) src(%dma_wait3A_98 : memref<1000x64xbf16, #tpu.memory_space<hbm>>) dst(%dma_wait3A_95 : memref<1000x64xbf16, #tpu.memory_space<vmem>>)
      %add3A_99 = arith.constant 2 : i32
      %add3A_100 = arith.addi %mul3A_86, %add3A_99 : i32
      %lt3A = arith.constant 128 : i32
      %lt3A_101 = arith.cmpi slt, %add3A_100, %lt3A : i32
      %convert_element_type3A = arith.extui %lt3A_101 : i1 to i32
      %cond3A = arith.constant 0 : i32
      %cond3A_102 = arith.cmpi ne, %convert_element_type3A, %cond3A : i32
      scf.if %cond3A_102 {
        %add3A_194 = arith.constant 2 : i32
        %add3A_195 = arith.addi %mul3A_86, %add3A_194 : i32
        %mul3A_196 = arith.constant 128 : i32
        %mul3A_197 = arith.muli %add3A, %mul3A_196 : i32
        %add3A_198 = arith.addi %mul3A_197, %add3A_195 : i32
        %dma_start3A_199 = arith.constant 0 : i32
        %dma_start3A_200 = arith.constant 0 : i32
        %dma_start3A_201 = tpu.memref_slice %arg6[%dma_start3A_199, %dma_start3A_200] : memref<2x1000xi32, #tpu.memory_space<vmem>> -> memref<1x1000xi32, #tpu.memory_space<vmem>>
        %dma_start3A_202 = tpu.memref_squeeze %dma_start3A_201 : memref<1x1000xi32, #tpu.memory_space<vmem>> -> memref<1000xi32, #tpu.memory_space<vmem>>
        %dma_start3A_203 = arith.constant 0 : i32
        %dma_start3A_204 = tpu.memref_slice %arg2[%add3A_198, %dma_start3A_203] : memref<4096x1000xi32, #tpu.memory_space<hbm>> -> memref<1x1000xi32, #tpu.memory_space<hbm>>
        %dma_start3A_205 = tpu.memref_squeeze %dma_start3A_204 : memref<1x1000xi32, #tpu.memory_space<hbm>> -> memref<1000xi32, #tpu.memory_space<hbm>>
        %dma_start3A_206 = arith.constant 0 : i32
        %dma_start3A_207 = tpu.memref_slice %arg6[%dma_start3A_199, %dma_start3A_206] : memref<2x1000xi32, #tpu.memory_space<vmem>> -> memref<1x1000xi32, #tpu.memory_space<vmem>>
        %dma_start3A_208 = tpu.memref_squeeze %dma_start3A_207 : memref<1x1000xi32, #tpu.memory_space<vmem>> -> memref<1000xi32, #tpu.memory_space<vmem>>
        %dma_start3A_209 = arith.constant 0 : i32
        %dma_start3A_210 = tpu.memref_slice %arg2[%add3A_198, %dma_start3A_209] : memref<4096x1000xi32, #tpu.memory_space<hbm>> -> memref<1x1000xi32, #tpu.memory_space<hbm>>
        %dma_start3A_211 = tpu.memref_squeeze %dma_start3A_210 : memref<1x1000xi32, #tpu.memory_space<hbm>> -> memref<1000xi32, #tpu.memory_space<hbm>>
        tpu.enqueue_dma source(%dma_start3A_211 : memref<1000xi32, #tpu.memory_space<hbm>>) target(%dma_start3A_208 : memref<1000xi32, #tpu.memory_space<vmem>>) target_semaphore(%arg12 : memref<!tpu.dma_semaphore, #tpu.memory_space<semaphore_mem>>)
      } else {
      }
      %add3A_103 = arith.constant 1 : i32
      %add3A_104 = arith.addi %mul3A_86, %add3A_103 : i32
      %lt3A_105 = arith.constant 128 : i32
      %lt3A_106 = arith.cmpi slt, %add3A_104, %lt3A_105 : i32
      %convert_element_type3A_107 = arith.extui %lt3A_106 : i1 to i32
      %cond3A_108 = arith.constant 0 : i32
      %cond3A_109 = arith.cmpi ne, %convert_element_type3A_107, %cond3A_108 : i32
      scf.if %cond3A_109 {
        %dma_wait3A_194 = arith.constant 0 : i32
        %dma_wait3A_195 = arith.constant 0 : i32
        %dma_wait3A_196 = arith.constant 0 : i32
        %dma_wait3A_197 = tpu.memref_slice %arg6[%dma_wait3A_195, %dma_wait3A_196] : memref<2x1000xi32, #tpu.memory_space<vmem>> -> memref<1x1000xi32, #tpu.memory_space<vmem>>
        %dma_wait3A_198 = tpu.memref_squeeze %dma_wait3A_197 : memref<1x1000xi32, #tpu.memory_space<vmem>> -> memref<1000xi32, #tpu.memory_space<vmem>>
        %dma_wait3A_199 = arith.constant 0 : i32
        %dma_wait3A_200 = tpu.memref_slice %arg2[%dma_wait3A_194, %dma_wait3A_199] : memref<4096x1000xi32, #tpu.memory_space<hbm>> -> memref<1x1000xi32, #tpu.memory_space<hbm>>
        %dma_wait3A_201 = tpu.memref_squeeze %dma_wait3A_200 : memref<1x1000xi32, #tpu.memory_space<hbm>> -> memref<1000xi32, #tpu.memory_space<hbm>>
        %dma_wait3A_202 = arith.constant 0 : i32
        %dma_wait3A_203 = tpu.memref_slice %arg6[%dma_wait3A_195, %dma_wait3A_202] : memref<2x1000xi32, #tpu.memory_space<vmem>> -> memref<1x1000xi32, #tpu.memory_space<vmem>>
        %dma_wait3A_204 = tpu.memref_squeeze %dma_wait3A_203 : memref<1x1000xi32, #tpu.memory_space<vmem>> -> memref<1000xi32, #tpu.memory_space<vmem>>
        %dma_wait3A_205 = arith.constant 0 : i32
        %dma_wait3A_206 = tpu.memref_slice %arg2[%dma_wait3A_194, %dma_wait3A_205] : memref<4096x1000xi32, #tpu.memory_space<hbm>> -> memref<1x1000xi32, #tpu.memory_space<hbm>>
        %dma_wait3A_207 = tpu.memref_squeeze %dma_wait3A_206 : memref<1x1000xi32, #tpu.memory_space<hbm>> -> memref<1000xi32, #tpu.memory_space<hbm>>
        tpu.wait_dma2 semaphore(%arg13 : memref<!tpu.dma_semaphore, #tpu.memory_space<semaphore_mem>>) src(%dma_wait3A_207 : memref<1000xi32, #tpu.memory_space<hbm>>) dst(%dma_wait3A_204 : memref<1000xi32, #tpu.memory_space<vmem>>)
        %dma_start3A_208 = arith.constant 1 : i32
        %dma_start3A_209 = arith.constant 1000 : i32
        %dma_start3A_210 = arith.constant 0 : i32
        %dma_start3A_211 = tpu.memref_slice %arg7[%dma_start3A_209, %dma_start3A_210] : memref<2000x64xbf16, #tpu.memory_space<vmem>> -> memref<1000x64xbf16, #tpu.memory_space<vmem>>
        %dma_start3A_212 = arith.constant 0 : i32
        %dma_start3A_213 = tpu.memref_slice %arg6[%dma_start3A_208, %dma_start3A_212] : memref<2x1000xi32, #tpu.memory_space<vmem>> -> memref<1x1000xi32, #tpu.memory_space<vmem>>
        %dma_start3A_214 = tpu.memref_squeeze %dma_start3A_213 : memref<1x1000xi32, #tpu.memory_space<vmem>> -> memref<1000xi32, #tpu.memory_space<vmem>>
        %dma_start3A_215 = arith.constant 0 : i32
        %dma_start3A_216 = arith.constant 0 : i32
        %dma_start3A_217 = tpu.memref_slice %arg3[%dma_start3A_215, %dma_start3A_216] : memref<100000x64xbf16, #tpu.memory_space<hbm>> -> memref<100000x64xbf16, #tpu.memory_space<hbm>>
        tpu.enqueue_indirect_dma source(%dma_start3A_217 : memref<100000x64xbf16, #tpu.memory_space<hbm>>) target(%dma_start3A_211 : memref<1000x64xbf16, #tpu.memory_space<vmem>>) offsets(%dma_start3A_214 : memref<1000xi32, #tpu.memory_space<vmem>>) semaphore(%arg11 : memref<!tpu.dma_semaphore, #tpu.memory_space<semaphore_mem>>)
      } else {
      }
      %ge3A = arith.constant 2 : i32
      %ge3A_110 = arith.cmpi sge, %mul3A_86, %ge3A : i32
      %convert_element_type3A_111 = arith.extui %ge3A_110 : i1 to i32
      %cond3A_112 = arith.constant 0 : i32
      %cond3A_113 = arith.cmpi ne, %convert_element_type3A_111, %cond3A_112 : i32
      scf.if %cond3A_113 {
        %dma_wait3A_194 = arith.constant 0 : i32
        %dma_wait3A_195 = arith.constant 0 : i32
        %dma_wait3A_196 = tpu.memref_slice %arg9[%dma_wait3A_195] : memref<6400xf32, #tpu.memory_space<vmem>> -> memref<3200xf32, #tpu.memory_space<vmem>>
        %dma_wait3A_197 = arith.constant 0 : i32
        %dma_wait3A_198 = tpu.memref_slice %arg5[%dma_wait3A_194, %dma_wait3A_197] : memref<4096x3200xf32, #tpu.memory_space<hbm>> -> memref<1x3200xf32, #tpu.memory_space<hbm>>
        %dma_wait3A_199 = tpu.memref_squeeze %dma_wait3A_198 : memref<1x3200xf32, #tpu.memory_space<hbm>> -> memref<3200xf32, #tpu.memory_space<hbm>>
        %dma_wait3A_200 = arith.constant 0 : i32
        %dma_wait3A_201 = tpu.memref_slice %arg5[%dma_wait3A_194, %dma_wait3A_200] : memref<4096x3200xf32, #tpu.memory_space<hbm>> -> memref<1x3200xf32, #tpu.memory_space<hbm>>
        %dma_wait3A_202 = tpu.memref_squeeze %dma_wait3A_201 : memref<1x3200xf32, #tpu.memory_space<hbm>> -> memref<3200xf32, #tpu.memory_space<hbm>>
        %dma_wait3A_203 = arith.constant 0 : i32
        %dma_wait3A_204 = tpu.memref_slice %arg9[%dma_wait3A_203] : memref<6400xf32, #tpu.memory_space<vmem>> -> memref<3200xf32, #tpu.memory_space<vmem>>
        tpu.wait_dma2 semaphore(%arg14 : memref<!tpu.dma_semaphore, #tpu.memory_space<semaphore_mem>>) src(%dma_wait3A_204 : memref<3200xf32, #tpu.memory_space<vmem>>) dst(%dma_wait3A_202 : memref<3200xf32, #tpu.memory_space<hbm>>)
      } else {
      }
      %iota3A = tpu.iota {dimensions = array<i32: 0>} : vector<16xi32>
      %mul3A_114 = arith.constant 2 : i32
      %mul3A_115 = vector.broadcast %mul3A_114 : i32 to vector<16xi32>
      %mul3A_116 = arith.muli %iota3A, %mul3A_115 : vector<16xi32>
      %scan3A_117 = arith.constant 0 : i32
      %scan3A_118 = arith.constant 0 : i32
      %scan3A_119 = arith.constant 10 : i32
      %scan3A_120 = arith.addi %scan3A_118, %scan3A_119 : i32
      %scan3A_121 = arith.constant 1 : i32
      scf.for %scan3A_194 = %scan3A_118 to %scan3A_120 step %scan3A_121  : i32 {
        %mul3A_195 = arith.constant 5 : i32
        %mul3A_196 = arith.muli %scan3A_194, %mul3A_195 : i32
        %add3A_197 = arith.constant 0 : i32
        %add3A_198 = arith.addi %mul3A_196, %add3A_197 : i32
        %mul3A_199 = arith.constant 20 : i32
        %mul3A_200 = arith.muli %add3A_198, %mul3A_199 : i32
        %add3A_201 = arith.constant 0 : i32
        %add3A_202 = arith.addi %add3A_201, %mul3A_200 : i32
        %mul3A_203 = arith.constant 64 : i32
        %mul3A_204 = arith.muli %add3A_198, %mul3A_203 : i32
        %add3A_205 = arith.constant 0 : i32
        %add3A_206 = arith.addi %mul3A_204, %add3A_205 : i32
        %get3A = arith.index_cast %add3A_206 : i32 to index
        %get3A_207 = tpu.vector_load %arg8[%get3A] {strides = array<i32>} : memref<3584xf32, #tpu.memory_space<vmem>>, vector<16xf32>,
        %mul3A_208 = arith.constant 64 : i32
        %mul3A_209 = arith.muli %add3A_198, %mul3A_208 : i32
        %add3A_210 = arith.constant 0 : i32
        %add3A_211 = arith.addi %mul3A_209, %add3A_210 : i32
        %add3A_212 = arith.constant 16 : i32
        %add3A_213 = arith.addi %add3A_211, %add3A_212 : i32
        %get3A_214 = arith.index_cast %add3A_213 : i32 to index
        %get3A_215 = tpu.vector_load %arg8[%get3A_214] {strides = array<i32>} : memref<3584xf32, #tpu.memory_space<vmem>>, vector<16xf32>,
        %add3A_216 = arith.constant 0 : i32
        %add3A_217 = arith.addi %add3A_202, %add3A_216 : i32
        %get3A_218 = arith.index_cast %add3A_217 : i32 to index
        %get3A_219 = arith.constant 0 : index
        %get3A_220 = tpu.vector_load %arg7[%get3A_218, %get3A_219] {strides = array<i32>} : memref<2000x64xbf16, #tpu.memory_space<vmem>>, vector<32xbf16>,
        %unpack3A = tpu.unpack_subelements %get3A_220, 0 {pack_format = #tpu.pack_format<interleaved>} : vector<32xbf16> -> vector<16xf32>
        %unpack3A_221 = tpu.unpack_subelements %get3A_220, 1 {pack_format = #tpu.pack_format<interleaved>} : vector<32xbf16> -> vector<16xf32>
        %add3A_222 = arith.addf %get3A_207, %unpack3A : vector<16xf32>
        %add3A_223 = arith.addf %get3A_215, %unpack3A_221 : vector<16xf32>
        %add3A_224 = arith.constant 1 : i32
        %add3A_225 = arith.addi %add3A_202, %add3A_224 : i32
        %get3A_226 = arith.index_cast %add3A_225 : i32 to index
        %get3A_227 = arith.constant 0 : index
        %get3A_228 = tpu.vector_load %arg7[%get3A_226, %get3A_227] {strides = array<i32>} : memref<2000x64xbf16, #tpu.memory_space<vmem>>, vector<32xbf16>,
        %unpack3A_229 = tpu.unpack_subelements %get3A_228, 0 {pack_format = #tpu.pack_format<interleaved>} : vector<32xbf16> -> vector<16xf32>
        %unpack3A_230 = tpu.unpack_subelements %get3A_228, 1 {pack_format = #tpu.pack_format<interleaved>} : vector<32xbf16> -> vector<16xf32>
        %add3A_231 = arith.addf %add3A_222, %unpack3A_229 : vector<16xf32>
        %add3A_232 = arith.addf %add3A_223, %unpack3A_230 : vector<16xf32>
        %add3A_233 = arith.constant 2 : i32
        %add3A_234 = arith.addi %add3A_202, %add3A_233 : i32
        %get3A_235 = arith.index_cast %add3A_234 : i32 to index
        %get3A_236 = arith.constant 0 : index
        %get3A_237 = tpu.vector_load %arg7[%get3A_235, %get3A_236] {strides = array<i32>} : memref<2000x64xbf16, #tpu.memory_space<vmem>>, vector<32xbf16>,
        %unpack3A_238 = tpu.unpack_subelements %get3A_237, 0 {pack_format = #tpu.pack_format<interleaved>} : vector<32xbf16> -> vector<16xf32>
        %unpack3A_239 = tpu.unpack_subelements %get3A_237, 1 {pack_format = #tpu.pack_format<interleaved>} : vector<32xbf16> -> vector<16xf32>
        %add3A_240 = arith.addf %add3A_231, %unpack3A_238 : vector<16xf32>
        %add3A_241 = arith.addf %add3A_232, %unpack3A_239 : vector<16xf32>
        %add3A_242 = arith.constant 3 : i32
        %add3A_243 = arith.addi %add3A_202, %add3A_242 : i32
        %get3A_244 = arith.index_cast %add3A_243 : i32 to index
        %get3A_245 = arith.constant 0 : index
        %get3A_246 = tpu.vector_load %arg7[%get3A_244, %get3A_245] {strides = array<i32>} : memref<2000x64xbf16, #tpu.memory_space<vmem>>, vector<32xbf16>,
        %unpack3A_247 = tpu.unpack_subelements %get3A_246, 0 {pack_format = #tpu.pack_format<interleaved>} : vector<32xbf16> -> vector<16xf32>
        %unpack3A_248 = tpu.unpack_subelements %get3A_246, 1 {pack_format = #tpu.pack_format<interleaved>} : vector<32xbf16> -> vector<16xf32>
        %add3A_249 = arith.addf %add3A_240, %unpack3A_247 : vector<16xf32>
        %add3A_250 = arith.addf %add3A_241, %unpack3A_248 : vector<16xf32>
        %add3A_251 = arith.constant 4 : i32
        %add3A_252 = arith.addi %add3A_202, %add3A_251 : i32
        %get3A_253 = arith.index_cast %add3A_252 : i32 to index
        %get3A_254 = arith.constant 0 : index
        %get3A_255 = tpu.vector_load %arg7[%get3A_253, %get3A_254] {strides = array<i32>} : memref<2000x64xbf16, #tpu.memory_space<vmem>>, vector<32xbf16>,
        %unpack3A_256 = tpu.unpack_subelements %get3A_255, 0 {pack_format = #tpu.pack_format<interleaved>} : vector<32xbf16> -> vector<16xf32>
        %unpack3A_257 = tpu.unpack_subelements %get3A_255, 1 {pack_format = #tpu.pack_format<interleaved>} : vector<32xbf16> -> vector<16xf32>
        %add3A_258 = arith.addf %add3A_249, %unpack3A_256 : vector<16xf32>
        %add3A_259 = arith.addf %add3A_250, %unpack3A_257 : vector<16xf32>
        %add3A_260 = arith.constant 5 : i32
        %add3A_261 = arith.addi %add3A_202, %add3A_260 : i32
        %get3A_262 = arith.index_cast %add3A_261 : i32 to index
        %get3A_263 = arith.constant 0 : index
        %get3A_264 = tpu.vector_load %arg7[%get3A_262, %get3A_263] {strides = array<i32>} : memref<2000x64xbf16, #tpu.memory_space<vmem>>, vector<32xbf16>,
        %unpack3A_265 = tpu.unpack_subelements %get3A_264, 0 {pack_format = #tpu.pack_format<interleaved>} : vector<32xbf16> -> vector<16xf32>
        %unpack3A_266 = tpu.unpack_subelements %get3A_264, 1 {pack_format = #tpu.pack_format<interleaved>} : vector<32xbf16> -> vector<16xf32>
        %add3A_267 = arith.addf %add3A_258, %unpack3A_265 : vector<16xf32>
        %add3A_268 = arith.addf %add3A_259, %unpack3A_266 : vector<16xf32>
        %add3A_269 = arith.constant 6 : i32
        %add3A_270 = arith.addi %add3A_202, %add3A_269 : i32
        %get3A_271 = arith.index_cast %add3A_270 : i32 to index
        %get3A_272 = arith.constant 0 : index
        %get3A_273 = tpu.vector_load %arg7[%get3A_271, %get3A_272] {strides = array<i32>} : memref<2000x64xbf16, #tpu.memory_space<vmem>>, vector<32xbf16>,
        %unpack3A_274 = tpu.unpack_subelements %get3A_273, 0 {pack_format = #tpu.pack_format<interleaved>} : vector<32xbf16> -> vector<16xf32>
        %unpack3A_275 = tpu.unpack_subelements %get3A_273, 1 {pack_format = #tpu.pack_format<interleaved>} : vector<32xbf16> -> vector<16xf32>
        %add3A_276 = arith.addf %add3A_267, %unpack3A_274 : vector<16xf32>
        %add3A_277 = arith.addf %add3A_268, %unpack3A_275 : vector<16xf32>
        %add3A_278 = arith.constant 7 : i32
        %add3A_279 = arith.addi %add3A_202, %add3A_278 : i32
        %get3A_280 = arith.index_cast %add3A_279 : i32 to index
        %get3A_281 = arith.constant 0 : index
        %get3A_282 = tpu.vector_load %arg7[%get3A_280, %get3A_281] {strides = array<i32>} : memref<2000x64xbf16, #tpu.memory_space<vmem>>, vector<32xbf16>,
        %unpack3A_283 = tpu.unpack_subelements %get3A_282, 0 {pack_format = #tpu.pack_format<interleaved>} : vector<32xbf16> -> vector<16xf32>
        %unpack3A_284 = tpu.unpack_subelements %get3A_282, 1 {pack_format = #tpu.pack_format<interleaved>} : vector<32xbf16> -> vector<16xf32>
        %add3A_285 = arith.addf %add3A_276, %unpack3A_283 : vector<16xf32>
        %add3A_286 = arith.addf %add3A_277, %unpack3A_284 : vector<16xf32>
        %add3A_287 = arith.constant 8 : i32
        %add3A_288 = arith.addi %add3A_202, %add3A_287 : i32
        %get3A_289 = arith.index_cast %add3A_288 : i32 to index
        %get3A_290 = arith.constant 0 : index
        %get3A_291 = tpu.vector_load %arg7[%get3A_289, %get3A_290] {strides = array<i32>} : memref<2000x64xbf16, #tpu.memory_space<vmem>>, vector<32xbf16>,
        %unpack3A_292 = tpu.unpack_subelements %get3A_291, 0 {pack_format = #tpu.pack_format<interleaved>} : vector<32xbf16> -> vector<16xf32>
        %unpack3A_293 = tpu.unpack_subelements %get3A_291, 1 {pack_format = #tpu.pack_format<interleaved>} : vector<32xbf16> -> vector<16xf32>
        %add3A_294 = arith.addf %add3A_285, %unpack3A_292 : vector<16xf32>
        %add3A_295 = arith.addf %add3A_286, %unpack3A_293 : vector<16xf32>
        %add3A_296 = arith.constant 9 : i32
        %add3A_297 = arith.addi %add3A_202, %add3A_296 : i32
        %get3A_298 = arith.index_cast %add3A_297 : i32 to index
        %get3A_299 = arith.constant 0 : index
        %get3A_300 = tpu.vector_load %arg7[%get3A_298, %get3A_299] {strides = array<i32>} : memref<2000x64xbf16, #tpu.memory_space<vmem>>, vector<32xbf16>,
        %unpack3A_301 = tpu.unpack_subelements %get3A_300, 0 {pack_format = #tpu.pack_format<interleaved>} : vector<32xbf16> -> vector<16xf32>
        %unpack3A_302 = tpu.unpack_subelements %get3A_300, 1 {pack_format = #tpu.pack_format<interleaved>} : vector<32xbf16> -> vector<16xf32>
        %add3A_303 = arith.addf %add3A_294, %unpack3A_301 : vector<16xf32>
        %add3A_304 = arith.addf %add3A_295, %unpack3A_302 : vector<16xf32>
        %add3A_305 = arith.constant 10 : i32
        %add3A_306 = arith.addi %add3A_202, %add3A_305 : i32
        %get3A_307 = arith.index_cast %add3A_306 : i32 to index
        %get3A_308 = arith.constant 0 : index
        %get3A_309 = tpu.vector_load %arg7[%get3A_307, %get3A_308] {strides = array<i32>} : memref<2000x64xbf16, #tpu.memory_space<vmem>>, vector<32xbf16>,
        %unpack3A_310 = tpu.unpack_subelements %get3A_309, 0 {pack_format = #tpu.pack_format<interleaved>} : vector<32xbf16> -> vector<16xf32>
        %unpack3A_311 = tpu.unpack_subelements %get3A_309, 1 {pack_format = #tpu.pack_format<interleaved>} : vector<32xbf16> -> vector<16xf32>
        %add3A_312 = arith.addf %add3A_303, %unpack3A_310 : vector<16xf32>
        %add3A_313 = arith.addf %add3A_304, %unpack3A_311 : vector<16xf32>
        %add3A_314 = arith.constant 11 : i32
        %add3A_315 = arith.addi %add3A_202, %add3A_314 : i32
        %get3A_316 = arith.index_cast %add3A_315 : i32 to index
        %get3A_317 = arith.constant 0 : index
        %get3A_318 = tpu.vector_load %arg7[%get3A_316, %get3A_317] {strides = array<i32>} : memref<2000x64xbf16, #tpu.memory_space<vmem>>, vector<32xbf16>,
        %unpack3A_319 = tpu.unpack_subelements %get3A_318, 0 {pack_format = #tpu.pack_format<interleaved>} : vector<32xbf16> -> vector<16xf32>
        %unpack3A_320 = tpu.unpack_subelements %get3A_318, 1 {pack_format = #tpu.pack_format<interleaved>} : vector<32xbf16> -> vector<16xf32>
        %add3A_321 = arith.addf %add3A_312, %unpack3A_319 : vector<16xf32>
        %add3A_322 = arith.addf %add3A_313, %unpack3A_320 : vector<16xf32>
        %add3A_323 = arith.constant 12 : i32
        %add3A_324 = arith.addi %add3A_202, %add3A_323 : i32
        %get3A_325 = arith.index_cast %add3A_324 : i32 to index
        %get3A_326 = arith.constant 0 : index
        %get3A_327 = tpu.vector_load %arg7[%get3A_325, %get3A_326] {strides = array<i32>} : memref<2000x64xbf16, #tpu.memory_space<vmem>>, vector<32xbf16>,
        %unpack3A_328 = tpu.unpack_subelements %get3A_327, 0 {pack_format = #tpu.pack_format<interleaved>} : vector<32xbf16> -> vector<16xf32>
        %unpack3A_329 = tpu.unpack_subelements %get3A_327, 1 {pack_format = #tpu.pack_format<interleaved>} : vector<32xbf16> -> vector<16xf32>
        %add3A_330 = arith.addf %add3A_321, %unpack3A_328 : vector<16xf32>
        %add3A_331 = arith.addf %add3A_322, %unpack3A_329 : vector<16xf32>
        %add3A_332 = arith.constant 13 : i32
        %add3A_333 = arith.addi %add3A_202, %add3A_332 : i32
        %get3A_334 = arith.index_cast %add3A_333 : i32 to index
        %get3A_335 = arith.constant 0 : index
        %get3A_336 = tpu.vector_load %arg7[%get3A_334, %get3A_335] {strides = array<i32>} : memref<2000x64xbf16, #tpu.memory_space<vmem>>, vector<32xbf16>,
        %unpack3A_337 = tpu.unpack_subelements %get3A_336, 0 {pack_format = #tpu.pack_format<interleaved>} : vector<32xbf16> -> vector<16xf32>
        %unpack3A_338 = tpu.unpack_subelements %get3A_336, 1 {pack_format = #tpu.pack_format<interleaved>} : vector<32xbf16> -> vector<16xf32>
        %add3A_339 = arith.addf %add3A_330, %unpack3A_337 : vector<16xf32>
        %add3A_340 = arith.addf %add3A_331, %unpack3A_338 : vector<16xf32>
        %add3A_341 = arith.constant 14 : i32
        %add3A_342 = arith.addi %add3A_202, %add3A_341 : i32
        %get3A_343 = arith.index_cast %add3A_342 : i32 to index
        %get3A_344 = arith.constant 0 : index
        %get3A_345 = tpu.vector_load %arg7[%get3A_343, %get3A_344] {strides = array<i32>} : memref<2000x64xbf16, #tpu.memory_space<vmem>>, vector<32xbf16>,
        %unpack3A_346 = tpu.unpack_subelements %get3A_345, 0 {pack_format = #tpu.pack_format<interleaved>} : vector<32xbf16> -> vector<16xf32>
        %unpack3A_347 = tpu.unpack_subelements %get3A_345, 1 {pack_format = #tpu.pack_format<interleaved>} : vector<32xbf16> -> vector<16xf32>
        %add3A_348 = arith.addf %add3A_339, %unpack3A_346 : vector<16xf32>
        %add3A_349 = arith.addf %add3A_340, %unpack3A_347 : vector<16xf32>
        %add3A_350 = arith.constant 15 : i32
        %add3A_351 = arith.addi %add3A_202, %add3A_350 : i32
        %get3A_352 = arith.index_cast %add3A_351 : i32 to index
        %get3A_353 = arith.constant 0 : index
        %get3A_354 = tpu.vector_load %arg7[%get3A_352, %get3A_353] {strides = array<i32>} : memref<2000x64xbf16, #tpu.memory_space<vmem>>, vector<32xbf16>,
        %unpack3A_355 = tpu.unpack_subelements %get3A_354, 0 {pack_format = #tpu.pack_format<interleaved>} : vector<32xbf16> -> vector<16xf32>
        %unpack3A_356 = tpu.unpack_subelements %get3A_354, 1 {pack_format = #tpu.pack_format<interleaved>} : vector<32xbf16> -> vector<16xf32>
        %add3A_357 = arith.addf %add3A_348, %unpack3A_355 : vector<16xf32>
        %add3A_358 = arith.addf %add3A_349, %unpack3A_356 : vector<16xf32>
        %add3A_359 = arith.constant 16 : i32
        %add3A_360 = arith.addi %add3A_202, %add3A_359 : i32
        %get3A_361 = arith.index_cast %add3A_360 : i32 to index
        %get3A_362 = arith.constant 0 : index
        %get3A_363 = tpu.vector_load %arg7[%get3A_361, %get3A_362] {strides = array<i32>} : memref<2000x64xbf16, #tpu.memory_space<vmem>>, vector<32xbf16>,
        %unpack3A_364 = tpu.unpack_subelements %get3A_363, 0 {pack_format = #tpu.pack_format<interleaved>} : vector<32xbf16> -> vector<16xf32>
        %unpack3A_365 = tpu.unpack_subelements %get3A_363, 1 {pack_format = #tpu.pack_format<interleaved>} : vector<32xbf16> -> vector<16xf32>
        %add3A_366 = arith.addf %add3A_357, %unpack3A_364 : vector<16xf32>
        %add3A_367 = arith.addf %add3A_358, %unpack3A_365 : vector<16xf32>
        %add3A_368 = arith.constant 17 : i32
        %add3A_369 = arith.addi %add3A_202, %add3A_368 : i32
        %get3A_370 = arith.index_cast %add3A_369 : i32 to index
        %get3A_371 = arith.constant 0 : index
        %get3A_372 = tpu.vector_load %arg7[%get3A_370, %get3A_371] {strides = array<i32>} : memref<2000x64xbf16, #tpu.memory_space<vmem>>, vector<32xbf16>,
        %unpack3A_373 = tpu.unpack_subelements %get3A_372, 0 {pack_format = #tpu.pack_format<interleaved>} : vector<32xbf16> -> vector<16xf32>
        %unpack3A_374 = tpu.unpack_subelements %get3A_372, 1 {pack_format = #tpu.pack_format<interleaved>} : vector<32xbf16> -> vector<16xf32>
        %add3A_375 = arith.addf %add3A_366, %unpack3A_373 : vector<16xf32>
        %add3A_376 = arith.addf %add3A_367, %unpack3A_374 : vector<16xf32>
        %add3A_377 = arith.constant 18 : i32
        %add3A_378 = arith.addi %add3A_202, %add3A_377 : i32
        %get3A_379 = arith.index_cast %add3A_378 : i32 to index
        %get3A_380 = arith.constant 0 : index
        %get3A_381 = tpu.vector_load %arg7[%get3A_379, %get3A_380] {strides = array<i32>} : memref<2000x64xbf16, #tpu.memory_space<vmem>>, vector<32xbf16>,
        %unpack3A_382 = tpu.unpack_subelements %get3A_381, 0 {pack_format = #tpu.pack_format<interleaved>} : vector<32xbf16> -> vector<16xf32>
        %unpack3A_383 = tpu.unpack_subelements %get3A_381, 1 {pack_format = #tpu.pack_format<interleaved>} : vector<32xbf16> -> vector<16xf32>
        %add3A_384 = arith.addf %add3A_375, %unpack3A_382 : vector<16xf32>
        %add3A_385 = arith.addf %add3A_376, %unpack3A_383 : vector<16xf32>
        %add3A_386 = arith.constant 19 : i32
        %add3A_387 = arith.addi %add3A_202, %add3A_386 : i32
        %get3A_388 = arith.index_cast %add3A_387 : i32 to index
        %get3A_389 = arith.constant 0 : index
        %get3A_390 = tpu.vector_load %arg7[%get3A_388, %get3A_389] {strides = array<i32>} : memref<2000x64xbf16, #tpu.memory_space<vmem>>, vector<32xbf16>,
        %unpack3A_391 = tpu.unpack_subelements %get3A_390, 0 {pack_format = #tpu.pack_format<interleaved>} : vector<32xbf16> -> vector<16xf32>
        %unpack3A_392 = tpu.unpack_subelements %get3A_390, 1 {pack_format = #tpu.pack_format<interleaved>} : vector<32xbf16> -> vector<16xf32>
        %add3A_393 = arith.addf %add3A_384, %unpack3A_391 : vector<16xf32>
        %add3A_394 = arith.addf %add3A_385, %unpack3A_392 : vector<16xf32>
        %mul3A_395 = arith.constant 64 : i32
        %mul3A_396 = arith.muli %add3A_198, %mul3A_395 : i32
        %add3A_397 = arith.constant 0 : i32
        %add3A_398 = arith.addi %add3A_397, %mul3A_396 : i32
        %add3A_399 = arith.constant 0 : i32
        %add3A_400 = arith.addi %add3A_398, %add3A_399 : i32
        %add3A_401 = vector.broadcast %add3A_400 : i32 to vector<16xi32>
        %add3A_402 = arith.addi %mul3A_116, %add3A_401 : vector<16xi32>
        tpu.vector_store_idx %arg9[%add3A_402], %add3A_393 : memref<6400xf32, #tpu.memory_space<vmem>>[vector<16xi32>], vector<16xf32>,
        %add3A_403 = arith.constant 1 : i32
        %add3A_404 = arith.addi %add3A_400, %add3A_403 : i32
        %add3A_405 = vector.broadcast %add3A_404 : i32 to vector<16xi32>
        %add3A_406 = arith.addi %mul3A_116, %add3A_405 : vector<16xi32>
        tpu.vector_store_idx %arg9[%add3A_406], %add3A_394 : memref<6400xf32, #tpu.memory_space<vmem>>[vector<16xi32>], vector<16xf32>,
        %mul3A_407 = arith.constant 64 : i32
        %mul3A_408 = arith.muli %add3A_198, %mul3A_407 : i32
        %add3A_409 = arith.constant 32 : i32
        %add3A_410 = arith.addi %mul3A_408, %add3A_409 : i32
        %get3A_411 = arith.index_cast %add3A_410 : i32 to index
        %get3A_412 = tpu.vector_load %arg8[%get3A_411] {strides = array<i32>} : memref<3584xf32, #tpu.memory_space<vmem>>, vector<16xf32>,
        %mul3A_413 = arith.constant 64 : i32
        %mul3A_414 = arith.muli %add3A_198, %mul3A_413 : i32
        %add3A_415 = arith.constant 32 : i32
        %add3A_416 = arith.addi %mul3A_414, %add3A_415 : i32
        %add3A_417 = arith.constant 16 : i32
        %add3A_418 = arith.addi %add3A_416, %add3A_417 : i32
        %get3A_419 = arith.index_cast %add3A_418 : i32 to index
        %get3A_420 = tpu.vector_load %arg8[%get3A_419] {strides = array<i32>} : memref<3584xf32, #tpu.memory_space<vmem>>, vector<16xf32>,
        %add3A_421 = arith.constant 0 : i32
        %add3A_422 = arith.addi %add3A_202, %add3A_421 : i32
        %get3A_423 = arith.index_cast %add3A_422 : i32 to index
        %get3A_424 = arith.constant 32 : index
        %get3A_425 = tpu.vector_load %arg7[%get3A_423, %get3A_424] {strides = array<i32>} : memref<2000x64xbf16, #tpu.memory_space<vmem>>, vector<32xbf16>,
        %unpack3A_426 = tpu.unpack_subelements %get3A_425, 0 {pack_format = #tpu.pack_format<interleaved>} : vector<32xbf16> -> vector<16xf32>
        %unpack3A_427 = tpu.unpack_subelements %get3A_425, 1 {pack_format = #tpu.pack_format<interleaved>} : vector<32xbf16> -> vector<16xf32>
        %add3A_428 = arith.addf %get3A_412, %unpack3A_426 : vector<16xf32>
        %add3A_429 = arith.addf %get3A_420, %unpack3A_427 : vector<16xf32>
        %add3A_430 = arith.constant 1 : i32
        %add3A_431 = arith.addi %add3A_202, %add3A_430 : i32
        %get3A_432 = arith.index_cast %add3A_431 : i32 to index
        %get3A_433 = arith.constant 32 : index
        %get3A_434 = tpu.vector_load %arg7[%get3A_432, %get3A_433] {strides = array<i32>} : memref<2000x64xbf16, #tpu.memory_space<vmem>>, vector<32xbf16>,
        %unpack3A_435 = tpu.unpack_subelements %get3A_434, 0 {pack_format = #tpu.pack_format<interleaved>} : vector<32xbf16> -> vector<16xf32>
        %unpack3A_436 = tpu.unpack_subelements %get3A_434, 1 {pack_format = #tpu.pack_format<interleaved>} : vector<32xbf16> -> vector<16xf32>
        %add3A_437 = arith.addf %add3A_428, %unpack3A_435 : vector<16xf32>
        %add3A_438 = arith.addf %add3A_429, %unpack3A_436 : vector<16xf32>
        %add3A_439 = arith.constant 2 : i32
        %add3A_440 = arith.addi %add3A_202, %add3A_439 : i32
        %get3A_441 = arith.index_cast %add3A_440 : i32 to index
        %get3A_442 = arith.constant 32 : index
        %get3A_443 = tpu.vector_load %arg7[%get3A_441, %get3A_442] {strides = array<i32>} : memref<2000x64xbf16, #tpu.memory_space<vmem>>, vector<32xbf16>,
        %unpack3A_444 = tpu.unpack_subelements %get3A_443, 0 {pack_format = #tpu.pack_format<interleaved>} : vector<32xbf16> -> vector<16xf32>
        %unpack3A_445 = tpu.unpack_subelements %get3A_443, 1 {pack_format = #tpu.pack_format<interleaved>} : vector<32xbf16> -> vector<16xf32>
        %add3A_446 = arith.addf %add3A_437, %unpack3A_444 : vector<16xf32>
        %add3A_447 = arith.addf %add3A_438, %unpack3A_445 : vector<16xf32>
        %add3A_448 = arith.constant 3 : i32
        %add3A_449 = arith.addi %add3A_202, %add3A_448 : i32
        %get3A_450 = arith.index_cast %add3A_449 : i32 to index
        %get3A_451 = arith.constant 32 : index
        %get3A_452 = tpu.vector_load %arg7[%get3A_450, %get3A_451] {strides = array<i32>} : memref<2000x64xbf16, #tpu.memory_space<vmem>>, vector<32xbf16>,
        %unpack3A_453 = tpu.unpack_subelements %get3A_452, 0 {pack_format = #tpu.pack_format<interleaved>} : vector<32xbf16> -> vector<16xf32>
        %unpack3A_454 = tpu.unpack_subelements %get3A_452, 1 {pack_format = #tpu.pack_format<interleaved>} : vector<32xbf16> -> vector<16xf32>
        %add3A_455 = arith.addf %add3A_446, %unpack3A_453 : vector<16xf32>
        %add3A_456 = arith.addf %add3A_447, %unpack3A_454 : vector<16xf32>
        %add3A_457 = arith.constant 4 : i32
        %add3A_458 = arith.addi %add3A_202, %add3A_457 : i32
        %get3A_459 = arith.index_cast %add3A_458 : i32 to index
        %get3A_460 = arith.constant 32 : index
        %get3A_461 = tpu.vector_load %arg7[%get3A_459, %get3A_460] {strides = array<i32>} : memref<2000x64xbf16, #tpu.memory_space<vmem>>, vector<32xbf16>,
        %unpack3A_462 = tpu.unpack_subelements %get3A_461, 0 {pack_format = #tpu.pack_format<interleaved>} : vector<32xbf16> -> vector<16xf32>
        %unpack3A_463 = tpu.unpack_subelements %get3A_461, 1 {pack_format = #tpu.pack_format<interleaved>} : vector<32xbf16> -> vector<16xf32>
        %add3A_464 = arith.addf %add3A_455, %unpack3A_462 : vector<16xf32>
        %add3A_465 = arith.addf %add3A_456, %unpack3A_463 : vector<16xf32>
        %add3A_466 = arith.constant 5 : i32
        %add3A_467 = arith.addi %add3A_202, %add3A_466 : i32
        %get3A_468 = arith.index_cast %add3A_467 : i32 to index
        %get3A_469 = arith.constant 32 : index
        %get3A_470 = tpu.vector_load %arg7[%get3A_468, %get3A_469] {strides = array<i32>} : memref<2000x64xbf16, #tpu.memory_space<vmem>>, vector<32xbf16>,
        %unpack3A_471 = tpu.unpack_subelements %get3A_470, 0 {pack_format = #tpu.pack_format<interleaved>} : vector<32xbf16> -> vector<16xf32>
        %unpack3A_472 = tpu.unpack_subelements %get3A_470, 1 {pack_format = #tpu.pack_format<interleaved>} : vector<32xbf16> -> vector<16xf32>
        %add3A_473 = arith.addf %add3A_464, %unpack3A_471 : vector<16xf32>
        %add3A_474 = arith.addf %add3A_465, %unpack3A_472 : vector<16xf32>
        %add3A_475 = arith.constant 6 : i32
        %add3A_476 = arith.addi %add3A_202, %add3A_475 : i32
        %get3A_477 = arith.index_cast %add3A_476 : i32 to index
        %get3A_478 = arith.constant 32 : index
        %get3A_479 = tpu.vector_load %arg7[%get3A_477, %get3A_478] {strides = array<i32>} : memref<2000x64xbf16, #tpu.memory_space<vmem>>, vector<32xbf16>,
        %unpack3A_480 = tpu.unpack_subelements %get3A_479, 0 {pack_format = #tpu.pack_format<interleaved>} : vector<32xbf16> -> vector<16xf32>
        %unpack3A_481 = tpu.unpack_subelements %get3A_479, 1 {pack_format = #tpu.pack_format<interleaved>} : vector<32xbf16> -> vector<16xf32>
        %add3A_482 = arith.addf %add3A_473, %unpack3A_480 : vector<16xf32>
        %add3A_483 = arith.addf %add3A_474, %unpack3A_481 : vector<16xf32>
        %add3A_484 = arith.constant 7 : i32
        %add3A_485 = arith.addi %add3A_202, %add3A_484 : i32
        %get3A_486 = arith.index_cast %add3A_485 : i32 to index
        %get3A_487 = arith.constant 32 : index
        %get3A_488 = tpu.vector_load %arg7[%get3A_486, %get3A_487] {strides = array<i32>} : memref<2000x64xbf16, #tpu.memory_space<vmem>>, vector<32xbf16>,
        %unpack3A_489 = tpu.unpack_subelements %get3A_488, 0 {pack_format = #tpu.pack_format<interleaved>} : vector<32xbf16> -> vector<16xf32>
        %unpack3A_490 = tpu.unpack_subelements %get3A_488, 1 {pack_format = #tpu.pack_format<interleaved>} : vector<32xbf16> -> vector<16xf32>
        %add3A_491 = arith.addf %add3A_482, %unpack3A_489 : vector<16xf32>
        %add3A_492 = arith.addf %add3A_483, %unpack3A_490 : vector<16xf32>
        %add3A_493 = arith.constant 8 : i32
        %add3A_494 = arith.addi %add3A_202, %add3A_493 : i32
        %get3A_495 = arith.index_cast %add3A_494 : i32 to index
        %get3A_496 = arith.constant 32 : index
        %get3A_497 = tpu.vector_load %arg7[%get3A_495, %get3A_496] {strides = array<i32>} : memref<2000x64xbf16, #tpu.memory_space<vmem>>, vector<32xbf16>,
        %unpack3A_498 = tpu.unpack_subelements %get3A_497, 0 {pack_format = #tpu.pack_format<interleaved>} : vector<32xbf16> -> vector<16xf32>
        %unpack3A_499 = tpu.unpack_subelements %get3A_497, 1 {pack_format = #tpu.pack_format<interleaved>} : vector<32xbf16> -> vector<16xf32>
        %add3A_500 = arith.addf %add3A_491, %unpack3A_498 : vector<16xf32>
        %add3A_501 = arith.addf %add3A_492, %unpack3A_499 : vector<16xf32>
        %add3A_502 = arith.constant 9 : i32
        %add3A_503 = arith.addi %add3A_202, %add3A_502 : i32
        %get3A_504 = arith.index_cast %add3A_503 : i32 to index
        %get3A_505 = arith.constant 32 : index
        %get3A_506 = tpu.vector_load %arg7[%get3A_504, %get3A_505] {strides = array<i32>} : memref<2000x64xbf16, #tpu.memory_space<vmem>>, vector<32xbf16>,
        %unpack3A_507 = tpu.unpack_subelements %get3A_506, 0 {pack_format = #tpu.pack_format<interleaved>} : vector<32xbf16> -> vector<16xf32>
        %unpack3A_508 = tpu.unpack_subelements %get3A_506, 1 {pack_format = #tpu.pack_format<interleaved>} : vector<32xbf16> -> vector<16xf32>
        %add3A_509 = arith.addf %add3A_500, %unpack3A_507 : vector<16xf32>
        %add3A_510 = arith.addf %add3A_501, %unpack3A_508 : vector<16xf32>
        %add3A_511 = arith.constant 10 : i32
        %add3A_512 = arith.addi %add3A_202, %add3A_511 : i32
        %get3A_513 = arith.index_cast %add3A_512 : i32 to index
        %get3A_514 = arith.constant 32 : index
        %get3A_515 = tpu.vector_load %arg7[%get3A_513, %get3A_514] {strides = array<i32>} : memref<2000x64xbf16, #tpu.memory_space<vmem>>, vector<32xbf16>,
        %unpack3A_516 = tpu.unpack_subelements %get3A_515, 0 {pack_format = #tpu.pack_format<interleaved>} : vector<32xbf16> -> vector<16xf32>
        %unpack3A_517 = tpu.unpack_subelements %get3A_515, 1 {pack_format = #tpu.pack_format<interleaved>} : vector<32xbf16> -> vector<16xf32>
        %add3A_518 = arith.addf %add3A_509, %unpack3A_516 : vector<16xf32>
        %add3A_519 = arith.addf %add3A_510, %unpack3A_517 : vector<16xf32>
        %add3A_520 = arith.constant 11 : i32
        %add3A_521 = arith.addi %add3A_202, %add3A_520 : i32
        %get3A_522 = arith.index_cast %add3A_521 : i32 to index
        %get3A_523 = arith.constant 32 : index
        %get3A_524 = tpu.vector_load %arg7[%get3A_522, %get3A_523] {strides = array<i32>} : memref<2000x64xbf16, #tpu.memory_space<vmem>>, vector<32xbf16>,
        %unpack3A_525 = tpu.unpack_subelements %get3A_524, 0 {pack_format = #tpu.pack_format<interleaved>} : vector<32xbf16> -> vector<16xf32>
        %unpack3A_526 = tpu.unpack_subelements %get3A_524, 1 {pack_format = #tpu.pack_format<interleaved>} : vector<32xbf16> -> vector<16xf32>
        %add3A_527 = arith.addf %add3A_518, %unpack3A_525 : vector<16xf32>
        %add3A_528 = arith.addf %add3A_519, %unpack3A_526 : vector<16xf32>
        %add3A_529 = arith.constant 12 : i32
        %add3A_530 = arith.addi %add3A_202, %add3A_529 : i32
        %get3A_531 = arith.index_cast %add3A_530 : i32 to index
        %get3A_532 = arith.constant 32 : index
        %get3A_533 = tpu.vector_load %arg7[%get3A_531, %get3A_532] {strides = array<i32>} : memref<2000x64xbf16, #tpu.memory_space<vmem>>, vector<32xbf16>,
        %unpack3A_534 = tpu.unpack_subelements %get3A_533, 0 {pack_format = #tpu.pack_format<interleaved>} : vector<32xbf16> -> vector<16xf32>
        %unpack3A_535 = tpu.unpack_subelements %get3A_533, 1 {pack_format = #tpu.pack_format<interleaved>} : vector<32xbf16> -> vector<16xf32>
        %add3A_536 = arith.addf %add3A_527, %unpack3A_534 : vector<16xf32>
        %add3A_537 = arith.addf %add3A_528, %unpack3A_535 : vector<16xf32>
        %add3A_538 = arith.constant 13 : i32
        %add3A_539 = arith.addi %add3A_202, %add3A_538 : i32
        %get3A_540 = arith.index_cast %add3A_539 : i32 to index
        %get3A_541 = arith.constant 32 : index
        %get3A_542 = tpu.vector_load %arg7[%get3A_540, %get3A_541] {strides = array<i32>} : memref<2000x64xbf16, #tpu.memory_space<vmem>>, vector<32xbf16>,
        %unpack3A_543 = tpu.unpack_subelements %get3A_542, 0 {pack_format = #tpu.pack_format<interleaved>} : vector<32xbf16> -> vector<16xf32>
        %unpack3A_544 = tpu.unpack_subelements %get3A_542, 1 {pack_format = #tpu.pack_format<interleaved>} : vector<32xbf16> -> vector<16xf32>
        %add3A_545 = arith.addf %add3A_536, %unpack3A_543 : vector<16xf32>
        %add3A_546 = arith.addf %add3A_537, %unpack3A_544 : vector<16xf32>
        %add3A_547 = arith.constant 14 : i32
        %add3A_548 = arith.addi %add3A_202, %add3A_547 : i32
        %get3A_549 = arith.index_cast %add3A_548 : i32 to index
        %get3A_550 = arith.constant 32 : index
        %get3A_551 = tpu.vector_load %arg7[%get3A_549, %get3A_550] {strides = array<i32>} : memref<2000x64xbf16, #tpu.memory_space<vmem>>, vector<32xbf16>,
        %unpack3A_552 = tpu.unpack_subelements %get3A_551, 0 {pack_format = #tpu.pack_format<interleaved>} : vector<32xbf16> -> vector<16xf32>
        %unpack3A_553 = tpu.unpack_subelements %get3A_551, 1 {pack_format = #tpu.pack_format<interleaved>} : vector<32xbf16> -> vector<16xf32>
        %add3A_554 = arith.addf %add3A_545, %unpack3A_552 : vector<16xf32>
        %add3A_555 = arith.addf %add3A_546, %unpack3A_553 : vector<16xf32>
        %add3A_556 = arith.constant 15 : i32
        %add3A_557 = arith.addi %add3A_202, %add3A_556 : i32
        %get3A_558 = arith.index_cast %add3A_557 : i32 to index
        %get3A_559 = arith.constant 32 : index
        %get3A_560 = tpu.vector_load %arg7[%get3A_558, %get3A_559] {strides = array<i32>} : memref<2000x64xbf16, #tpu.memory_space<vmem>>, vector<32xbf16>,
        %unpack3A_561 = tpu.unpack_subelements %get3A_560, 0 {pack_format = #tpu.pack_format<interleaved>} : vector<32xbf16> -> vector<16xf32>
        %unpack3A_562 = tpu.unpack_subelements %get3A_560, 1 {pack_format = #tpu.pack_format<interleaved>} : vector<32xbf16> -> vector<16xf32>
        %add3A_563 = arith.addf %add3A_554, %unpack3A_561 : vector<16xf32>
        %add3A_564 = arith.addf %add3A_555, %unpack3A_562 : vector<16xf32>
        %add3A_565 = arith.constant 16 : i32
        %add3A_566 = arith.addi %add3A_202, %add3A_565 : i32
        %get3A_567 = arith.index_cast %add3A_566 : i32 to index
        %get3A_568 = arith.constant 32 : index
        %get3A_569 = tpu.vector_load %arg7[%get3A_567, %get3A_568] {strides = array<i32>} : memref<2000x64xbf16, #tpu.memory_space<vmem>>, vector<32xbf16>,
        %unpack3A_570 = tpu.unpack_subelements %get3A_569, 0 {pack_format = #tpu.pack_format<interleaved>} : vector<32xbf16> -> vector<16xf32>
        %unpack3A_571 = tpu.unpack_subelements %get3A_569, 1 {pack_format = #tpu.pack_format<interleaved>} : vector<32xbf16> -> vector<16xf32>
        %add3A_572 = arith.addf %add3A_563, %unpack3A_570 : vector<16xf32>
        %add3A_573 = arith.addf %add3A_564, %unpack3A_571 : vector<16xf32>
        %add3A_574 = arith.constant 17 : i32
        %add3A_575 = arith.addi %add3A_202, %add3A_574 : i32
        %get3A_576 = arith.index_cast %add3A_575 : i32 to index
        %get3A_577 = arith.constant 32 : index
        %get3A_578 = tpu.vector_load %arg7[%get3A_576, %get3A_577] {strides = array<i32>} : memref<2000x64xbf16, #tpu.memory_space<vmem>>, vector<32xbf16>,
        %unpack3A_579 = tpu.unpack_subelements %get3A_578, 0 {pack_format = #tpu.pack_format<interleaved>} : vector<32xbf16> -> vector<16xf32>
        %unpack3A_580 = tpu.unpack_subelements %get3A_578, 1 {pack_format = #tpu.pack_format<interleaved>} : vector<32xbf16> -> vector<16xf32>
        %add3A_581 = arith.addf %add3A_572, %unpack3A_579 : vector<16xf32>
        %add3A_582 = arith.addf %add3A_573, %unpack3A_580 : vector<16xf32>
        %add3A_583 = arith.constant 18 : i32
        %add3A_584 = arith.addi %add3A_202, %add3A_583 : i32
        %get3A_585 = arith.index_cast %add3A_584 : i32 to index
        %get3A_586 = arith.constant 32 : index
        %get3A_587 = tpu.vector_load %arg7[%get3A_585, %get3A_586] {strides = array<i32>} : memref<2000x64xbf16, #tpu.memory_space<vmem>>, vector<32xbf16>,
        %unpack3A_588 = tpu.unpack_subelements %get3A_587, 0 {pack_format = #tpu.pack_format<interleaved>} : vector<32xbf16> -> vector<16xf32>
        %unpack3A_589 = tpu.unpack_subelements %get3A_587, 1 {pack_format = #tpu.pack_format<interleaved>} : vector<32xbf16> -> vector<16xf32>
        %add3A_590 = arith.addf %add3A_581, %unpack3A_588 : vector<16xf32>
        %add3A_591 = arith.addf %add3A_582, %unpack3A_589 : vector<16xf32>
        %add3A_592 = arith.constant 19 : i32
        %add3A_593 = arith.addi %add3A_202, %add3A_592 : i32
        %get3A_594 = arith.index_cast %add3A_593 : i32 to index
        %get3A_595 = arith.constant 32 : index
        %get3A_596 = tpu.vector_load %arg7[%get3A_594, %get3A_595] {strides = array<i32>} : memref<2000x64xbf16, #tpu.memory_space<vmem>>, vector<32xbf16>,
        %unpack3A_597 = tpu.unpack_subelements %get3A_596, 0 {pack_format = #tpu.pack_format<interleaved>} : vector<32xbf16> -> vector<16xf32>
        %unpack3A_598 = tpu.unpack_subelements %get3A_596, 1 {pack_format = #tpu.pack_format<interleaved>} : vector<32xbf16> -> vector<16xf32>
        %add3A_599 = arith.addf %add3A_590, %unpack3A_597 : vector<16xf32>
        %add3A_600 = arith.addf %add3A_591, %unpack3A_598 : vector<16xf32>
        %mul3A_601 = arith.constant 64 : i32
        %mul3A_602 = arith.muli %add3A_198, %mul3A_601 : i32
        %add3A_603 = arith.constant 0 : i32
        %add3A_604 = arith.addi %add3A_603, %mul3A_602 : i32
        %add3A_605 = arith.constant 32 : i32
        %add3A_606 = arith.addi %add3A_604, %add3A_605 : i32
        %add3A_607 = vector.broadcast %add3A_606 : i32 to vector<16xi32>
        %add3A_608 = arith.addi %mul3A_116, %add3A_607 : vector<16xi32>
        tpu.vector_store_idx %arg9[%add3A_608], %add3A_599 : memref<6400xf32, #tpu.memory_space<vmem>>[vector<16xi32>], vector<16xf32>,
        %add3A_609 = arith.constant 1 : i32
        %add3A_610 = arith.addi %add3A_606, %add3A_609 : i32
        %add3A_611 = vector.broadcast %add3A_610 : i32 to vector<16xi32>
        %add3A_612 = arith.addi %mul3A_116, %add3A_611 : vector<16xi32>
        tpu.vector_store_idx %arg9[%add3A_612], %add3A_600 : memref<6400xf32, #tpu.memory_space<vmem>>[vector<16xi32>], vector<16xf32>,
        %mul3A_613 = arith.constant 5 : i32
        %mul3A_614 = arith.muli %scan3A_194, %mul3A_613 : i32
        %add3A_615 = arith.constant 1 : i32
        %add3A_616 = arith.addi %mul3A_614, %add3A_615 : i32
        %mul3A_617 = arith.constant 20 : i32
        %mul3A_618 = arith.muli %add3A_616, %mul3A_617 : i32
        %add3A_619 = arith.constant 0 : i32
        %add3A_620 = arith.addi %add3A_619, %mul3A_618 : i32
        %mul3A_621 = arith.constant 64 : i32
        %mul3A_622 = arith.muli %add3A_616, %mul3A_621 : i32
        %add3A_623 = arith.constant 0 : i32
        %add3A_624 = arith.addi %mul3A_622, %add3A_623 : i32
        %get3A_625 = arith.index_cast %add3A_624 : i32 to index
        %get3A_626 = tpu.vector_load %arg8[%get3A_625] {strides = array<i32>} : memref<3584xf32, #tpu.memory_space<vmem>>, vector<16xf32>,
        %mul3A_627 = arith.constant 64 : i32
        %mul3A_628 = arith.muli %add3A_616, %mul3A_627 : i32
        %add3A_629 = arith.constant 0 : i32
        %add3A_630 = arith.addi %mul3A_628, %add3A_629 : i32
        %add3A_631 = arith.constant 16 : i32
        %add3A_632 = arith.addi %add3A_630, %add3A_631 : i32
        %get3A_633 = arith.index_cast %add3A_632 : i32 to index
        %get3A_634 = tpu.vector_load %arg8[%get3A_633] {strides = array<i32>} : memref<3584xf32, #tpu.memory_space<vmem>>, vector<16xf32>,
        %add3A_635 = arith.constant 0 : i32
        %add3A_636 = arith.addi %add3A_620, %add3A_635 : i32
        %get3A_637 = arith.index_cast %add3A_636 : i32 to index
        %get3A_638 = arith.constant 0 : index
        %get3A_639 = tpu.vector_load %arg7[%get3A_637, %get3A_638] {strides = array<i32>} : memref<2000x64xbf16, #tpu.memory_space<vmem>>, vector<32xbf16>,
        %unpack3A_640 = tpu.unpack_subelements %get3A_639, 0 {pack_format = #tpu.pack_format<interleaved>} : vector<32xbf16> -> vector<16xf32>
        %unpack3A_641 = tpu.unpack_subelements %get3A_639, 1 {pack_format = #tpu.pack_format<interleaved>} : vector<32xbf16> -> vector<16xf32>
        %add3A_642 = arith.addf %get3A_626, %unpack3A_640 : vector<16xf32>
        %add3A_643 = arith.addf %get3A_634, %unpack3A_641 : vector<16xf32>
        %add3A_644 = arith.constant 1 : i32
        %add3A_645 = arith.addi %add3A_620, %add3A_644 : i32
        %get3A_646 = arith.index_cast %add3A_645 : i32 to index
        %get3A_647 = arith.constant 0 : index
        %get3A_648 = tpu.vector_load %arg7[%get3A_646, %get3A_647] {strides = array<i32>} : memref<2000x64xbf16, #tpu.memory_space<vmem>>, vector<32xbf16>,
        %unpack3A_649 = tpu.unpack_subelements %get3A_648, 0 {pack_format = #tpu.pack_format<interleaved>} : vector<32xbf16> -> vector<16xf32>
        %unpack3A_650 = tpu.unpack_subelements %get3A_648, 1 {pack_format = #tpu.pack_format<interleaved>} : vector<32xbf16> -> vector<16xf32>
        %add3A_651 = arith.addf %add3A_642, %unpack3A_649 : vector<16xf32>
        %add3A_652 = arith.addf %add3A_643, %unpack3A_650 : vector<16xf32>
        %add3A_653 = arith.constant 2 : i32
        %add3A_654 = arith.addi %add3A_620, %add3A_653 : i32
        %get3A_655 = arith.index_cast %add3A_654 : i32 to index
        %get3A_656 = arith.constant 0 : index
        %get3A_657 = tpu.vector_load %arg7[%get3A_655, %get3A_656] {strides = array<i32>} : memref<2000x64xbf16, #tpu.memory_space<vmem>>, vector<32xbf16>,
        %unpack3A_658 = tpu.unpack_subelements %get3A_657, 0 {pack_format = #tpu.pack_format<interleaved>} : vector<32xbf16> -> vector<16xf32>
        %unpack3A_659 = tpu.unpack_subelements %get3A_657, 1 {pack_format = #tpu.pack_format<interleaved>} : vector<32xbf16> -> vector<16xf32>
        %add3A_660 = arith.addf %add3A_651, %unpack3A_658 : vector<16xf32>
        %add3A_661 = arith.addf %add3A_652, %unpack3A_659 : vector<16xf32>
        %add3A_662 = arith.constant 3 : i32
        %add3A_663 = arith.addi %add3A_620, %add3A_662 : i32
        %get3A_664 = arith.index_cast %add3A_663 : i32 to index
        %get3A_665 = arith.constant 0 : index
        %get3A_666 = tpu.vector_load %arg7[%get3A_664, %get3A_665] {strides = array<i32>} : memref<2000x64xbf16, #tpu.memory_space<vmem>>, vector<32xbf16>,
        %unpack3A_667 = tpu.unpack_subelements %get3A_666, 0 {pack_format = #tpu.pack_format<interleaved>} : vector<32xbf16> -> vector<16xf32>
        %unpack3A_668 = tpu.unpack_subelements %get3A_666, 1 {pack_format = #tpu.pack_format<interleaved>} : vector<32xbf16> -> vector<16xf32>
        %add3A_669 = arith.addf %add3A_660, %unpack3A_667 : vector<16xf32>
        %add3A_670 = arith.addf %add3A_661, %unpack3A_668 : vector<16xf32>
        %add3A_671 = arith.constant 4 : i32
        %add3A_672 = arith.addi %add3A_620, %add3A_671 : i32
        %get3A_673 = arith.index_cast %add3A_672 : i32 to index
        %get3A_674 = arith.constant 0 : index
        %get3A_675 = tpu.vector_load %arg7[%get3A_673, %get3A_674] {strides = array<i32>} : memref<2000x64xbf16, #tpu.memory_space<vmem>>, vector<32xbf16>,
        %unpack3A_676 = tpu.unpack_subelements %get3A_675, 0 {pack_format = #tpu.pack_format<interleaved>} : vector<32xbf16> -> vector<16xf32>
        %unpack3A_677 = tpu.unpack_subelements %get3A_675, 1 {pack_format = #tpu.pack_format<interleaved>} : vector<32xbf16> -> vector<16xf32>
        %add3A_678 = arith.addf %add3A_669, %unpack3A_676 : vector<16xf32>
        %add3A_679 = arith.addf %add3A_670, %unpack3A_677 : vector<16xf32>
        %add3A_680 = arith.constant 5 : i32
        %add3A_681 = arith.addi %add3A_620, %add3A_680 : i32
        %get3A_682 = arith.index_cast %add3A_681 : i32 to index
        %get3A_683 = arith.constant 0 : index
        %get3A_684 = tpu.vector_load %arg7[%get3A_682, %get3A_683] {strides = array<i32>} : memref<2000x64xbf16, #tpu.memory_space<vmem>>, vector<32xbf16>,
        %unpack3A_685 = tpu.unpack_subelements %get3A_684, 0 {pack_format = #tpu.pack_format<interleaved>} : vector<32xbf16> -> vector<16xf32>
        %unpack3A_686 = tpu.unpack_subelements %get3A_684, 1 {pack_format = #tpu.pack_format<interleaved>} : vector<32xbf16> -> vector<16xf32>
        %add3A_687 = arith.addf %add3A_678, %unpack3A_685 : vector<16xf32>
        %add3A_688 = arith.addf %add3A_679, %unpack3A_686 : vector<16xf32>
        %add3A_689 = arith.constant 6 : i32
        %add3A_690 = arith.addi %add3A_620, %add3A_689 : i32
        %get3A_691 = arith.index_cast %add3A_690 : i32 to index
        %get3A_692 = arith.constant 0 : index
        %get3A_693 = tpu.vector_load %arg7[%get3A_691, %get3A_692] {strides = array<i32>} : memref<2000x64xbf16, #tpu.memory_space<vmem>>, vector<32xbf16>,
        %unpack3A_694 = tpu.unpack_subelements %get3A_693, 0 {pack_format = #tpu.pack_format<interleaved>} : vector<32xbf16> -> vector<16xf32>
        %unpack3A_695 = tpu.unpack_subelements %get3A_693, 1 {pack_format = #tpu.pack_format<interleaved>} : vector<32xbf16> -> vector<16xf32>
        %add3A_696 = arith.addf %add3A_687, %unpack3A_694 : vector<16xf32>
        %add3A_697 = arith.addf %add3A_688, %unpack3A_695 : vector<16xf32>
        %add3A_698 = arith.constant 7 : i32
        %add3A_699 = arith.addi %add3A_620, %add3A_698 : i32
        %get3A_700 = arith.index_cast %add3A_699 : i32 to index
        %get3A_701 = arith.constant 0 : index
        %get3A_702 = tpu.vector_load %arg7[%get3A_700, %get3A_701] {strides = array<i32>} : memref<2000x64xbf16, #tpu.memory_space<vmem>>, vector<32xbf16>,
        %unpack3A_703 = tpu.unpack_subelements %get3A_702, 0 {pack_format = #tpu.pack_format<interleaved>} : vector<32xbf16> -> vector<16xf32>
        %unpack3A_704 = tpu.unpack_subelements %get3A_702, 1 {pack_format = #tpu.pack_format<interleaved>} : vector<32xbf16> -> vector<16xf32>
        %add3A_705 = arith.addf %add3A_696, %unpack3A_703 : vector<16xf32>
        %add3A_706 = arith.addf %add3A_697, %unpack3A_704 : vector<16xf32>
        %add3A_707 = arith.constant 8 : i32
        %add3A_708 = arith.addi %add3A_620, %add3A_707 : i32
        %get3A_709 = arith.index_cast %add3A_708 : i32 to index
        %get3A_710 = arith.constant 0 : index
        %get3A_711 = tpu.vector_load %arg7[%get3A_709, %get3A_710] {strides = array<i32>} : memref<2000x64xbf16, #tpu.memory_space<vmem>>, vector<32xbf16>,
        %unpack3A_712 = tpu.unpack_subelements %get3A_711, 0 {pack_format = #tpu.pack_format<interleaved>} : vector<32xbf16> -> vector<16xf32>
        %unpack3A_713 = tpu.unpack_subelements %get3A_711, 1 {pack_format = #tpu.pack_format<interleaved>} : vector<32xbf16> -> vector<16xf32>
        %add3A_714 = arith.addf %add3A_705, %unpack3A_712 : vector<16xf32>
        %add3A_715 = arith.addf %add3A_706, %unpack3A_713 : vector<16xf32>
        %add3A_716 = arith.constant 9 : i32
        %add3A_717 = arith.addi %add3A_620, %add3A_716 : i32
        %get3A_718 = arith.index_cast %add3A_717 : i32 to index
        %get3A_719 = arith.constant 0 : index
        %get3A_720 = tpu.vector_load %arg7[%get3A_718, %get3A_719] {strides = array<i32>} : memref<2000x64xbf16, #tpu.memory_space<vmem>>, vector<32xbf16>,
        %unpack3A_721 = tpu.unpack_subelements %get3A_720, 0 {pack_format = #tpu.pack_format<interleaved>} : vector<32xbf16> -> vector<16xf32>
        %unpack3A_722 = tpu.unpack_subelements %get3A_720, 1 {pack_format = #tpu.pack_format<interleaved>} : vector<32xbf16> -> vector<16xf32>
        %add3A_723 = arith.addf %add3A_714, %unpack3A_721 : vector<16xf32>
        %add3A_724 = arith.addf %add3A_715, %unpack3A_722 : vector<16xf32>
        %add3A_725 = arith.constant 10 : i32
        %add3A_726 = arith.addi %add3A_620, %add3A_725 : i32
        %get3A_727 = arith.index_cast %add3A_726 : i32 to index
        %get3A_728 = arith.constant 0 : index
        %get3A_729 = tpu.vector_load %arg7[%get3A_727, %get3A_728] {strides = array<i32>} : memref<2000x64xbf16, #tpu.memory_space<vmem>>, vector<32xbf16>,
        %unpack3A_730 = tpu.unpack_subelements %get3A_729, 0 {pack_format = #tpu.pack_format<interleaved>} : vector<32xbf16> -> vector<16xf32>
        %unpack3A_731 = tpu.unpack_subelements %get3A_729, 1 {pack_format = #tpu.pack_format<interleaved>} : vector<32xbf16> -> vector<16xf32>
        %add3A_732 = arith.addf %add3A_723, %unpack3A_730 : vector<16xf32>
        %add3A_733 = arith.addf %add3A_724, %unpack3A_731 : vector<16xf32>
        %add3A_734 = arith.constant 11 : i32
        %add3A_735 = arith.addi %add3A_620, %add3A_734 : i32
        %get3A_736 = arith.index_cast %add3A_735 : i32 to index
        %get3A_737 = arith.constant 0 : index
        %get3A_738 = tpu.vector_load %arg7[%get3A_736, %get3A_737] {strides = array<i32>} : memref<2000x64xbf16, #tpu.memory_space<vmem>>, vector<32xbf16>,
        %unpack3A_739 = tpu.unpack_subelements %get3A_738, 0 {pack_format = #tpu.pack_format<interleaved>} : vector<32xbf16> -> vector<16xf32>
        %unpack3A_740 = tpu.unpack_subelements %get3A_738, 1 {pack_format = #tpu.pack_format<interleaved>} : vector<32xbf16> -> vector<16xf32>
        %add3A_741 = arith.addf %add3A_732, %unpack3A_739 : vector<16xf32>
        %add3A_742 = arith.addf %add3A_733, %unpack3A_740 : vector<16xf32>
        %add3A_743 = arith.constant 12 : i32
        %add3A_744 = arith.addi %add3A_620, %add3A_743 : i32
        %get3A_745 = arith.index_cast %add3A_744 : i32 to index
        %get3A_746 = arith.constant 0 : index
        %get3A_747 = tpu.vector_load %arg7[%get3A_745, %get3A_746] {strides = array<i32>} : memref<2000x64xbf16, #tpu.memory_space<vmem>>, vector<32xbf16>,
        %unpack3A_748 = tpu.unpack_subelements %get3A_747, 0 {pack_format = #tpu.pack_format<interleaved>} : vector<32xbf16> -> vector<16xf32>
        %unpack3A_749 = tpu.unpack_subelements %get3A_747, 1 {pack_format = #tpu.pack_format<interleaved>} : vector<32xbf16> -> vector<16xf32>
        %add3A_750 = arith.addf %add3A_741, %unpack3A_748 : vector<16xf32>
        %add3A_751 = arith.addf %add3A_742, %unpack3A_749 : vector<16xf32>
        %add3A_752 = arith.constant 13 : i32
        %add3A_753 = arith.addi %add3A_620, %add3A_752 : i32
        %get3A_754 = arith.index_cast %add3A_753 : i32 to index
        %get3A_755 = arith.constant 0 : index
        %get3A_756 = tpu.vector_load %arg7[%get3A_754, %get3A_755] {strides = array<i32>} : memref<2000x64xbf16, #tpu.memory_space<vmem>>, vector<32xbf16>,
        %unpack3A_757 = tpu.unpack_subelements %get3A_756, 0 {pack_format = #tpu.pack_format<interleaved>} : vector<32xbf16> -> vector<16xf32>
        %unpack3A_758 = tpu.unpack_subelements %get3A_756, 1 {pack_format = #tpu.pack_format<interleaved>} : vector<32xbf16> -> vector<16xf32>
        %add3A_759 = arith.addf %add3A_750, %unpack3A_757 : vector<16xf32>
        %add3A_760 = arith.addf %add3A_751, %unpack3A_758 : vector<16xf32>
        %add3A_761 = arith.constant 14 : i32
        %add3A_762 = arith.addi %add3A_620, %add3A_761 : i32
        %get3A_763 = arith.index_cast %add3A_762 : i32 to index
        %get3A_764 = arith.constant 0 : index
        %get3A_765 = tpu.vector_load %arg7[%get3A_763, %get3A_764] {strides = array<i32>} : memref<2000x64xbf16, #tpu.memory_space<vmem>>, vector<32xbf16>,
        %unpack3A_766 = tpu.unpack_subelements %get3A_765, 0 {pack_format = #tpu.pack_format<interleaved>} : vector<32xbf16> -> vector<16xf32>
        %unpack3A_767 = tpu.unpack_subelements %get3A_765, 1 {pack_format = #tpu.pack_format<interleaved>} : vector<32xbf16> -> vector<16xf32>
        %add3A_768 = arith.addf %add3A_759, %unpack3A_766 : vector<16xf32>
        %add3A_769 = arith.addf %add3A_760, %unpack3A_767 : vector<16xf32>
        %add3A_770 = arith.constant 15 : i32
        %add3A_771 = arith.addi %add3A_620, %add3A_770 : i32
        %get3A_772 = arith.index_cast %add3A_771 : i32 to index
        %get3A_773 = arith.constant 0 : index
        %get3A_774 = tpu.vector_load %arg7[%get3A_772, %get3A_773] {strides = array<i32>} : memref<2000x64xbf16, #tpu.memory_space<vmem>>, vector<32xbf16>,
        %unpack3A_775 = tpu.unpack_subelements %get3A_774, 0 {pack_format = #tpu.pack_format<interleaved>} : vector<32xbf16> -> vector<16xf32>
        %unpack3A_776 = tpu.unpack_subelements %get3A_774, 1 {pack_format = #tpu.pack_format<interleaved>} : vector<32xbf16> -> vector<16xf32>
        %add3A_777 = arith.addf %add3A_768, %unpack3A_775 : vector<16xf32>
        %add3A_778 = arith.addf %add3A_769, %unpack3A_776 : vector<16xf32>
        %add3A_779 = arith.constant 16 : i32
        %add3A_780 = arith.addi %add3A_620, %add3A_779 : i32
        %get3A_781 = arith.index_cast %add3A_780 : i32 to index
        %get3A_782 = arith.constant 0 : index
        %get3A_783 = tpu.vector_load %arg7[%get3A_781, %get3A_782] {strides = array<i32>} : memref<2000x64xbf16, #tpu.memory_space<vmem>>, vector<32xbf16>,
        %unpack3A_784 = tpu.unpack_subelements %get3A_783, 0 {pack_format = #tpu.pack_format<interleaved>} : vector<32xbf16> -> vector<16xf32>
        %unpack3A_785 = tpu.unpack_subelements %get3A_783, 1 {pack_format = #tpu.pack_format<interleaved>} : vector<32xbf16> -> vector<16xf32>
        %add3A_786 = arith.addf %add3A_777, %unpack3A_784 : vector<16xf32>
        %add3A_787 = arith.addf %add3A_778, %unpack3A_785 : vector<16xf32>
        %add3A_788 = arith.constant 17 : i32
        %add3A_789 = arith.addi %add3A_620, %add3A_788 : i32
        %get3A_790 = arith.index_cast %add3A_789 : i32 to index
        %get3A_791 = arith.constant 0 : index
        %get3A_792 = tpu.vector_load %arg7[%get3A_790, %get3A_791] {strides = array<i32>} : memref<2000x64xbf16, #tpu.memory_space<vmem>>, vector<32xbf16>,
        %unpack3A_793 = tpu.unpack_subelements %get3A_792, 0 {pack_format = #tpu.pack_format<interleaved>} : vector<32xbf16> -> vector<16xf32>
        %unpack3A_794 = tpu.unpack_subelements %get3A_792, 1 {pack_format = #tpu.pack_format<interleaved>} : vector<32xbf16> -> vector<16xf32>
        %add3A_795 = arith.addf %add3A_786, %unpack3A_793 : vector<16xf32>
        %add3A_796 = arith.addf %add3A_787, %unpack3A_794 : vector<16xf32>
        %add3A_797 = arith.constant 18 : i32
        %add3A_798 = arith.addi %add3A_620, %add3A_797 : i32
        %get3A_799 = arith.index_cast %add3A_798 : i32 to index
        %get3A_800 = arith.constant 0 : index
        %get3A_801 = tpu.vector_load %arg7[%get3A_799, %get3A_800] {strides = array<i32>} : memref<2000x64xbf16, #tpu.memory_space<vmem>>, vector<32xbf16>,
        %unpack3A_802 = tpu.unpack_subelements %get3A_801, 0 {pack_format = #tpu.pack_format<interleaved>} : vector<32xbf16> -> vector<16xf32>
        %unpack3A_803 = tpu.unpack_subelements %get3A_801, 1 {pack_format = #tpu.pack_format<interleaved>} : vector<32xbf16> -> vector<16xf32>
        %add3A_804 = arith.addf %add3A_795, %unpack3A_802 : vector<16xf32>
        %add3A_805 = arith.addf %add3A_796, %unpack3A_803 : vector<16xf32>
        %add3A_806 = arith.constant 19 : i32
        %add3A_807 = arith.addi %add3A_620, %add3A_806 : i32
        %get3A_808 = arith.index_cast %add3A_807 : i32 to index
        %get3A_809 = arith.constant 0 : index
        %get3A_810 = tpu.vector_load %arg7[%get3A_808, %get3A_809] {strides = array<i32>} : memref<2000x64xbf16, #tpu.memory_space<vmem>>, vector<32xbf16>,
        %unpack3A_811 = tpu.unpack_subelements %get3A_810, 0 {pack_format = #tpu.pack_format<interleaved>} : vector<32xbf16> -> vector<16xf32>
        %unpack3A_812 = tpu.unpack_subelements %get3A_810, 1 {pack_format = #tpu.pack_format<interleaved>} : vector<32xbf16> -> vector<16xf32>
        %add3A_813 = arith.addf %add3A_804, %unpack3A_811 : vector<16xf32>
        %add3A_814 = arith.addf %add3A_805, %unpack3A_812 : vector<16xf32>
        %mul3A_815 = arith.constant 64 : i32
        %mul3A_816 = arith.muli %add3A_616, %mul3A_815 : i32
        %add3A_817 = arith.constant 0 : i32
        %add3A_818 = arith.addi %add3A_817, %mul3A_816 : i32
        %add3A_819 = arith.constant 0 : i32
        %add3A_820 = arith.addi %add3A_818, %add3A_819 : i32
        %add3A_821 = vector.broadcast %add3A_820 : i32 to vector<16xi32>
        %add3A_822 = arith.addi %mul3A_116, %add3A_821 : vector<16xi32>
        tpu.vector_store_idx %arg9[%add3A_822], %add3A_813 : memref<6400xf32, #tpu.memory_space<vmem>>[vector<16xi32>], vector<16xf32>,
        %add3A_823 = arith.constant 1 : i32
        %add3A_824 = arith.addi %add3A_820, %add3A_823 : i32
        %add3A_825 = vector.broadcast %add3A_824 : i32 to vector<16xi32>
        %add3A_826 = arith.addi %mul3A_116, %add3A_825 : vector<16xi32>
        tpu.vector_store_idx %arg9[%add3A_826], %add3A_814 : memref<6400xf32, #tpu.memory_space<vmem>>[vector<16xi32>], vector<16xf32>,
        %mul3A_827 = arith.constant 64 : i32
        %mul3A_828 = arith.muli %add3A_616, %mul3A_827 : i32
        %add3A_829 = arith.constant 32 : i32
        %add3A_830 = arith.addi %mul3A_828, %add3A_829 : i32
        %get3A_831 = arith.index_cast %add3A_830 : i32 to index
        %get3A_832 = tpu.vector_load %arg8[%get3A_831] {strides = array<i32>} : memref<3584xf32, #tpu.memory_space<vmem>>, vector<16xf32>,
        %mul3A_833 = arith.constant 64 : i32
        %mul3A_834 = arith.muli %add3A_616, %mul3A_833 : i32
        %add3A_835 = arith.constant 32 : i32
        %add3A_836 = arith.addi %mul3A_834, %add3A_835 : i32
        %add3A_837 = arith.constant 16 : i32
        %add3A_838 = arith.addi %add3A_836, %add3A_837 : i32
        %get3A_839 = arith.index_cast %add3A_838 : i32 to index
        %get3A_840 = tpu.vector_load %arg8[%get3A_839] {strides = array<i32>} : memref<3584xf32, #tpu.memory_space<vmem>>, vector<16xf32>,
        %add3A_841 = arith.constant 0 : i32
        %add3A_842 = arith.addi %add3A_620, %add3A_841 : i32
        %get3A_843 = arith.index_cast %add3A_842 : i32 to index
        %get3A_844 = arith.constant 32 : index
        %get3A_845 = tpu.vector_load %arg7[%get3A_843, %get3A_844] {strides = array<i32>} : memref<2000x64xbf16, #tpu.memory_space<vmem>>, vector<32xbf16>,
        %unpack3A_846 = tpu.unpack_subelements %get3A_845, 0 {pack_format = #tpu.pack_format<interleaved>} : vector<32xbf16> -> vector<16xf32>
        %unpack3A_847 = tpu.unpack_subelements %get3A_845, 1 {pack_format = #tpu.pack_format<interleaved>} : vector<32xbf16> -> vector<16xf32>
        %add3A_848 = arith.addf %get3A_832, %unpack3A_846 : vector<16xf32>
        %add3A_849 = arith.addf %get3A_840, %unpack3A_847 : vector<16xf32>
        %add3A_850 = arith.constant 1 : i32
        %add3A_851 = arith.addi %add3A_620, %add3A_850 : i32
        %get3A_852 = arith.index_cast %add3A_851 : i32 to index
        %get3A_853 = arith.constant 32 : index
        %get3A_854 = tpu.vector_load %arg7[%get3A_852, %get3A_853] {strides = array<i32>} : memref<2000x64xbf16, #tpu.memory_space<vmem>>, vector<32xbf16>,
        %unpack3A_855 = tpu.unpack_subelements %get3A_854, 0 {pack_format = #tpu.pack_format<interleaved>} : vector<32xbf16> -> vector<16xf32>
        %unpack3A_856 = tpu.unpack_subelements %get3A_854, 1 {pack_format = #tpu.pack_format<interleaved>} : vector<32xbf16> -> vector<16xf32>
        %add3A_857 = arith.addf %add3A_848, %unpack3A_855 : vector<16xf32>
        %add3A_858 = arith.addf %add3A_849, %unpack3A_856 : vector<16xf32>
        %add3A_859 = arith.constant 2 : i32
        %add3A_860 = arith.addi %add3A_620, %add3A_859 : i32
        %get3A_861 = arith.index_cast %add3A_860 : i32 to index
        %get3A_862 = arith.constant 32 : index
        %get3A_863 = tpu.vector_load %arg7[%get3A_861, %get3A_862] {strides = array<i32>} : memref<2000x64xbf16, #tpu.memory_space<vmem>>, vector<32xbf16>,
        %unpack3A_864 = tpu.unpack_subelements %get3A_863, 0 {pack_format = #tpu.pack_format<interleaved>} : vector<32xbf16> -> vector<16xf32>
        %unpack3A_865 = tpu.unpack_subelements %get3A_863, 1 {pack_format = #tpu.pack_format<interleaved>} : vector<32xbf16> -> vector<16xf32>
        %add3A_866 = arith.addf %add3A_857, %unpack3A_864 : vector<16xf32>
        %add3A_867 = arith.addf %add3A_858, %unpack3A_865 : vector<16xf32>
        %add3A_868 = arith.constant 3 : i32
        %add3A_869 = arith.addi %add3A_620, %add3A_868 : i32
        %get3A_870 = arith.index_cast %add3A_869 : i32 to index
        %get3A_871 = arith.constant 32 : index
        %get3A_872 = tpu.vector_load %arg7[%get3A_870, %get3A_871] {strides = array<i32>} : memref<2000x64xbf16, #tpu.memory_space<vmem>>, vector<32xbf16>,
        %unpack3A_873 = tpu.unpack_subelements %get3A_872, 0 {pack_format = #tpu.pack_format<interleaved>} : vector<32xbf16> -> vector<16xf32>
        %unpack3A_874 = tpu.unpack_subelements %get3A_872, 1 {pack_format = #tpu.pack_format<interleaved>} : vector<32xbf16> -> vector<16xf32>
        %add3A_875 = arith.addf %add3A_866, %unpack3A_873 : vector<16xf32>
        %add3A_876 = arith.addf %add3A_867, %unpack3A_874 : vector<16xf32>
        %add3A_877 = arith.constant 4 : i32
        %add3A_878 = arith.addi %add3A_620, %add3A_877 : i32
        %get3A_879 = arith.index_cast %add3A_878 : i32 to index
        %get3A_880 = arith.constant 32 : index
        %get3A_881 = tpu.vector_load %arg7[%get3A_879, %get3A_880] {strides = array<i32>} : memref<2000x64xbf16, #tpu.memory_space<vmem>>, vector<32xbf16>,
        %unpack3A_882 = tpu.unpack_subelements %get3A_881, 0 {pack_format = #tpu.pack_format<interleaved>} : vector<32xbf16> -> vector<16xf32>
        %unpack3A_883 = tpu.unpack_subelements %get3A_881, 1 {pack_format = #tpu.pack_format<interleaved>} : vector<32xbf16> -> vector<16xf32>
        %add3A_884 = arith.addf %add3A_875, %unpack3A_882 : vector<16xf32>
        %add3A_885 = arith.addf %add3A_876, %unpack3A_883 : vector<16xf32>
        %add3A_886 = arith.constant 5 : i32
        %add3A_887 = arith.addi %add3A_620, %add3A_886 : i32
        %get3A_888 = arith.index_cast %add3A_887 : i32 to index
        %get3A_889 = arith.constant 32 : index
        %get3A_890 = tpu.vector_load %arg7[%get3A_888, %get3A_889] {strides = array<i32>} : memref<2000x64xbf16, #tpu.memory_space<vmem>>, vector<32xbf16>,
        %unpack3A_891 = tpu.unpack_subelements %get3A_890, 0 {pack_format = #tpu.pack_format<interleaved>} : vector<32xbf16> -> vector<16xf32>
        %unpack3A_892 = tpu.unpack_subelements %get3A_890, 1 {pack_format = #tpu.pack_format<interleaved>} : vector<32xbf16> -> vector<16xf32>
        %add3A_893 = arith.addf %add3A_884, %unpack3A_891 : vector<16xf32>
        %add3A_894 = arith.addf %add3A_885, %unpack3A_892 : vector<16xf32>
        %add3A_895 = arith.constant 6 : i32
        %add3A_896 = arith.addi %add3A_620, %add3A_895 : i32
        %get3A_897 = arith.index_cast %add3A_896 : i32 to index
        %get3A_898 = arith.constant 32 : index
        %get3A_899 = tpu.vector_load %arg7[%get3A_897, %get3A_898] {strides = array<i32>} : memref<2000x64xbf16, #tpu.memory_space<vmem>>, vector<32xbf16>,
        %unpack3A_900 = tpu.unpack_subelements %get3A_899, 0 {pack_format = #tpu.pack_format<interleaved>} : vector<32xbf16> -> vector<16xf32>
        %unpack3A_901 = tpu.unpack_subelements %get3A_899, 1 {pack_format = #tpu.pack_format<interleaved>} : vector<32xbf16> -> vector<16xf32>
        %add3A_902 = arith.addf %add3A_893, %unpack3A_900 : vector<16xf32>
        %add3A_903 = arith.addf %add3A_894, %unpack3A_901 : vector<16xf32>
        %add3A_904 = arith.constant 7 : i32
        %add3A_905 = arith.addi %add3A_620, %add3A_904 : i32
        %get3A_906 = arith.index_cast %add3A_905 : i32 to index
        %get3A_907 = arith.constant 32 : index
        %get3A_908 = tpu.vector_load %arg7[%get3A_906, %get3A_907] {strides = array<i32>} : memref<2000x64xbf16, #tpu.memory_space<vmem>>, vector<32xbf16>,
        %unpack3A_909 = tpu.unpack_subelements %get3A_908, 0 {pack_format = #tpu.pack_format<interleaved>} : vector<32xbf16> -> vector<16xf32>
        %unpack3A_910 = tpu.unpack_subelements %get3A_908, 1 {pack_format = #tpu.pack_format<interleaved>} : vector<32xbf16> -> vector<16xf32>
        %add3A_911 = arith.addf %add3A_902, %unpack3A_909 : vector<16xf32>
        %add3A_912 = arith.addf %add3A_903, %unpack3A_910 : vector<16xf32>
        %add3A_913 = arith.constant 8 : i32
        %add3A_914 = arith.addi %add3A_620, %add3A_913 : i32
        %get3A_915 = arith.index_cast %add3A_914 : i32 to index
        %get3A_916 = arith.constant 32 : index
        %get3A_917 = tpu.vector_load %arg7[%get3A_915, %get3A_916] {strides = array<i32>} : memref<2000x64xbf16, #tpu.memory_space<vmem>>, vector<32xbf16>,
        %unpack3A_918 = tpu.unpack_subelements %get3A_917, 0 {pack_format = #tpu.pack_format<interleaved>} : vector<32xbf16> -> vector<16xf32>
        %unpack3A_919 = tpu.unpack_subelements %get3A_917, 1 {pack_format = #tpu.pack_format<interleaved>} : vector<32xbf16> -> vector<16xf32>
        %add3A_920 = arith.addf %add3A_911, %unpack3A_918 : vector<16xf32>
        %add3A_921 = arith.addf %add3A_912, %unpack3A_919 : vector<16xf32>
        %add3A_922 = arith.constant 9 : i32
        %add3A_923 = arith.addi %add3A_620, %add3A_922 : i32
        %get3A_924 = arith.index_cast %add3A_923 : i32 to index
        %get3A_925 = arith.constant 32 : index
        %get3A_926 = tpu.vector_load %arg7[%get3A_924, %get3A_925] {strides = array<i32>} : memref<2000x64xbf16, #tpu.memory_space<vmem>>, vector<32xbf16>,
        %unpack3A_927 = tpu.unpack_subelements %get3A_926, 0 {pack_format = #tpu.pack_format<interleaved>} : vector<32xbf16> -> vector<16xf32>
        %unpack3A_928 = tpu.unpack_subelements %get3A_926, 1 {pack_format = #tpu.pack_format<interleaved>} : vector<32xbf16> -> vector<16xf32>
        %add3A_929 = arith.addf %add3A_920, %unpack3A_927 : vector<16xf32>
        %add3A_930 = arith.addf %add3A_921, %unpack3A_928 : vector<16xf32>
        %add3A_931 = arith.constant 10 : i32
        %add3A_932 = arith.addi %add3A_620, %add3A_931 : i32
        %get3A_933 = arith.index_cast %add3A_932 : i32 to index
        %get3A_934 = arith.constant 32 : index
        %get3A_935 = tpu.vector_load %arg7[%get3A_933, %get3A_934] {strides = array<i32>} : memref<2000x64xbf16, #tpu.memory_space<vmem>>, vector<32xbf16>,
        %unpack3A_936 = tpu.unpack_subelements %get3A_935, 0 {pack_format = #tpu.pack_format<interleaved>} : vector<32xbf16> -> vector<16xf32>
        %unpack3A_937 = tpu.unpack_subelements %get3A_935, 1 {pack_format = #tpu.pack_format<interleaved>} : vector<32xbf16> -> vector<16xf32>
        %add3A_938 = arith.addf %add3A_929, %unpack3A_936 : vector<16xf32>
        %add3A_939 = arith.addf %add3A_930, %unpack3A_937 : vector<16xf32>
        %add3A_940 = arith.constant 11 : i32
        %add3A_941 = arith.addi %add3A_620, %add3A_940 : i32
        %get3A_942 = arith.index_cast %add3A_941 : i32 to index
        %get3A_943 = arith.constant 32 : index
        %get3A_944 = tpu.vector_load %arg7[%get3A_942, %get3A_943] {strides = array<i32>} : memref<2000x64xbf16, #tpu.memory_space<vmem>>, vector<32xbf16>,
        %unpack3A_945 = tpu.unpack_subelements %get3A_944, 0 {pack_format = #tpu.pack_format<interleaved>} : vector<32xbf16> -> vector<16xf32>
        %unpack3A_946 = tpu.unpack_subelements %get3A_944, 1 {pack_format = #tpu.pack_format<interleaved>} : vector<32xbf16> -> vector<16xf32>
        %add3A_947 = arith.addf %add3A_938, %unpack3A_945 : vector<16xf32>
        %add3A_948 = arith.addf %add3A_939, %unpack3A_946 : vector<16xf32>
        %add3A_949 = arith.constant 12 : i32
        %add3A_950 = arith.addi %add3A_620, %add3A_949 : i32
        %get3A_951 = arith.index_cast %add3A_950 : i32 to index
        %get3A_952 = arith.constant 32 : index
        %get3A_953 = tpu.vector_load %arg7[%get3A_951, %get3A_952] {strides = array<i32>} : memref<2000x64xbf16, #tpu.memory_space<vmem>>, vector<32xbf16>,
        %unpack3A_954 = tpu.unpack_subelements %get3A_953, 0 {pack_format = #tpu.pack_format<interleaved>} : vector<32xbf16> -> vector<16xf32>
        %unpack3A_955 = tpu.unpack_subelements %get3A_953, 1 {pack_format = #tpu.pack_format<interleaved>} : vector<32xbf16> -> vector<16xf32>
        %add3A_956 = arith.addf %add3A_947, %unpack3A_954 : vector<16xf32>
        %add3A_957 = arith.addf %add3A_948, %unpack3A_955 : vector<16xf32>
        %add3A_958 = arith.constant 13 : i32
        %add3A_959 = arith.addi %add3A_620, %add3A_958 : i32
        %get3A_960 = arith.index_cast %add3A_959 : i32 to index
        %get3A_961 = arith.constant 32 : index
        %get3A_962 = tpu.vector_load %arg7[%get3A_960, %get3A_961] {strides = array<i32>} : memref<2000x64xbf16, #tpu.memory_space<vmem>>, vector<32xbf16>,
        %unpack3A_963 = tpu.unpack_subelements %get3A_962, 0 {pack_format = #tpu.pack_format<interleaved>} : vector<32xbf16> -> vector<16xf32>
        %unpack3A_964 = tpu.unpack_subelements %get3A_962, 1 {pack_format = #tpu.pack_format<interleaved>} : vector<32xbf16> -> vector<16xf32>
        %add3A_965 = arith.addf %add3A_956, %unpack3A_963 : vector<16xf32>
        %add3A_966 = arith.addf %add3A_957, %unpack3A_964 : vector<16xf32>
        %add3A_967 = arith.constant 14 : i32
        %add3A_968 = arith.addi %add3A_620, %add3A_967 : i32
        %get3A_969 = arith.index_cast %add3A_968 : i32 to index
        %get3A_970 = arith.constant 32 : index
        %get3A_971 = tpu.vector_load %arg7[%get3A_969, %get3A_970] {strides = array<i32>} : memref<2000x64xbf16, #tpu.memory_space<vmem>>, vector<32xbf16>,
        %unpack3A_972 = tpu.unpack_subelements %get3A_971, 0 {pack_format = #tpu.pack_format<interleaved>} : vector<32xbf16> -> vector<16xf32>
        %unpack3A_973 = tpu.unpack_subelements %get3A_971, 1 {pack_format = #tpu.pack_format<interleaved>} : vector<32xbf16> -> vector<16xf32>
        %add3A_974 = arith.addf %add3A_965, %unpack3A_972 : vector<16xf32>
        %add3A_975 = arith.addf %add3A_966, %unpack3A_973 : vector<16xf32>
        %add3A_976 = arith.constant 15 : i32
        %add3A_977 = arith.addi %add3A_620, %add3A_976 : i32
        %get3A_978 = arith.index_cast %add3A_977 : i32 to index
        %get3A_979 = arith.constant 32 : index
        %get3A_980 = tpu.vector_load %arg7[%get3A_978, %get3A_979] {strides = array<i32>} : memref<2000x64xbf16, #tpu.memory_space<vmem>>, vector<32xbf16>,
        %unpack3A_981 = tpu.unpack_subelements %get3A_980, 0 {pack_format = #tpu.pack_format<interleaved>} : vector<32xbf16> -> vector<16xf32>
        %unpack3A_982 = tpu.unpack_subelements %get3A_980, 1 {pack_format = #tpu.pack_format<interleaved>} : vector<32xbf16> -> vector<16xf32>
        %add3A_983 = arith.addf %add3A_974, %unpack3A_981 : vector<16xf32>
        %add3A_984 = arith.addf %add3A_975, %unpack3A_982 : vector<16xf32>
        %add3A_985 = arith.constant 16 : i32
        %add3A_986 = arith.addi %add3A_620, %add3A_985 : i32
        %get3A_987 = arith.index_cast %add3A_986 : i32 to index
        %get3A_988 = arith.constant 32 : index
        %get3A_989 = tpu.vector_load %arg7[%get3A_987, %get3A_988] {strides = array<i32>} : memref<2000x64xbf16, #tpu.memory_space<vmem>>, vector<32xbf16>,
        %unpack3A_990 = tpu.unpack_subelements %get3A_989, 0 {pack_format = #tpu.pack_format<interleaved>} : vector<32xbf16> -> vector<16xf32>
        %unpack3A_991 = tpu.unpack_subelements %get3A_989, 1 {pack_format = #tpu.pack_format<interleaved>} : vector<32xbf16> -> vector<16xf32>
        %add3A_992 = arith.addf %add3A_983, %unpack3A_990 : vector<16xf32>
        %add3A_993 = arith.addf %add3A_984, %unpack3A_991 : vector<16xf32>
        %add3A_994 = arith.constant 17 : i32
        %add3A_995 = arith.addi %add3A_620, %add3A_994 : i32
        %get3A_996 = arith.index_cast %add3A_995 : i32 to index
        %get3A_997 = arith.constant 32 : index
        %get3A_998 = tpu.vector_load %arg7[%get3A_996, %get3A_997] {strides = array<i32>} : memref<2000x64xbf16, #tpu.memory_space<vmem>>, vector<32xbf16>,
        %unpack3A_999 = tpu.unpack_subelements %get3A_998, 0 {pack_format = #tpu.pack_format<interleaved>} : vector<32xbf16> -> vector<16xf32>
        %unpack3A_1000 = tpu.unpack_subelements %get3A_998, 1 {pack_format = #tpu.pack_format<interleaved>} : vector<32xbf16> -> vector<16xf32>
        %add3A_1001 = arith.addf %add3A_992, %unpack3A_999 : vector<16xf32>
        %add3A_1002 = arith.addf %add3A_993, %unpack3A_1000 : vector<16xf32>
        %add3A_1003 = arith.constant 18 : i32
        %add3A_1004 = arith.addi %add3A_620, %add3A_1003 : i32
        %get3A_1005 = arith.index_cast %add3A_1004 : i32 to index
        %get3A_1006 = arith.constant 32 : index
        %get3A_1007 = tpu.vector_load %arg7[%get3A_1005, %get3A_1006] {strides = array<i32>} : memref<2000x64xbf16, #tpu.memory_space<vmem>>, vector<32xbf16>,
        %unpack3A_1008 = tpu.unpack_subelements %get3A_1007, 0 {pack_format = #tpu.pack_format<interleaved>} : vector<32xbf16> -> vector<16xf32>
        %unpack3A_1009 = tpu.unpack_subelements %get3A_1007, 1 {pack_format = #tpu.pack_format<interleaved>} : vector<32xbf16> -> vector<16xf32>
        %add3A_1010 = arith.addf %add3A_1001, %unpack3A_1008 : vector<16xf32>
        %add3A_1011 = arith.addf %add3A_1002, %unpack3A_1009 : vector<16xf32>
        %add3A_1012 = arith.constant 19 : i32
        %add3A_1013 = arith.addi %add3A_620, %add3A_1012 : i32
        %get3A_1014 = arith.index_cast %add3A_1013 : i32 to index
        %get3A_1015 = arith.constant 32 : index
        %get3A_1016 = tpu.vector_load %arg7[%get3A_1014, %get3A_1015] {strides = array<i32>} : memref<2000x64xbf16, #tpu.memory_space<vmem>>, vector<32xbf16>,
        %unpack3A_1017 = tpu.unpack_subelements %get3A_1016, 0 {pack_format = #tpu.pack_format<interleaved>} : vector<32xbf16> -> vector<16xf32>
        %unpack3A_1018 = tpu.unpack_subelements %get3A_1016, 1 {pack_format = #tpu.pack_format<interleaved>} : vector<32xbf16> -> vector<16xf32>
        %add3A_1019 = arith.addf %add3A_1010, %unpack3A_1017 : vector<16xf32>
        %add3A_1020 = arith.addf %add3A_1011, %unpack3A_1018 : vector<16xf32>
        %mul3A_1021 = arith.constant 64 : i32
        %mul3A_1022 = arith.muli %add3A_616, %mul3A_1021 : i32
        %add3A_1023 = arith.constant 0 : i32
        %add3A_1024 = arith.addi %add3A_1023, %mul3A_1022 : i32
        %add3A_1025 = arith.constant 32 : i32
        %add3A_1026 = arith.addi %add3A_1024, %add3A_1025 : i32
        %add3A_1027 = vector.broadcast %add3A_1026 : i32 to vector<16xi32>
        %add3A_1028 = arith.addi %mul3A_116, %add3A_1027 : vector<16xi32>
        tpu.vector_store_idx %arg9[%add3A_1028], %add3A_1019 : memref<6400xf32, #tpu.memory_space<vmem>>[vector<16xi32>], vector<16xf32>,
        %add3A_1029 = arith.constant 1 : i32
        %add3A_1030 = arith.addi %add3A_1026, %add3A_1029 : i32
        %add3A_1031 = vector.broadcast %add3A_1030 : i32 to vector<16xi32>
        %add3A_1032 = arith.addi %mul3A_116, %add3A_1031 : vector<16xi32>
        tpu.vector_store_idx %arg9[%add3A_1032], %add3A_1020 : memref<6400xf32, #tpu.memory_space<vmem>>[vector<16xi32>], vector<16xf32>,
        %mul3A_1033 = arith.constant 5 : i32
        %mul3A_1034 = arith.muli %scan3A_194, %mul3A_1033 : i32
        %add3A_1035 = arith.constant 2 : i32
        %add3A_1036 = arith.addi %mul3A_1034, %add3A_1035 : i32
        %mul3A_1037 = arith.constant 20 : i32
        %mul3A_1038 = arith.muli %add3A_1036, %mul3A_1037 : i32
        %add3A_1039 = arith.constant 0 : i32
        %add3A_1040 = arith.addi %add3A_1039, %mul3A_1038 : i32
        %mul3A_1041 = arith.constant 64 : i32
        %mul3A_1042 = arith.muli %add3A_1036, %mul3A_1041 : i32
        %add3A_1043 = arith.constant 0 : i32
        %add3A_1044 = arith.addi %mul3A_1042, %add3A_1043 : i32
        %get3A_1045 = arith.index_cast %add3A_1044 : i32 to index
        %get3A_1046 = tpu.vector_load %arg8[%get3A_1045] {strides = array<i32>} : memref<3584xf32, #tpu.memory_space<vmem>>, vector<16xf32>,
        %mul3A_1047 = arith.constant 64 : i32
        %mul3A_1048 = arith.muli %add3A_1036, %mul3A_1047 : i32
        %add3A_1049 = arith.constant 0 : i32
        %add3A_1050 = arith.addi %mul3A_1048, %add3A_1049 : i32
        %add3A_1051 = arith.constant 16 : i32
        %add3A_1052 = arith.addi %add3A_1050, %add3A_1051 : i32
        %get3A_1053 = arith.index_cast %add3A_1052 : i32 to index
        %get3A_1054 = tpu.vector_load %arg8[%get3A_1053] {strides = array<i32>} : memref<3584xf32, #tpu.memory_space<vmem>>, vector<16xf32>,
        %add3A_1055 = arith.constant 0 : i32
        %add3A_1056 = arith.addi %add3A_1040, %add3A_1055 : i32
        %get3A_1057 = arith.index_cast %add3A_1056 : i32 to index
        %get3A_1058 = arith.constant 0 : index
        %get3A_1059 = tpu.vector_load %arg7[%get3A_1057, %get3A_1058] {strides = array<i32>} : memref<2000x64xbf16, #tpu.memory_space<vmem>>, vector<32xbf16>,
        %unpack3A_1060 = tpu.unpack_subelements %get3A_1059, 0 {pack_format = #tpu.pack_format<interleaved>} : vector<32xbf16> -> vector<16xf32>
        %unpack3A_1061 = tpu.unpack_subelements %get3A_1059, 1 {pack_format = #tpu.pack_format<interleaved>} : vector<32xbf16> -> vector<16xf32>
        %add3A_1062 = arith.addf %get3A_1046, %unpack3A_1060 : vector<16xf32>
        %add3A_1063 = arith.addf %get3A_1054, %unpack3A_1061 : vector<16xf32>
        %add3A_1064 = arith.constant 1 : i32
        %add3A_1065 = arith.addi %add3A_1040, %add3A_1064 : i32
        %get3A_1066 = arith.index_cast %add3A_1065 : i32 to index
        %get3A_1067 = arith.constant 0 : index
        %get3A_1068 = tpu.vector_load %arg7[%get3A_1066, %get3A_1067] {strides = array<i32>} : memref<2000x64xbf16, #tpu.memory_space<vmem>>, vector<32xbf16>,
        %unpack3A_1069 = tpu.unpack_subelements %get3A_1068, 0 {pack_format = #tpu.pack_format<interleaved>} : vector<32xbf16> -> vector<16xf32>
        %unpack3A_1070 = tpu.unpack_subelements %get3A_1068, 1 {pack_format = #tpu.pack_format<interleaved>} : vector<32xbf16> -> vector<16xf32>
        %add3A_1071 = arith.addf %add3A_1062, %unpack3A_1069 : vector<16xf32>
        %add3A_1072 = arith.addf %add3A_1063, %unpack3A_1070 : vector<16xf32>
        %add3A_1073 = arith.constant 2 : i32
        %add3A_1074 = arith.addi %add3A_1040, %add3A_1073 : i32
        %get3A_1075 = arith.index_cast %add3A_1074 : i32 to index
        %get3A_1076 = arith.constant 0 : index
        %get3A_1077 = tpu.vector_load %arg7[%get3A_1075, %get3A_1076] {strides = array<i32>} : memref<2000x64xbf16, #tpu.memory_space<vmem>>, vector<32xbf16>,
        %unpack3A_1078 = tpu.unpack_subelements %get3A_1077, 0 {pack_format = #tpu.pack_format<interleaved>} : vector<32xbf16> -> vector<16xf32>
        %unpack3A_1079 = tpu.unpack_subelements %get3A_1077, 1 {pack_format = #tpu.pack_format<interleaved>} : vector<32xbf16> -> vector<16xf32>
        %add3A_1080 = arith.addf %add3A_1071, %unpack3A_1078 : vector<16xf32>
        %add3A_1081 = arith.addf %add3A_1072, %unpack3A_1079 : vector<16xf32>
        %add3A_1082 = arith.constant 3 : i32
        %add3A_1083 = arith.addi %add3A_1040, %add3A_1082 : i32
        %get3A_1084 = arith.index_cast %add3A_1083 : i32 to index
        %get3A_1085 = arith.constant 0 : index
        %get3A_1086 = tpu.vector_load %arg7[%get3A_1084, %get3A_1085] {strides = array<i32>} : memref<2000x64xbf16, #tpu.memory_space<vmem>>, vector<32xbf16>,
        %unpack3A_1087 = tpu.unpack_subelements %get3A_1086, 0 {pack_format = #tpu.pack_format<interleaved>} : vector<32xbf16> -> vector<16xf32>
        %unpack3A_1088 = tpu.unpack_subelements %get3A_1086, 1 {pack_format = #tpu.pack_format<interleaved>} : vector<32xbf16> -> vector<16xf32>
        %add3A_1089 = arith.addf %add3A_1080, %unpack3A_1087 : vector<16xf32>
        %add3A_1090 = arith.addf %add3A_1081, %unpack3A_1088 : vector<16xf32>
        %add3A_1091 = arith.constant 4 : i32
        %add3A_1092 = arith.addi %add3A_1040, %add3A_1091 : i32
        %get3A_1093 = arith.index_cast %add3A_1092 : i32 to index
        %get3A_1094 = arith.constant 0 : index
        %get3A_1095 = tpu.vector_load %arg7[%get3A_1093, %get3A_1094] {strides = array<i32>} : memref<2000x64xbf16, #tpu.memory_space<vmem>>, vector<32xbf16>,
        %unpack3A_1096 = tpu.unpack_subelements %get3A_1095, 0 {pack_format = #tpu.pack_format<interleaved>} : vector<32xbf16> -> vector<16xf32>
        %unpack3A_1097 = tpu.unpack_subelements %get3A_1095, 1 {pack_format = #tpu.pack_format<interleaved>} : vector<32xbf16> -> vector<16xf32>
        %add3A_1098 = arith.addf %add3A_1089, %unpack3A_1096 : vector<16xf32>
        %add3A_1099 = arith.addf %add3A_1090, %unpack3A_1097 : vector<16xf32>
        %add3A_1100 = arith.constant 5 : i32
        %add3A_1101 = arith.addi %add3A_1040, %add3A_1100 : i32
        %get3A_1102 = arith.index_cast %add3A_1101 : i32 to index
        %get3A_1103 = arith.constant 0 : index
        %get3A_1104 = tpu.vector_load %arg7[%get3A_1102, %get3A_1103] {strides = array<i32>} : memref<2000x64xbf16, #tpu.memory_space<vmem>>, vector<32xbf16>,
        %unpack3A_1105 = tpu.unpack_subelements %get3A_1104, 0 {pack_format = #tpu.pack_format<interleaved>} : vector<32xbf16> -> vector<16xf32>
        %unpack3A_1106 = tpu.unpack_subelements %get3A_1104, 1 {pack_format = #tpu.pack_format<interleaved>} : vector<32xbf16> -> vector<16xf32>
        %add3A_1107 = arith.addf %add3A_1098, %unpack3A_1105 : vector<16xf32>
        %add3A_1108 = arith.addf %add3A_1099, %unpack3A_1106 : vector<16xf32>
        %add3A_1109 = arith.constant 6 : i32
        %add3A_1110 = arith.addi %add3A_1040, %add3A_1109 : i32
        %get3A_1111 = arith.index_cast %add3A_1110 : i32 to index
        %get3A_1112 = arith.constant 0 : index
        %get3A_1113 = tpu.vector_load %arg7[%get3A_1111, %get3A_1112] {strides = array<i32>} : memref<2000x64xbf16, #tpu.memory_space<vmem>>, vector<32xbf16>,
        %unpack3A_1114 = tpu.unpack_subelements %get3A_1113, 0 {pack_format = #tpu.pack_format<interleaved>} : vector<32xbf16> -> vector<16xf32>
        %unpack3A_1115 = tpu.unpack_subelements %get3A_1113, 1 {pack_format = #tpu.pack_format<interleaved>} : vector<32xbf16> -> vector<16xf32>
        %add3A_1116 = arith.addf %add3A_1107, %unpack3A_1114 : vector<16xf32>
        %add3A_1117 = arith.addf %add3A_1108, %unpack3A_1115 : vector<16xf32>
        %add3A_1118 = arith.constant 7 : i32
        %add3A_1119 = arith.addi %add3A_1040, %add3A_1118 : i32
        %get3A_1120 = arith.index_cast %add3A_1119 : i32 to index
        %get3A_1121 = arith.constant 0 : index
        %get3A_1122 = tpu.vector_load %arg7[%get3A_1120, %get3A_1121] {strides = array<i32>} : memref<2000x64xbf16, #tpu.memory_space<vmem>>, vector<32xbf16>,
        %unpack3A_1123 = tpu.unpack_subelements %get3A_1122, 0 {pack_format = #tpu.pack_format<interleaved>} : vector<32xbf16> -> vector<16xf32>
        %unpack3A_1124 = tpu.unpack_subelements %get3A_1122, 1 {pack_format = #tpu.pack_format<interleaved>} : vector<32xbf16> -> vector<16xf32>
        %add3A_1125 = arith.addf %add3A_1116, %unpack3A_1123 : vector<16xf32>
        %add3A_1126 = arith.addf %add3A_1117, %unpack3A_1124 : vector<16xf32>
        %add3A_1127 = arith.constant 8 : i32
        %add3A_1128 = arith.addi %add3A_1040, %add3A_1127 : i32
        %get3A_1129 = arith.index_cast %add3A_1128 : i32 to index
        %get3A_1130 = arith.constant 0 : index
        %get3A_1131 = tpu.vector_load %arg7[%get3A_1129, %get3A_1130] {strides = array<i32>} : memref<2000x64xbf16, #tpu.memory_space<vmem>>, vector<32xbf16>,
        %unpack3A_1132 = tpu.unpack_subelements %get3A_1131, 0 {pack_format = #tpu.pack_format<interleaved>} : vector<32xbf16> -> vector<16xf32>
        %unpack3A_1133 = tpu.unpack_subelements %get3A_1131, 1 {pack_format = #tpu.pack_format<interleaved>} : vector<32xbf16> -> vector<16xf32>
        %add3A_1134 = arith.addf %add3A_1125, %unpack3A_1132 : vector<16xf32>
        %add3A_1135 = arith.addf %add3A_1126, %unpack3A_1133 : vector<16xf32>
        %add3A_1136 = arith.constant 9 : i32
        %add3A_1137 = arith.addi %add3A_1040, %add3A_1136 : i32
        %get3A_1138 = arith.index_cast %add3A_1137 : i32 to index
        %get3A_1139 = arith.constant 0 : index
        %get3A_1140 = tpu.vector_load %arg7[%get3A_1138, %get3A_1139] {strides = array<i32>} : memref<2000x64xbf16, #tpu.memory_space<vmem>>, vector<32xbf16>,
        %unpack3A_1141 = tpu.unpack_subelements %get3A_1140, 0 {pack_format = #tpu.pack_format<interleaved>} : vector<32xbf16> -> vector<16xf32>
        %unpack3A_1142 = tpu.unpack_subelements %get3A_1140, 1 {pack_format = #tpu.pack_format<interleaved>} : vector<32xbf16> -> vector<16xf32>
        %add3A_1143 = arith.addf %add3A_1134, %unpack3A_1141 : vector<16xf32>
        %add3A_1144 = arith.addf %add3A_1135, %unpack3A_1142 : vector<16xf32>
        %add3A_1145 = arith.constant 10 : i32
        %add3A_1146 = arith.addi %add3A_1040, %add3A_1145 : i32
        %get3A_1147 = arith.index_cast %add3A_1146 : i32 to index
        %get3A_1148 = arith.constant 0 : index
        %get3A_1149 = tpu.vector_load %arg7[%get3A_1147, %get3A_1148] {strides = array<i32>} : memref<2000x64xbf16, #tpu.memory_space<vmem>>, vector<32xbf16>,
        %unpack3A_1150 = tpu.unpack_subelements %get3A_1149, 0 {pack_format = #tpu.pack_format<interleaved>} : vector<32xbf16> -> vector<16xf32>
        %unpack3A_1151 = tpu.unpack_subelements %get3A_1149, 1 {pack_format = #tpu.pack_format<interleaved>} : vector<32xbf16> -> vector<16xf32>
        %add3A_1152 = arith.addf %add3A_1143, %unpack3A_1150 : vector<16xf32>
        %add3A_1153 = arith.addf %add3A_1144, %unpack3A_1151 : vector<16xf32>
        %add3A_1154 = arith.constant 11 : i32
        %add3A_1155 = arith.addi %add3A_1040, %add3A_1154 : i32
        %get3A_1156 = arith.index_cast %add3A_1155 : i32 to index
        %get3A_1157 = arith.constant 0 : index
        %get3A_1158 = tpu.vector_load %arg7[%get3A_1156, %get3A_1157] {strides = array<i32>} : memref<2000x64xbf16, #tpu.memory_space<vmem>>, vector<32xbf16>,
        %unpack3A_1159 = tpu.unpack_subelements %get3A_1158, 0 {pack_format = #tpu.pack_format<interleaved>} : vector<32xbf16> -> vector<16xf32>
        %unpack3A_1160 = tpu.unpack_subelements %get3A_1158, 1 {pack_format = #tpu.pack_format<interleaved>} : vector<32xbf16> -> vector<16xf32>
        %add3A_1161 = arith.addf %add3A_1152, %unpack3A_1159 : vector<16xf32>
        %add3A_1162 = arith.addf %add3A_1153, %unpack3A_1160 : vector<16xf32>
        %add3A_1163 = arith.constant 12 : i32
        %add3A_1164 = arith.addi %add3A_1040, %add3A_1163 : i32
        %get3A_1165 = arith.index_cast %add3A_1164 : i32 to index
        %get3A_1166 = arith.constant 0 : index
        %get3A_1167 = tpu.vector_load %arg7[%get3A_1165, %get3A_1166] {strides = array<i32>} : memref<2000x64xbf16, #tpu.memory_space<vmem>>, vector<32xbf16>,
        %unpack3A_1168 = tpu.unpack_subelements %get3A_1167, 0 {pack_format = #tpu.pack_format<interleaved>} : vector<32xbf16> -> vector<16xf32>
        %unpack3A_1169 = tpu.unpack_subelements %get3A_1167, 1 {pack_format = #tpu.pack_format<interleaved>} : vector<32xbf16> -> vector<16xf32>
        %add3A_1170 = arith.addf %add3A_1161, %unpack3A_1168 : vector<16xf32>
        %add3A_1171 = arith.addf %add3A_1162, %unpack3A_1169 : vector<16xf32>
        %add3A_1172 = arith.constant 13 : i32
        %add3A_1173 = arith.addi %add3A_1040, %add3A_1172 : i32
        %get3A_1174 = arith.index_cast %add3A_1173 : i32 to index
        %get3A_1175 = arith.constant 0 : index
        %get3A_1176 = tpu.vector_load %arg7[%get3A_1174, %get3A_1175] {strides = array<i32>} : memref<2000x64xbf16, #tpu.memory_space<vmem>>, vector<32xbf16>,
        %unpack3A_1177 = tpu.unpack_subelements %get3A_1176, 0 {pack_format = #tpu.pack_format<interleaved>} : vector<32xbf16> -> vector<16xf32>
        %unpack3A_1178 = tpu.unpack_subelements %get3A_1176, 1 {pack_format = #tpu.pack_format<interleaved>} : vector<32xbf16> -> vector<16xf32>
        %add3A_1179 = arith.addf %add3A_1170, %unpack3A_1177 : vector<16xf32>
        %add3A_1180 = arith.addf %add3A_1171, %unpack3A_1178 : vector<16xf32>
        %add3A_1181 = arith.constant 14 : i32
        %add3A_1182 = arith.addi %add3A_1040, %add3A_1181 : i32
        %get3A_1183 = arith.index_cast %add3A_1182 : i32 to index
        %get3A_1184 = arith.constant 0 : index
        %get3A_1185 = tpu.vector_load %arg7[%get3A_1183, %get3A_1184] {strides = array<i32>} : memref<2000x64xbf16, #tpu.memory_space<vmem>>, vector<32xbf16>,
        %unpack3A_1186 = tpu.unpack_subelements %get3A_1185, 0 {pack_format = #tpu.pack_format<interleaved>} : vector<32xbf16> -> vector<16xf32>
        %unpack3A_1187 = tpu.unpack_subelements %get3A_1185, 1 {pack_format = #tpu.pack_format<interleaved>} : vector<32xbf16> -> vector<16xf32>
        %add3A_1188 = arith.addf %add3A_1179, %unpack3A_1186 : vector<16xf32>
        %add3A_1189 = arith.addf %add3A_1180, %unpack3A_1187 : vector<16xf32>
        %add3A_1190 = arith.constant 15 : i32
        %add3A_1191 = arith.addi %add3A_1040, %add3A_1190 : i32
        %get3A_1192 = arith.index_cast %add3A_1191 : i32 to index
        %get3A_1193 = arith.constant 0 : index
        %get3A_1194 = tpu.vector_load %arg7[%get3A_1192, %get3A_1193] {strides = array<i32>} : memref<2000x64xbf16, #tpu.memory_space<vmem>>, vector<32xbf16>,
        %unpack3A_1195 = tpu.unpack_subelements %get3A_1194, 0 {pack_format = #tpu.pack_format<interleaved>} : vector<32xbf16> -> vector<16xf32>
        %unpack3A_1196 = tpu.unpack_subelements %get3A_1194, 1 {pack_format = #tpu.pack_format<interleaved>} : vector<32xbf16> -> vector<16xf32>
        %add3A_1197 = arith.addf %add3A_1188, %unpack3A_1195 : vector<16xf32>
        %add3A_1198 = arith.addf %add3A_1189, %unpack3A_1196 : vector<16xf32>
        %add3A_1199 = arith.constant 16 : i32
        %add3A_1200 = arith.addi %add3A_1040, %add3A_1199 : i32
        %get3A_1201 = arith.index_cast %add3A_1200 : i32 to index
        %get3A_1202 = arith.constant 0 : index
        %get3A_1203 = tpu.vector_load %arg7[%get3A_1201, %get3A_1202] {strides = array<i32>} : memref<2000x64xbf16, #tpu.memory_space<vmem>>, vector<32xbf16>,
        %unpack3A_1204 = tpu.unpack_subelements %get3A_1203, 0 {pack_format = #tpu.pack_format<interleaved>} : vector<32xbf16> -> vector<16xf32>
        %unpack3A_1205 = tpu.unpack_subelements %get3A_1203, 1 {pack_format = #tpu.pack_format<interleaved>} : vector<32xbf16> -> vector<16xf32>
        %add3A_1206 = arith.addf %add3A_1197, %unpack3A_1204 : vector<16xf32>
        %add3A_1207 = arith.addf %add3A_1198, %unpack3A_1205 : vector<16xf32>
        %add3A_1208 = arith.constant 17 : i32
        %add3A_1209 = arith.addi %add3A_1040, %add3A_1208 : i32
        %get3A_1210 = arith.index_cast %add3A_1209 : i32 to index
        %get3A_1211 = arith.constant 0 : index
        %get3A_1212 = tpu.vector_load %arg7[%get3A_1210, %get3A_1211] {strides = array<i32>} : memref<2000x64xbf16, #tpu.memory_space<vmem>>, vector<32xbf16>,
        %unpack3A_1213 = tpu.unpack_subelements %get3A_1212, 0 {pack_format = #tpu.pack_format<interleaved>} : vector<32xbf16> -> vector<16xf32>
        %unpack3A_1214 = tpu.unpack_subelements %get3A_1212, 1 {pack_format = #tpu.pack_format<interleaved>} : vector<32xbf16> -> vector<16xf32>
        %add3A_1215 = arith.addf %add3A_1206, %unpack3A_1213 : vector<16xf32>
        %add3A_1216 = arith.addf %add3A_1207, %unpack3A_1214 : vector<16xf32>
        %add3A_1217 = arith.constant 18 : i32
        %add3A_1218 = arith.addi %add3A_1040, %add3A_1217 : i32
        %get3A_1219 = arith.index_cast %add3A_1218 : i32 to index
        %get3A_1220 = arith.constant 0 : index
        %get3A_1221 = tpu.vector_load %arg7[%get3A_1219, %get3A_1220] {strides = array<i32>} : memref<2000x64xbf16, #tpu.memory_space<vmem>>, vector<32xbf16>,
        %unpack3A_1222 = tpu.unpack_subelements %get3A_1221, 0 {pack_format = #tpu.pack_format<interleaved>} : vector<32xbf16> -> vector<16xf32>
        %unpack3A_1223 = tpu.unpack_subelements %get3A_1221, 1 {pack_format = #tpu.pack_format<interleaved>} : vector<32xbf16> -> vector<16xf32>
        %add3A_1224 = arith.addf %add3A_1215, %unpack3A_1222 : vector<16xf32>
        %add3A_1225 = arith.addf %add3A_1216, %unpack3A_1223 : vector<16xf32>
        %add3A_1226 = arith.constant 19 : i32
        %add3A_1227 = arith.addi %add3A_1040, %add3A_1226 : i32
        %get3A_1228 = arith.index_cast %add3A_1227 : i32 to index
        %get3A_1229 = arith.constant 0 : index
        %get3A_1230 = tpu.vector_load %arg7[%get3A_1228, %get3A_1229] {strides = array<i32>} : memref<2000x64xbf16, #tpu.memory_space<vmem>>, vector<32xbf16>,
        %unpack3A_1231 = tpu.unpack_subelements %get3A_1230, 0 {pack_format = #tpu.pack_format<interleaved>} : vector<32xbf16> -> vector<16xf32>
        %unpack3A_1232 = tpu.unpack_subelements %get3A_1230, 1 {pack_format = #tpu.pack_format<interleaved>} : vector<32xbf16> -> vector<16xf32>
        %add3A_1233 = arith.addf %add3A_1224, %unpack3A_1231 : vector<16xf32>
        %add3A_1234 = arith.addf %add3A_1225, %unpack3A_1232 : vector<16xf32>
        %mul3A_1235 = arith.constant 64 : i32
        %mul3A_1236 = arith.muli %add3A_1036, %mul3A_1235 : i32
        %add3A_1237 = arith.constant 0 : i32
        %add3A_1238 = arith.addi %add3A_1237, %mul3A_1236 : i32
        %add3A_1239 = arith.constant 0 : i32
        %add3A_1240 = arith.addi %add3A_1238, %add3A_1239 : i32
        %add3A_1241 = vector.broadcast %add3A_1240 : i32 to vector<16xi32>
        %add3A_1242 = arith.addi %mul3A_116, %add3A_1241 : vector<16xi32>
        tpu.vector_store_idx %arg9[%add3A_1242], %add3A_1233 : memref<6400xf32, #tpu.memory_space<vmem>>[vector<16xi32>], vector<16xf32>,
        %add3A_1243 = arith.constant 1 : i32
        %add3A_1244 = arith.addi %add3A_1240, %add3A_1243 : i32
        %add3A_1245 = vector.broadcast %add3A_1244 : i32 to vector<16xi32>
        %add3A_1246 = arith.addi %mul3A_116, %add3A_1245 : vector<16xi32>
        tpu.vector_store_idx %arg9[%add3A_1246], %add3A_1234 : memref<6400xf32, #tpu.memory_space<vmem>>[vector<16xi32>], vector<16xf32>,
        %mul3A_1247 = arith.constant 64 : i32
        %mul3A_1248 = arith.muli %add3A_1036, %mul3A_1247 : i32
        %add3A_1249 = arith.constant 32 : i32
        %add3A_1250 = arith.addi %mul3A_1248, %add3A_1249 : i32
        %get3A_1251 = arith.index_cast %add3A_1250 : i32 to index
        %get3A_1252 = tpu.vector_load %arg8[%get3A_1251] {strides = array<i32>} : memref<3584xf32, #tpu.memory_space<vmem>>, vector<16xf32>,
        %mul3A_1253 = arith.constant 64 : i32
        %mul3A_1254 = arith.muli %add3A_1036, %mul3A_1253 : i32
        %add3A_1255 = arith.constant 32 : i32
        %add3A_1256 = arith.addi %mul3A_1254, %add3A_1255 : i32
        %add3A_1257 = arith.constant 16 : i32
        %add3A_1258 = arith.addi %add3A_1256, %add3A_1257 : i32
        %get3A_1259 = arith.index_cast %add3A_1258 : i32 to index
        %get3A_1260 = tpu.vector_load %arg8[%get3A_1259] {strides = array<i32>} : memref<3584xf32, #tpu.memory_space<vmem>>, vector<16xf32>,
        %add3A_1261 = arith.constant 0 : i32
        %add3A_1262 = arith.addi %add3A_1040, %add3A_1261 : i32
        %get3A_1263 = arith.index_cast %add3A_1262 : i32 to index
        %get3A_1264 = arith.constant 32 : index
        %get3A_1265 = tpu.vector_load %arg7[%get3A_1263, %get3A_1264] {strides = array<i32>} : memref<2000x64xbf16, #tpu.memory_space<vmem>>, vector<32xbf16>,
        %unpack3A_1266 = tpu.unpack_subelements %get3A_1265, 0 {pack_format = #tpu.pack_format<interleaved>} : vector<32xbf16> -> vector<16xf32>
        %unpack3A_1267 = tpu.unpack_subelements %get3A_1265, 1 {pack_format = #tpu.pack_format<interleaved>} : vector<32xbf16> -> vector<16xf32>
        %add3A_1268 = arith.addf %get3A_1252, %unpack3A_1266 : vector<16xf32>
        %add3A_1269 = arith.addf %get3A_1260, %unpack3A_1267 : vector<16xf32>
        %add3A_1270 = arith.constant 1 : i32
        %add3A_1271 = arith.addi %add3A_1040, %add3A_1270 : i32
        %get3A_1272 = arith.index_cast %add3A_1271 : i32 to index
        %get3A_1273 = arith.constant 32 : index
        %get3A_1274 = tpu.vector_load %arg7[%get3A_1272, %get3A_1273] {strides = array<i32>} : memref<2000x64xbf16, #tpu.memory_space<vmem>>, vector<32xbf16>,
        %unpack3A_1275 = tpu.unpack_subelements %get3A_1274, 0 {pack_format = #tpu.pack_format<interleaved>} : vector<32xbf16> -> vector<16xf32>
        %unpack3A_1276 = tpu.unpack_subelements %get3A_1274, 1 {pack_format = #tpu.pack_format<interleaved>} : vector<32xbf16> -> vector<16xf32>
        %add3A_1277 = arith.addf %add3A_1268, %unpack3A_1275 : vector<16xf32>
        %add3A_1278 = arith.addf %add3A_1269, %unpack3A_1276 : vector<16xf32>
        %add3A_1279 = arith.constant 2 : i32
        %add3A_1280 = arith.addi %add3A_1040, %add3A_1279 : i32
        %get3A_1281 = arith.index_cast %add3A_1280 : i32 to index
        %get3A_1282 = arith.constant 32 : index
        %get3A_1283 = tpu.vector_load %arg7[%get3A_1281, %get3A_1282] {strides = array<i32>} : memref<2000x64xbf16, #tpu.memory_space<vmem>>, vector<32xbf16>,
        %unpack3A_1284 = tpu.unpack_subelements %get3A_1283, 0 {pack_format = #tpu.pack_format<interleaved>} : vector<32xbf16> -> vector<16xf32>
        %unpack3A_1285 = tpu.unpack_subelements %get3A_1283, 1 {pack_format = #tpu.pack_format<interleaved>} : vector<32xbf16> -> vector<16xf32>
        %add3A_1286 = arith.addf %add3A_1277, %unpack3A_1284 : vector<16xf32>
        %add3A_1287 = arith.addf %add3A_1278, %unpack3A_1285 : vector<16xf32>
        %add3A_1288 = arith.constant 3 : i32
        %add3A_1289 = arith.addi %add3A_1040, %add3A_1288 : i32
        %get3A_1290 = arith.index_cast %add3A_1289 : i32 to index
        %get3A_1291 = arith.constant 32 : index
        %get3A_1292 = tpu.vector_load %arg7[%get3A_1290, %get3A_1291] {strides = array<i32>} : memref<2000x64xbf16, #tpu.memory_space<vmem>>, vector<32xbf16>,
        %unpack3A_1293 = tpu.unpack_subelements %get3A_1292, 0 {pack_format = #tpu.pack_format<interleaved>} : vector<32xbf16> -> vector<16xf32>
        %unpack3A_1294 = tpu.unpack_subelements %get3A_1292, 1 {pack_format = #tpu.pack_format<interleaved>} : vector<32xbf16> -> vector<16xf32>
        %add3A_1295 = arith.addf %add3A_1286, %unpack3A_1293 : vector<16xf32>
        %add3A_1296 = arith.addf %add3A_1287, %unpack3A_1294 : vector<16xf32>
        %add3A_1297 = arith.constant 4 : i32
        %add3A_1298 = arith.addi %add3A_1040, %add3A_1297 : i32
        %get3A_1299 = arith.index_cast %add3A_1298 : i32 to index
        %get3A_1300 = arith.constant 32 : index
        %get3A_1301 = tpu.vector_load %arg7[%get3A_1299, %get3A_1300] {strides = array<i32>} : memref<2000x64xbf16, #tpu.memory_space<vmem>>, vector<32xbf16>,
        %unpack3A_1302 = tpu.unpack_subelements %get3A_1301, 0 {pack_format = #tpu.pack_format<interleaved>} : vector<32xbf16> -> vector<16xf32>
        %unpack3A_1303 = tpu.unpack_subelements %get3A_1301, 1 {pack_format = #tpu.pack_format<interleaved>} : vector<32xbf16> -> vector<16xf32>
        %add3A_1304 = arith.addf %add3A_1295, %unpack3A_1302 : vector<16xf32>
        %add3A_1305 = arith.addf %add3A_1296, %unpack3A_1303 : vector<16xf32>
        %add3A_1306 = arith.constant 5 : i32
        %add3A_1307 = arith.addi %add3A_1040, %add3A_1306 : i32
        %get3A_1308 = arith.index_cast %add3A_1307 : i32 to index
        %get3A_1309 = arith.constant 32 : index
        %get3A_1310 = tpu.vector_load %arg7[%get3A_1308, %get3A_1309] {strides = array<i32>} : memref<2000x64xbf16, #tpu.memory_space<vmem>>, vector<32xbf16>,
        %unpack3A_1311 = tpu.unpack_subelements %get3A_1310, 0 {pack_format = #tpu.pack_format<interleaved>} : vector<32xbf16> -> vector<16xf32>
        %unpack3A_1312 = tpu.unpack_subelements %get3A_1310, 1 {pack_format = #tpu.pack_format<interleaved>} : vector<32xbf16> -> vector<16xf32>
        %add3A_1313 = arith.addf %add3A_1304, %unpack3A_1311 : vector<16xf32>
        %add3A_1314 = arith.addf %add3A_1305, %unpack3A_1312 : vector<16xf32>
        %add3A_1315 = arith.constant 6 : i32
        %add3A_1316 = arith.addi %add3A_1040, %add3A_1315 : i32
        %get3A_1317 = arith.index_cast %add3A_1316 : i32 to index
        %get3A_1318 = arith.constant 32 : index
        %get3A_1319 = tpu.vector_load %arg7[%get3A_1317, %get3A_1318] {strides = array<i32>} : memref<2000x64xbf16, #tpu.memory_space<vmem>>, vector<32xbf16>,
        %unpack3A_1320 = tpu.unpack_subelements %get3A_1319, 0 {pack_format = #tpu.pack_format<interleaved>} : vector<32xbf16> -> vector<16xf32>
        %unpack3A_1321 = tpu.unpack_subelements %get3A_1319, 1 {pack_format = #tpu.pack_format<interleaved>} : vector<32xbf16> -> vector<16xf32>
        %add3A_1322 = arith.addf %add3A_1313, %unpack3A_1320 : vector<16xf32>
        %add3A_1323 = arith.addf %add3A_1314, %unpack3A_1321 : vector<16xf32>
        %add3A_1324 = arith.constant 7 : i32
        %add3A_1325 = arith.addi %add3A_1040, %add3A_1324 : i32
        %get3A_1326 = arith.index_cast %add3A_1325 : i32 to index
        %get3A_1327 = arith.constant 32 : index
        %get3A_1328 = tpu.vector_load %arg7[%get3A_1326, %get3A_1327] {strides = array<i32>} : memref<2000x64xbf16, #tpu.memory_space<vmem>>, vector<32xbf16>,
        %unpack3A_1329 = tpu.unpack_subelements %get3A_1328, 0 {pack_format = #tpu.pack_format<interleaved>} : vector<32xbf16> -> vector<16xf32>
        %unpack3A_1330 = tpu.unpack_subelements %get3A_1328, 1 {pack_format = #tpu.pack_format<interleaved>} : vector<32xbf16> -> vector<16xf32>
        %add3A_1331 = arith.addf %add3A_1322, %unpack3A_1329 : vector<16xf32>
        %add3A_1332 = arith.addf %add3A_1323, %unpack3A_1330 : vector<16xf32>
        %add3A_1333 = arith.constant 8 : i32
        %add3A_1334 = arith.addi %add3A_1040, %add3A_1333 : i32
        %get3A_1335 = arith.index_cast %add3A_1334 : i32 to index
        %get3A_1336 = arith.constant 32 : index
        %get3A_1337 = tpu.vector_load %arg7[%get3A_1335, %get3A_1336] {strides = array<i32>} : memref<2000x64xbf16, #tpu.memory_space<vmem>>, vector<32xbf16>,
        %unpack3A_1338 = tpu.unpack_subelements %get3A_1337, 0 {pack_format = #tpu.pack_format<interleaved>} : vector<32xbf16> -> vector<16xf32>
        %unpack3A_1339 = tpu.unpack_subelements %get3A_1337, 1 {pack_format = #tpu.pack_format<interleaved>} : vector<32xbf16> -> vector<16xf32>
        %add3A_1340 = arith.addf %add3A_1331, %unpack3A_1338 : vector<16xf32>
        %add3A_1341 = arith.addf %add3A_1332, %unpack3A_1339 : vector<16xf32>
        %add3A_1342 = arith.constant 9 : i32
        %add3A_1343 = arith.addi %add3A_1040, %add3A_1342 : i32
        %get3A_1344 = arith.index_cast %add3A_1343 : i32 to index
        %get3A_1345 = arith.constant 32 : index
        %get3A_1346 = tpu.vector_load %arg7[%get3A_1344, %get3A_1345] {strides = array<i32>} : memref<2000x64xbf16, #tpu.memory_space<vmem>>, vector<32xbf16>,
        %unpack3A_1347 = tpu.unpack_subelements %get3A_1346, 0 {pack_format = #tpu.pack_format<interleaved>} : vector<32xbf16> -> vector<16xf32>
        %unpack3A_1348 = tpu.unpack_subelements %get3A_1346, 1 {pack_format = #tpu.pack_format<interleaved>} : vector<32xbf16> -> vector<16xf32>
        %add3A_1349 = arith.addf %add3A_1340, %unpack3A_1347 : vector<16xf32>
        %add3A_1350 = arith.addf %add3A_1341, %unpack3A_1348 : vector<16xf32>
        %add3A_1351 = arith.constant 10 : i32
        %add3A_1352 = arith.addi %add3A_1040, %add3A_1351 : i32
        %get3A_1353 = arith.index_cast %add3A_1352 : i32 to index
        %get3A_1354 = arith.constant 32 : index
        %get3A_1355 = tpu.vector_load %arg7[%get3A_1353, %get3A_1354] {strides = array<i32>} : memref<2000x64xbf16, #tpu.memory_space<vmem>>, vector<32xbf16>,
        %unpack3A_1356 = tpu.unpack_subelements %get3A_1355, 0 {pack_format = #tpu.pack_format<interleaved>} : vector<32xbf16> -> vector<16xf32>
        %unpack3A_1357 = tpu.unpack_subelements %get3A_1355, 1 {pack_format = #tpu.pack_format<interleaved>} : vector<32xbf16> -> vector<16xf32>
        %add3A_1358 = arith.addf %add3A_1349, %unpack3A_1356 : vector<16xf32>
        %add3A_1359 = arith.addf %add3A_1350, %unpack3A_1357 : vector<16xf32>
        %add3A_1360 = arith.constant 11 : i32
        %add3A_1361 = arith.addi %add3A_1040, %add3A_1360 : i32
        %get3A_1362 = arith.index_cast %add3A_1361 : i32 to index
        %get3A_1363 = arith.constant 32 : index
        %get3A_1364 = tpu.vector_load %arg7[%get3A_1362, %get3A_1363] {strides = array<i32>} : memref<2000x64xbf16, #tpu.memory_space<vmem>>, vector<32xbf16>,
        %unpack3A_1365 = tpu.unpack_subelements %get3A_1364, 0 {pack_format = #tpu.pack_format<interleaved>} : vector<32xbf16> -> vector<16xf32>
        %unpack3A_1366 = tpu.unpack_subelements %get3A_1364, 1 {pack_format = #tpu.pack_format<interleaved>} : vector<32xbf16> -> vector<16xf32>
        %add3A_1367 = arith.addf %add3A_1358, %unpack3A_1365 : vector<16xf32>
        %add3A_1368 = arith.addf %add3A_1359, %unpack3A_1366 : vector<16xf32>
        %add3A_1369 = arith.constant 12 : i32
        %add3A_1370 = arith.addi %add3A_1040, %add3A_1369 : i32
        %get3A_1371 = arith.index_cast %add3A_1370 : i32 to index
        %get3A_1372 = arith.constant 32 : index
        %get3A_1373 = tpu.vector_load %arg7[%get3A_1371, %get3A_1372] {strides = array<i32>} : memref<2000x64xbf16, #tpu.memory_space<vmem>>, vector<32xbf16>,
        %unpack3A_1374 = tpu.unpack_subelements %get3A_1373, 0 {pack_format = #tpu.pack_format<interleaved>} : vector<32xbf16> -> vector<16xf32>
        %unpack3A_1375 = tpu.unpack_subelements %get3A_1373, 1 {pack_format = #tpu.pack_format<interleaved>} : vector<32xbf16> -> vector<16xf32>
        %add3A_1376 = arith.addf %add3A_1367, %unpack3A_1374 : vector<16xf32>
        %add3A_1377 = arith.addf %add3A_1368, %unpack3A_1375 : vector<16xf32>
        %add3A_1378 = arith.constant 13 : i32
        %add3A_1379 = arith.addi %add3A_1040, %add3A_1378 : i32
        %get3A_1380 = arith.index_cast %add3A_1379 : i32 to index
        %get3A_1381 = arith.constant 32 : index
        %get3A_1382 = tpu.vector_load %arg7[%get3A_1380, %get3A_1381] {strides = array<i32>} : memref<2000x64xbf16, #tpu.memory_space<vmem>>, vector<32xbf16>,
        %unpack3A_1383 = tpu.unpack_subelements %get3A_1382, 0 {pack_format = #tpu.pack_format<interleaved>} : vector<32xbf16> -> vector<16xf32>
        %unpack3A_1384 = tpu.unpack_subelements %get3A_1382, 1 {pack_format = #tpu.pack_format<interleaved>} : vector<32xbf16> -> vector<16xf32>
        %add3A_1385 = arith.addf %add3A_1376, %unpack3A_1383 : vector<16xf32>
        %add3A_1386 = arith.addf %add3A_1377, %unpack3A_1384 : vector<16xf32>
        %add3A_1387 = arith.constant 14 : i32
        %add3A_1388 = arith.addi %add3A_1040, %add3A_1387 : i32
        %get3A_1389 = arith.index_cast %add3A_1388 : i32 to index
        %get3A_1390 = arith.constant 32 : index
        %get3A_1391 = tpu.vector_load %arg7[%get3A_1389, %get3A_1390] {strides = array<i32>} : memref<2000x64xbf16, #tpu.memory_space<vmem>>, vector<32xbf16>,
        %unpack3A_1392 = tpu.unpack_subelements %get3A_1391, 0 {pack_format = #tpu.pack_format<interleaved>} : vector<32xbf16> -> vector<16xf32>
        %unpack3A_1393 = tpu.unpack_subelements %get3A_1391, 1 {pack_format = #tpu.pack_format<interleaved>} : vector<32xbf16> -> vector<16xf32>
        %add3A_1394 = arith.addf %add3A_1385, %unpack3A_1392 : vector<16xf32>
        %add3A_1395 = arith.addf %add3A_1386, %unpack3A_1393 : vector<16xf32>
        %add3A_1396 = arith.constant 15 : i32
        %add3A_1397 = arith.addi %add3A_1040, %add3A_1396 : i32
        %get3A_1398 = arith.index_cast %add3A_1397 : i32 to index
        %get3A_1399 = arith.constant 32 : index
        %get3A_1400 = tpu.vector_load %arg7[%get3A_1398, %get3A_1399] {strides = array<i32>} : memref<2000x64xbf16, #tpu.memory_space<vmem>>, vector<32xbf16>,
        %unpack3A_1401 = tpu.unpack_subelements %get3A_1400, 0 {pack_format = #tpu.pack_format<interleaved>} : vector<32xbf16> -> vector<16xf32>
        %unpack3A_1402 = tpu.unpack_subelements %get3A_1400, 1 {pack_format = #tpu.pack_format<interleaved>} : vector<32xbf16> -> vector<16xf32>
        %add3A_1403 = arith.addf %add3A_1394, %unpack3A_1401 : vector<16xf32>
        %add3A_1404 = arith.addf %add3A_1395, %unpack3A_1402 : vector<16xf32>
        %add3A_1405 = arith.constant 16 : i32
        %add3A_1406 = arith.addi %add3A_1040, %add3A_1405 : i32
        %get3A_1407 = arith.index_cast %add3A_1406 : i32 to index
        %get3A_1408 = arith.constant 32 : index
        %get3A_1409 = tpu.vector_load %arg7[%get3A_1407, %get3A_1408] {strides = array<i32>} : memref<2000x64xbf16, #tpu.memory_space<vmem>>, vector<32xbf16>,
        %unpack3A_1410 = tpu.unpack_subelements %get3A_1409, 0 {pack_format = #tpu.pack_format<interleaved>} : vector<32xbf16> -> vector<16xf32>
        %unpack3A_1411 = tpu.unpack_subelements %get3A_1409, 1 {pack_format = #tpu.pack_format<interleaved>} : vector<32xbf16> -> vector<16xf32>
        %add3A_1412 = arith.addf %add3A_1403, %unpack3A_1410 : vector<16xf32>
        %add3A_1413 = arith.addf %add3A_1404, %unpack3A_1411 : vector<16xf32>
        %add3A_1414 = arith.constant 17 : i32
        %add3A_1415 = arith.addi %add3A_1040, %add3A_1414 : i32
        %get3A_1416 = arith.index_cast %add3A_1415 : i32 to index
        %get3A_1417 = arith.constant 32 : index
        %get3A_1418 = tpu.vector_load %arg7[%get3A_1416, %get3A_1417] {strides = array<i32>} : memref<2000x64xbf16, #tpu.memory_space<vmem>>, vector<32xbf16>,
        %unpack3A_1419 = tpu.unpack_subelements %get3A_1418, 0 {pack_format = #tpu.pack_format<interleaved>} : vector<32xbf16> -> vector<16xf32>
        %unpack3A_1420 = tpu.unpack_subelements %get3A_1418, 1 {pack_format = #tpu.pack_format<interleaved>} : vector<32xbf16> -> vector<16xf32>
        %add3A_1421 = arith.addf %add3A_1412, %unpack3A_1419 : vector<16xf32>
        %add3A_1422 = arith.addf %add3A_1413, %unpack3A_1420 : vector<16xf32>
        %add3A_1423 = arith.constant 18 : i32
        %add3A_1424 = arith.addi %add3A_1040, %add3A_1423 : i32
        %get3A_1425 = arith.index_cast %add3A_1424 : i32 to index
        %get3A_1426 = arith.constant 32 : index
        %get3A_1427 = tpu.vector_load %arg7[%get3A_1425, %get3A_1426] {strides = array<i32>} : memref<2000x64xbf16, #tpu.memory_space<vmem>>, vector<32xbf16>,
        %unpack3A_1428 = tpu.unpack_subelements %get3A_1427, 0 {pack_format = #tpu.pack_format<interleaved>} : vector<32xbf16> -> vector<16xf32>
        %unpack3A_1429 = tpu.unpack_subelements %get3A_1427, 1 {pack_format = #tpu.pack_format<interleaved>} : vector<32xbf16> -> vector<16xf32>
        %add3A_1430 = arith.addf %add3A_1421, %unpack3A_1428 : vector<16xf32>
        %add3A_1431 = arith.addf %add3A_1422, %unpack3A_1429 : vector<16xf32>
        %add3A_1432 = arith.constant 19 : i32
        %add3A_1433 = arith.addi %add3A_1040, %add3A_1432 : i32
        %get3A_1434 = arith.index_cast %add3A_1433 : i32 to index
        %get3A_1435 = arith.constant 32 : index
        %get3A_1436 = tpu.vector_load %arg7[%get3A_1434, %get3A_1435] {strides = array<i32>} : memref<2000x64xbf16, #tpu.memory_space<vmem>>, vector<32xbf16>,
        %unpack3A_1437 = tpu.unpack_subelements %get3A_1436, 0 {pack_format = #tpu.pack_format<interleaved>} : vector<32xbf16> -> vector<16xf32>
        %unpack3A_1438 = tpu.unpack_subelements %get3A_1436, 1 {pack_format = #tpu.pack_format<interleaved>} : vector<32xbf16> -> vector<16xf32>
        %add3A_1439 = arith.addf %add3A_1430, %unpack3A_1437 : vector<16xf32>
        %add3A_1440 = arith.addf %add3A_1431, %unpack3A_1438 : vector<16xf32>
        %mul3A_1441 = arith.constant 64 : i32
        %mul3A_1442 = arith.muli %add3A_1036, %mul3A_1441 : i32
        %add3A_1443 = arith.constant 0 : i32
        %add3A_1444 = arith.addi %add3A_1443, %mul3A_1442 : i32
        %add3A_1445 = arith.constant 32 : i32
        %add3A_1446 = arith.addi %add3A_1444, %add3A_1445 : i32
        %add3A_1447 = vector.broadcast %add3A_1446 : i32 to vector<16xi32>
        %add3A_1448 = arith.addi %mul3A_116, %add3A_1447 : vector<16xi32>
        tpu.vector_store_idx %arg9[%add3A_1448], %add3A_1439 : memref<6400xf32, #tpu.memory_space<vmem>>[vector<16xi32>], vector<16xf32>,
        %add3A_1449 = arith.constant 1 : i32
        %add3A_1450 = arith.addi %add3A_1446, %add3A_1449 : i32
        %add3A_1451 = vector.broadcast %add3A_1450 : i32 to vector<16xi32>
        %add3A_1452 = arith.addi %mul3A_116, %add3A_1451 : vector<16xi32>
        tpu.vector_store_idx %arg9[%add3A_1452], %add3A_1440 : memref<6400xf32, #tpu.memory_space<vmem>>[vector<16xi32>], vector<16xf32>,
        %mul3A_1453 = arith.constant 5 : i32
        %mul3A_1454 = arith.muli %scan3A_194, %mul3A_1453 : i32
        %add3A_1455 = arith.constant 3 : i32
        %add3A_1456 = arith.addi %mul3A_1454, %add3A_1455 : i32
        %mul3A_1457 = arith.constant 20 : i32
        %mul3A_1458 = arith.muli %add3A_1456, %mul3A_1457 : i32
        %add3A_1459 = arith.constant 0 : i32
        %add3A_1460 = arith.addi %add3A_1459, %mul3A_1458 : i32
        %mul3A_1461 = arith.constant 64 : i32
        %mul3A_1462 = arith.muli %add3A_1456, %mul3A_1461 : i32
        %add3A_1463 = arith.constant 0 : i32
        %add3A_1464 = arith.addi %mul3A_1462, %add3A_1463 : i32
        %get3A_1465 = arith.index_cast %add3A_1464 : i32 to index
        %get3A_1466 = tpu.vector_load %arg8[%get3A_1465] {strides = array<i32>} : memref<3584xf32, #tpu.memory_space<vmem>>, vector<16xf32>,
        %mul3A_1467 = arith.constant 64 : i32
        %mul3A_1468 = arith.muli %add3A_1456, %mul3A_1467 : i32
        %add3A_1469 = arith.constant 0 : i32
        %add3A_1470 = arith.addi %mul3A_1468, %add3A_1469 : i32
        %add3A_1471 = arith.constant 16 : i32
        %add3A_1472 = arith.addi %add3A_1470, %add3A_1471 : i32
        %get3A_1473 = arith.index_cast %add3A_1472 : i32 to index
        %get3A_1474 = tpu.vector_load %arg8[%get3A_1473] {strides = array<i32>} : memref<3584xf32, #tpu.memory_space<vmem>>, vector<16xf32>,
        %add3A_1475 = arith.constant 0 : i32
        %add3A_1476 = arith.addi %add3A_1460, %add3A_1475 : i32
        %get3A_1477 = arith.index_cast %add3A_1476 : i32 to index
        %get3A_1478 = arith.constant 0 : index
        %get3A_1479 = tpu.vector_load %arg7[%get3A_1477, %get3A_1478] {strides = array<i32>} : memref<2000x64xbf16, #tpu.memory_space<vmem>>, vector<32xbf16>,
        %unpack3A_1480 = tpu.unpack_subelements %get3A_1479, 0 {pack_format = #tpu.pack_format<interleaved>} : vector<32xbf16> -> vector<16xf32>
        %unpack3A_1481 = tpu.unpack_subelements %get3A_1479, 1 {pack_format = #tpu.pack_format<interleaved>} : vector<32xbf16> -> vector<16xf32>
        %add3A_1482 = arith.addf %get3A_1466, %unpack3A_1480 : vector<16xf32>
        %add3A_1483 = arith.addf %get3A_1474, %unpack3A_1481 : vector<16xf32>
        %add3A_1484 = arith.constant 1 : i32
        %add3A_1485 = arith.addi %add3A_1460, %add3A_1484 : i32
        %get3A_1486 = arith.index_cast %add3A_1485 : i32 to index
        %get3A_1487 = arith.constant 0 : index
        %get3A_1488 = tpu.vector_load %arg7[%get3A_1486, %get3A_1487] {strides = array<i32>} : memref<2000x64xbf16, #tpu.memory_space<vmem>>, vector<32xbf16>,
        %unpack3A_1489 = tpu.unpack_subelements %get3A_1488, 0 {pack_format = #tpu.pack_format<interleaved>} : vector<32xbf16> -> vector<16xf32>
        %unpack3A_1490 = tpu.unpack_subelements %get3A_1488, 1 {pack_format = #tpu.pack_format<interleaved>} : vector<32xbf16> -> vector<16xf32>
        %add3A_1491 = arith.addf %add3A_1482, %unpack3A_1489 : vector<16xf32>
        %add3A_1492 = arith.addf %add3A_1483, %unpack3A_1490 : vector<16xf32>
        %add3A_1493 = arith.constant 2 : i32
        %add3A_1494 = arith.addi %add3A_1460, %add3A_1493 : i32
        %get3A_1495 = arith.index_cast %add3A_1494 : i32 to index
        %get3A_1496 = arith.constant 0 : index
        %get3A_1497 = tpu.vector_load %arg7[%get3A_1495, %get3A_1496] {strides = array<i32>} : memref<2000x64xbf16, #tpu.memory_space<vmem>>, vector<32xbf16>,
        %unpack3A_1498 = tpu.unpack_subelements %get3A_1497, 0 {pack_format = #tpu.pack_format<interleaved>} : vector<32xbf16> -> vector<16xf32>
        %unpack3A_1499 = tpu.unpack_subelements %get3A_1497, 1 {pack_format = #tpu.pack_format<interleaved>} : vector<32xbf16> -> vector<16xf32>
        %add3A_1500 = arith.addf %add3A_1491, %unpack3A_1498 : vector<16xf32>
        %add3A_1501 = arith.addf %add3A_1492, %unpack3A_1499 : vector<16xf32>
        %add3A_1502 = arith.constant 3 : i32
        %add3A_1503 = arith.addi %add3A_1460, %add3A_1502 : i32
        %get3A_1504 = arith.index_cast %add3A_1503 : i32 to index
        %get3A_1505 = arith.constant 0 : index
        %get3A_1506 = tpu.vector_load %arg7[%get3A_1504, %get3A_1505] {strides = array<i32>} : memref<2000x64xbf16, #tpu.memory_space<vmem>>, vector<32xbf16>,
        %unpack3A_1507 = tpu.unpack_subelements %get3A_1506, 0 {pack_format = #tpu.pack_format<interleaved>} : vector<32xbf16> -> vector<16xf32>
        %unpack3A_1508 = tpu.unpack_subelements %get3A_1506, 1 {pack_format = #tpu.pack_format<interleaved>} : vector<32xbf16> -> vector<16xf32>
        %add3A_1509 = arith.addf %add3A_1500, %unpack3A_1507 : vector<16xf32>
        %add3A_1510 = arith.addf %add3A_1501, %unpack3A_1508 : vector<16xf32>
        %add3A_1511 = arith.constant 4 : i32
        %add3A_1512 = arith.addi %add3A_1460, %add3A_1511 : i32
        %get3A_1513 = arith.index_cast %add3A_1512 : i32 to index
        %get3A_1514 = arith.constant 0 : index
        %get3A_1515 = tpu.vector_load %arg7[%get3A_1513, %get3A_1514] {strides = array<i32>} : memref<2000x64xbf16, #tpu.memory_space<vmem>>, vector<32xbf16>,
        %unpack3A_1516 = tpu.unpack_subelements %get3A_1515, 0 {pack_format = #tpu.pack_format<interleaved>} : vector<32xbf16> -> vector<16xf32>
        %unpack3A_1517 = tpu.unpack_subelements %get3A_1515, 1 {pack_format = #tpu.pack_format<interleaved>} : vector<32xbf16> -> vector<16xf32>
        %add3A_1518 = arith.addf %add3A_1509, %unpack3A_1516 : vector<16xf32>
        %add3A_1519 = arith.addf %add3A_1510, %unpack3A_1517 : vector<16xf32>
        %add3A_1520 = arith.constant 5 : i32
        %add3A_1521 = arith.addi %add3A_1460, %add3A_1520 : i32
        %get3A_1522 = arith.index_cast %add3A_1521 : i32 to index
        %get3A_1523 = arith.constant 0 : index
        %get3A_1524 = tpu.vector_load %arg7[%get3A_1522, %get3A_1523] {strides = array<i32>} : memref<2000x64xbf16, #tpu.memory_space<vmem>>, vector<32xbf16>,
        %unpack3A_1525 = tpu.unpack_subelements %get3A_1524, 0 {pack_format = #tpu.pack_format<interleaved>} : vector<32xbf16> -> vector<16xf32>
        %unpack3A_1526 = tpu.unpack_subelements %get3A_1524, 1 {pack_format = #tpu.pack_format<interleaved>} : vector<32xbf16> -> vector<16xf32>
        %add3A_1527 = arith.addf %add3A_1518, %unpack3A_1525 : vector<16xf32>
        %add3A_1528 = arith.addf %add3A_1519, %unpack3A_1526 : vector<16xf32>
        %add3A_1529 = arith.constant 6 : i32
        %add3A_1530 = arith.addi %add3A_1460, %add3A_1529 : i32
        %get3A_1531 = arith.index_cast %add3A_1530 : i32 to index
        %get3A_1532 = arith.constant 0 : index
        %get3A_1533 = tpu.vector_load %arg7[%get3A_1531, %get3A_1532] {strides = array<i32>} : memref<2000x64xbf16, #tpu.memory_space<vmem>>, vector<32xbf16>,
        %unpack3A_1534 = tpu.unpack_subelements %get3A_1533, 0 {pack_format = #tpu.pack_format<interleaved>} : vector<32xbf16> -> vector<16xf32>
        %unpack3A_1535 = tpu.unpack_subelements %get3A_1533, 1 {pack_format = #tpu.pack_format<interleaved>} : vector<32xbf16> -> vector<16xf32>
        %add3A_1536 = arith.addf %add3A_1527, %unpack3A_1534 : vector<16xf32>
        %add3A_1537 = arith.addf %add3A_1528, %unpack3A_1535 : vector<16xf32>
        %add3A_1538 = arith.constant 7 : i32
        %add3A_1539 = arith.addi %add3A_1460, %add3A_1538 : i32
        %get3A_1540 = arith.index_cast %add3A_1539 : i32 to index
        %get3A_1541 = arith.constant 0 : index
        %get3A_1542 = tpu.vector_load %arg7[%get3A_1540, %get3A_1541] {strides = array<i32>} : memref<2000x64xbf16, #tpu.memory_space<vmem>>, vector<32xbf16>,
        %unpack3A_1543 = tpu.unpack_subelements %get3A_1542, 0 {pack_format = #tpu.pack_format<interleaved>} : vector<32xbf16> -> vector<16xf32>
        %unpack3A_1544 = tpu.unpack_subelements %get3A_1542, 1 {pack_format = #tpu.pack_format<interleaved>} : vector<32xbf16> -> vector<16xf32>
        %add3A_1545 = arith.addf %add3A_1536, %unpack3A_1543 : vector<16xf32>
        %add3A_1546 = arith.addf %add3A_1537, %unpack3A_1544 : vector<16xf32>
        %add3A_1547 = arith.constant 8 : i32
        %add3A_1548 = arith.addi %add3A_1460, %add3A_1547 : i32
        %get3A_1549 = arith.index_cast %add3A_1548 : i32 to index
        %get3A_1550 = arith.constant 0 : index
        %get3A_1551 = tpu.vector_load %arg7[%get3A_1549, %get3A_1550] {strides = array<i32>} : memref<2000x64xbf16, #tpu.memory_space<vmem>>, vector<32xbf16>,
        %unpack3A_1552 = tpu.unpack_subelements %get3A_1551, 0 {pack_format = #tpu.pack_format<interleaved>} : vector<32xbf16> -> vector<16xf32>
        %unpack3A_1553 = tpu.unpack_subelements %get3A_1551, 1 {pack_format = #tpu.pack_format<interleaved>} : vector<32xbf16> -> vector<16xf32>
        %add3A_1554 = arith.addf %add3A_1545, %unpack3A_1552 : vector<16xf32>
        %add3A_1555 = arith.addf %add3A_1546, %unpack3A_1553 : vector<16xf32>
        %add3A_1556 = arith.constant 9 : i32
        %add3A_1557 = arith.addi %add3A_1460, %add3A_1556 : i32
        %get3A_1558 = arith.index_cast %add3A_1557 : i32 to index
        %get3A_1559 = arith.constant 0 : index
        %get3A_1560 = tpu.vector_load %arg7[%get3A_1558, %get3A_1559] {strides = array<i32>} : memref<2000x64xbf16, #tpu.memory_space<vmem>>, vector<32xbf16>,
        %unpack3A_1561 = tpu.unpack_subelements %get3A_1560, 0 {pack_format = #tpu.pack_format<interleaved>} : vector<32xbf16> -> vector<16xf32>
        %unpack3A_1562 = tpu.unpack_subelements %get3A_1560, 1 {pack_format = #tpu.pack_format<interleaved>} : vector<32xbf16> -> vector<16xf32>
        %add3A_1563 = arith.addf %add3A_1554, %unpack3A_1561 : vector<16xf32>
        %add3A_1564 = arith.addf %add3A_1555, %unpack3A_1562 : vector<16xf32>
        %add3A_1565 = arith.constant 10 : i32
        %add3A_1566 = arith.addi %add3A_1460, %add3A_1565 : i32
        %get3A_1567 = arith.index_cast %add3A_1566 : i32 to index
        %get3A_1568 = arith.constant 0 : index
        %get3A_1569 = tpu.vector_load %arg7[%get3A_1567, %get3A_1568] {strides = array<i32>} : memref<2000x64xbf16, #tpu.memory_space<vmem>>, vector<32xbf16>,
        %unpack3A_1570 = tpu.unpack_subelements %get3A_1569, 0 {pack_format = #tpu.pack_format<interleaved>} : vector<32xbf16> -> vector<16xf32>
        %unpack3A_1571 = tpu.unpack_subelements %get3A_1569, 1 {pack_format = #tpu.pack_format<interleaved>} : vector<32xbf16> -> vector<16xf32>
        %add3A_1572 = arith.addf %add3A_1563, %unpack3A_1570 : vector<16xf32>
        %add3A_1573 = arith.addf %add3A_1564, %unpack3A_1571 : vector<16xf32>
        %add3A_1574 = arith.constant 11 : i32
        %add3A_1575 = arith.addi %add3A_1460, %add3A_1574 : i32
        %get3A_1576 = arith.index_cast %add3A_1575 : i32 to index
        %get3A_1577 = arith.constant 0 : index
        %get3A_1578 = tpu.vector_load %arg7[%get3A_1576, %get3A_1577] {strides = array<i32>} : memref<2000x64xbf16, #tpu.memory_space<vmem>>, vector<32xbf16>,
        %unpack3A_1579 = tpu.unpack_subelements %get3A_1578, 0 {pack_format = #tpu.pack_format<interleaved>} : vector<32xbf16> -> vector<16xf32>
        %unpack3A_1580 = tpu.unpack_subelements %get3A_1578, 1 {pack_format = #tpu.pack_format<interleaved>} : vector<32xbf16> -> vector<16xf32>
        %add3A_1581 = arith.addf %add3A_1572, %unpack3A_1579 : vector<16xf32>
        %add3A_1582 = arith.addf %add3A_1573, %unpack3A_1580 : vector<16xf32>
        %add3A_1583 = arith.constant 12 : i32
        %add3A_1584 = arith.addi %add3A_1460, %add3A_1583 : i32
        %get3A_1585 = arith.index_cast %add3A_1584 : i32 to index
        %get3A_1586 = arith.constant 0 : index
        %get3A_1587 = tpu.vector_load %arg7[%get3A_1585, %get3A_1586] {strides = array<i32>} : memref<2000x64xbf16, #tpu.memory_space<vmem>>, vector<32xbf16>,
        %unpack3A_1588 = tpu.unpack_subelements %get3A_1587, 0 {pack_format = #tpu.pack_format<interleaved>} : vector<32xbf16> -> vector<16xf32>
        %unpack3A_1589 = tpu.unpack_subelements %get3A_1587, 1 {pack_format = #tpu.pack_format<interleaved>} : vector<32xbf16> -> vector<16xf32>
        %add3A_1590 = arith.addf %add3A_1581, %unpack3A_1588 : vector<16xf32>
        %add3A_1591 = arith.addf %add3A_1582, %unpack3A_1589 : vector<16xf32>
        %add3A_1592 = arith.constant 13 : i32
        %add3A_1593 = arith.addi %add3A_1460, %add3A_1592 : i32
        %get3A_1594 = arith.index_cast %add3A_1593 : i32 to index
        %get3A_1595 = arith.constant 0 : index
        %get3A_1596 = tpu.vector_load %arg7[%get3A_1594, %get3A_1595] {strides = array<i32>} : memref<2000x64xbf16, #tpu.memory_space<vmem>>, vector<32xbf16>,
        %unpack3A_1597 = tpu.unpack_subelements %get3A_1596, 0 {pack_format = #tpu.pack_format<interleaved>} : vector<32xbf16> -> vector<16xf32>
        %unpack3A_1598 = tpu.unpack_subelements %get3A_1596, 1 {pack_format = #tpu.pack_format<interleaved>} : vector<32xbf16> -> vector<16xf32>
        %add3A_1599 = arith.addf %add3A_1590, %unpack3A_1597 : vector<16xf32>
        %add3A_1600 = arith.addf %add3A_1591, %unpack3A_1598 : vector<16xf32>
        %add3A_1601 = arith.constant 14 : i32
        %add3A_1602 = arith.addi %add3A_1460, %add3A_1601 : i32
        %get3A_1603 = arith.index_cast %add3A_1602 : i32 to index
        %get3A_1604 = arith.constant 0 : index
        %get3A_1605 = tpu.vector_load %arg7[%get3A_1603, %get3A_1604] {strides = array<i32>} : memref<2000x64xbf16, #tpu.memory_space<vmem>>, vector<32xbf16>,
        %unpack3A_1606 = tpu.unpack_subelements %get3A_1605, 0 {pack_format = #tpu.pack_format<interleaved>} : vector<32xbf16> -> vector<16xf32>
        %unpack3A_1607 = tpu.unpack_subelements %get3A_1605, 1 {pack_format = #tpu.pack_format<interleaved>} : vector<32xbf16> -> vector<16xf32>
        %add3A_1608 = arith.addf %add3A_1599, %unpack3A_1606 : vector<16xf32>
        %add3A_1609 = arith.addf %add3A_1600, %unpack3A_1607 : vector<16xf32>
        %add3A_1610 = arith.constant 15 : i32
        %add3A_1611 = arith.addi %add3A_1460, %add3A_1610 : i32
        %get3A_1612 = arith.index_cast %add3A_1611 : i32 to index
        %get3A_1613 = arith.constant 0 : index
        %get3A_1614 = tpu.vector_load %arg7[%get3A_1612, %get3A_1613] {strides = array<i32>} : memref<2000x64xbf16, #tpu.memory_space<vmem>>, vector<32xbf16>,
        %unpack3A_1615 = tpu.unpack_subelements %get3A_1614, 0 {pack_format = #tpu.pack_format<interleaved>} : vector<32xbf16> -> vector<16xf32>
        %unpack3A_1616 = tpu.unpack_subelements %get3A_1614, 1 {pack_format = #tpu.pack_format<interleaved>} : vector<32xbf16> -> vector<16xf32>
        %add3A_1617 = arith.addf %add3A_1608, %unpack3A_1615 : vector<16xf32>
        %add3A_1618 = arith.addf %add3A_1609, %unpack3A_1616 : vector<16xf32>
        %add3A_1619 = arith.constant 16 : i32
        %add3A_1620 = arith.addi %add3A_1460, %add3A_1619 : i32
        %get3A_1621 = arith.index_cast %add3A_1620 : i32 to index
        %get3A_1622 = arith.constant 0 : index
        %get3A_1623 = tpu.vector_load %arg7[%get3A_1621, %get3A_1622] {strides = array<i32>} : memref<2000x64xbf16, #tpu.memory_space<vmem>>, vector<32xbf16>,
        %unpack3A_1624 = tpu.unpack_subelements %get3A_1623, 0 {pack_format = #tpu.pack_format<interleaved>} : vector<32xbf16> -> vector<16xf32>
        %unpack3A_1625 = tpu.unpack_subelements %get3A_1623, 1 {pack_format = #tpu.pack_format<interleaved>} : vector<32xbf16> -> vector<16xf32>
        %add3A_1626 = arith.addf %add3A_1617, %unpack3A_1624 : vector<16xf32>
        %add3A_1627 = arith.addf %add3A_1618, %unpack3A_1625 : vector<16xf32>
        %add3A_1628 = arith.constant 17 : i32
        %add3A_1629 = arith.addi %add3A_1460, %add3A_1628 : i32
        %get3A_1630 = arith.index_cast %add3A_1629 : i32 to index
        %get3A_1631 = arith.constant 0 : index
        %get3A_1632 = tpu.vector_load %arg7[%get3A_1630, %get3A_1631] {strides = array<i32>} : memref<2000x64xbf16, #tpu.memory_space<vmem>>, vector<32xbf16>,
        %unpack3A_1633 = tpu.unpack_subelements %get3A_1632, 0 {pack_format = #tpu.pack_format<interleaved>} : vector<32xbf16> -> vector<16xf32>
        %unpack3A_1634 = tpu.unpack_subelements %get3A_1632, 1 {pack_format = #tpu.pack_format<interleaved>} : vector<32xbf16> -> vector<16xf32>
        %add3A_1635 = arith.addf %add3A_1626, %unpack3A_1633 : vector<16xf32>
        %add3A_1636 = arith.addf %add3A_1627, %unpack3A_1634 : vector<16xf32>
        %add3A_1637 = arith.constant 18 : i32
        %add3A_1638 = arith.addi %add3A_1460, %add3A_1637 : i32
        %get3A_1639 = arith.index_cast %add3A_1638 : i32 to index
        %get3A_1640 = arith.constant 0 : index
        %get3A_1641 = tpu.vector_load %arg7[%get3A_1639, %get3A_1640] {strides = array<i32>} : memref<2000x64xbf16, #tpu.memory_space<vmem>>, vector<32xbf16>,
        %unpack3A_1642 = tpu.unpack_subelements %get3A_1641, 0 {pack_format = #tpu.pack_format<interleaved>} : vector<32xbf16> -> vector<16xf32>
        %unpack3A_1643 = tpu.unpack_subelements %get3A_1641, 1 {pack_format = #tpu.pack_format<interleaved>} : vector<32xbf16> -> vector<16xf32>
        %add3A_1644 = arith.addf %add3A_1635, %unpack3A_1642 : vector<16xf32>
        %add3A_1645 = arith.addf %add3A_1636, %unpack3A_1643 : vector<16xf32>
        %add3A_1646 = arith.constant 19 : i32
        %add3A_1647 = arith.addi %add3A_1460, %add3A_1646 : i32
        %get3A_1648 = arith.index_cast %add3A_1647 : i32 to index
        %get3A_1649 = arith.constant 0 : index
        %get3A_1650 = tpu.vector_load %arg7[%get3A_1648, %get3A_1649] {strides = array<i32>} : memref<2000x64xbf16, #tpu.memory_space<vmem>>, vector<32xbf16>,
        %unpack3A_1651 = tpu.unpack_subelements %get3A_1650, 0 {pack_format = #tpu.pack_format<interleaved>} : vector<32xbf16> -> vector<16xf32>
        %unpack3A_1652 = tpu.unpack_subelements %get3A_1650, 1 {pack_format = #tpu.pack_format<interleaved>} : vector<32xbf16> -> vector<16xf32>
        %add3A_1653 = arith.addf %add3A_1644, %unpack3A_1651 : vector<16xf32>
        %add3A_1654 = arith.addf %add3A_1645, %unpack3A_1652 : vector<16xf32>
        %mul3A_1655 = arith.constant 64 : i32
        %mul3A_1656 = arith.muli %add3A_1456, %mul3A_1655 : i32
        %add3A_1657 = arith.constant 0 : i32
        %add3A_1658 = arith.addi %add3A_1657, %mul3A_1656 : i32
        %add3A_1659 = arith.constant 0 : i32
        %add3A_1660 = arith.addi %add3A_1658, %add3A_1659 : i32
        %add3A_1661 = vector.broadcast %add3A_1660 : i32 to vector<16xi32>
        %add3A_1662 = arith.addi %mul3A_116, %add3A_1661 : vector<16xi32>
        tpu.vector_store_idx %arg9[%add3A_1662], %add3A_1653 : memref<6400xf32, #tpu.memory_space<vmem>>[vector<16xi32>], vector<16xf32>,
        %add3A_1663 = arith.constant 1 : i32
        %add3A_1664 = arith.addi %add3A_1660, %add3A_1663 : i32
        %add3A_1665 = vector.broadcast %add3A_1664 : i32 to vector<16xi32>
        %add3A_1666 = arith.addi %mul3A_116, %add3A_1665 : vector<16xi32>
        tpu.vector_store_idx %arg9[%add3A_1666], %add3A_1654 : memref<6400xf32, #tpu.memory_space<vmem>>[vector<16xi32>], vector<16xf32>,
        %mul3A_1667 = arith.constant 64 : i32
        %mul3A_1668 = arith.muli %add3A_1456, %mul3A_1667 : i32
        %add3A_1669 = arith.constant 32 : i32
        %add3A_1670 = arith.addi %mul3A_1668, %add3A_1669 : i32
        %get3A_1671 = arith.index_cast %add3A_1670 : i32 to index
        %get3A_1672 = tpu.vector_load %arg8[%get3A_1671] {strides = array<i32>} : memref<3584xf32, #tpu.memory_space<vmem>>, vector<16xf32>,
        %mul3A_1673 = arith.constant 64 : i32
        %mul3A_1674 = arith.muli %add3A_1456, %mul3A_1673 : i32
        %add3A_1675 = arith.constant 32 : i32
        %add3A_1676 = arith.addi %mul3A_1674, %add3A_1675 : i32
        %add3A_1677 = arith.constant 16 : i32
        %add3A_1678 = arith.addi %add3A_1676, %add3A_1677 : i32
        %get3A_1679 = arith.index_cast %add3A_1678 : i32 to index
        %get3A_1680 = tpu.vector_load %arg8[%get3A_1679] {strides = array<i32>} : memref<3584xf32, #tpu.memory_space<vmem>>, vector<16xf32>,
        %add3A_1681 = arith.constant 0 : i32
        %add3A_1682 = arith.addi %add3A_1460, %add3A_1681 : i32
        %get3A_1683 = arith.index_cast %add3A_1682 : i32 to index
        %get3A_1684 = arith.constant 32 : index
        %get3A_1685 = tpu.vector_load %arg7[%get3A_1683, %get3A_1684] {strides = array<i32>} : memref<2000x64xbf16, #tpu.memory_space<vmem>>, vector<32xbf16>,
        %unpack3A_1686 = tpu.unpack_subelements %get3A_1685, 0 {pack_format = #tpu.pack_format<interleaved>} : vector<32xbf16> -> vector<16xf32>
        %unpack3A_1687 = tpu.unpack_subelements %get3A_1685, 1 {pack_format = #tpu.pack_format<interleaved>} : vector<32xbf16> -> vector<16xf32>
        %add3A_1688 = arith.addf %get3A_1672, %unpack3A_1686 : vector<16xf32>
        %add3A_1689 = arith.addf %get3A_1680, %unpack3A_1687 : vector<16xf32>
        %add3A_1690 = arith.constant 1 : i32
        %add3A_1691 = arith.addi %add3A_1460, %add3A_1690 : i32
        %get3A_1692 = arith.index_cast %add3A_1691 : i32 to index
        %get3A_1693 = arith.constant 32 : index
        %get3A_1694 = tpu.vector_load %arg7[%get3A_1692, %get3A_1693] {strides = array<i32>} : memref<2000x64xbf16, #tpu.memory_space<vmem>>, vector<32xbf16>,
        %unpack3A_1695 = tpu.unpack_subelements %get3A_1694, 0 {pack_format = #tpu.pack_format<interleaved>} : vector<32xbf16> -> vector<16xf32>
        %unpack3A_1696 = tpu.unpack_subelements %get3A_1694, 1 {pack_format = #tpu.pack_format<interleaved>} : vector<32xbf16> -> vector<16xf32>
        %add3A_1697 = arith.addf %add3A_1688, %unpack3A_1695 : vector<16xf32>
        %add3A_1698 = arith.addf %add3A_1689, %unpack3A_1696 : vector<16xf32>
        %add3A_1699 = arith.constant 2 : i32
        %add3A_1700 = arith.addi %add3A_1460, %add3A_1699 : i32
        %get3A_1701 = arith.index_cast %add3A_1700 : i32 to index
        %get3A_1702 = arith.constant 32 : index
        %get3A_1703 = tpu.vector_load %arg7[%get3A_1701, %get3A_1702] {strides = array<i32>} : memref<2000x64xbf16, #tpu.memory_space<vmem>>, vector<32xbf16>,
        %unpack3A_1704 = tpu.unpack_subelements %get3A_1703, 0 {pack_format = #tpu.pack_format<interleaved>} : vector<32xbf16> -> vector<16xf32>
        %unpack3A_1705 = tpu.unpack_subelements %get3A_1703, 1 {pack_format = #tpu.pack_format<interleaved>} : vector<32xbf16> -> vector<16xf32>
        %add3A_1706 = arith.addf %add3A_1697, %unpack3A_1704 : vector<16xf32>
        %add3A_1707 = arith.addf %add3A_1698, %unpack3A_1705 : vector<16xf32>
        %add3A_1708 = arith.constant 3 : i32
        %add3A_1709 = arith.addi %add3A_1460, %add3A_1708 : i32
        %get3A_1710 = arith.index_cast %add3A_1709 : i32 to index
        %get3A_1711 = arith.constant 32 : index
        %get3A_1712 = tpu.vector_load %arg7[%get3A_1710, %get3A_1711] {strides = array<i32>} : memref<2000x64xbf16, #tpu.memory_space<vmem>>, vector<32xbf16>,
        %unpack3A_1713 = tpu.unpack_subelements %get3A_1712, 0 {pack_format = #tpu.pack_format<interleaved>} : vector<32xbf16> -> vector<16xf32>
        %unpack3A_1714 = tpu.unpack_subelements %get3A_1712, 1 {pack_format = #tpu.pack_format<interleaved>} : vector<32xbf16> -> vector<16xf32>
        %add3A_1715 = arith.addf %add3A_1706, %unpack3A_1713 : vector<16xf32>
        %add3A_1716 = arith.addf %add3A_1707, %unpack3A_1714 : vector<16xf32>
        %add3A_1717 = arith.constant 4 : i32
        %add3A_1718 = arith.addi %add3A_1460, %add3A_1717 : i32
        %get3A_1719 = arith.index_cast %add3A_1718 : i32 to index
        %get3A_1720 = arith.constant 32 : index
        %get3A_1721 = tpu.vector_load %arg7[%get3A_1719, %get3A_1720] {strides = array<i32>} : memref<2000x64xbf16, #tpu.memory_space<vmem>>, vector<32xbf16>,
        %unpack3A_1722 = tpu.unpack_subelements %get3A_1721, 0 {pack_format = #tpu.pack_format<interleaved>} : vector<32xbf16> -> vector<16xf32>
        %unpack3A_1723 = tpu.unpack_subelements %get3A_1721, 1 {pack_format = #tpu.pack_format<interleaved>} : vector<32xbf16> -> vector<16xf32>
        %add3A_1724 = arith.addf %add3A_1715, %unpack3A_1722 : vector<16xf32>
        %add3A_1725 = arith.addf %add3A_1716, %unpack3A_1723 : vector<16xf32>
        %add3A_1726 = arith.constant 5 : i32
        %add3A_1727 = arith.addi %add3A_1460, %add3A_1726 : i32
        %get3A_1728 = arith.index_cast %add3A_1727 : i32 to index
        %get3A_1729 = arith.constant 32 : index
        %get3A_1730 = tpu.vector_load %arg7[%get3A_1728, %get3A_1729] {strides = array<i32>} : memref<2000x64xbf16, #tpu.memory_space<vmem>>, vector<32xbf16>,
        %unpack3A_1731 = tpu.unpack_subelements %get3A_1730, 0 {pack_format = #tpu.pack_format<interleaved>} : vector<32xbf16> -> vector<16xf32>
        %unpack3A_1732 = tpu.unpack_subelements %get3A_1730, 1 {pack_format = #tpu.pack_format<interleaved>} : vector<32xbf16> -> vector<16xf32>
        %add3A_1733 = arith.addf %add3A_1724, %unpack3A_1731 : vector<16xf32>
        %add3A_1734 = arith.addf %add3A_1725, %unpack3A_1732 : vector<16xf32>
        %add3A_1735 = arith.constant 6 : i32
        %add3A_1736 = arith.addi %add3A_1460, %add3A_1735 : i32
        %get3A_1737 = arith.index_cast %add3A_1736 : i32 to index
        %get3A_1738 = arith.constant 32 : index
        %get3A_1739 = tpu.vector_load %arg7[%get3A_1737, %get3A_1738] {strides = array<i32>} : memref<2000x64xbf16, #tpu.memory_space<vmem>>, vector<32xbf16>,
        %unpack3A_1740 = tpu.unpack_subelements %get3A_1739, 0 {pack_format = #tpu.pack_format<interleaved>} : vector<32xbf16> -> vector<16xf32>
        %unpack3A_1741 = tpu.unpack_subelements %get3A_1739, 1 {pack_format = #tpu.pack_format<interleaved>} : vector<32xbf16> -> vector<16xf32>
        %add3A_1742 = arith.addf %add3A_1733, %unpack3A_1740 : vector<16xf32>
        %add3A_1743 = arith.addf %add3A_1734, %unpack3A_1741 : vector<16xf32>
        %add3A_1744 = arith.constant 7 : i32
        %add3A_1745 = arith.addi %add3A_1460, %add3A_1744 : i32
        %get3A_1746 = arith.index_cast %add3A_1745 : i32 to index
        %get3A_1747 = arith.constant 32 : index
        %get3A_1748 = tpu.vector_load %arg7[%get3A_1746, %get3A_1747] {strides = array<i32>} : memref<2000x64xbf16, #tpu.memory_space<vmem>>, vector<32xbf16>,
        %unpack3A_1749 = tpu.unpack_subelements %get3A_1748, 0 {pack_format = #tpu.pack_format<interleaved>} : vector<32xbf16> -> vector<16xf32>
        %unpack3A_1750 = tpu.unpack_subelements %get3A_1748, 1 {pack_format = #tpu.pack_format<interleaved>} : vector<32xbf16> -> vector<16xf32>
        %add3A_1751 = arith.addf %add3A_1742, %unpack3A_1749 : vector<16xf32>
        %add3A_1752 = arith.addf %add3A_1743, %unpack3A_1750 : vector<16xf32>
        %add3A_1753 = arith.constant 8 : i32
        %add3A_1754 = arith.addi %add3A_1460, %add3A_1753 : i32
        %get3A_1755 = arith.index_cast %add3A_1754 : i32 to index
        %get3A_1756 = arith.constant 32 : index
        %get3A_1757 = tpu.vector_load %arg7[%get3A_1755, %get3A_1756] {strides = array<i32>} : memref<2000x64xbf16, #tpu.memory_space<vmem>>, vector<32xbf16>,
        %unpack3A_1758 = tpu.unpack_subelements %get3A_1757, 0 {pack_format = #tpu.pack_format<interleaved>} : vector<32xbf16> -> vector<16xf32>
        %unpack3A_1759 = tpu.unpack_subelements %get3A_1757, 1 {pack_format = #tpu.pack_format<interleaved>} : vector<32xbf16> -> vector<16xf32>
        %add3A_1760 = arith.addf %add3A_1751, %unpack3A_1758 : vector<16xf32>
        %add3A_1761 = arith.addf %add3A_1752, %unpack3A_1759 : vector<16xf32>
        %add3A_1762 = arith.constant 9 : i32
        %add3A_1763 = arith.addi %add3A_1460, %add3A_1762 : i32
        %get3A_1764 = arith.index_cast %add3A_1763 : i32 to index
        %get3A_1765 = arith.constant 32 : index
        %get3A_1766 = tpu.vector_load %arg7[%get3A_1764, %get3A_1765] {strides = array<i32>} : memref<2000x64xbf16, #tpu.memory_space<vmem>>, vector<32xbf16>,
        %unpack3A_1767 = tpu.unpack_subelements %get3A_1766, 0 {pack_format = #tpu.pack_format<interleaved>} : vector<32xbf16> -> vector<16xf32>
        %unpack3A_1768 = tpu.unpack_subelements %get3A_1766, 1 {pack_format = #tpu.pack_format<interleaved>} : vector<32xbf16> -> vector<16xf32>
        %add3A_1769 = arith.addf %add3A_1760, %unpack3A_1767 : vector<16xf32>
        %add3A_1770 = arith.addf %add3A_1761, %unpack3A_1768 : vector<16xf32>
        %add3A_1771 = arith.constant 10 : i32
        %add3A_1772 = arith.addi %add3A_1460, %add3A_1771 : i32
        %get3A_1773 = arith.index_cast %add3A_1772 : i32 to index
        %get3A_1774 = arith.constant 32 : index
        %get3A_1775 = tpu.vector_load %arg7[%get3A_1773, %get3A_1774] {strides = array<i32>} : memref<2000x64xbf16, #tpu.memory_space<vmem>>, vector<32xbf16>,
        %unpack3A_1776 = tpu.unpack_subelements %get3A_1775, 0 {pack_format = #tpu.pack_format<interleaved>} : vector<32xbf16> -> vector<16xf32>
        %unpack3A_1777 = tpu.unpack_subelements %get3A_1775, 1 {pack_format = #tpu.pack_format<interleaved>} : vector<32xbf16> -> vector<16xf32>
        %add3A_1778 = arith.addf %add3A_1769, %unpack3A_1776 : vector<16xf32>
        %add3A_1779 = arith.addf %add3A_1770, %unpack3A_1777 : vector<16xf32>
        %add3A_1780 = arith.constant 11 : i32
        %add3A_1781 = arith.addi %add3A_1460, %add3A_1780 : i32
        %get3A_1782 = arith.index_cast %add3A_1781 : i32 to index
        %get3A_1783 = arith.constant 32 : index
        %get3A_1784 = tpu.vector_load %arg7[%get3A_1782, %get3A_1783] {strides = array<i32>} : memref<2000x64xbf16, #tpu.memory_space<vmem>>, vector<32xbf16>,
        %unpack3A_1785 = tpu.unpack_subelements %get3A_1784, 0 {pack_format = #tpu.pack_format<interleaved>} : vector<32xbf16> -> vector<16xf32>
        %unpack3A_1786 = tpu.unpack_subelements %get3A_1784, 1 {pack_format = #tpu.pack_format<interleaved>} : vector<32xbf16> -> vector<16xf32>
        %add3A_1787 = arith.addf %add3A_1778, %unpack3A_1785 : vector<16xf32>
        %add3A_1788 = arith.addf %add3A_1779, %unpack3A_1786 : vector<16xf32>
        %add3A_1789 = arith.constant 12 : i32
        %add3A_1790 = arith.addi %add3A_1460, %add3A_1789 : i32
        %get3A_1791 = arith.index_cast %add3A_1790 : i32 to index
        %get3A_1792 = arith.constant 32 : index
        %get3A_1793 = tpu.vector_load %arg7[%get3A_1791, %get3A_1792] {strides = array<i32>} : memref<2000x64xbf16, #tpu.memory_space<vmem>>, vector<32xbf16>,
        %unpack3A_1794 = tpu.unpack_subelements %get3A_1793, 0 {pack_format = #tpu.pack_format<interleaved>} : vector<32xbf16> -> vector<16xf32>
        %unpack3A_1795 = tpu.unpack_subelements %get3A_1793, 1 {pack_format = #tpu.pack_format<interleaved>} : vector<32xbf16> -> vector<16xf32>
        %add3A_1796 = arith.addf %add3A_1787, %unpack3A_1794 : vector<16xf32>
        %add3A_1797 = arith.addf %add3A_1788, %unpack3A_1795 : vector<16xf32>
        %add3A_1798 = arith.constant 13 : i32
        %add3A_1799 = arith.addi %add3A_1460, %add3A_1798 : i32
        %get3A_1800 = arith.index_cast %add3A_1799 : i32 to index
        %get3A_1801 = arith.constant 32 : index
        %get3A_1802 = tpu.vector_load %arg7[%get3A_1800, %get3A_1801] {strides = array<i32>} : memref<2000x64xbf16, #tpu.memory_space<vmem>>, vector<32xbf16>,
        %unpack3A_1803 = tpu.unpack_subelements %get3A_1802, 0 {pack_format = #tpu.pack_format<interleaved>} : vector<32xbf16> -> vector<16xf32>
        %unpack3A_1804 = tpu.unpack_subelements %get3A_1802, 1 {pack_format = #tpu.pack_format<interleaved>} : vector<32xbf16> -> vector<16xf32>
        %add3A_1805 = arith.addf %add3A_1796, %unpack3A_1803 : vector<16xf32>
        %add3A_1806 = arith.addf %add3A_1797, %unpack3A_1804 : vector<16xf32>
        %add3A_1807 = arith.constant 14 : i32
        %add3A_1808 = arith.addi %add3A_1460, %add3A_1807 : i32
        %get3A_1809 = arith.index_cast %add3A_1808 : i32 to index
        %get3A_1810 = arith.constant 32 : index
        %get3A_1811 = tpu.vector_load %arg7[%get3A_1809, %get3A_1810] {strides = array<i32>} : memref<2000x64xbf16, #tpu.memory_space<vmem>>, vector<32xbf16>,
        %unpack3A_1812 = tpu.unpack_subelements %get3A_1811, 0 {pack_format = #tpu.pack_format<interleaved>} : vector<32xbf16> -> vector<16xf32>
        %unpack3A_1813 = tpu.unpack_subelements %get3A_1811, 1 {pack_format = #tpu.pack_format<interleaved>} : vector<32xbf16> -> vector<16xf32>
        %add3A_1814 = arith.addf %add3A_1805, %unpack3A_1812 : vector<16xf32>
        %add3A_1815 = arith.addf %add3A_1806, %unpack3A_1813 : vector<16xf32>
        %add3A_1816 = arith.constant 15 : i32
        %add3A_1817 = arith.addi %add3A_1460, %add3A_1816 : i32
        %get3A_1818 = arith.index_cast %add3A_1817 : i32 to index
        %get3A_1819 = arith.constant 32 : index
        %get3A_1820 = tpu.vector_load %arg7[%get3A_1818, %get3A_1819] {strides = array<i32>} : memref<2000x64xbf16, #tpu.memory_space<vmem>>, vector<32xbf16>,
        %unpack3A_1821 = tpu.unpack_subelements %get3A_1820, 0 {pack_format = #tpu.pack_format<interleaved>} : vector<32xbf16> -> vector<16xf32>
        %unpack3A_1822 = tpu.unpack_subelements %get3A_1820, 1 {pack_format = #tpu.pack_format<interleaved>} : vector<32xbf16> -> vector<16xf32>
        %add3A_1823 = arith.addf %add3A_1814, %unpack3A_1821 : vector<16xf32>
        %add3A_1824 = arith.addf %add3A_1815, %unpack3A_1822 : vector<16xf32>
        %add3A_1825 = arith.constant 16 : i32
        %add3A_1826 = arith.addi %add3A_1460, %add3A_1825 : i32
        %get3A_1827 = arith.index_cast %add3A_1826 : i32 to index
        %get3A_1828 = arith.constant 32 : index
        %get3A_1829 = tpu.vector_load %arg7[%get3A_1827, %get3A_1828] {strides = array<i32>} : memref<2000x64xbf16, #tpu.memory_space<vmem>>, vector<32xbf16>,
        %unpack3A_1830 = tpu.unpack_subelements %get3A_1829, 0 {pack_format = #tpu.pack_format<interleaved>} : vector<32xbf16> -> vector<16xf32>
        %unpack3A_1831 = tpu.unpack_subelements %get3A_1829, 1 {pack_format = #tpu.pack_format<interleaved>} : vector<32xbf16> -> vector<16xf32>
        %add3A_1832 = arith.addf %add3A_1823, %unpack3A_1830 : vector<16xf32>
        %add3A_1833 = arith.addf %add3A_1824, %unpack3A_1831 : vector<16xf32>
        %add3A_1834 = arith.constant 17 : i32
        %add3A_1835 = arith.addi %add3A_1460, %add3A_1834 : i32
        %get3A_1836 = arith.index_cast %add3A_1835 : i32 to index
        %get3A_1837 = arith.constant 32 : index
        %get3A_1838 = tpu.vector_load %arg7[%get3A_1836, %get3A_1837] {strides = array<i32>} : memref<2000x64xbf16, #tpu.memory_space<vmem>>, vector<32xbf16>,
        %unpack3A_1839 = tpu.unpack_subelements %get3A_1838, 0 {pack_format = #tpu.pack_format<interleaved>} : vector<32xbf16> -> vector<16xf32>
        %unpack3A_1840 = tpu.unpack_subelements %get3A_1838, 1 {pack_format = #tpu.pack_format<interleaved>} : vector<32xbf16> -> vector<16xf32>
        %add3A_1841 = arith.addf %add3A_1832, %unpack3A_1839 : vector<16xf32>
        %add3A_1842 = arith.addf %add3A_1833, %unpack3A_1840 : vector<16xf32>
        %add3A_1843 = arith.constant 18 : i32
        %add3A_1844 = arith.addi %add3A_1460, %add3A_1843 : i32
        %get3A_1845 = arith.index_cast %add3A_1844 : i32 to index
        %get3A_1846 = arith.constant 32 : index
        %get3A_1847 = tpu.vector_load %arg7[%get3A_1845, %get3A_1846] {strides = array<i32>} : memref<2000x64xbf16, #tpu.memory_space<vmem>>, vector<32xbf16>,
        %unpack3A_1848 = tpu.unpack_subelements %get3A_1847, 0 {pack_format = #tpu.pack_format<interleaved>} : vector<32xbf16> -> vector<16xf32>
        %unpack3A_1849 = tpu.unpack_subelements %get3A_1847, 1 {pack_format = #tpu.pack_format<interleaved>} : vector<32xbf16> -> vector<16xf32>
        %add3A_1850 = arith.addf %add3A_1841, %unpack3A_1848 : vector<16xf32>
        %add3A_1851 = arith.addf %add3A_1842, %unpack3A_1849 : vector<16xf32>
        %add3A_1852 = arith.constant 19 : i32
        %add3A_1853 = arith.addi %add3A_1460, %add3A_1852 : i32
        %get3A_1854 = arith.index_cast %add3A_1853 : i32 to index
        %get3A_1855 = arith.constant 32 : index
        %get3A_1856 = tpu.vector_load %arg7[%get3A_1854, %get3A_1855] {strides = array<i32>} : memref<2000x64xbf16, #tpu.memory_space<vmem>>, vector<32xbf16>,
        %unpack3A_1857 = tpu.unpack_subelements %get3A_1856, 0 {pack_format = #tpu.pack_format<interleaved>} : vector<32xbf16> -> vector<16xf32>
        %unpack3A_1858 = tpu.unpack_subelements %get3A_1856, 1 {pack_format = #tpu.pack_format<interleaved>} : vector<32xbf16> -> vector<16xf32>
        %add3A_1859 = arith.addf %add3A_1850, %unpack3A_1857 : vector<16xf32>
        %add3A_1860 = arith.addf %add3A_1851, %unpack3A_1858 : vector<16xf32>
        %mul3A_1861 = arith.constant 64 : i32
        %mul3A_1862 = arith.muli %add3A_1456, %mul3A_1861 : i32
        %add3A_1863 = arith.constant 0 : i32
        %add3A_1864 = arith.addi %add3A_1863, %mul3A_1862 : i32
        %add3A_1865 = arith.constant 32 : i32
        %add3A_1866 = arith.addi %add3A_1864, %add3A_1865 : i32
        %add3A_1867 = vector.broadcast %add3A_1866 : i32 to vector<16xi32>
        %add3A_1868 = arith.addi %mul3A_116, %add3A_1867 : vector<16xi32>
        tpu.vector_store_idx %arg9[%add3A_1868], %add3A_1859 : memref<6400xf32, #tpu.memory_space<vmem>>[vector<16xi32>], vector<16xf32>,
        %add3A_1869 = arith.constant 1 : i32
        %add3A_1870 = arith.addi %add3A_1866, %add3A_1869 : i32
        %add3A_1871 = vector.broadcast %add3A_1870 : i32 to vector<16xi32>
        %add3A_1872 = arith.addi %mul3A_116, %add3A_1871 : vector<16xi32>
        tpu.vector_store_idx %arg9[%add3A_1872], %add3A_1860 : memref<6400xf32, #tpu.memory_space<vmem>>[vector<16xi32>], vector<16xf32>,
        %mul3A_1873 = arith.constant 5 : i32
        %mul3A_1874 = arith.muli %scan3A_194, %mul3A_1873 : i32
        %add3A_1875 = arith.constant 4 : i32
        %add3A_1876 = arith.addi %mul3A_1874, %add3A_1875 : i32
        %mul3A_1877 = arith.constant 20 : i32
        %mul3A_1878 = arith.muli %add3A_1876, %mul3A_1877 : i32
        %add3A_1879 = arith.constant 0 : i32
        %add3A_1880 = arith.addi %add3A_1879, %mul3A_1878 : i32
        %mul3A_1881 = arith.constant 64 : i32
        %mul3A_1882 = arith.muli %add3A_1876, %mul3A_1881 : i32
        %add3A_1883 = arith.constant 0 : i32
        %add3A_1884 = arith.addi %mul3A_1882, %add3A_1883 : i32
        %get3A_1885 = arith.index_cast %add3A_1884 : i32 to index
        %get3A_1886 = tpu.vector_load %arg8[%get3A_1885] {strides = array<i32>} : memref<3584xf32, #tpu.memory_space<vmem>>, vector<16xf32>,
        %mul3A_1887 = arith.constant 64 : i32
        %mul3A_1888 = arith.muli %add3A_1876, %mul3A_1887 : i32
        %add3A_1889 = arith.constant 0 : i32
        %add3A_1890 = arith.addi %mul3A_1888, %add3A_1889 : i32
        %add3A_1891 = arith.constant 16 : i32
        %add3A_1892 = arith.addi %add3A_1890, %add3A_1891 : i32
        %get3A_1893 = arith.index_cast %add3A_1892 : i32 to index
        %get3A_1894 = tpu.vector_load %arg8[%get3A_1893] {strides = array<i32>} : memref<3584xf32, #tpu.memory_space<vmem>>, vector<16xf32>,
        %add3A_1895 = arith.constant 0 : i32
        %add3A_1896 = arith.addi %add3A_1880, %add3A_1895 : i32
        %get3A_1897 = arith.index_cast %add3A_1896 : i32 to index
        %get3A_1898 = arith.constant 0 : index
        %get3A_1899 = tpu.vector_load %arg7[%get3A_1897, %get3A_1898] {strides = array<i32>} : memref<2000x64xbf16, #tpu.memory_space<vmem>>, vector<32xbf16>,
        %unpack3A_1900 = tpu.unpack_subelements %get3A_1899, 0 {pack_format = #tpu.pack_format<interleaved>} : vector<32xbf16> -> vector<16xf32>
        %unpack3A_1901 = tpu.unpack_subelements %get3A_1899, 1 {pack_format = #tpu.pack_format<interleaved>} : vector<32xbf16> -> vector<16xf32>
        %add3A_1902 = arith.addf %get3A_1886, %unpack3A_1900 : vector<16xf32>
        %add3A_1903 = arith.addf %get3A_1894, %unpack3A_1901 : vector<16xf32>
        %add3A_1904 = arith.constant 1 : i32
        %add3A_1905 = arith.addi %add3A_1880, %add3A_1904 : i32
        %get3A_1906 = arith.index_cast %add3A_1905 : i32 to index
        %get3A_1907 = arith.constant 0 : index
        %get3A_1908 = tpu.vector_load %arg7[%get3A_1906, %get3A_1907] {strides = array<i32>} : memref<2000x64xbf16, #tpu.memory_space<vmem>>, vector<32xbf16>,
        %unpack3A_1909 = tpu.unpack_subelements %get3A_1908, 0 {pack_format = #tpu.pack_format<interleaved>} : vector<32xbf16> -> vector<16xf32>
        %unpack3A_1910 = tpu.unpack_subelements %get3A_1908, 1 {pack_format = #tpu.pack_format<interleaved>} : vector<32xbf16> -> vector<16xf32>
        %add3A_1911 = arith.addf %add3A_1902, %unpack3A_1909 : vector<16xf32>
        %add3A_1912 = arith.addf %add3A_1903, %unpack3A_1910 : vector<16xf32>
        %add3A_1913 = arith.constant 2 : i32
        %add3A_1914 = arith.addi %add3A_1880, %add3A_1913 : i32
        %get3A_1915 = arith.index_cast %add3A_1914 : i32 to index
        %get3A_1916 = arith.constant 0 : index
        %get3A_1917 = tpu.vector_load %arg7[%get3A_1915, %get3A_1916] {strides = array<i32>} : memref<2000x64xbf16, #tpu.memory_space<vmem>>, vector<32xbf16>,
        %unpack3A_1918 = tpu.unpack_subelements %get3A_1917, 0 {pack_format = #tpu.pack_format<interleaved>} : vector<32xbf16> -> vector<16xf32>
        %unpack3A_1919 = tpu.unpack_subelements %get3A_1917, 1 {pack_format = #tpu.pack_format<interleaved>} : vector<32xbf16> -> vector<16xf32>
        %add3A_1920 = arith.addf %add3A_1911, %unpack3A_1918 : vector<16xf32>
        %add3A_1921 = arith.addf %add3A_1912, %unpack3A_1919 : vector<16xf32>
        %add3A_1922 = arith.constant 3 : i32
        %add3A_1923 = arith.addi %add3A_1880, %add3A_1922 : i32
        %get3A_1924 = arith.index_cast %add3A_1923 : i32 to index
        %get3A_1925 = arith.constant 0 : index
        %get3A_1926 = tpu.vector_load %arg7[%get3A_1924, %get3A_1925] {strides = array<i32>} : memref<2000x64xbf16, #tpu.memory_space<vmem>>, vector<32xbf16>,
        %unpack3A_1927 = tpu.unpack_subelements %get3A_1926, 0 {pack_format = #tpu.pack_format<interleaved>} : vector<32xbf16> -> vector<16xf32>
        %unpack3A_1928 = tpu.unpack_subelements %get3A_1926, 1 {pack_format = #tpu.pack_format<interleaved>} : vector<32xbf16> -> vector<16xf32>
        %add3A_1929 = arith.addf %add3A_1920, %unpack3A_1927 : vector<16xf32>
        %add3A_1930 = arith.addf %add3A_1921, %unpack3A_1928 : vector<16xf32>
        %add3A_1931 = arith.constant 4 : i32
        %add3A_1932 = arith.addi %add3A_1880, %add3A_1931 : i32
        %get3A_1933 = arith.index_cast %add3A_1932 : i32 to index
        %get3A_1934 = arith.constant 0 : index
        %get3A_1935 = tpu.vector_load %arg7[%get3A_1933, %get3A_1934] {strides = array<i32>} : memref<2000x64xbf16, #tpu.memory_space<vmem>>, vector<32xbf16>,
        %unpack3A_1936 = tpu.unpack_subelements %get3A_1935, 0 {pack_format = #tpu.pack_format<interleaved>} : vector<32xbf16> -> vector<16xf32>
        %unpack3A_1937 = tpu.unpack_subelements %get3A_1935, 1 {pack_format = #tpu.pack_format<interleaved>} : vector<32xbf16> -> vector<16xf32>
        %add3A_1938 = arith.addf %add3A_1929, %unpack3A_1936 : vector<16xf32>
        %add3A_1939 = arith.addf %add3A_1930, %unpack3A_1937 : vector<16xf32>
        %add3A_1940 = arith.constant 5 : i32
        %add3A_1941 = arith.addi %add3A_1880, %add3A_1940 : i32
        %get3A_1942 = arith.index_cast %add3A_1941 : i32 to index
        %get3A_1943 = arith.constant 0 : index
        %get3A_1944 = tpu.vector_load %arg7[%get3A_1942, %get3A_1943] {strides = array<i32>} : memref<2000x64xbf16, #tpu.memory_space<vmem>>, vector<32xbf16>,
        %unpack3A_1945 = tpu.unpack_subelements %get3A_1944, 0 {pack_format = #tpu.pack_format<interleaved>} : vector<32xbf16> -> vector<16xf32>
        %unpack3A_1946 = tpu.unpack_subelements %get3A_1944, 1 {pack_format = #tpu.pack_format<interleaved>} : vector<32xbf16> -> vector<16xf32>
        %add3A_1947 = arith.addf %add3A_1938, %unpack3A_1945 : vector<16xf32>
        %add3A_1948 = arith.addf %add3A_1939, %unpack3A_1946 : vector<16xf32>
        %add3A_1949 = arith.constant 6 : i32
        %add3A_1950 = arith.addi %add3A_1880, %add3A_1949 : i32
        %get3A_1951 = arith.index_cast %add3A_1950 : i32 to index
        %get3A_1952 = arith.constant 0 : index
        %get3A_1953 = tpu.vector_load %arg7[%get3A_1951, %get3A_1952] {strides = array<i32>} : memref<2000x64xbf16, #tpu.memory_space<vmem>>, vector<32xbf16>,
        %unpack3A_1954 = tpu.unpack_subelements %get3A_1953, 0 {pack_format = #tpu.pack_format<interleaved>} : vector<32xbf16> -> vector<16xf32>
        %unpack3A_1955 = tpu.unpack_subelements %get3A_1953, 1 {pack_format = #tpu.pack_format<interleaved>} : vector<32xbf16> -> vector<16xf32>
        %add3A_1956 = arith.addf %add3A_1947, %unpack3A_1954 : vector<16xf32>
        %add3A_1957 = arith.addf %add3A_1948, %unpack3A_1955 : vector<16xf32>
        %add3A_1958 = arith.constant 7 : i32
        %add3A_1959 = arith.addi %add3A_1880, %add3A_1958 : i32
        %get3A_1960 = arith.index_cast %add3A_1959 : i32 to index
        %get3A_1961 = arith.constant 0 : index
        %get3A_1962 = tpu.vector_load %arg7[%get3A_1960, %get3A_1961] {strides = array<i32>} : memref<2000x64xbf16, #tpu.memory_space<vmem>>, vector<32xbf16>,
        %unpack3A_1963 = tpu.unpack_subelements %get3A_1962, 0 {pack_format = #tpu.pack_format<interleaved>} : vector<32xbf16> -> vector<16xf32>
        %unpack3A_1964 = tpu.unpack_subelements %get3A_1962, 1 {pack_format = #tpu.pack_format<interleaved>} : vector<32xbf16> -> vector<16xf32>
        %add3A_1965 = arith.addf %add3A_1956, %unpack3A_1963 : vector<16xf32>
        %add3A_1966 = arith.addf %add3A_1957, %unpack3A_1964 : vector<16xf32>
        %add3A_1967 = arith.constant 8 : i32
        %add3A_1968 = arith.addi %add3A_1880, %add3A_1967 : i32
        %get3A_1969 = arith.index_cast %add3A_1968 : i32 to index
        %get3A_1970 = arith.constant 0 : index
        %get3A_1971 = tpu.vector_load %arg7[%get3A_1969, %get3A_1970] {strides = array<i32>} : memref<2000x64xbf16, #tpu.memory_space<vmem>>, vector<32xbf16>,
        %unpack3A_1972 = tpu.unpack_subelements %get3A_1971, 0 {pack_format = #tpu.pack_format<interleaved>} : vector<32xbf16> -> vector<16xf32>
        %unpack3A_1973 = tpu.unpack_subelements %get3A_1971, 1 {pack_format = #tpu.pack_format<interleaved>} : vector<32xbf16> -> vector<16xf32>
        %add3A_1974 = arith.addf %add3A_1965, %unpack3A_1972 : vector<16xf32>
        %add3A_1975 = arith.addf %add3A_1966, %unpack3A_1973 : vector<16xf32>
        %add3A_1976 = arith.constant 9 : i32
        %add3A_1977 = arith.addi %add3A_1880, %add3A_1976 : i32
        %get3A_1978 = arith.index_cast %add3A_1977 : i32 to index
        %get3A_1979 = arith.constant 0 : index
        %get3A_1980 = tpu.vector_load %arg7[%get3A_1978, %get3A_1979] {strides = array<i32>} : memref<2000x64xbf16, #tpu.memory_space<vmem>>, vector<32xbf16>,
        %unpack3A_1981 = tpu.unpack_subelements %get3A_1980, 0 {pack_format = #tpu.pack_format<interleaved>} : vector<32xbf16> -> vector<16xf32>
        %unpack3A_1982 = tpu.unpack_subelements %get3A_1980, 1 {pack_format = #tpu.pack_format<interleaved>} : vector<32xbf16> -> vector<16xf32>
        %add3A_1983 = arith.addf %add3A_1974, %unpack3A_1981 : vector<16xf32>
        %add3A_1984 = arith.addf %add3A_1975, %unpack3A_1982 : vector<16xf32>
        %add3A_1985 = arith.constant 10 : i32
        %add3A_1986 = arith.addi %add3A_1880, %add3A_1985 : i32
        %get3A_1987 = arith.index_cast %add3A_1986 : i32 to index
        %get3A_1988 = arith.constant 0 : index
        %get3A_1989 = tpu.vector_load %arg7[%get3A_1987, %get3A_1988] {strides = array<i32>} : memref<2000x64xbf16, #tpu.memory_space<vmem>>, vector<32xbf16>,
        %unpack3A_1990 = tpu.unpack_subelements %get3A_1989, 0 {pack_format = #tpu.pack_format<interleaved>} : vector<32xbf16> -> vector<16xf32>
        %unpack3A_1991 = tpu.unpack_subelements %get3A_1989, 1 {pack_format = #tpu.pack_format<interleaved>} : vector<32xbf16> -> vector<16xf32>
        %add3A_1992 = arith.addf %add3A_1983, %unpack3A_1990 : vector<16xf32>
        %add3A_1993 = arith.addf %add3A_1984, %unpack3A_1991 : vector<16xf32>
        %add3A_1994 = arith.constant 11 : i32
        %add3A_1995 = arith.addi %add3A_1880, %add3A_1994 : i32
        %get3A_1996 = arith.index_cast %add3A_1995 : i32 to index
        %get3A_1997 = arith.constant 0 : index
        %get3A_1998 = tpu.vector_load %arg7[%get3A_1996, %get3A_1997] {strides = array<i32>} : memref<2000x64xbf16, #tpu.memory_space<vmem>>, vector<32xbf16>,
        %unpack3A_1999 = tpu.unpack_subelements %get3A_1998, 0 {pack_format = #tpu.pack_format<interleaved>} : vector<32xbf16> -> vector<16xf32>
        %unpack3A_2000 = tpu.unpack_subelements %get3A_1998, 1 {pack_format = #tpu.pack_format<interleaved>} : vector<32xbf16> -> vector<16xf32>
        %add3A_2001 = arith.addf %add3A_1992, %unpack3A_1999 : vector<16xf32>
        %add3A_2002 = arith.addf %add3A_1993, %unpack3A_2000 : vector<16xf32>
        %add3A_2003 = arith.constant 12 : i32
        %add3A_2004 = arith.addi %add3A_1880, %add3A_2003 : i32
        %get3A_2005 = arith.index_cast %add3A_2004 : i32 to index
        %get3A_2006 = arith.constant 0 : index
        %get3A_2007 = tpu.vector_load %arg7[%get3A_2005, %get3A_2006] {strides = array<i32>} : memref<2000x64xbf16, #tpu.memory_space<vmem>>, vector<32xbf16>,
        %unpack3A_2008 = tpu.unpack_subelements %get3A_2007, 0 {pack_format = #tpu.pack_format<interleaved>} : vector<32xbf16> -> vector<16xf32>
        %unpack3A_2009 = tpu.unpack_subelements %get3A_2007, 1 {pack_format = #tpu.pack_format<interleaved>} : vector<32xbf16> -> vector<16xf32>
        %add3A_2010 = arith.addf %add3A_2001, %unpack3A_2008 : vector<16xf32>
        %add3A_2011 = arith.addf %add3A_2002, %unpack3A_2009 : vector<16xf32>
        %add3A_2012 = arith.constant 13 : i32
        %add3A_2013 = arith.addi %add3A_1880, %add3A_2012 : i32
        %get3A_2014 = arith.index_cast %add3A_2013 : i32 to index
        %get3A_2015 = arith.constant 0 : index
        %get3A_2016 = tpu.vector_load %arg7[%get3A_2014, %get3A_2015] {strides = array<i32>} : memref<2000x64xbf16, #tpu.memory_space<vmem>>, vector<32xbf16>,
        %unpack3A_2017 = tpu.unpack_subelements %get3A_2016, 0 {pack_format = #tpu.pack_format<interleaved>} : vector<32xbf16> -> vector<16xf32>
        %unpack3A_2018 = tpu.unpack_subelements %get3A_2016, 1 {pack_format = #tpu.pack_format<interleaved>} : vector<32xbf16> -> vector<16xf32>
        %add3A_2019 = arith.addf %add3A_2010, %unpack3A_2017 : vector<16xf32>
        %add3A_2020 = arith.addf %add3A_2011, %unpack3A_2018 : vector<16xf32>
        %add3A_2021 = arith.constant 14 : i32
        %add3A_2022 = arith.addi %add3A_1880, %add3A_2021 : i32
        %get3A_2023 = arith.index_cast %add3A_2022 : i32 to index
        %get3A_2024 = arith.constant 0 : index
        %get3A_2025 = tpu.vector_load %arg7[%get3A_2023, %get3A_2024] {strides = array<i32>} : memref<2000x64xbf16, #tpu.memory_space<vmem>>, vector<32xbf16>,
        %unpack3A_2026 = tpu.unpack_subelements %get3A_2025, 0 {pack_format = #tpu.pack_format<interleaved>} : vector<32xbf16> -> vector<16xf32>
        %unpack3A_2027 = tpu.unpack_subelements %get3A_2025, 1 {pack_format = #tpu.pack_format<interleaved>} : vector<32xbf16> -> vector<16xf32>
        %add3A_2028 = arith.addf %add3A_2019, %unpack3A_2026 : vector<16xf32>
        %add3A_2029 = arith.addf %add3A_2020, %unpack3A_2027 : vector<16xf32>
        %add3A_2030 = arith.constant 15 : i32
        %add3A_2031 = arith.addi %add3A_1880, %add3A_2030 : i32
        %get3A_2032 = arith.index_cast %add3A_2031 : i32 to index
        %get3A_2033 = arith.constant 0 : index
        %get3A_2034 = tpu.vector_load %arg7[%get3A_2032, %get3A_2033] {strides = array<i32>} : memref<2000x64xbf16, #tpu.memory_space<vmem>>, vector<32xbf16>,
        %unpack3A_2035 = tpu.unpack_subelements %get3A_2034, 0 {pack_format = #tpu.pack_format<interleaved>} : vector<32xbf16> -> vector<16xf32>
        %unpack3A_2036 = tpu.unpack_subelements %get3A_2034, 1 {pack_format = #tpu.pack_format<interleaved>} : vector<32xbf16> -> vector<16xf32>
        %add3A_2037 = arith.addf %add3A_2028, %unpack3A_2035 : vector<16xf32>
        %add3A_2038 = arith.addf %add3A_2029, %unpack3A_2036 : vector<16xf32>
        %add3A_2039 = arith.constant 16 : i32
        %add3A_2040 = arith.addi %add3A_1880, %add3A_2039 : i32
        %get3A_2041 = arith.index_cast %add3A_2040 : i32 to index
        %get3A_2042 = arith.constant 0 : index
        %get3A_2043 = tpu.vector_load %arg7[%get3A_2041, %get3A_2042] {strides = array<i32>} : memref<2000x64xbf16, #tpu.memory_space<vmem>>, vector<32xbf16>,
        %unpack3A_2044 = tpu.unpack_subelements %get3A_2043, 0 {pack_format = #tpu.pack_format<interleaved>} : vector<32xbf16> -> vector<16xf32>
        %unpack3A_2045 = tpu.unpack_subelements %get3A_2043, 1 {pack_format = #tpu.pack_format<interleaved>} : vector<32xbf16> -> vector<16xf32>
        %add3A_2046 = arith.addf %add3A_2037, %unpack3A_2044 : vector<16xf32>
        %add3A_2047 = arith.addf %add3A_2038, %unpack3A_2045 : vector<16xf32>
        %add3A_2048 = arith.constant 17 : i32
        %add3A_2049 = arith.addi %add3A_1880, %add3A_2048 : i32
        %get3A_2050 = arith.index_cast %add3A_2049 : i32 to index
        %get3A_2051 = arith.constant 0 : index
        %get3A_2052 = tpu.vector_load %arg7[%get3A_2050, %get3A_2051] {strides = array<i32>} : memref<2000x64xbf16, #tpu.memory_space<vmem>>, vector<32xbf16>,
        %unpack3A_2053 = tpu.unpack_subelements %get3A_2052, 0 {pack_format = #tpu.pack_format<interleaved>} : vector<32xbf16> -> vector<16xf32>
        %unpack3A_2054 = tpu.unpack_subelements %get3A_2052, 1 {pack_format = #tpu.pack_format<interleaved>} : vector<32xbf16> -> vector<16xf32>
        %add3A_2055 = arith.addf %add3A_2046, %unpack3A_2053 : vector<16xf32>
        %add3A_2056 = arith.addf %add3A_2047, %unpack3A_2054 : vector<16xf32>
        %add3A_2057 = arith.constant 18 : i32
        %add3A_2058 = arith.addi %add3A_1880, %add3A_2057 : i32
        %get3A_2059 = arith.index_cast %add3A_2058 : i32 to index
        %get3A_2060 = arith.constant 0 : index
        %get3A_2061 = tpu.vector_load %arg7[%get3A_2059, %get3A_2060] {strides = array<i32>} : memref<2000x64xbf16, #tpu.memory_space<vmem>>, vector<32xbf16>,
        %unpack3A_2062 = tpu.unpack_subelements %get3A_2061, 0 {pack_format = #tpu.pack_format<interleaved>} : vector<32xbf16> -> vector<16xf32>
        %unpack3A_2063 = tpu.unpack_subelements %get3A_2061, 1 {pack_format = #tpu.pack_format<interleaved>} : vector<32xbf16> -> vector<16xf32>
        %add3A_2064 = arith.addf %add3A_2055, %unpack3A_2062 : vector<16xf32>
        %add3A_2065 = arith.addf %add3A_2056, %unpack3A_2063 : vector<16xf32>
        %add3A_2066 = arith.constant 19 : i32
        %add3A_2067 = arith.addi %add3A_1880, %add3A_2066 : i32
        %get3A_2068 = arith.index_cast %add3A_2067 : i32 to index
        %get3A_2069 = arith.constant 0 : index
        %get3A_2070 = tpu.vector_load %arg7[%get3A_2068, %get3A_2069] {strides = array<i32>} : memref<2000x64xbf16, #tpu.memory_space<vmem>>, vector<32xbf16>,
        %unpack3A_2071 = tpu.unpack_subelements %get3A_2070, 0 {pack_format = #tpu.pack_format<interleaved>} : vector<32xbf16> -> vector<16xf32>
        %unpack3A_2072 = tpu.unpack_subelements %get3A_2070, 1 {pack_format = #tpu.pack_format<interleaved>} : vector<32xbf16> -> vector<16xf32>
        %add3A_2073 = arith.addf %add3A_2064, %unpack3A_2071 : vector<16xf32>
        %add3A_2074 = arith.addf %add3A_2065, %unpack3A_2072 : vector<16xf32>
        %mul3A_2075 = arith.constant 64 : i32
        %mul3A_2076 = arith.muli %add3A_1876, %mul3A_2075 : i32
        %add3A_2077 = arith.constant 0 : i32
        %add3A_2078 = arith.addi %add3A_2077, %mul3A_2076 : i32
        %add3A_2079 = arith.constant 0 : i32
        %add3A_2080 = arith.addi %add3A_2078, %add3A_2079 : i32
        %add3A_2081 = vector.broadcast %add3A_2080 : i32 to vector<16xi32>
        %add3A_2082 = arith.addi %mul3A_116, %add3A_2081 : vector<16xi32>
        tpu.vector_store_idx %arg9[%add3A_2082], %add3A_2073 : memref<6400xf32, #tpu.memory_space<vmem>>[vector<16xi32>], vector<16xf32>,
        %add3A_2083 = arith.constant 1 : i32
        %add3A_2084 = arith.addi %add3A_2080, %add3A_2083 : i32
        %add3A_2085 = vector.broadcast %add3A_2084 : i32 to vector<16xi32>
        %add3A_2086 = arith.addi %mul3A_116, %add3A_2085 : vector<16xi32>
        tpu.vector_store_idx %arg9[%add3A_2086], %add3A_2074 : memref<6400xf32, #tpu.memory_space<vmem>>[vector<16xi32>], vector<16xf32>,
        %mul3A_2087 = arith.constant 64 : i32
        %mul3A_2088 = arith.muli %add3A_1876, %mul3A_2087 : i32
        %add3A_2089 = arith.constant 32 : i32
        %add3A_2090 = arith.addi %mul3A_2088, %add3A_2089 : i32
        %get3A_2091 = arith.index_cast %add3A_2090 : i32 to index
        %get3A_2092 = tpu.vector_load %arg8[%get3A_2091] {strides = array<i32>} : memref<3584xf32, #tpu.memory_space<vmem>>, vector<16xf32>,
        %mul3A_2093 = arith.constant 64 : i32
        %mul3A_2094 = arith.muli %add3A_1876, %mul3A_2093 : i32
        %add3A_2095 = arith.constant 32 : i32
        %add3A_2096 = arith.addi %mul3A_2094, %add3A_2095 : i32
        %add3A_2097 = arith.constant 16 : i32
        %add3A_2098 = arith.addi %add3A_2096, %add3A_2097 : i32
        %get3A_2099 = arith.index_cast %add3A_2098 : i32 to index
        %get3A_2100 = tpu.vector_load %arg8[%get3A_2099] {strides = array<i32>} : memref<3584xf32, #tpu.memory_space<vmem>>, vector<16xf32>,
        %add3A_2101 = arith.constant 0 : i32
        %add3A_2102 = arith.addi %add3A_1880, %add3A_2101 : i32
        %get3A_2103 = arith.index_cast %add3A_2102 : i32 to index
        %get3A_2104 = arith.constant 32 : index
        %get3A_2105 = tpu.vector_load %arg7[%get3A_2103, %get3A_2104] {strides = array<i32>} : memref<2000x64xbf16, #tpu.memory_space<vmem>>, vector<32xbf16>,
        %unpack3A_2106 = tpu.unpack_subelements %get3A_2105, 0 {pack_format = #tpu.pack_format<interleaved>} : vector<32xbf16> -> vector<16xf32>
        %unpack3A_2107 = tpu.unpack_subelements %get3A_2105, 1 {pack_format = #tpu.pack_format<interleaved>} : vector<32xbf16> -> vector<16xf32>
        %add3A_2108 = arith.addf %get3A_2092, %unpack3A_2106 : vector<16xf32>
        %add3A_2109 = arith.addf %get3A_2100, %unpack3A_2107 : vector<16xf32>
        %add3A_2110 = arith.constant 1 : i32
        %add3A_2111 = arith.addi %add3A_1880, %add3A_2110 : i32
        %get3A_2112 = arith.index_cast %add3A_2111 : i32 to index
        %get3A_2113 = arith.constant 32 : index
        %get3A_2114 = tpu.vector_load %arg7[%get3A_2112, %get3A_2113] {strides = array<i32>} : memref<2000x64xbf16, #tpu.memory_space<vmem>>, vector<32xbf16>,
        %unpack3A_2115 = tpu.unpack_subelements %get3A_2114, 0 {pack_format = #tpu.pack_format<interleaved>} : vector<32xbf16> -> vector<16xf32>
        %unpack3A_2116 = tpu.unpack_subelements %get3A_2114, 1 {pack_format = #tpu.pack_format<interleaved>} : vector<32xbf16> -> vector<16xf32>
        %add3A_2117 = arith.addf %add3A_2108, %unpack3A_2115 : vector<16xf32>
        %add3A_2118 = arith.addf %add3A_2109, %unpack3A_2116 : vector<16xf32>
        %add3A_2119 = arith.constant 2 : i32
        %add3A_2120 = arith.addi %add3A_1880, %add3A_2119 : i32
        %get3A_2121 = arith.index_cast %add3A_2120 : i32 to index
        %get3A_2122 = arith.constant 32 : index
        %get3A_2123 = tpu.vector_load %arg7[%get3A_2121, %get3A_2122] {strides = array<i32>} : memref<2000x64xbf16, #tpu.memory_space<vmem>>, vector<32xbf16>,
        %unpack3A_2124 = tpu.unpack_subelements %get3A_2123, 0 {pack_format = #tpu.pack_format<interleaved>} : vector<32xbf16> -> vector<16xf32>
        %unpack3A_2125 = tpu.unpack_subelements %get3A_2123, 1 {pack_format = #tpu.pack_format<interleaved>} : vector<32xbf16> -> vector<16xf32>
        %add3A_2126 = arith.addf %add3A_2117, %unpack3A_2124 : vector<16xf32>
        %add3A_2127 = arith.addf %add3A_2118, %unpack3A_2125 : vector<16xf32>
        %add3A_2128 = arith.constant 3 : i32
        %add3A_2129 = arith.addi %add3A_1880, %add3A_2128 : i32
        %get3A_2130 = arith.index_cast %add3A_2129 : i32 to index
        %get3A_2131 = arith.constant 32 : index
        %get3A_2132 = tpu.vector_load %arg7[%get3A_2130, %get3A_2131] {strides = array<i32>} : memref<2000x64xbf16, #tpu.memory_space<vmem>>, vector<32xbf16>,
        %unpack3A_2133 = tpu.unpack_subelements %get3A_2132, 0 {pack_format = #tpu.pack_format<interleaved>} : vector<32xbf16> -> vector<16xf32>
        %unpack3A_2134 = tpu.unpack_subelements %get3A_2132, 1 {pack_format = #tpu.pack_format<interleaved>} : vector<32xbf16> -> vector<16xf32>
        %add3A_2135 = arith.addf %add3A_2126, %unpack3A_2133 : vector<16xf32>
        %add3A_2136 = arith.addf %add3A_2127, %unpack3A_2134 : vector<16xf32>
        %add3A_2137 = arith.constant 4 : i32
        %add3A_2138 = arith.addi %add3A_1880, %add3A_2137 : i32
        %get3A_2139 = arith.index_cast %add3A_2138 : i32 to index
        %get3A_2140 = arith.constant 32 : index
        %get3A_2141 = tpu.vector_load %arg7[%get3A_2139, %get3A_2140] {strides = array<i32>} : memref<2000x64xbf16, #tpu.memory_space<vmem>>, vector<32xbf16>,
        %unpack3A_2142 = tpu.unpack_subelements %get3A_2141, 0 {pack_format = #tpu.pack_format<interleaved>} : vector<32xbf16> -> vector<16xf32>
        %unpack3A_2143 = tpu.unpack_subelements %get3A_2141, 1 {pack_format = #tpu.pack_format<interleaved>} : vector<32xbf16> -> vector<16xf32>
        %add3A_2144 = arith.addf %add3A_2135, %unpack3A_2142 : vector<16xf32>
        %add3A_2145 = arith.addf %add3A_2136, %unpack3A_2143 : vector<16xf32>
        %add3A_2146 = arith.constant 5 : i32
        %add3A_2147 = arith.addi %add3A_1880, %add3A_2146 : i32
        %get3A_2148 = arith.index_cast %add3A_2147 : i32 to index
        %get3A_2149 = arith.constant 32 : index
        %get3A_2150 = tpu.vector_load %arg7[%get3A_2148, %get3A_2149] {strides = array<i32>} : memref<2000x64xbf16, #tpu.memory_space<vmem>>, vector<32xbf16>,
        %unpack3A_2151 = tpu.unpack_subelements %get3A_2150, 0 {pack_format = #tpu.pack_format<interleaved>} : vector<32xbf16> -> vector<16xf32>
        %unpack3A_2152 = tpu.unpack_subelements %get3A_2150, 1 {pack_format = #tpu.pack_format<interleaved>} : vector<32xbf16> -> vector<16xf32>
        %add3A_2153 = arith.addf %add3A_2144, %unpack3A_2151 : vector<16xf32>
        %add3A_2154 = arith.addf %add3A_2145, %unpack3A_2152 : vector<16xf32>
        %add3A_2155 = arith.constant 6 : i32
        %add3A_2156 = arith.addi %add3A_1880, %add3A_2155 : i32
        %get3A_2157 = arith.index_cast %add3A_2156 : i32 to index
        %get3A_2158 = arith.constant 32 : index
        %get3A_2159 = tpu.vector_load %arg7[%get3A_2157, %get3A_2158] {strides = array<i32>} : memref<2000x64xbf16, #tpu.memory_space<vmem>>, vector<32xbf16>,
        %unpack3A_2160 = tpu.unpack_subelements %get3A_2159, 0 {pack_format = #tpu.pack_format<interleaved>} : vector<32xbf16> -> vector<16xf32>
        %unpack3A_2161 = tpu.unpack_subelements %get3A_2159, 1 {pack_format = #tpu.pack_format<interleaved>} : vector<32xbf16> -> vector<16xf32>
        %add3A_2162 = arith.addf %add3A_2153, %unpack3A_2160 : vector<16xf32>
        %add3A_2163 = arith.addf %add3A_2154, %unpack3A_2161 : vector<16xf32>
        %add3A_2164 = arith.constant 7 : i32
        %add3A_2165 = arith.addi %add3A_1880, %add3A_2164 : i32
        %get3A_2166 = arith.index_cast %add3A_2165 : i32 to index
        %get3A_2167 = arith.constant 32 : index
        %get3A_2168 = tpu.vector_load %arg7[%get3A_2166, %get3A_2167] {strides = array<i32>} : memref<2000x64xbf16, #tpu.memory_space<vmem>>, vector<32xbf16>,
        %unpack3A_2169 = tpu.unpack_subelements %get3A_2168, 0 {pack_format = #tpu.pack_format<interleaved>} : vector<32xbf16> -> vector<16xf32>
        %unpack3A_2170 = tpu.unpack_subelements %get3A_2168, 1 {pack_format = #tpu.pack_format<interleaved>} : vector<32xbf16> -> vector<16xf32>
        %add3A_2171 = arith.addf %add3A_2162, %unpack3A_2169 : vector<16xf32>
        %add3A_2172 = arith.addf %add3A_2163, %unpack3A_2170 : vector<16xf32>
        %add3A_2173 = arith.constant 8 : i32
        %add3A_2174 = arith.addi %add3A_1880, %add3A_2173 : i32
        %get3A_2175 = arith.index_cast %add3A_2174 : i32 to index
        %get3A_2176 = arith.constant 32 : index
        %get3A_2177 = tpu.vector_load %arg7[%get3A_2175, %get3A_2176] {strides = array<i32>} : memref<2000x64xbf16, #tpu.memory_space<vmem>>, vector<32xbf16>,
        %unpack3A_2178 = tpu.unpack_subelements %get3A_2177, 0 {pack_format = #tpu.pack_format<interleaved>} : vector<32xbf16> -> vector<16xf32>
        %unpack3A_2179 = tpu.unpack_subelements %get3A_2177, 1 {pack_format = #tpu.pack_format<interleaved>} : vector<32xbf16> -> vector<16xf32>
        %add3A_2180 = arith.addf %add3A_2171, %unpack3A_2178 : vector<16xf32>
        %add3A_2181 = arith.addf %add3A_2172, %unpack3A_2179 : vector<16xf32>
        %add3A_2182 = arith.constant 9 : i32
        %add3A_2183 = arith.addi %add3A_1880, %add3A_2182 : i32
        %get3A_2184 = arith.index_cast %add3A_2183 : i32 to index
        %get3A_2185 = arith.constant 32 : index
        %get3A_2186 = tpu.vector_load %arg7[%get3A_2184, %get3A_2185] {strides = array<i32>} : memref<2000x64xbf16, #tpu.memory_space<vmem>>, vector<32xbf16>,
        %unpack3A_2187 = tpu.unpack_subelements %get3A_2186, 0 {pack_format = #tpu.pack_format<interleaved>} : vector<32xbf16> -> vector<16xf32>
        %unpack3A_2188 = tpu.unpack_subelements %get3A_2186, 1 {pack_format = #tpu.pack_format<interleaved>} : vector<32xbf16> -> vector<16xf32>
        %add3A_2189 = arith.addf %add3A_2180, %unpack3A_2187 : vector<16xf32>
        %add3A_2190 = arith.addf %add3A_2181, %unpack3A_2188 : vector<16xf32>
        %add3A_2191 = arith.constant 10 : i32
        %add3A_2192 = arith.addi %add3A_1880, %add3A_2191 : i32
        %get3A_2193 = arith.index_cast %add3A_2192 : i32 to index
        %get3A_2194 = arith.constant 32 : index
        %get3A_2195 = tpu.vector_load %arg7[%get3A_2193, %get3A_2194] {strides = array<i32>} : memref<2000x64xbf16, #tpu.memory_space<vmem>>, vector<32xbf16>,
        %unpack3A_2196 = tpu.unpack_subelements %get3A_2195, 0 {pack_format = #tpu.pack_format<interleaved>} : vector<32xbf16> -> vector<16xf32>
        %unpack3A_2197 = tpu.unpack_subelements %get3A_2195, 1 {pack_format = #tpu.pack_format<interleaved>} : vector<32xbf16> -> vector<16xf32>
        %add3A_2198 = arith.addf %add3A_2189, %unpack3A_2196 : vector<16xf32>
        %add3A_2199 = arith.addf %add3A_2190, %unpack3A_2197 : vector<16xf32>
        %add3A_2200 = arith.constant 11 : i32
        %add3A_2201 = arith.addi %add3A_1880, %add3A_2200 : i32
        %get3A_2202 = arith.index_cast %add3A_2201 : i32 to index
        %get3A_2203 = arith.constant 32 : index
        %get3A_2204 = tpu.vector_load %arg7[%get3A_2202, %get3A_2203] {strides = array<i32>} : memref<2000x64xbf16, #tpu.memory_space<vmem>>, vector<32xbf16>,
        %unpack3A_2205 = tpu.unpack_subelements %get3A_2204, 0 {pack_format = #tpu.pack_format<interleaved>} : vector<32xbf16> -> vector<16xf32>
        %unpack3A_2206 = tpu.unpack_subelements %get3A_2204, 1 {pack_format = #tpu.pack_format<interleaved>} : vector<32xbf16> -> vector<16xf32>
        %add3A_2207 = arith.addf %add3A_2198, %unpack3A_2205 : vector<16xf32>
        %add3A_2208 = arith.addf %add3A_2199, %unpack3A_2206 : vector<16xf32>
        %add3A_2209 = arith.constant 12 : i32
        %add3A_2210 = arith.addi %add3A_1880, %add3A_2209 : i32
        %get3A_2211 = arith.index_cast %add3A_2210 : i32 to index
        %get3A_2212 = arith.constant 32 : index
        %get3A_2213 = tpu.vector_load %arg7[%get3A_2211, %get3A_2212] {strides = array<i32>} : memref<2000x64xbf16, #tpu.memory_space<vmem>>, vector<32xbf16>,
        %unpack3A_2214 = tpu.unpack_subelements %get3A_2213, 0 {pack_format = #tpu.pack_format<interleaved>} : vector<32xbf16> -> vector<16xf32>
        %unpack3A_2215 = tpu.unpack_subelements %get3A_2213, 1 {pack_format = #tpu.pack_format<interleaved>} : vector<32xbf16> -> vector<16xf32>
        %add3A_2216 = arith.addf %add3A_2207, %unpack3A_2214 : vector<16xf32>
        %add3A_2217 = arith.addf %add3A_2208, %unpack3A_2215 : vector<16xf32>
        %add3A_2218 = arith.constant 13 : i32
        %add3A_2219 = arith.addi %add3A_1880, %add3A_2218 : i32
        %get3A_2220 = arith.index_cast %add3A_2219 : i32 to index
        %get3A_2221 = arith.constant 32 : index
        %get3A_2222 = tpu.vector_load %arg7[%get3A_2220, %get3A_2221] {strides = array<i32>} : memref<2000x64xbf16, #tpu.memory_space<vmem>>, vector<32xbf16>,
        %unpack3A_2223 = tpu.unpack_subelements %get3A_2222, 0 {pack_format = #tpu.pack_format<interleaved>} : vector<32xbf16> -> vector<16xf32>
        %unpack3A_2224 = tpu.unpack_subelements %get3A_2222, 1 {pack_format = #tpu.pack_format<interleaved>} : vector<32xbf16> -> vector<16xf32>
        %add3A_2225 = arith.addf %add3A_2216, %unpack3A_2223 : vector<16xf32>
        %add3A_2226 = arith.addf %add3A_2217, %unpack3A_2224 : vector<16xf32>
        %add3A_2227 = arith.constant 14 : i32
        %add3A_2228 = arith.addi %add3A_1880, %add3A_2227 : i32
        %get3A_2229 = arith.index_cast %add3A_2228 : i32 to index
        %get3A_2230 = arith.constant 32 : index
        %get3A_2231 = tpu.vector_load %arg7[%get3A_2229, %get3A_2230] {strides = array<i32>} : memref<2000x64xbf16, #tpu.memory_space<vmem>>, vector<32xbf16>,
        %unpack3A_2232 = tpu.unpack_subelements %get3A_2231, 0 {pack_format = #tpu.pack_format<interleaved>} : vector<32xbf16> -> vector<16xf32>
        %unpack3A_2233 = tpu.unpack_subelements %get3A_2231, 1 {pack_format = #tpu.pack_format<interleaved>} : vector<32xbf16> -> vector<16xf32>
        %add3A_2234 = arith.addf %add3A_2225, %unpack3A_2232 : vector<16xf32>
        %add3A_2235 = arith.addf %add3A_2226, %unpack3A_2233 : vector<16xf32>
        %add3A_2236 = arith.constant 15 : i32
        %add3A_2237 = arith.addi %add3A_1880, %add3A_2236 : i32
        %get3A_2238 = arith.index_cast %add3A_2237 : i32 to index
        %get3A_2239 = arith.constant 32 : index
        %get3A_2240 = tpu.vector_load %arg7[%get3A_2238, %get3A_2239] {strides = array<i32>} : memref<2000x64xbf16, #tpu.memory_space<vmem>>, vector<32xbf16>,
        %unpack3A_2241 = tpu.unpack_subelements %get3A_2240, 0 {pack_format = #tpu.pack_format<interleaved>} : vector<32xbf16> -> vector<16xf32>
        %unpack3A_2242 = tpu.unpack_subelements %get3A_2240, 1 {pack_format = #tpu.pack_format<interleaved>} : vector<32xbf16> -> vector<16xf32>
        %add3A_2243 = arith.addf %add3A_2234, %unpack3A_2241 : vector<16xf32>
        %add3A_2244 = arith.addf %add3A_2235, %unpack3A_2242 : vector<16xf32>
        %add3A_2245 = arith.constant 16 : i32
        %add3A_2246 = arith.addi %add3A_1880, %add3A_2245 : i32
        %get3A_2247 = arith.index_cast %add3A_2246 : i32 to index
        %get3A_2248 = arith.constant 32 : index
        %get3A_2249 = tpu.vector_load %arg7[%get3A_2247, %get3A_2248] {strides = array<i32>} : memref<2000x64xbf16, #tpu.memory_space<vmem>>, vector<32xbf16>,
        %unpack3A_2250 = tpu.unpack_subelements %get3A_2249, 0 {pack_format = #tpu.pack_format<interleaved>} : vector<32xbf16> -> vector<16xf32>
        %unpack3A_2251 = tpu.unpack_subelements %get3A_2249, 1 {pack_format = #tpu.pack_format<interleaved>} : vector<32xbf16> -> vector<16xf32>
        %add3A_2252 = arith.addf %add3A_2243, %unpack3A_2250 : vector<16xf32>
        %add3A_2253 = arith.addf %add3A_2244, %unpack3A_2251 : vector<16xf32>
        %add3A_2254 = arith.constant 17 : i32
        %add3A_2255 = arith.addi %add3A_1880, %add3A_2254 : i32
        %get3A_2256 = arith.index_cast %add3A_2255 : i32 to index
        %get3A_2257 = arith.constant 32 : index
        %get3A_2258 = tpu.vector_load %arg7[%get3A_2256, %get3A_2257] {strides = array<i32>} : memref<2000x64xbf16, #tpu.memory_space<vmem>>, vector<32xbf16>,
        %unpack3A_2259 = tpu.unpack_subelements %get3A_2258, 0 {pack_format = #tpu.pack_format<interleaved>} : vector<32xbf16> -> vector<16xf32>
        %unpack3A_2260 = tpu.unpack_subelements %get3A_2258, 1 {pack_format = #tpu.pack_format<interleaved>} : vector<32xbf16> -> vector<16xf32>
        %add3A_2261 = arith.addf %add3A_2252, %unpack3A_2259 : vector<16xf32>
        %add3A_2262 = arith.addf %add3A_2253, %unpack3A_2260 : vector<16xf32>
        %add3A_2263 = arith.constant 18 : i32
        %add3A_2264 = arith.addi %add3A_1880, %add3A_2263 : i32
        %get3A_2265 = arith.index_cast %add3A_2264 : i32 to index
        %get3A_2266 = arith.constant 32 : index
        %get3A_2267 = tpu.vector_load %arg7[%get3A_2265, %get3A_2266] {strides = array<i32>} : memref<2000x64xbf16, #tpu.memory_space<vmem>>, vector<32xbf16>,
        %unpack3A_2268 = tpu.unpack_subelements %get3A_2267, 0 {pack_format = #tpu.pack_format<interleaved>} : vector<32xbf16> -> vector<16xf32>
        %unpack3A_2269 = tpu.unpack_subelements %get3A_2267, 1 {pack_format = #tpu.pack_format<interleaved>} : vector<32xbf16> -> vector<16xf32>
        %add3A_2270 = arith.addf %add3A_2261, %unpack3A_2268 : vector<16xf32>
        %add3A_2271 = arith.addf %add3A_2262, %unpack3A_2269 : vector<16xf32>
        %add3A_2272 = arith.constant 19 : i32
        %add3A_2273 = arith.addi %add3A_1880, %add3A_2272 : i32
        %get3A_2274 = arith.index_cast %add3A_2273 : i32 to index
        %get3A_2275 = arith.constant 32 : index
        %get3A_2276 = tpu.vector_load %arg7[%get3A_2274, %get3A_2275] {strides = array<i32>} : memref<2000x64xbf16, #tpu.memory_space<vmem>>, vector<32xbf16>,
        %unpack3A_2277 = tpu.unpack_subelements %get3A_2276, 0 {pack_format = #tpu.pack_format<interleaved>} : vector<32xbf16> -> vector<16xf32>
        %unpack3A_2278 = tpu.unpack_subelements %get3A_2276, 1 {pack_format = #tpu.pack_format<interleaved>} : vector<32xbf16> -> vector<16xf32>
        %add3A_2279 = arith.addf %add3A_2270, %unpack3A_2277 : vector<16xf32>
        %add3A_2280 = arith.addf %add3A_2271, %unpack3A_2278 : vector<16xf32>
        %mul3A_2281 = arith.constant 64 : i32
        %mul3A_2282 = arith.muli %add3A_1876, %mul3A_2281 : i32
        %add3A_2283 = arith.constant 0 : i32
        %add3A_2284 = arith.addi %add3A_2283, %mul3A_2282 : i32
        %add3A_2285 = arith.constant 32 : i32
        %add3A_2286 = arith.addi %add3A_2284, %add3A_2285 : i32
        %add3A_2287 = vector.broadcast %add3A_2286 : i32 to vector<16xi32>
        %add3A_2288 = arith.addi %mul3A_116, %add3A_2287 : vector<16xi32>
        tpu.vector_store_idx %arg9[%add3A_2288], %add3A_2279 : memref<6400xf32, #tpu.memory_space<vmem>>[vector<16xi32>], vector<16xf32>,
        %add3A_2289 = arith.constant 1 : i32
        %add3A_2290 = arith.addi %add3A_2286, %add3A_2289 : i32
        %add3A_2291 = vector.broadcast %add3A_2290 : i32 to vector<16xi32>
        %add3A_2292 = arith.addi %mul3A_116, %add3A_2291 : vector<16xi32>
        tpu.vector_store_idx %arg9[%add3A_2292], %add3A_2280 : memref<6400xf32, #tpu.memory_space<vmem>>[vector<16xi32>], vector<16xf32>,
      }
      %scan3A_122 = arith.constant 10 : i32
      %mul3A_123 = arith.constant 128 : i32
      %mul3A_124 = arith.muli %add3A, %mul3A_123 : i32
      %add3A_125 = arith.addi %mul3A_124, %mul3A_86 : i32
      %dma_start3A_126 = arith.constant 0 : i32
      %dma_start3A_127 = tpu.memref_slice %arg9[%dma_start3A_126] : memref<6400xf32, #tpu.memory_space<vmem>> -> memref<3200xf32, #tpu.memory_space<vmem>>
      %dma_start3A_128 = arith.constant 0 : i32
      %dma_start3A_129 = tpu.memref_slice %arg5[%add3A_125, %dma_start3A_128] : memref<4096x3200xf32, #tpu.memory_space<hbm>> -> memref<1x3200xf32, #tpu.memory_space<hbm>>
      %dma_start3A_130 = tpu.memref_squeeze %dma_start3A_129 : memref<1x3200xf32, #tpu.memory_space<hbm>> -> memref<3200xf32, #tpu.memory_space<hbm>>
      %dma_start3A_131 = arith.constant 0 : i32
      %dma_start3A_132 = tpu.memref_slice %arg5[%add3A_125, %dma_start3A_131] : memref<4096x3200xf32, #tpu.memory_space<hbm>> -> memref<1x3200xf32, #tpu.memory_space<hbm>>
      %dma_start3A_133 = tpu.memref_squeeze %dma_start3A_132 : memref<1x3200xf32, #tpu.memory_space<hbm>> -> memref<3200xf32, #tpu.memory_space<hbm>>
      %dma_start3A_134 = arith.constant 0 : i32
      %dma_start3A_135 = tpu.memref_slice %arg9[%dma_start3A_134] : memref<6400xf32, #tpu.memory_space<vmem>> -> memref<3200xf32, #tpu.memory_space<vmem>>
      tpu.enqueue_dma source(%dma_start3A_135 : memref<3200xf32, #tpu.memory_space<vmem>>) target(%dma_start3A_133 : memref<3200xf32, #tpu.memory_space<hbm>>) target_semaphore(%arg14 : memref<!tpu.dma_semaphore, #tpu.memory_space<semaphore_mem>>)
      %mul3A_136 = arith.constant 2 : i32
      %mul3A_137 = arith.muli %mul3A_136, %scan3A_84 : i32
      %add3A_138 = arith.constant 1 : i32
      %add3A_139 = arith.addi %mul3A_137, %add3A_138 : i32
      %dma_wait3A_140 = arith.constant 0 : i32
      %dma_wait3A_141 = arith.constant 0 : i32
      %dma_wait3A_142 = tpu.memref_slice %arg7[%dma_wait3A_140, %dma_wait3A_141] : memref<2000x64xbf16, #tpu.memory_space<vmem>> -> memref<1000x64xbf16, #tpu.memory_space<vmem>>
      %dma_wait3A_143 = arith.constant 0 : i32
      %dma_wait3A_144 = arith.constant 0 : i32
      %dma_wait3A_145 = tpu.memref_slice %arg3[%dma_wait3A_143, %dma_wait3A_144] : memref<100000x64xbf16, #tpu.memory_space<hbm>> -> memref<1000x64xbf16, #tpu.memory_space<hbm>>
      %dma_wait3A_146 = arith.constant 0 : i32
      %dma_wait3A_147 = arith.constant 0 : i32
      %dma_wait3A_148 = tpu.memref_slice %arg7[%dma_wait3A_146, %dma_wait3A_147] : memref<2000x64xbf16, #tpu.memory_space<vmem>> -> memref<1000x64xbf16, #tpu.memory_space<vmem>>
      %dma_wait3A_149 = arith.constant 0 : i32
      %dma_wait3A_150 = arith.constant 0 : i32
      %dma_wait3A_151 = tpu.memref_slice %arg3[%dma_wait3A_149, %dma_wait3A_150] : memref<100000x64xbf16, #tpu.memory_space<hbm>> -> memref<1000x64xbf16, #tpu.memory_space<hbm>>
      tpu.wait_dma2 semaphore(%arg11 : memref<!tpu.dma_semaphore, #tpu.memory_space<semaphore_mem>>) src(%dma_wait3A_151 : memref<1000x64xbf16, #tpu.memory_space<hbm>>) dst(%dma_wait3A_148 : memref<1000x64xbf16, #tpu.memory_space<vmem>>)
      %add3A_152 = arith.constant 2 : i32
      %add3A_153 = arith.addi %add3A_139, %add3A_152 : i32
      %lt3A_154 = arith.constant 128 : i32
      %lt3A_155 = arith.cmpi slt, %add3A_153, %lt3A_154 : i32
      %convert_element_type3A_156 = arith.extui %lt3A_155 : i1 to i32
      %cond3A_157 = arith.constant 0 : i32
      %cond3A_158 = arith.cmpi ne, %convert_element_type3A_156, %cond3A_157 : i32
      scf.if %cond3A_158 {
        %add3A_194 = arith.constant 2 : i32
        %add3A_195 = arith.addi %add3A_139, %add3A_194 : i32
        %mul3A_196 = arith.constant 128 : i32
        %mul3A_197 = arith.muli %add3A, %mul3A_196 : i32
        %add3A_198 = arith.addi %mul3A_197, %add3A_195 : i32
        %dma_start3A_199 = arith.constant 1 : i32
        %dma_start3A_200 = arith.constant 0 : i32
        %dma_start3A_201 = tpu.memref_slice %arg6[%dma_start3A_199, %dma_start3A_200] : memref<2x1000xi32, #tpu.memory_space<vmem>> -> memref<1x1000xi32, #tpu.memory_space<vmem>>
        %dma_start3A_202 = tpu.memref_squeeze %dma_start3A_201 : memref<1x1000xi32, #tpu.memory_space<vmem>> -> memref<1000xi32, #tpu.memory_space<vmem>>
        %dma_start3A_203 = arith.constant 0 : i32
        %dma_start3A_204 = tpu.memref_slice %arg2[%add3A_198, %dma_start3A_203] : memref<4096x1000xi32, #tpu.memory_space<hbm>> -> memref<1x1000xi32, #tpu.memory_space<hbm>>
        %dma_start3A_205 = tpu.memref_squeeze %dma_start3A_204 : memref<1x1000xi32, #tpu.memory_space<hbm>> -> memref<1000xi32, #tpu.memory_space<hbm>>
        %dma_start3A_206 = arith.constant 0 : i32
        %dma_start3A_207 = tpu.memref_slice %arg6[%dma_start3A_199, %dma_start3A_206] : memref<2x1000xi32, #tpu.memory_space<vmem>> -> memref<1x1000xi32, #tpu.memory_space<vmem>>
        %dma_start3A_208 = tpu.memref_squeeze %dma_start3A_207 : memref<1x1000xi32, #tpu.memory_space<vmem>> -> memref<1000xi32, #tpu.memory_space<vmem>>
        %dma_start3A_209 = arith.constant 0 : i32
        %dma_start3A_210 = tpu.memref_slice %arg2[%add3A_198, %dma_start3A_209] : memref<4096x1000xi32, #tpu.memory_space<hbm>> -> memref<1x1000xi32, #tpu.memory_space<hbm>>
        %dma_start3A_211 = tpu.memref_squeeze %dma_start3A_210 : memref<1x1000xi32, #tpu.memory_space<hbm>> -> memref<1000xi32, #tpu.memory_space<hbm>>
        tpu.enqueue_dma source(%dma_start3A_211 : memref<1000xi32, #tpu.memory_space<hbm>>) target(%dma_start3A_208 : memref<1000xi32, #tpu.memory_space<vmem>>) target_semaphore(%arg13 : memref<!tpu.dma_semaphore, #tpu.memory_space<semaphore_mem>>)
      } else {
      }
      %add3A_159 = arith.constant 1 : i32
      %add3A_160 = arith.addi %add3A_139, %add3A_159 : i32
      %lt3A_161 = arith.constant 128 : i32
      %lt3A_162 = arith.cmpi slt, %add3A_160, %lt3A_161 : i32
      %convert_element_type3A_163 = arith.extui %lt3A_162 : i1 to i32
      %cond3A_164 = arith.constant 0 : i32
      %cond3A_165 = arith.cmpi ne, %convert_element_type3A_163, %cond3A_164 : i32
      scf.if %cond3A_165 {
        %dma_wait3A_194 = arith.constant 0 : i32
        %dma_wait3A_195 = arith.constant 0 : i32
        %dma_wait3A_196 = arith.constant 0 : i32
        %dma_wait3A_197 = tpu.memref_slice %arg6[%dma_wait3A_195, %dma_wait3A_196] : memref<2x1000xi32, #tpu.memory_space<vmem>> -> memref<1x1000xi32, #tpu.memory_space<vmem>>
        %dma_wait3A_198 = tpu.memref_squeeze %dma_wait3A_197 : memref<1x1000xi32, #tpu.memory_space<vmem>> -> memref<1000xi32, #tpu.memory_space<vmem>>
        %dma_wait3A_199 = arith.constant 0 : i32
        %dma_wait3A_200 = tpu.memref_slice %arg2[%dma_wait3A_194, %dma_wait3A_199] : memref<4096x1000xi32, #tpu.memory_space<hbm>> -> memref<1x1000xi32, #tpu.memory_space<hbm>>
        %dma_wait3A_201 = tpu.memref_squeeze %dma_wait3A_200 : memref<1x1000xi32, #tpu.memory_space<hbm>> -> memref<1000xi32, #tpu.memory_space<hbm>>
        %dma_wait3A_202 = arith.constant 0 : i32
        %dma_wait3A_203 = tpu.memref_slice %arg6[%dma_wait3A_195, %dma_wait3A_202] : memref<2x1000xi32, #tpu.memory_space<vmem>> -> memref<1x1000xi32, #tpu.memory_space<vmem>>
        %dma_wait3A_204 = tpu.memref_squeeze %dma_wait3A_203 : memref<1x1000xi32, #tpu.memory_space<vmem>> -> memref<1000xi32, #tpu.memory_space<vmem>>
        %dma_wait3A_205 = arith.constant 0 : i32
        %dma_wait3A_206 = tpu.memref_slice %arg2[%dma_wait3A_194, %dma_wait3A_205] : memref<4096x1000xi32, #tpu.memory_space<hbm>> -> memref<1x1000xi32, #tpu.memory_space<hbm>>
        %dma_wait3A_207 = tpu.memref_squeeze %dma_wait3A_206 : memref<1x1000xi32, #tpu.memory_space<hbm>> -> memref<1000xi32, #tpu.memory_space<hbm>>
        tpu.wait_dma2 semaphore(%arg12 : memref<!tpu.dma_semaphore, #tpu.memory_space<semaphore_mem>>) src(%dma_wait3A_207 : memref<1000xi32, #tpu.memory_space<hbm>>) dst(%dma_wait3A_204 : memref<1000xi32, #tpu.memory_space<vmem>>)
        %dma_start3A_208 = arith.constant 0 : i32
        %dma_start3A_209 = arith.constant 0 : i32
        %dma_start3A_210 = arith.constant 0 : i32
        %dma_start3A_211 = tpu.memref_slice %arg7[%dma_start3A_209, %dma_start3A_210] : memref<2000x64xbf16, #tpu.memory_space<vmem>> -> memref<1000x64xbf16, #tpu.memory_space<vmem>>
        %dma_start3A_212 = arith.constant 0 : i32
        %dma_start3A_213 = tpu.memref_slice %arg6[%dma_start3A_208, %dma_start3A_212] : memref<2x1000xi32, #tpu.memory_space<vmem>> -> memref<1x1000xi32, #tpu.memory_space<vmem>>
        %dma_start3A_214 = tpu.memref_squeeze %dma_start3A_213 : memref<1x1000xi32, #tpu.memory_space<vmem>> -> memref<1000xi32, #tpu.memory_space<vmem>>
        %dma_start3A_215 = arith.constant 0 : i32
        %dma_start3A_216 = arith.constant 0 : i32
        %dma_start3A_217 = tpu.memref_slice %arg3[%dma_start3A_215, %dma_start3A_216] : memref<100000x64xbf16, #tpu.memory_space<hbm>> -> memref<100000x64xbf16, #tpu.memory_space<hbm>>
        tpu.enqueue_indirect_dma source(%dma_start3A_217 : memref<100000x64xbf16, #tpu.memory_space<hbm>>) target(%dma_start3A_211 : memref<1000x64xbf16, #tpu.memory_space<vmem>>) offsets(%dma_start3A_214 : memref<1000xi32, #tpu.memory_space<vmem>>) semaphore(%arg10 : memref<!tpu.dma_semaphore, #tpu.memory_space<semaphore_mem>>)
      } else {
      }
      %ge3A_166 = arith.constant 2 : i32
      %ge3A_167 = arith.cmpi sge, %add3A_139, %ge3A_166 : i32
      %convert_element_type3A_168 = arith.extui %ge3A_167 : i1 to i32
      %cond3A_169 = arith.constant 0 : i32
      %cond3A_170 = arith.cmpi ne, %convert_element_type3A_168, %cond3A_169 : i32
      scf.if %cond3A_170 {
        %dma_wait3A_194 = arith.constant 0 : i32
        %dma_wait3A_195 = arith.constant 0 : i32
        %dma_wait3A_196 = tpu.memref_slice %arg9[%dma_wait3A_195] : memref<6400xf32, #tpu.memory_space<vmem>> -> memref<3200xf32, #tpu.memory_space<vmem>>
        %dma_wait3A_197 = arith.constant 0 : i32
        %dma_wait3A_198 = tpu.memref_slice %arg5[%dma_wait3A_194, %dma_wait3A_197] : memref<4096x3200xf32, #tpu.memory_space<hbm>> -> memref<1x3200xf32, #tpu.memory_space<hbm>>
        %dma_wait3A_199 = tpu.memref_squeeze %dma_wait3A_198 : memref<1x3200xf32, #tpu.memory_space<hbm>> -> memref<3200xf32, #tpu.memory_space<hbm>>
        %dma_wait3A_200 = arith.constant 0 : i32
        %dma_wait3A_201 = tpu.memref_slice %arg5[%dma_wait3A_194, %dma_wait3A_200] : memref<4096x3200xf32, #tpu.memory_space<hbm>> -> memref<1x3200xf32, #tpu.memory_space<hbm>>
        %dma_wait3A_202 = tpu.memref_squeeze %dma_wait3A_201 : memref<1x3200xf32, #tpu.memory_space<hbm>> -> memref<3200xf32, #tpu.memory_space<hbm>>
        %dma_wait3A_203 = arith.constant 0 : i32
        %dma_wait3A_204 = tpu.memref_slice %arg9[%dma_wait3A_203] : memref<6400xf32, #tpu.memory_space<vmem>> -> memref<3200xf32, #tpu.memory_space<vmem>>
        tpu.wait_dma2 semaphore(%arg15 : memref<!tpu.dma_semaphore, #tpu.memory_space<semaphore_mem>>) src(%dma_wait3A_204 : memref<3200xf32, #tpu.memory_space<vmem>>) dst(%dma_wait3A_202 : memref<3200xf32, #tpu.memory_space<hbm>>)
      } else {
      }
      %iota3A_171 = tpu.iota {dimensions = array<i32: 0>} : vector<16xi32>
      %mul3A_172 = arith.constant 2 : i32
      %mul3A_173 = vector.broadcast %mul3A_172 : i32 to vector<16xi32>
      %mul3A_174 = arith.muli %iota3A_171, %mul3A_173 : vector<16xi32>
      %scan3A_175 = arith.constant 0 : i32
      %scan3A_176 = arith.constant 0 : i32
      %scan3A_177 = arith.constant 10 : i32
      %scan3A_178 = arith.addi %scan3A_176, %scan3A_177 : i32
      %scan3A_179 = arith.constant 1 : i32
      scf.for %scan3A_194 = %scan3A_176 to %scan3A_178 step %scan3A_179  : i32 {
        %mul3A_195 = arith.constant 5 : i32
        %mul3A_196 = arith.muli %scan3A_194, %mul3A_195 : i32
        %add3A_197 = arith.constant 0 : i32
        %add3A_198 = arith.addi %mul3A_196, %add3A_197 : i32
        %mul3A_199 = arith.constant 20 : i32
        %mul3A_200 = arith.muli %add3A_198, %mul3A_199 : i32
        %add3A_201 = arith.constant 1000 : i32
        %add3A_202 = arith.addi %add3A_201, %mul3A_200 : i32
        %mul3A_203 = arith.constant 64 : i32
        %mul3A_204 = arith.muli %add3A_198, %mul3A_203 : i32
        %add3A_205 = arith.constant 0 : i32
        %add3A_206 = arith.addi %mul3A_204, %add3A_205 : i32
        %get3A = arith.index_cast %add3A_206 : i32 to index
        %get3A_207 = tpu.vector_load %arg8[%get3A] {strides = array<i32>} : memref<3584xf32, #tpu.memory_space<vmem>>, vector<16xf32>,
        %mul3A_208 = arith.constant 64 : i32
        %mul3A_209 = arith.muli %add3A_198, %mul3A_208 : i32
        %add3A_210 = arith.constant 0 : i32
        %add3A_211 = arith.addi %mul3A_209, %add3A_210 : i32
        %add3A_212 = arith.constant 16 : i32
        %add3A_213 = arith.addi %add3A_211, %add3A_212 : i32
        %get3A_214 = arith.index_cast %add3A_213 : i32 to index
        %get3A_215 = tpu.vector_load %arg8[%get3A_214] {strides = array<i32>} : memref<3584xf32, #tpu.memory_space<vmem>>, vector<16xf32>,
        %add3A_216 = arith.constant 0 : i32
        %add3A_217 = arith.addi %add3A_202, %add3A_216 : i32
        %get3A_218 = arith.index_cast %add3A_217 : i32 to index
        %get3A_219 = arith.constant 0 : index
        %get3A_220 = tpu.vector_load %arg7[%get3A_218, %get3A_219] {strides = array<i32>} : memref<2000x64xbf16, #tpu.memory_space<vmem>>, vector<32xbf16>,
        %unpack3A = tpu.unpack_subelements %get3A_220, 0 {pack_format = #tpu.pack_format<interleaved>} : vector<32xbf16> -> vector<16xf32>
        %unpack3A_221 = tpu.unpack_subelements %get3A_220, 1 {pack_format = #tpu.pack_format<interleaved>} : vector<32xbf16> -> vector<16xf32>
        %add3A_222 = arith.addf %get3A_207, %unpack3A : vector<16xf32>
        %add3A_223 = arith.addf %get3A_215, %unpack3A_221 : vector<16xf32>
        %add3A_224 = arith.constant 1 : i32
        %add3A_225 = arith.addi %add3A_202, %add3A_224 : i32
        %get3A_226 = arith.index_cast %add3A_225 : i32 to index
        %get3A_227 = arith.constant 0 : index
        %get3A_228 = tpu.vector_load %arg7[%get3A_226, %get3A_227] {strides = array<i32>} : memref<2000x64xbf16, #tpu.memory_space<vmem>>, vector<32xbf16>,
        %unpack3A_229 = tpu.unpack_subelements %get3A_228, 0 {pack_format = #tpu.pack_format<interleaved>} : vector<32xbf16> -> vector<16xf32>
        %unpack3A_230 = tpu.unpack_subelements %get3A_228, 1 {pack_format = #tpu.pack_format<interleaved>} : vector<32xbf16> -> vector<16xf32>
        %add3A_231 = arith.addf %add3A_222, %unpack3A_229 : vector<16xf32>
        %add3A_232 = arith.addf %add3A_223, %unpack3A_230 : vector<16xf32>
        %add3A_233 = arith.constant 2 : i32
        %add3A_234 = arith.addi %add3A_202, %add3A_233 : i32
        %get3A_235 = arith.index_cast %add3A_234 : i32 to index
        %get3A_236 = arith.constant 0 : index
        %get3A_237 = tpu.vector_load %arg7[%get3A_235, %get3A_236] {strides = array<i32>} : memref<2000x64xbf16, #tpu.memory_space<vmem>>, vector<32xbf16>,
        %unpack3A_238 = tpu.unpack_subelements %get3A_237, 0 {pack_format = #tpu.pack_format<interleaved>} : vector<32xbf16> -> vector<16xf32>
        %unpack3A_239 = tpu.unpack_subelements %get3A_237, 1 {pack_format = #tpu.pack_format<interleaved>} : vector<32xbf16> -> vector<16xf32>
        %add3A_240 = arith.addf %add3A_231, %unpack3A_238 : vector<16xf32>
        %add3A_241 = arith.addf %add3A_232, %unpack3A_239 : vector<16xf32>
        %add3A_242 = arith.constant 3 : i32
        %add3A_243 = arith.addi %add3A_202, %add3A_242 : i32
        %get3A_244 = arith.index_cast %add3A_243 : i32 to index
        %get3A_245 = arith.constant 0 : index
        %get3A_246 = tpu.vector_load %arg7[%get3A_244, %get3A_245] {strides = array<i32>} : memref<2000x64xbf16, #tpu.memory_space<vmem>>, vector<32xbf16>,
        %unpack3A_247 = tpu.unpack_subelements %get3A_246, 0 {pack_format = #tpu.pack_format<interleaved>} : vector<32xbf16> -> vector<16xf32>
        %unpack3A_248 = tpu.unpack_subelements %get3A_246, 1 {pack_format = #tpu.pack_format<interleaved>} : vector<32xbf16> -> vector<16xf32>
        %add3A_249 = arith.addf %add3A_240, %unpack3A_247 : vector<16xf32>
        %add3A_250 = arith.addf %add3A_241, %unpack3A_248 : vector<16xf32>
        %add3A_251 = arith.constant 4 : i32
        %add3A_252 = arith.addi %add3A_202, %add3A_251 : i32
        %get3A_253 = arith.index_cast %add3A_252 : i32 to index
        %get3A_254 = arith.constant 0 : index
        %get3A_255 = tpu.vector_load %arg7[%get3A_253, %get3A_254] {strides = array<i32>} : memref<2000x64xbf16, #tpu.memory_space<vmem>>, vector<32xbf16>,
        %unpack3A_256 = tpu.unpack_subelements %get3A_255, 0 {pack_format = #tpu.pack_format<interleaved>} : vector<32xbf16> -> vector<16xf32>
        %unpack3A_257 = tpu.unpack_subelements %get3A_255, 1 {pack_format = #tpu.pack_format<interleaved>} : vector<32xbf16> -> vector<16xf32>
        %add3A_258 = arith.addf %add3A_249, %unpack3A_256 : vector<16xf32>
        %add3A_259 = arith.addf %add3A_250, %unpack3A_257 : vector<16xf32>
        %add3A_260 = arith.constant 5 : i32
        %add3A_261 = arith.addi %add3A_202, %add3A_260 : i32
        %get3A_262 = arith.index_cast %add3A_261 : i32 to index
        %get3A_263 = arith.constant 0 : index
        %get3A_264 = tpu.vector_load %arg7[%get3A_262, %get3A_263] {strides = array<i32>} : memref<2000x64xbf16, #tpu.memory_space<vmem>>, vector<32xbf16>,
        %unpack3A_265 = tpu.unpack_subelements %get3A_264, 0 {pack_format = #tpu.pack_format<interleaved>} : vector<32xbf16> -> vector<16xf32>
        %unpack3A_266 = tpu.unpack_subelements %get3A_264, 1 {pack_format = #tpu.pack_format<interleaved>} : vector<32xbf16> -> vector<16xf32>
        %add3A_267 = arith.addf %add3A_258, %unpack3A_265 : vector<16xf32>
        %add3A_268 = arith.addf %add3A_259, %unpack3A_266 : vector<16xf32>
        %add3A_269 = arith.constant 6 : i32
        %add3A_270 = arith.addi %add3A_202, %add3A_269 : i32
        %get3A_271 = arith.index_cast %add3A_270 : i32 to index
        %get3A_272 = arith.constant 0 : index
        %get3A_273 = tpu.vector_load %arg7[%get3A_271, %get3A_272] {strides = array<i32>} : memref<2000x64xbf16, #tpu.memory_space<vmem>>, vector<32xbf16>,
        %unpack3A_274 = tpu.unpack_subelements %get3A_273, 0 {pack_format = #tpu.pack_format<interleaved>} : vector<32xbf16> -> vector<16xf32>
        %unpack3A_275 = tpu.unpack_subelements %get3A_273, 1 {pack_format = #tpu.pack_format<interleaved>} : vector<32xbf16> -> vector<16xf32>
        %add3A_276 = arith.addf %add3A_267, %unpack3A_274 : vector<16xf32>
        %add3A_277 = arith.addf %add3A_268, %unpack3A_275 : vector<16xf32>
        %add3A_278 = arith.constant 7 : i32
        %add3A_279 = arith.addi %add3A_202, %add3A_278 : i32
        %get3A_280 = arith.index_cast %add3A_279 : i32 to index
        %get3A_281 = arith.constant 0 : index
        %get3A_282 = tpu.vector_load %arg7[%get3A_280, %get3A_281] {strides = array<i32>} : memref<2000x64xbf16, #tpu.memory_space<vmem>>, vector<32xbf16>,
        %unpack3A_283 = tpu.unpack_subelements %get3A_282, 0 {pack_format = #tpu.pack_format<interleaved>} : vector<32xbf16> -> vector<16xf32>
        %unpack3A_284 = tpu.unpack_subelements %get3A_282, 1 {pack_format = #tpu.pack_format<interleaved>} : vector<32xbf16> -> vector<16xf32>
        %add3A_285 = arith.addf %add3A_276, %unpack3A_283 : vector<16xf32>
        %add3A_286 = arith.addf %add3A_277, %unpack3A_284 : vector<16xf32>
        %add3A_287 = arith.constant 8 : i32
        %add3A_288 = arith.addi %add3A_202, %add3A_287 : i32
        %get3A_289 = arith.index_cast %add3A_288 : i32 to index
        %get3A_290 = arith.constant 0 : index
        %get3A_291 = tpu.vector_load %arg7[%get3A_289, %get3A_290] {strides = array<i32>} : memref<2000x64xbf16, #tpu.memory_space<vmem>>, vector<32xbf16>,
        %unpack3A_292 = tpu.unpack_subelements %get3A_291, 0 {pack_format = #tpu.pack_format<interleaved>} : vector<32xbf16> -> vector<16xf32>
        %unpack3A_293 = tpu.unpack_subelements %get3A_291, 1 {pack_format = #tpu.pack_format<interleaved>} : vector<32xbf16> -> vector<16xf32>
        %add3A_294 = arith.addf %add3A_285, %unpack3A_292 : vector<16xf32>
        %add3A_295 = arith.addf %add3A_286, %unpack3A_293 : vector<16xf32>
        %add3A_296 = arith.constant 9 : i32
        %add3A_297 = arith.addi %add3A_202, %add3A_296 : i32
        %get3A_298 = arith.index_cast %add3A_297 : i32 to index
        %get3A_299 = arith.constant 0 : index
        %get3A_300 = tpu.vector_load %arg7[%get3A_298, %get3A_299] {strides = array<i32>} : memref<2000x64xbf16, #tpu.memory_space<vmem>>, vector<32xbf16>,
        %unpack3A_301 = tpu.unpack_subelements %get3A_300, 0 {pack_format = #tpu.pack_format<interleaved>} : vector<32xbf16> -> vector<16xf32>
        %unpack3A_302 = tpu.unpack_subelements %get3A_300, 1 {pack_format = #tpu.pack_format<interleaved>} : vector<32xbf16> -> vector<16xf32>
        %add3A_303 = arith.addf %add3A_294, %unpack3A_301 : vector<16xf32>
        %add3A_304 = arith.addf %add3A_295, %unpack3A_302 : vector<16xf32>
        %add3A_305 = arith.constant 10 : i32
        %add3A_306 = arith.addi %add3A_202, %add3A_305 : i32
        %get3A_307 = arith.index_cast %add3A_306 : i32 to index
        %get3A_308 = arith.constant 0 : index
        %get3A_309 = tpu.vector_load %arg7[%get3A_307, %get3A_308] {strides = array<i32>} : memref<2000x64xbf16, #tpu.memory_space<vmem>>, vector<32xbf16>,
        %unpack3A_310 = tpu.unpack_subelements %get3A_309, 0 {pack_format = #tpu.pack_format<interleaved>} : vector<32xbf16> -> vector<16xf32>
        %unpack3A_311 = tpu.unpack_subelements %get3A_309, 1 {pack_format = #tpu.pack_format<interleaved>} : vector<32xbf16> -> vector<16xf32>
        %add3A_312 = arith.addf %add3A_303, %unpack3A_310 : vector<16xf32>
        %add3A_313 = arith.addf %add3A_304, %unpack3A_311 : vector<16xf32>
        %add3A_314 = arith.constant 11 : i32
        %add3A_315 = arith.addi %add3A_202, %add3A_314 : i32
        %get3A_316 = arith.index_cast %add3A_315 : i32 to index
        %get3A_317 = arith.constant 0 : index
        %get3A_318 = tpu.vector_load %arg7[%get3A_316, %get3A_317] {strides = array<i32>} : memref<2000x64xbf16, #tpu.memory_space<vmem>>, vector<32xbf16>,
        %unpack3A_319 = tpu.unpack_subelements %get3A_318, 0 {pack_format = #tpu.pack_format<interleaved>} : vector<32xbf16> -> vector<16xf32>
        %unpack3A_320 = tpu.unpack_subelements %get3A_318, 1 {pack_format = #tpu.pack_format<interleaved>} : vector<32xbf16> -> vector<16xf32>
        %add3A_321 = arith.addf %add3A_312, %unpack3A_319 : vector<16xf32>
        %add3A_322 = arith.addf %add3A_313, %unpack3A_320 : vector<16xf32>
        %add3A_323 = arith.constant 12 : i32
        %add3A_324 = arith.addi %add3A_202, %add3A_323 : i32
        %get3A_325 = arith.index_cast %add3A_324 : i32 to index
        %get3A_326 = arith.constant 0 : index
        %get3A_327 = tpu.vector_load %arg7[%get3A_325, %get3A_326] {strides = array<i32>} : memref<2000x64xbf16, #tpu.memory_space<vmem>>, vector<32xbf16>,
        %unpack3A_328 = tpu.unpack_subelements %get3A_327, 0 {pack_format = #tpu.pack_format<interleaved>} : vector<32xbf16> -> vector<16xf32>
        %unpack3A_329 = tpu.unpack_subelements %get3A_327, 1 {pack_format = #tpu.pack_format<interleaved>} : vector<32xbf16> -> vector<16xf32>
        %add3A_330 = arith.addf %add3A_321, %unpack3A_328 : vector<16xf32>
        %add3A_331 = arith.addf %add3A_322, %unpack3A_329 : vector<16xf32>
        %add3A_332 = arith.constant 13 : i32
        %add3A_333 = arith.addi %add3A_202, %add3A_332 : i32
        %get3A_334 = arith.index_cast %add3A_333 : i32 to index
        %get3A_335 = arith.constant 0 : index
        %get3A_336 = tpu.vector_load %arg7[%get3A_334, %get3A_335] {strides = array<i32>} : memref<2000x64xbf16, #tpu.memory_space<vmem>>, vector<32xbf16>,
        %unpack3A_337 = tpu.unpack_subelements %get3A_336, 0 {pack_format = #tpu.pack_format<interleaved>} : vector<32xbf16> -> vector<16xf32>
        %unpack3A_338 = tpu.unpack_subelements %get3A_336, 1 {pack_format = #tpu.pack_format<interleaved>} : vector<32xbf16> -> vector<16xf32>
        %add3A_339 = arith.addf %add3A_330, %unpack3A_337 : vector<16xf32>
        %add3A_340 = arith.addf %add3A_331, %unpack3A_338 : vector<16xf32>
        %add3A_341 = arith.constant 14 : i32
        %add3A_342 = arith.addi %add3A_202, %add3A_341 : i32
        %get3A_343 = arith.index_cast %add3A_342 : i32 to index
        %get3A_344 = arith.constant 0 : index
        %get3A_345 = tpu.vector_load %arg7[%get3A_343, %get3A_344] {strides = array<i32>} : memref<2000x64xbf16, #tpu.memory_space<vmem>>, vector<32xbf16>,
        %unpack3A_346 = tpu.unpack_subelements %get3A_345, 0 {pack_format = #tpu.pack_format<interleaved>} : vector<32xbf16> -> vector<16xf32>
        %unpack3A_347 = tpu.unpack_subelements %get3A_345, 1 {pack_format = #tpu.pack_format<interleaved>} : vector<32xbf16> -> vector<16xf32>
        %add3A_348 = arith.addf %add3A_339, %unpack3A_346 : vector<16xf32>
        %add3A_349 = arith.addf %add3A_340, %unpack3A_347 : vector<16xf32>
        %add3A_350 = arith.constant 15 : i32
        %add3A_351 = arith.addi %add3A_202, %add3A_350 : i32
        %get3A_352 = arith.index_cast %add3A_351 : i32 to index
        %get3A_353 = arith.constant 0 : index
        %get3A_354 = tpu.vector_load %arg7[%get3A_352, %get3A_353] {strides = array<i32>} : memref<2000x64xbf16, #tpu.memory_space<vmem>>, vector<32xbf16>,
        %unpack3A_355 = tpu.unpack_subelements %get3A_354, 0 {pack_format = #tpu.pack_format<interleaved>} : vector<32xbf16> -> vector<16xf32>
        %unpack3A_356 = tpu.unpack_subelements %get3A_354, 1 {pack_format = #tpu.pack_format<interleaved>} : vector<32xbf16> -> vector<16xf32>
        %add3A_357 = arith.addf %add3A_348, %unpack3A_355 : vector<16xf32>
        %add3A_358 = arith.addf %add3A_349, %unpack3A_356 : vector<16xf32>
        %add3A_359 = arith.constant 16 : i32
        %add3A_360 = arith.addi %add3A_202, %add3A_359 : i32
        %get3A_361 = arith.index_cast %add3A_360 : i32 to index
        %get3A_362 = arith.constant 0 : index
        %get3A_363 = tpu.vector_load %arg7[%get3A_361, %get3A_362] {strides = array<i32>} : memref<2000x64xbf16, #tpu.memory_space<vmem>>, vector<32xbf16>,
        %unpack3A_364 = tpu.unpack_subelements %get3A_363, 0 {pack_format = #tpu.pack_format<interleaved>} : vector<32xbf16> -> vector<16xf32>
        %unpack3A_365 = tpu.unpack_subelements %get3A_363, 1 {pack_format = #tpu.pack_format<interleaved>} : vector<32xbf16> -> vector<16xf32>
        %add3A_366 = arith.addf %add3A_357, %unpack3A_364 : vector<16xf32>
        %add3A_367 = arith.addf %add3A_358, %unpack3A_365 : vector<16xf32>
        %add3A_368 = arith.constant 17 : i32
        %add3A_369 = arith.addi %add3A_202, %add3A_368 : i32
        %get3A_370 = arith.index_cast %add3A_369 : i32 to index
        %get3A_371 = arith.constant 0 : index
        %get3A_372 = tpu.vector_load %arg7[%get3A_370, %get3A_371] {strides = array<i32>} : memref<2000x64xbf16, #tpu.memory_space<vmem>>, vector<32xbf16>,
        %unpack3A_373 = tpu.unpack_subelements %get3A_372, 0 {pack_format = #tpu.pack_format<interleaved>} : vector<32xbf16> -> vector<16xf32>
        %unpack3A_374 = tpu.unpack_subelements %get3A_372, 1 {pack_format = #tpu.pack_format<interleaved>} : vector<32xbf16> -> vector<16xf32>
        %add3A_375 = arith.addf %add3A_366, %unpack3A_373 : vector<16xf32>
        %add3A_376 = arith.addf %add3A_367, %unpack3A_374 : vector<16xf32>
        %add3A_377 = arith.constant 18 : i32
        %add3A_378 = arith.addi %add3A_202, %add3A_377 : i32
        %get3A_379 = arith.index_cast %add3A_378 : i32 to index
        %get3A_380 = arith.constant 0 : index
        %get3A_381 = tpu.vector_load %arg7[%get3A_379, %get3A_380] {strides = array<i32>} : memref<2000x64xbf16, #tpu.memory_space<vmem>>, vector<32xbf16>,
        %unpack3A_382 = tpu.unpack_subelements %get3A_381, 0 {pack_format = #tpu.pack_format<interleaved>} : vector<32xbf16> -> vector<16xf32>
        %unpack3A_383 = tpu.unpack_subelements %get3A_381, 1 {pack_format = #tpu.pack_format<interleaved>} : vector<32xbf16> -> vector<16xf32>
        %add3A_384 = arith.addf %add3A_375, %unpack3A_382 : vector<16xf32>
        %add3A_385 = arith.addf %add3A_376, %unpack3A_383 : vector<16xf32>
        %add3A_386 = arith.constant 19 : i32
        %add3A_387 = arith.addi %add3A_202, %add3A_386 : i32
        %get3A_388 = arith.index_cast %add3A_387 : i32 to index
        %get3A_389 = arith.constant 0 : index
        %get3A_390 = tpu.vector_load %arg7[%get3A_388, %get3A_389] {strides = array<i32>} : memref<2000x64xbf16, #tpu.memory_space<vmem>>, vector<32xbf16>,
        %unpack3A_391 = tpu.unpack_subelements %get3A_390, 0 {pack_format = #tpu.pack_format<interleaved>} : vector<32xbf16> -> vector<16xf32>
        %unpack3A_392 = tpu.unpack_subelements %get3A_390, 1 {pack_format = #tpu.pack_format<interleaved>} : vector<32xbf16> -> vector<16xf32>
        %add3A_393 = arith.addf %add3A_384, %unpack3A_391 : vector<16xf32>
        %add3A_394 = arith.addf %add3A_385, %unpack3A_392 : vector<16xf32>
        %mul3A_395 = arith.constant 64 : i32
        %mul3A_396 = arith.muli %add3A_198, %mul3A_395 : i32
        %add3A_397 = arith.constant 3200 : i32
        %add3A_398 = arith.addi %add3A_397, %mul3A_396 : i32
        %add3A_399 = arith.constant 0 : i32
        %add3A_400 = arith.addi %add3A_398, %add3A_399 : i32
        %add3A_401 = vector.broadcast %add3A_400 : i32 to vector<16xi32>
        %add3A_402 = arith.addi %mul3A_174, %add3A_401 : vector<16xi32>
        tpu.vector_store_idx %arg9[%add3A_402], %add3A_393 : memref<6400xf32, #tpu.memory_space<vmem>>[vector<16xi32>], vector<16xf32>,
        %add3A_403 = arith.constant 1 : i32
        %add3A_404 = arith.addi %add3A_400, %add3A_403 : i32
        %add3A_405 = vector.broadcast %add3A_404 : i32 to vector<16xi32>
        %add3A_406 = arith.addi %mul3A_174, %add3A_405 : vector<16xi32>
        tpu.vector_store_idx %arg9[%add3A_406], %add3A_394 : memref<6400xf32, #tpu.memory_space<vmem>>[vector<16xi32>], vector<16xf32>,
        %mul3A_407 = arith.constant 64 : i32
        %mul3A_408 = arith.muli %add3A_198, %mul3A_407 : i32
        %add3A_409 = arith.constant 32 : i32
        %add3A_410 = arith.addi %mul3A_408, %add3A_409 : i32
        %get3A_411 = arith.index_cast %add3A_410 : i32 to index
        %get3A_412 = tpu.vector_load %arg8[%get3A_411] {strides = array<i32>} : memref<3584xf32, #tpu.memory_space<vmem>>, vector<16xf32>,
        %mul3A_413 = arith.constant 64 : i32
        %mul3A_414 = arith.muli %add3A_198, %mul3A_413 : i32
        %add3A_415 = arith.constant 32 : i32
        %add3A_416 = arith.addi %mul3A_414, %add3A_415 : i32
        %add3A_417 = arith.constant 16 : i32
        %add3A_418 = arith.addi %add3A_416, %add3A_417 : i32
        %get3A_419 = arith.index_cast %add3A_418 : i32 to index
        %get3A_420 = tpu.vector_load %arg8[%get3A_419] {strides = array<i32>} : memref<3584xf32, #tpu.memory_space<vmem>>, vector<16xf32>,
        %add3A_421 = arith.constant 0 : i32
        %add3A_422 = arith.addi %add3A_202, %add3A_421 : i32
        %get3A_423 = arith.index_cast %add3A_422 : i32 to index
        %get3A_424 = arith.constant 32 : index
        %get3A_425 = tpu.vector_load %arg7[%get3A_423, %get3A_424] {strides = array<i32>} : memref<2000x64xbf16, #tpu.memory_space<vmem>>, vector<32xbf16>,
        %unpack3A_426 = tpu.unpack_subelements %get3A_425, 0 {pack_format = #tpu.pack_format<interleaved>} : vector<32xbf16> -> vector<16xf32>
        %unpack3A_427 = tpu.unpack_subelements %get3A_425, 1 {pack_format = #tpu.pack_format<interleaved>} : vector<32xbf16> -> vector<16xf32>
        %add3A_428 = arith.addf %get3A_412, %unpack3A_426 : vector<16xf32>
        %add3A_429 = arith.addf %get3A_420, %unpack3A_427 : vector<16xf32>
        %add3A_430 = arith.constant 1 : i32
        %add3A_431 = arith.addi %add3A_202, %add3A_430 : i32
        %get3A_432 = arith.index_cast %add3A_431 : i32 to index
        %get3A_433 = arith.constant 32 : index
        %get3A_434 = tpu.vector_load %arg7[%get3A_432, %get3A_433] {strides = array<i32>} : memref<2000x64xbf16, #tpu.memory_space<vmem>>, vector<32xbf16>,
        %unpack3A_435 = tpu.unpack_subelements %get3A_434, 0 {pack_format = #tpu.pack_format<interleaved>} : vector<32xbf16> -> vector<16xf32>
        %unpack3A_436 = tpu.unpack_subelements %get3A_434, 1 {pack_format = #tpu.pack_format<interleaved>} : vector<32xbf16> -> vector<16xf32>
        %add3A_437 = arith.addf %add3A_428, %unpack3A_435 : vector<16xf32>
        %add3A_438 = arith.addf %add3A_429, %unpack3A_436 : vector<16xf32>
        %add3A_439 = arith.constant 2 : i32
        %add3A_440 = arith.addi %add3A_202, %add3A_439 : i32
        %get3A_441 = arith.index_cast %add3A_440 : i32 to index
        %get3A_442 = arith.constant 32 : index
        %get3A_443 = tpu.vector_load %arg7[%get3A_441, %get3A_442] {strides = array<i32>} : memref<2000x64xbf16, #tpu.memory_space<vmem>>, vector<32xbf16>,
        %unpack3A_444 = tpu.unpack_subelements %get3A_443, 0 {pack_format = #tpu.pack_format<interleaved>} : vector<32xbf16> -> vector<16xf32>
        %unpack3A_445 = tpu.unpack_subelements %get3A_443, 1 {pack_format = #tpu.pack_format<interleaved>} : vector<32xbf16> -> vector<16xf32>
        %add3A_446 = arith.addf %add3A_437, %unpack3A_444 : vector<16xf32>
        %add3A_447 = arith.addf %add3A_438, %unpack3A_445 : vector<16xf32>
        %add3A_448 = arith.constant 3 : i32
        %add3A_449 = arith.addi %add3A_202, %add3A_448 : i32
        %get3A_450 = arith.index_cast %add3A_449 : i32 to index
        %get3A_451 = arith.constant 32 : index
        %get3A_452 = tpu.vector_load %arg7[%get3A_450, %get3A_451] {strides = array<i32>} : memref<2000x64xbf16, #tpu.memory_space<vmem>>, vector<32xbf16>,
        %unpack3A_453 = tpu.unpack_subelements %get3A_452, 0 {pack_format = #tpu.pack_format<interleaved>} : vector<32xbf16> -> vector<16xf32>
        %unpack3A_454 = tpu.unpack_subelements %get3A_452, 1 {pack_format = #tpu.pack_format<interleaved>} : vector<32xbf16> -> vector<16xf32>
        %add3A_455 = arith.addf %add3A_446, %unpack3A_453 : vector<16xf32>
        %add3A_456 = arith.addf %add3A_447, %unpack3A_454 : vector<16xf32>
        %add3A_457 = arith.constant 4 : i32
        %add3A_458 = arith.addi %add3A_202, %add3A_457 : i32
        %get3A_459 = arith.index_cast %add3A_458 : i32 to index
        %get3A_460 = arith.constant 32 : index
        %get3A_461 = tpu.vector_load %arg7[%get3A_459, %get3A_460] {strides = array<i32>} : memref<2000x64xbf16, #tpu.memory_space<vmem>>, vector<32xbf16>,
        %unpack3A_462 = tpu.unpack_subelements %get3A_461, 0 {pack_format = #tpu.pack_format<interleaved>} : vector<32xbf16> -> vector<16xf32>
        %unpack3A_463 = tpu.unpack_subelements %get3A_461, 1 {pack_format = #tpu.pack_format<interleaved>} : vector<32xbf16> -> vector<16xf32>
        %add3A_464 = arith.addf %add3A_455, %unpack3A_462 : vector<16xf32>
        %add3A_465 = arith.addf %add3A_456, %unpack3A_463 : vector<16xf32>
        %add3A_466 = arith.constant 5 : i32
        %add3A_467 = arith.addi %add3A_202, %add3A_466 : i32
        %get3A_468 = arith.index_cast %add3A_467 : i32 to index
        %get3A_469 = arith.constant 32 : index
        %get3A_470 = tpu.vector_load %arg7[%get3A_468, %get3A_469] {strides = array<i32>} : memref<2000x64xbf16, #tpu.memory_space<vmem>>, vector<32xbf16>,
        %unpack3A_471 = tpu.unpack_subelements %get3A_470, 0 {pack_format = #tpu.pack_format<interleaved>} : vector<32xbf16> -> vector<16xf32>
        %unpack3A_472 = tpu.unpack_subelements %get3A_470, 1 {pack_format = #tpu.pack_format<interleaved>} : vector<32xbf16> -> vector<16xf32>
        %add3A_473 = arith.addf %add3A_464, %unpack3A_471 : vector<16xf32>
        %add3A_474 = arith.addf %add3A_465, %unpack3A_472 : vector<16xf32>
        %add3A_475 = arith.constant 6 : i32
        %add3A_476 = arith.addi %add3A_202, %add3A_475 : i32
        %get3A_477 = arith.index_cast %add3A_476 : i32 to index
        %get3A_478 = arith.constant 32 : index
        %get3A_479 = tpu.vector_load %arg7[%get3A_477, %get3A_478] {strides = array<i32>} : memref<2000x64xbf16, #tpu.memory_space<vmem>>, vector<32xbf16>,
        %unpack3A_480 = tpu.unpack_subelements %get3A_479, 0 {pack_format = #tpu.pack_format<interleaved>} : vector<32xbf16> -> vector<16xf32>
        %unpack3A_481 = tpu.unpack_subelements %get3A_479, 1 {pack_format = #tpu.pack_format<interleaved>} : vector<32xbf16> -> vector<16xf32>
        %add3A_482 = arith.addf %add3A_473, %unpack3A_480 : vector<16xf32>
        %add3A_483 = arith.addf %add3A_474, %unpack3A_481 : vector<16xf32>
        %add3A_484 = arith.constant 7 : i32
        %add3A_485 = arith.addi %add3A_202, %add3A_484 : i32
        %get3A_486 = arith.index_cast %add3A_485 : i32 to index
        %get3A_487 = arith.constant 32 : index
        %get3A_488 = tpu.vector_load %arg7[%get3A_486, %get3A_487] {strides = array<i32>} : memref<2000x64xbf16, #tpu.memory_space<vmem>>, vector<32xbf16>,
        %unpack3A_489 = tpu.unpack_subelements %get3A_488, 0 {pack_format = #tpu.pack_format<interleaved>} : vector<32xbf16> -> vector<16xf32>
        %unpack3A_490 = tpu.unpack_subelements %get3A_488, 1 {pack_format = #tpu.pack_format<interleaved>} : vector<32xbf16> -> vector<16xf32>
        %add3A_491 = arith.addf %add3A_482, %unpack3A_489 : vector<16xf32>
        %add3A_492 = arith.addf %add3A_483, %unpack3A_490 : vector<16xf32>
        %add3A_493 = arith.constant 8 : i32
        %add3A_494 = arith.addi %add3A_202, %add3A_493 : i32
        %get3A_495 = arith.index_cast %add3A_494 : i32 to index
        %get3A_496 = arith.constant 32 : index
        %get3A_497 = tpu.vector_load %arg7[%get3A_495, %get3A_496] {strides = array<i32>} : memref<2000x64xbf16, #tpu.memory_space<vmem>>, vector<32xbf16>,
        %unpack3A_498 = tpu.unpack_subelements %get3A_497, 0 {pack_format = #tpu.pack_format<interleaved>} : vector<32xbf16> -> vector<16xf32>
        %unpack3A_499 = tpu.unpack_subelements %get3A_497, 1 {pack_format = #tpu.pack_format<interleaved>} : vector<32xbf16> -> vector<16xf32>
        %add3A_500 = arith.addf %add3A_491, %unpack3A_498 : vector<16xf32>
        %add3A_501 = arith.addf %add3A_492, %unpack3A_499 : vector<16xf32>
        %add3A_502 = arith.constant 9 : i32
        %add3A_503 = arith.addi %add3A_202, %add3A_502 : i32
        %get3A_504 = arith.index_cast %add3A_503 : i32 to index
        %get3A_505 = arith.constant 32 : index
        %get3A_506 = tpu.vector_load %arg7[%get3A_504, %get3A_505] {strides = array<i32>} : memref<2000x64xbf16, #tpu.memory_space<vmem>>, vector<32xbf16>,
        %unpack3A_507 = tpu.unpack_subelements %get3A_506, 0 {pack_format = #tpu.pack_format<interleaved>} : vector<32xbf16> -> vector<16xf32>
        %unpack3A_508 = tpu.unpack_subelements %get3A_506, 1 {pack_format = #tpu.pack_format<interleaved>} : vector<32xbf16> -> vector<16xf32>
        %add3A_509 = arith.addf %add3A_500, %unpack3A_507 : vector<16xf32>
        %add3A_510 = arith.addf %add3A_501, %unpack3A_508 : vector<16xf32>
        %add3A_511 = arith.constant 10 : i32
        %add3A_512 = arith.addi %add3A_202, %add3A_511 : i32
        %get3A_513 = arith.index_cast %add3A_512 : i32 to index
        %get3A_514 = arith.constant 32 : index
        %get3A_515 = tpu.vector_load %arg7[%get3A_513, %get3A_514] {strides = array<i32>} : memref<2000x64xbf16, #tpu.memory_space<vmem>>, vector<32xbf16>,
        %unpack3A_516 = tpu.unpack_subelements %get3A_515, 0 {pack_format = #tpu.pack_format<interleaved>} : vector<32xbf16> -> vector<16xf32>
        %unpack3A_517 = tpu.unpack_subelements %get3A_515, 1 {pack_format = #tpu.pack_format<interleaved>} : vector<32xbf16> -> vector<16xf32>
        %add3A_518 = arith.addf %add3A_509, %unpack3A_516 : vector<16xf32>
        %add3A_519 = arith.addf %add3A_510, %unpack3A_517 : vector<16xf32>
        %add3A_520 = arith.constant 11 : i32
        %add3A_521 = arith.addi %add3A_202, %add3A_520 : i32
        %get3A_522 = arith.index_cast %add3A_521 : i32 to index
        %get3A_523 = arith.constant 32 : index
        %get3A_524 = tpu.vector_load %arg7[%get3A_522, %get3A_523] {strides = array<i32>} : memref<2000x64xbf16, #tpu.memory_space<vmem>>, vector<32xbf16>,
        %unpack3A_525 = tpu.unpack_subelements %get3A_524, 0 {pack_format = #tpu.pack_format<interleaved>} : vector<32xbf16> -> vector<16xf32>
        %unpack3A_526 = tpu.unpack_subelements %get3A_524, 1 {pack_format = #tpu.pack_format<interleaved>} : vector<32xbf16> -> vector<16xf32>
        %add3A_527 = arith.addf %add3A_518, %unpack3A_525 : vector<16xf32>
        %add3A_528 = arith.addf %add3A_519, %unpack3A_526 : vector<16xf32>
        %add3A_529 = arith.constant 12 : i32
        %add3A_530 = arith.addi %add3A_202, %add3A_529 : i32
        %get3A_531 = arith.index_cast %add3A_530 : i32 to index
        %get3A_532 = arith.constant 32 : index
        %get3A_533 = tpu.vector_load %arg7[%get3A_531, %get3A_532] {strides = array<i32>} : memref<2000x64xbf16, #tpu.memory_space<vmem>>, vector<32xbf16>,
        %unpack3A_534 = tpu.unpack_subelements %get3A_533, 0 {pack_format = #tpu.pack_format<interleaved>} : vector<32xbf16> -> vector<16xf32>
        %unpack3A_535 = tpu.unpack_subelements %get3A_533, 1 {pack_format = #tpu.pack_format<interleaved>} : vector<32xbf16> -> vector<16xf32>
        %add3A_536 = arith.addf %add3A_527, %unpack3A_534 : vector<16xf32>
        %add3A_537 = arith.addf %add3A_528, %unpack3A_535 : vector<16xf32>
        %add3A_538 = arith.constant 13 : i32
        %add3A_539 = arith.addi %add3A_202, %add3A_538 : i32
        %get3A_540 = arith.index_cast %add3A_539 : i32 to index
        %get3A_541 = arith.constant 32 : index
        %get3A_542 = tpu.vector_load %arg7[%get3A_540, %get3A_541] {strides = array<i32>} : memref<2000x64xbf16, #tpu.memory_space<vmem>>, vector<32xbf16>,
        %unpack3A_543 = tpu.unpack_subelements %get3A_542, 0 {pack_format = #tpu.pack_format<interleaved>} : vector<32xbf16> -> vector<16xf32>
        %unpack3A_544 = tpu.unpack_subelements %get3A_542, 1 {pack_format = #tpu.pack_format<interleaved>} : vector<32xbf16> -> vector<16xf32>
        %add3A_545 = arith.addf %add3A_536, %unpack3A_543 : vector<16xf32>
        %add3A_546 = arith.addf %add3A_537, %unpack3A_544 : vector<16xf32>
        %add3A_547 = arith.constant 14 : i32
        %add3A_548 = arith.addi %add3A_202, %add3A_547 : i32
        %get3A_549 = arith.index_cast %add3A_548 : i32 to index
        %get3A_550 = arith.constant 32 : index
        %get3A_551 = tpu.vector_load %arg7[%get3A_549, %get3A_550] {strides = array<i32>} : memref<2000x64xbf16, #tpu.memory_space<vmem>>, vector<32xbf16>,
        %unpack3A_552 = tpu.unpack_subelements %get3A_551, 0 {pack_format = #tpu.pack_format<interleaved>} : vector<32xbf16> -> vector<16xf32>
        %unpack3A_553 = tpu.unpack_subelements %get3A_551, 1 {pack_format = #tpu.pack_format<interleaved>} : vector<32xbf16> -> vector<16xf32>
        %add3A_554 = arith.addf %add3A_545, %unpack3A_552 : vector<16xf32>
        %add3A_555 = arith.addf %add3A_546, %unpack3A_553 : vector<16xf32>
        %add3A_556 = arith.constant 15 : i32
        %add3A_557 = arith.addi %add3A_202, %add3A_556 : i32
        %get3A_558 = arith.index_cast %add3A_557 : i32 to index
        %get3A_559 = arith.constant 32 : index
        %get3A_560 = tpu.vector_load %arg7[%get3A_558, %get3A_559] {strides = array<i32>} : memref<2000x64xbf16, #tpu.memory_space<vmem>>, vector<32xbf16>,
        %unpack3A_561 = tpu.unpack_subelements %get3A_560, 0 {pack_format = #tpu.pack_format<interleaved>} : vector<32xbf16> -> vector<16xf32>
        %unpack3A_562 = tpu.unpack_subelements %get3A_560, 1 {pack_format = #tpu.pack_format<interleaved>} : vector<32xbf16> -> vector<16xf32>
        %add3A_563 = arith.addf %add3A_554, %unpack3A_561 : vector<16xf32>
        %add3A_564 = arith.addf %add3A_555, %unpack3A_562 : vector<16xf32>
        %add3A_565 = arith.constant 16 : i32
        %add3A_566 = arith.addi %add3A_202, %add3A_565 : i32
        %get3A_567 = arith.index_cast %add3A_566 : i32 to index
        %get3A_568 = arith.constant 32 : index
        %get3A_569 = tpu.vector_load %arg7[%get3A_567, %get3A_568] {strides = array<i32>} : memref<2000x64xbf16, #tpu.memory_space<vmem>>, vector<32xbf16>,
        %unpack3A_570 = tpu.unpack_subelements %get3A_569, 0 {pack_format = #tpu.pack_format<interleaved>} : vector<32xbf16> -> vector<16xf32>
        %unpack3A_571 = tpu.unpack_subelements %get3A_569, 1 {pack_format = #tpu.pack_format<interleaved>} : vector<32xbf16> -> vector<16xf32>
        %add3A_572 = arith.addf %add3A_563, %unpack3A_570 : vector<16xf32>
        %add3A_573 = arith.addf %add3A_564, %unpack3A_571 : vector<16xf32>
        %add3A_574 = arith.constant 17 : i32
        %add3A_575 = arith.addi %add3A_202, %add3A_574 : i32
        %get3A_576 = arith.index_cast %add3A_575 : i32 to index
        %get3A_577 = arith.constant 32 : index
        %get3A_578 = tpu.vector_load %arg7[%get3A_576, %get3A_577] {strides = array<i32>} : memref<2000x64xbf16, #tpu.memory_space<vmem>>, vector<32xbf16>,
        %unpack3A_579 = tpu.unpack_subelements %get3A_578, 0 {pack_format = #tpu.pack_format<interleaved>} : vector<32xbf16> -> vector<16xf32>
        %unpack3A_580 = tpu.unpack_subelements %get3A_578, 1 {pack_format = #tpu.pack_format<interleaved>} : vector<32xbf16> -> vector<16xf32>
        %add3A_581 = arith.addf %add3A_572, %unpack3A_579 : vector<16xf32>
        %add3A_582 = arith.addf %add3A_573, %unpack3A_580 : vector<16xf32>
        %add3A_583 = arith.constant 18 : i32
        %add3A_584 = arith.addi %add3A_202, %add3A_583 : i32
        %get3A_585 = arith.index_cast %add3A_584 : i32 to index
        %get3A_586 = arith.constant 32 : index
        %get3A_587 = tpu.vector_load %arg7[%get3A_585, %get3A_586] {strides = array<i32>} : memref<2000x64xbf16, #tpu.memory_space<vmem>>, vector<32xbf16>,
        %unpack3A_588 = tpu.unpack_subelements %get3A_587, 0 {pack_format = #tpu.pack_format<interleaved>} : vector<32xbf16> -> vector<16xf32>
        %unpack3A_589 = tpu.unpack_subelements %get3A_587, 1 {pack_format = #tpu.pack_format<interleaved>} : vector<32xbf16> -> vector<16xf32>
        %add3A_590 = arith.addf %add3A_581, %unpack3A_588 : vector<16xf32>
        %add3A_591 = arith.addf %add3A_582, %unpack3A_589 : vector<16xf32>
        %add3A_592 = arith.constant 19 : i32
        %add3A_593 = arith.addi %add3A_202, %add3A_592 : i32
        %get3A_594 = arith.index_cast %add3A_593 : i32 to index
        %get3A_595 = arith.constant 32 : index
        %get3A_596 = tpu.vector_load %arg7[%get3A_594, %get3A_595] {strides = array<i32>} : memref<2000x64xbf16, #tpu.memory_space<vmem>>, vector<32xbf16>,
        %unpack3A_597 = tpu.unpack_subelements %get3A_596, 0 {pack_format = #tpu.pack_format<interleaved>} : vector<32xbf16> -> vector<16xf32>
        %unpack3A_598 = tpu.unpack_subelements %get3A_596, 1 {pack_format = #tpu.pack_format<interleaved>} : vector<32xbf16> -> vector<16xf32>
        %add3A_599 = arith.addf %add3A_590, %unpack3A_597 : vector<16xf32>
        %add3A_600 = arith.addf %add3A_591, %unpack3A_598 : vector<16xf32>
        %mul3A_601 = arith.constant 64 : i32
        %mul3A_602 = arith.muli %add3A_198, %mul3A_601 : i32
        %add3A_603 = arith.constant 3200 : i32
        %add3A_604 = arith.addi %add3A_603, %mul3A_602 : i32
        %add3A_605 = arith.constant 32 : i32
        %add3A_606 = arith.addi %add3A_604, %add3A_605 : i32
        %add3A_607 = vector.broadcast %add3A_606 : i32 to vector<16xi32>
        %add3A_608 = arith.addi %mul3A_174, %add3A_607 : vector<16xi32>
        tpu.vector_store_idx %arg9[%add3A_608], %add3A_599 : memref<6400xf32, #tpu.memory_space<vmem>>[vector<16xi32>], vector<16xf32>,
        %add3A_609 = arith.constant 1 : i32
        %add3A_610 = arith.addi %add3A_606, %add3A_609 : i32
        %add3A_611 = vector.broadcast %add3A_610 : i32 to vector<16xi32>
        %add3A_612 = arith.addi %mul3A_174, %add3A_611 : vector<16xi32>
        tpu.vector_store_idx %arg9[%add3A_612], %add3A_600 : memref<6400xf32, #tpu.memory_space<vmem>>[vector<16xi32>], vector<16xf32>,
        %mul3A_613 = arith.constant 5 : i32
        %mul3A_614 = arith.muli %scan3A_194, %mul3A_613 : i32
        %add3A_615 = arith.constant 1 : i32
        %add3A_616 = arith.addi %mul3A_614, %add3A_615 : i32
        %mul3A_617 = arith.constant 20 : i32
        %mul3A_618 = arith.muli %add3A_616, %mul3A_617 : i32
        %add3A_619 = arith.constant 1000 : i32
        %add3A_620 = arith.addi %add3A_619, %mul3A_618 : i32
        %mul3A_621 = arith.constant 64 : i32
        %mul3A_622 = arith.muli %add3A_616, %mul3A_621 : i32
        %add3A_623 = arith.constant 0 : i32
        %add3A_624 = arith.addi %mul3A_622, %add3A_623 : i32
        %get3A_625 = arith.index_cast %add3A_624 : i32 to index
        %get3A_626 = tpu.vector_load %arg8[%get3A_625] {strides = array<i32>} : memref<3584xf32, #tpu.memory_space<vmem>>, vector<16xf32>,
        %mul3A_627 = arith.constant 64 : i32
        %mul3A_628 = arith.muli %add3A_616, %mul3A_627 : i32
        %add3A_629 = arith.constant 0 : i32
        %add3A_630 = arith.addi %mul3A_628, %add3A_629 : i32
        %add3A_631 = arith.constant 16 : i32
        %add3A_632 = arith.addi %add3A_630, %add3A_631 : i32
        %get3A_633 = arith.index_cast %add3A_632 : i32 to index
        %get3A_634 = tpu.vector_load %arg8[%get3A_633] {strides = array<i32>} : memref<3584xf32, #tpu.memory_space<vmem>>, vector<16xf32>,
        %add3A_635 = arith.constant 0 : i32
        %add3A_636 = arith.addi %add3A_620, %add3A_635 : i32
        %get3A_637 = arith.index_cast %add3A_636 : i32 to index
        %get3A_638 = arith.constant 0 : index
        %get3A_639 = tpu.vector_load %arg7[%get3A_637, %get3A_638] {strides = array<i32>} : memref<2000x64xbf16, #tpu.memory_space<vmem>>, vector<32xbf16>,
        %unpack3A_640 = tpu.unpack_subelements %get3A_639, 0 {pack_format = #tpu.pack_format<interleaved>} : vector<32xbf16> -> vector<16xf32>
        %unpack3A_641 = tpu.unpack_subelements %get3A_639, 1 {pack_format = #tpu.pack_format<interleaved>} : vector<32xbf16> -> vector<16xf32>
        %add3A_642 = arith.addf %get3A_626, %unpack3A_640 : vector<16xf32>
        %add3A_643 = arith.addf %get3A_634, %unpack3A_641 : vector<16xf32>
        %add3A_644 = arith.constant 1 : i32
        %add3A_645 = arith.addi %add3A_620, %add3A_644 : i32
        %get3A_646 = arith.index_cast %add3A_645 : i32 to index
        %get3A_647 = arith.constant 0 : index
        %get3A_648 = tpu.vector_load %arg7[%get3A_646, %get3A_647] {strides = array<i32>} : memref<2000x64xbf16, #tpu.memory_space<vmem>>, vector<32xbf16>,
        %unpack3A_649 = tpu.unpack_subelements %get3A_648, 0 {pack_format = #tpu.pack_format<interleaved>} : vector<32xbf16> -> vector<16xf32>
        %unpack3A_650 = tpu.unpack_subelements %get3A_648, 1 {pack_format = #tpu.pack_format<interleaved>} : vector<32xbf16> -> vector<16xf32>
        %add3A_651 = arith.addf %add3A_642, %unpack3A_649 : vector<16xf32>
        %add3A_652 = arith.addf %add3A_643, %unpack3A_650 : vector<16xf32>
        %add3A_653 = arith.constant 2 : i32
        %add3A_654 = arith.addi %add3A_620, %add3A_653 : i32
        %get3A_655 = arith.index_cast %add3A_654 : i32 to index
        %get3A_656 = arith.constant 0 : index
        %get3A_657 = tpu.vector_load %arg7[%get3A_655, %get3A_656] {strides = array<i32>} : memref<2000x64xbf16, #tpu.memory_space<vmem>>, vector<32xbf16>,
        %unpack3A_658 = tpu.unpack_subelements %get3A_657, 0 {pack_format = #tpu.pack_format<interleaved>} : vector<32xbf16> -> vector<16xf32>
        %unpack3A_659 = tpu.unpack_subelements %get3A_657, 1 {pack_format = #tpu.pack_format<interleaved>} : vector<32xbf16> -> vector<16xf32>
        %add3A_660 = arith.addf %add3A_651, %unpack3A_658 : vector<16xf32>
        %add3A_661 = arith.addf %add3A_652, %unpack3A_659 : vector<16xf32>
        %add3A_662 = arith.constant 3 : i32
        %add3A_663 = arith.addi %add3A_620, %add3A_662 : i32
        %get3A_664 = arith.index_cast %add3A_663 : i32 to index
        %get3A_665 = arith.constant 0 : index
        %get3A_666 = tpu.vector_load %arg7[%get3A_664, %get3A_665] {strides = array<i32>} : memref<2000x64xbf16, #tpu.memory_space<vmem>>, vector<32xbf16>,
        %unpack3A_667 = tpu.unpack_subelements %get3A_666, 0 {pack_format = #tpu.pack_format<interleaved>} : vector<32xbf16> -> vector<16xf32>
        %unpack3A_668 = tpu.unpack_subelements %get3A_666, 1 {pack_format = #tpu.pack_format<interleaved>} : vector<32xbf16> -> vector<16xf32>
        %add3A_669 = arith.addf %add3A_660, %unpack3A_667 : vector<16xf32>
        %add3A_670 = arith.addf %add3A_661, %unpack3A_668 : vector<16xf32>
        %add3A_671 = arith.constant 4 : i32
        %add3A_672 = arith.addi %add3A_620, %add3A_671 : i32
        %get3A_673 = arith.index_cast %add3A_672 : i32 to index
        %get3A_674 = arith.constant 0 : index
        %get3A_675 = tpu.vector_load %arg7[%get3A_673, %get3A_674] {strides = array<i32>} : memref<2000x64xbf16, #tpu.memory_space<vmem>>, vector<32xbf16>,
        %unpack3A_676 = tpu.unpack_subelements %get3A_675, 0 {pack_format = #tpu.pack_format<interleaved>} : vector<32xbf16> -> vector<16xf32>
        %unpack3A_677 = tpu.unpack_subelements %get3A_675, 1 {pack_format = #tpu.pack_format<interleaved>} : vector<32xbf16> -> vector<16xf32>
        %add3A_678 = arith.addf %add3A_669, %unpack3A_676 : vector<16xf32>
        %add3A_679 = arith.addf %add3A_670, %unpack3A_677 : vector<16xf32>
        %add3A_680 = arith.constant 5 : i32
        %add3A_681 = arith.addi %add3A_620, %add3A_680 : i32
        %get3A_682 = arith.index_cast %add3A_681 : i32 to index
        %get3A_683 = arith.constant 0 : index
        %get3A_684 = tpu.vector_load %arg7[%get3A_682, %get3A_683] {strides = array<i32>} : memref<2000x64xbf16, #tpu.memory_space<vmem>>, vector<32xbf16>,
        %unpack3A_685 = tpu.unpack_subelements %get3A_684, 0 {pack_format = #tpu.pack_format<interleaved>} : vector<32xbf16> -> vector<16xf32>
        %unpack3A_686 = tpu.unpack_subelements %get3A_684, 1 {pack_format = #tpu.pack_format<interleaved>} : vector<32xbf16> -> vector<16xf32>
        %add3A_687 = arith.addf %add3A_678, %unpack3A_685 : vector<16xf32>
        %add3A_688 = arith.addf %add3A_679, %unpack3A_686 : vector<16xf32>
        %add3A_689 = arith.constant 6 : i32
        %add3A_690 = arith.addi %add3A_620, %add3A_689 : i32
        %get3A_691 = arith.index_cast %add3A_690 : i32 to index
        %get3A_692 = arith.constant 0 : index
        %get3A_693 = tpu.vector_load %arg7[%get3A_691, %get3A_692] {strides = array<i32>} : memref<2000x64xbf16, #tpu.memory_space<vmem>>, vector<32xbf16>,
        %unpack3A_694 = tpu.unpack_subelements %get3A_693, 0 {pack_format = #tpu.pack_format<interleaved>} : vector<32xbf16> -> vector<16xf32>
        %unpack3A_695 = tpu.unpack_subelements %get3A_693, 1 {pack_format = #tpu.pack_format<interleaved>} : vector<32xbf16> -> vector<16xf32>
        %add3A_696 = arith.addf %add3A_687, %unpack3A_694 : vector<16xf32>
        %add3A_697 = arith.addf %add3A_688, %unpack3A_695 : vector<16xf32>
        %add3A_698 = arith.constant 7 : i32
        %add3A_699 = arith.addi %add3A_620, %add3A_698 : i32
        %get3A_700 = arith.index_cast %add3A_699 : i32 to index
        %get3A_701 = arith.constant 0 : index
        %get3A_702 = tpu.vector_load %arg7[%get3A_700, %get3A_701] {strides = array<i32>} : memref<2000x64xbf16, #tpu.memory_space<vmem>>, vector<32xbf16>,
        %unpack3A_703 = tpu.unpack_subelements %get3A_702, 0 {pack_format = #tpu.pack_format<interleaved>} : vector<32xbf16> -> vector<16xf32>
        %unpack3A_704 = tpu.unpack_subelements %get3A_702, 1 {pack_format = #tpu.pack_format<interleaved>} : vector<32xbf16> -> vector<16xf32>
        %add3A_705 = arith.addf %add3A_696, %unpack3A_703 : vector<16xf32>
        %add3A_706 = arith.addf %add3A_697, %unpack3A_704 : vector<16xf32>
        %add3A_707 = arith.constant 8 : i32
        %add3A_708 = arith.addi %add3A_620, %add3A_707 : i32
        %get3A_709 = arith.index_cast %add3A_708 : i32 to index
        %get3A_710 = arith.constant 0 : index
        %get3A_711 = tpu.vector_load %arg7[%get3A_709, %get3A_710] {strides = array<i32>} : memref<2000x64xbf16, #tpu.memory_space<vmem>>, vector<32xbf16>,
        %unpack3A_712 = tpu.unpack_subelements %get3A_711, 0 {pack_format = #tpu.pack_format<interleaved>} : vector<32xbf16> -> vector<16xf32>
        %unpack3A_713 = tpu.unpack_subelements %get3A_711, 1 {pack_format = #tpu.pack_format<interleaved>} : vector<32xbf16> -> vector<16xf32>
        %add3A_714 = arith.addf %add3A_705, %unpack3A_712 : vector<16xf32>
        %add3A_715 = arith.addf %add3A_706, %unpack3A_713 : vector<16xf32>
        %add3A_716 = arith.constant 9 : i32
        %add3A_717 = arith.addi %add3A_620, %add3A_716 : i32
        %get3A_718 = arith.index_cast %add3A_717 : i32 to index
        %get3A_719 = arith.constant 0 : index
        %get3A_720 = tpu.vector_load %arg7[%get3A_718, %get3A_719] {strides = array<i32>} : memref<2000x64xbf16, #tpu.memory_space<vmem>>, vector<32xbf16>,
        %unpack3A_721 = tpu.unpack_subelements %get3A_720, 0 {pack_format = #tpu.pack_format<interleaved>} : vector<32xbf16> -> vector<16xf32>
        %unpack3A_722 = tpu.unpack_subelements %get3A_720, 1 {pack_format = #tpu.pack_format<interleaved>} : vector<32xbf16> -> vector<16xf32>
        %add3A_723 = arith.addf %add3A_714, %unpack3A_721 : vector<16xf32>
        %add3A_724 = arith.addf %add3A_715, %unpack3A_722 : vector<16xf32>
        %add3A_725 = arith.constant 10 : i32
        %add3A_726 = arith.addi %add3A_620, %add3A_725 : i32
        %get3A_727 = arith.index_cast %add3A_726 : i32 to index
        %get3A_728 = arith.constant 0 : index
        %get3A_729 = tpu.vector_load %arg7[%get3A_727, %get3A_728] {strides = array<i32>} : memref<2000x64xbf16, #tpu.memory_space<vmem>>, vector<32xbf16>,
        %unpack3A_730 = tpu.unpack_subelements %get3A_729, 0 {pack_format = #tpu.pack_format<interleaved>} : vector<32xbf16> -> vector<16xf32>
        %unpack3A_731 = tpu.unpack_subelements %get3A_729, 1 {pack_format = #tpu.pack_format<interleaved>} : vector<32xbf16> -> vector<16xf32>
        %add3A_732 = arith.addf %add3A_723, %unpack3A_730 : vector<16xf32>
        %add3A_733 = arith.addf %add3A_724, %unpack3A_731 : vector<16xf32>
        %add3A_734 = arith.constant 11 : i32
        %add3A_735 = arith.addi %add3A_620, %add3A_734 : i32
        %get3A_736 = arith.index_cast %add3A_735 : i32 to index
        %get3A_737 = arith.constant 0 : index
        %get3A_738 = tpu.vector_load %arg7[%get3A_736, %get3A_737] {strides = array<i32>} : memref<2000x64xbf16, #tpu.memory_space<vmem>>, vector<32xbf16>,
        %unpack3A_739 = tpu.unpack_subelements %get3A_738, 0 {pack_format = #tpu.pack_format<interleaved>} : vector<32xbf16> -> vector<16xf32>
        %unpack3A_740 = tpu.unpack_subelements %get3A_738, 1 {pack_format = #tpu.pack_format<interleaved>} : vector<32xbf16> -> vector<16xf32>
        %add3A_741 = arith.addf %add3A_732, %unpack3A_739 : vector<16xf32>
        %add3A_742 = arith.addf %add3A_733, %unpack3A_740 : vector<16xf32>
        %add3A_743 = arith.constant 12 : i32
        %add3A_744 = arith.addi %add3A_620, %add3A_743 : i32
        %get3A_745 = arith.index_cast %add3A_744 : i32 to index
        %get3A_746 = arith.constant 0 : index
        %get3A_747 = tpu.vector_load %arg7[%get3A_745, %get3A_746] {strides = array<i32>} : memref<2000x64xbf16, #tpu.memory_space<vmem>>, vector<32xbf16>,
        %unpack3A_748 = tpu.unpack_subelements %get3A_747, 0 {pack_format = #tpu.pack_format<interleaved>} : vector<32xbf16> -> vector<16xf32>
        %unpack3A_749 = tpu.unpack_subelements %get3A_747, 1 {pack_format = #tpu.pack_format<interleaved>} : vector<32xbf16> -> vector<16xf32>
        %add3A_750 = arith.addf %add3A_741, %unpack3A_748 : vector<16xf32>
        %add3A_751 = arith.addf %add3A_742, %unpack3A_749 : vector<16xf32>
        %add3A_752 = arith.constant 13 : i32
        %add3A_753 = arith.addi %add3A_620, %add3A_752 : i32
        %get3A_754 = arith.index_cast %add3A_753 : i32 to index
        %get3A_755 = arith.constant 0 : index
        %get3A_756 = tpu.vector_load %arg7[%get3A_754, %get3A_755] {strides = array<i32>} : memref<2000x64xbf16, #tpu.memory_space<vmem>>, vector<32xbf16>,
        %unpack3A_757 = tpu.unpack_subelements %get3A_756, 0 {pack_format = #tpu.pack_format<interleaved>} : vector<32xbf16> -> vector<16xf32>
        %unpack3A_758 = tpu.unpack_subelements %get3A_756, 1 {pack_format = #tpu.pack_format<interleaved>} : vector<32xbf16> -> vector<16xf32>
        %add3A_759 = arith.addf %add3A_750, %unpack3A_757 : vector<16xf32>
        %add3A_760 = arith.addf %add3A_751, %unpack3A_758 : vector<16xf32>
        %add3A_761 = arith.constant 14 : i32
        %add3A_762 = arith.addi %add3A_620, %add3A_761 : i32
        %get3A_763 = arith.index_cast %add3A_762 : i32 to index
        %get3A_764 = arith.constant 0 : index
        %get3A_765 = tpu.vector_load %arg7[%get3A_763, %get3A_764] {strides = array<i32>} : memref<2000x64xbf16, #tpu.memory_space<vmem>>, vector<32xbf16>,
        %unpack3A_766 = tpu.unpack_subelements %get3A_765, 0 {pack_format = #tpu.pack_format<interleaved>} : vector<32xbf16> -> vector<16xf32>
        %unpack3A_767 = tpu.unpack_subelements %get3A_765, 1 {pack_format = #tpu.pack_format<interleaved>} : vector<32xbf16> -> vector<16xf32>
        %add3A_768 = arith.addf %add3A_759, %unpack3A_766 : vector<16xf32>
        %add3A_769 = arith.addf %add3A_760, %unpack3A_767 : vector<16xf32>
        %add3A_770 = arith.constant 15 : i32
        %add3A_771 = arith.addi %add3A_620, %add3A_770 : i32
        %get3A_772 = arith.index_cast %add3A_771 : i32 to index
        %get3A_773 = arith.constant 0 : index
        %get3A_774 = tpu.vector_load %arg7[%get3A_772, %get3A_773] {strides = array<i32>} : memref<2000x64xbf16, #tpu.memory_space<vmem>>, vector<32xbf16>,
        %unpack3A_775 = tpu.unpack_subelements %get3A_774, 0 {pack_format = #tpu.pack_format<interleaved>} : vector<32xbf16> -> vector<16xf32>
        %unpack3A_776 = tpu.unpack_subelements %get3A_774, 1 {pack_format = #tpu.pack_format<interleaved>} : vector<32xbf16> -> vector<16xf32>
        %add3A_777 = arith.addf %add3A_768, %unpack3A_775 : vector<16xf32>
        %add3A_778 = arith.addf %add3A_769, %unpack3A_776 : vector<16xf32>
        %add3A_779 = arith.constant 16 : i32
        %add3A_780 = arith.addi %add3A_620, %add3A_779 : i32
        %get3A_781 = arith.index_cast %add3A_780 : i32 to index
        %get3A_782 = arith.constant 0 : index
        %get3A_783 = tpu.vector_load %arg7[%get3A_781, %get3A_782] {strides = array<i32>} : memref<2000x64xbf16, #tpu.memory_space<vmem>>, vector<32xbf16>,
        %unpack3A_784 = tpu.unpack_subelements %get3A_783, 0 {pack_format = #tpu.pack_format<interleaved>} : vector<32xbf16> -> vector<16xf32>
        %unpack3A_785 = tpu.unpack_subelements %get3A_783, 1 {pack_format = #tpu.pack_format<interleaved>} : vector<32xbf16> -> vector<16xf32>
        %add3A_786 = arith.addf %add3A_777, %unpack3A_784 : vector<16xf32>
        %add3A_787 = arith.addf %add3A_778, %unpack3A_785 : vector<16xf32>
        %add3A_788 = arith.constant 17 : i32
        %add3A_789 = arith.addi %add3A_620, %add3A_788 : i32
        %get3A_790 = arith.index_cast %add3A_789 : i32 to index
        %get3A_791 = arith.constant 0 : index
        %get3A_792 = tpu.vector_load %arg7[%get3A_790, %get3A_791] {strides = array<i32>} : memref<2000x64xbf16, #tpu.memory_space<vmem>>, vector<32xbf16>,
        %unpack3A_793 = tpu.unpack_subelements %get3A_792, 0 {pack_format = #tpu.pack_format<interleaved>} : vector<32xbf16> -> vector<16xf32>
        %unpack3A_794 = tpu.unpack_subelements %get3A_792, 1 {pack_format = #tpu.pack_format<interleaved>} : vector<32xbf16> -> vector<16xf32>
        %add3A_795 = arith.addf %add3A_786, %unpack3A_793 : vector<16xf32>
        %add3A_796 = arith.addf %add3A_787, %unpack3A_794 : vector<16xf32>
        %add3A_797 = arith.constant 18 : i32
        %add3A_798 = arith.addi %add3A_620, %add3A_797 : i32
        %get3A_799 = arith.index_cast %add3A_798 : i32 to index
        %get3A_800 = arith.constant 0 : index
        %get3A_801 = tpu.vector_load %arg7[%get3A_799, %get3A_800] {strides = array<i32>} : memref<2000x64xbf16, #tpu.memory_space<vmem>>, vector<32xbf16>,
        %unpack3A_802 = tpu.unpack_subelements %get3A_801, 0 {pack_format = #tpu.pack_format<interleaved>} : vector<32xbf16> -> vector<16xf32>
        %unpack3A_803 = tpu.unpack_subelements %get3A_801, 1 {pack_format = #tpu.pack_format<interleaved>} : vector<32xbf16> -> vector<16xf32>
        %add3A_804 = arith.addf %add3A_795, %unpack3A_802 : vector<16xf32>
        %add3A_805 = arith.addf %add3A_796, %unpack3A_803 : vector<16xf32>
        %add3A_806 = arith.constant 19 : i32
        %add3A_807 = arith.addi %add3A_620, %add3A_806 : i32
        %get3A_808 = arith.index_cast %add3A_807 : i32 to index
        %get3A_809 = arith.constant 0 : index
        %get3A_810 = tpu.vector_load %arg7[%get3A_808, %get3A_809] {strides = array<i32>} : memref<2000x64xbf16, #tpu.memory_space<vmem>>, vector<32xbf16>,
        %unpack3A_811 = tpu.unpack_subelements %get3A_810, 0 {pack_format = #tpu.pack_format<interleaved>} : vector<32xbf16> -> vector<16xf32>
        %unpack3A_812 = tpu.unpack_subelements %get3A_810, 1 {pack_format = #tpu.pack_format<interleaved>} : vector<32xbf16> -> vector<16xf32>
        %add3A_813 = arith.addf %add3A_804, %unpack3A_811 : vector<16xf32>
        %add3A_814 = arith.addf %add3A_805, %unpack3A_812 : vector<16xf32>
        %mul3A_815 = arith.constant 64 : i32
        %mul3A_816 = arith.muli %add3A_616, %mul3A_815 : i32
        %add3A_817 = arith.constant 3200 : i32
        %add3A_818 = arith.addi %add3A_817, %mul3A_816 : i32
        %add3A_819 = arith.constant 0 : i32
        %add3A_820 = arith.addi %add3A_818, %add3A_819 : i32
        %add3A_821 = vector.broadcast %add3A_820 : i32 to vector<16xi32>
        %add3A_822 = arith.addi %mul3A_174, %add3A_821 : vector<16xi32>
        tpu.vector_store_idx %arg9[%add3A_822], %add3A_813 : memref<6400xf32, #tpu.memory_space<vmem>>[vector<16xi32>], vector<16xf32>,
        %add3A_823 = arith.constant 1 : i32
        %add3A_824 = arith.addi %add3A_820, %add3A_823 : i32
        %add3A_825 = vector.broadcast %add3A_824 : i32 to vector<16xi32>
        %add3A_826 = arith.addi %mul3A_174, %add3A_825 : vector<16xi32>
        tpu.vector_store_idx %arg9[%add3A_826], %add3A_814 : memref<6400xf32, #tpu.memory_space<vmem>>[vector<16xi32>], vector<16xf32>,
        %mul3A_827 = arith.constant 64 : i32
        %mul3A_828 = arith.muli %add3A_616, %mul3A_827 : i32
        %add3A_829 = arith.constant 32 : i32
        %add3A_830 = arith.addi %mul3A_828, %add3A_829 : i32
        %get3A_831 = arith.index_cast %add3A_830 : i32 to index
        %get3A_832 = tpu.vector_load %arg8[%get3A_831] {strides = array<i32>} : memref<3584xf32, #tpu.memory_space<vmem>>, vector<16xf32>,
        %mul3A_833 = arith.constant 64 : i32
        %mul3A_834 = arith.muli %add3A_616, %mul3A_833 : i32
        %add3A_835 = arith.constant 32 : i32
        %add3A_836 = arith.addi %mul3A_834, %add3A_835 : i32
        %add3A_837 = arith.constant 16 : i32
        %add3A_838 = arith.addi %add3A_836, %add3A_837 : i32
        %get3A_839 = arith.index_cast %add3A_838 : i32 to index
        %get3A_840 = tpu.vector_load %arg8[%get3A_839] {strides = array<i32>} : memref<3584xf32, #tpu.memory_space<vmem>>, vector<16xf32>,
        %add3A_841 = arith.constant 0 : i32
        %add3A_842 = arith.addi %add3A_620, %add3A_841 : i32
        %get3A_843 = arith.index_cast %add3A_842 : i32 to index
        %get3A_844 = arith.constant 32 : index
        %get3A_845 = tpu.vector_load %arg7[%get3A_843, %get3A_844] {strides = array<i32>} : memref<2000x64xbf16, #tpu.memory_space<vmem>>, vector<32xbf16>,
        %unpack3A_846 = tpu.unpack_subelements %get3A_845, 0 {pack_format = #tpu.pack_format<interleaved>} : vector<32xbf16> -> vector<16xf32>
        %unpack3A_847 = tpu.unpack_subelements %get3A_845, 1 {pack_format = #tpu.pack_format<interleaved>} : vector<32xbf16> -> vector<16xf32>
        %add3A_848 = arith.addf %get3A_832, %unpack3A_846 : vector<16xf32>
        %add3A_849 = arith.addf %get3A_840, %unpack3A_847 : vector<16xf32>
        %add3A_850 = arith.constant 1 : i32
        %add3A_851 = arith.addi %add3A_620, %add3A_850 : i32
        %get3A_852 = arith.index_cast %add3A_851 : i32 to index
        %get3A_853 = arith.constant 32 : index
        %get3A_854 = tpu.vector_load %arg7[%get3A_852, %get3A_853] {strides = array<i32>} : memref<2000x64xbf16, #tpu.memory_space<vmem>>, vector<32xbf16>,
        %unpack3A_855 = tpu.unpack_subelements %get3A_854, 0 {pack_format = #tpu.pack_format<interleaved>} : vector<32xbf16> -> vector<16xf32>
        %unpack3A_856 = tpu.unpack_subelements %get3A_854, 1 {pack_format = #tpu.pack_format<interleaved>} : vector<32xbf16> -> vector<16xf32>
        %add3A_857 = arith.addf %add3A_848, %unpack3A_855 : vector<16xf32>
        %add3A_858 = arith.addf %add3A_849, %unpack3A_856 : vector<16xf32>
        %add3A_859 = arith.constant 2 : i32
        %add3A_860 = arith.addi %add3A_620, %add3A_859 : i32
        %get3A_861 = arith.index_cast %add3A_860 : i32 to index
        %get3A_862 = arith.constant 32 : index
        %get3A_863 = tpu.vector_load %arg7[%get3A_861, %get3A_862] {strides = array<i32>} : memref<2000x64xbf16, #tpu.memory_space<vmem>>, vector<32xbf16>,
        %unpack3A_864 = tpu.unpack_subelements %get3A_863, 0 {pack_format = #tpu.pack_format<interleaved>} : vector<32xbf16> -> vector<16xf32>
        %unpack3A_865 = tpu.unpack_subelements %get3A_863, 1 {pack_format = #tpu.pack_format<interleaved>} : vector<32xbf16> -> vector<16xf32>
        %add3A_866 = arith.addf %add3A_857, %unpack3A_864 : vector<16xf32>
        %add3A_867 = arith.addf %add3A_858, %unpack3A_865 : vector<16xf32>
        %add3A_868 = arith.constant 3 : i32
        %add3A_869 = arith.addi %add3A_620, %add3A_868 : i32
        %get3A_870 = arith.index_cast %add3A_869 : i32 to index
        %get3A_871 = arith.constant 32 : index
        %get3A_872 = tpu.vector_load %arg7[%get3A_870, %get3A_871] {strides = array<i32>} : memref<2000x64xbf16, #tpu.memory_space<vmem>>, vector<32xbf16>,
        %unpack3A_873 = tpu.unpack_subelements %get3A_872, 0 {pack_format = #tpu.pack_format<interleaved>} : vector<32xbf16> -> vector<16xf32>
        %unpack3A_874 = tpu.unpack_subelements %get3A_872, 1 {pack_format = #tpu.pack_format<interleaved>} : vector<32xbf16> -> vector<16xf32>
        %add3A_875 = arith.addf %add3A_866, %unpack3A_873 : vector<16xf32>
        %add3A_876 = arith.addf %add3A_867, %unpack3A_874 : vector<16xf32>
        %add3A_877 = arith.constant 4 : i32
        %add3A_878 = arith.addi %add3A_620, %add3A_877 : i32
        %get3A_879 = arith.index_cast %add3A_878 : i32 to index
        %get3A_880 = arith.constant 32 : index
        %get3A_881 = tpu.vector_load %arg7[%get3A_879, %get3A_880] {strides = array<i32>} : memref<2000x64xbf16, #tpu.memory_space<vmem>>, vector<32xbf16>,
        %unpack3A_882 = tpu.unpack_subelements %get3A_881, 0 {pack_format = #tpu.pack_format<interleaved>} : vector<32xbf16> -> vector<16xf32>
        %unpack3A_883 = tpu.unpack_subelements %get3A_881, 1 {pack_format = #tpu.pack_format<interleaved>} : vector<32xbf16> -> vector<16xf32>
        %add3A_884 = arith.addf %add3A_875, %unpack3A_882 : vector<16xf32>
        %add3A_885 = arith.addf %add3A_876, %unpack3A_883 : vector<16xf32>
        %add3A_886 = arith.constant 5 : i32
        %add3A_887 = arith.addi %add3A_620, %add3A_886 : i32
        %get3A_888 = arith.index_cast %add3A_887 : i32 to index
        %get3A_889 = arith.constant 32 : index
        %get3A_890 = tpu.vector_load %arg7[%get3A_888, %get3A_889] {strides = array<i32>} : memref<2000x64xbf16, #tpu.memory_space<vmem>>, vector<32xbf16>,
        %unpack3A_891 = tpu.unpack_subelements %get3A_890, 0 {pack_format = #tpu.pack_format<interleaved>} : vector<32xbf16> -> vector<16xf32>
        %unpack3A_892 = tpu.unpack_subelements %get3A_890, 1 {pack_format = #tpu.pack_format<interleaved>} : vector<32xbf16> -> vector<16xf32>
        %add3A_893 = arith.addf %add3A_884, %unpack3A_891 : vector<16xf32>
        %add3A_894 = arith.addf %add3A_885, %unpack3A_892 : vector<16xf32>
        %add3A_895 = arith.constant 6 : i32
        %add3A_896 = arith.addi %add3A_620, %add3A_895 : i32
        %get3A_897 = arith.index_cast %add3A_896 : i32 to index
        %get3A_898 = arith.constant 32 : index
        %get3A_899 = tpu.vector_load %arg7[%get3A_897, %get3A_898] {strides = array<i32>} : memref<2000x64xbf16, #tpu.memory_space<vmem>>, vector<32xbf16>,
        %unpack3A_900 = tpu.unpack_subelements %get3A_899, 0 {pack_format = #tpu.pack_format<interleaved>} : vector<32xbf16> -> vector<16xf32>
        %unpack3A_901 = tpu.unpack_subelements %get3A_899, 1 {pack_format = #tpu.pack_format<interleaved>} : vector<32xbf16> -> vector<16xf32>
        %add3A_902 = arith.addf %add3A_893, %unpack3A_900 : vector<16xf32>
        %add3A_903 = arith.addf %add3A_894, %unpack3A_901 : vector<16xf32>
        %add3A_904 = arith.constant 7 : i32
        %add3A_905 = arith.addi %add3A_620, %add3A_904 : i32
        %get3A_906 = arith.index_cast %add3A_905 : i32 to index
        %get3A_907 = arith.constant 32 : index
        %get3A_908 = tpu.vector_load %arg7[%get3A_906, %get3A_907] {strides = array<i32>} : memref<2000x64xbf16, #tpu.memory_space<vmem>>, vector<32xbf16>,
        %unpack3A_909 = tpu.unpack_subelements %get3A_908, 0 {pack_format = #tpu.pack_format<interleaved>} : vector<32xbf16> -> vector<16xf32>
        %unpack3A_910 = tpu.unpack_subelements %get3A_908, 1 {pack_format = #tpu.pack_format<interleaved>} : vector<32xbf16> -> vector<16xf32>
        %add3A_911 = arith.addf %add3A_902, %unpack3A_909 : vector<16xf32>
        %add3A_912 = arith.addf %add3A_903, %unpack3A_910 : vector<16xf32>
        %add3A_913 = arith.constant 8 : i32
        %add3A_914 = arith.addi %add3A_620, %add3A_913 : i32
        %get3A_915 = arith.index_cast %add3A_914 : i32 to index
        %get3A_916 = arith.constant 32 : index
        %get3A_917 = tpu.vector_load %arg7[%get3A_915, %get3A_916] {strides = array<i32>} : memref<2000x64xbf16, #tpu.memory_space<vmem>>, vector<32xbf16>,
        %unpack3A_918 = tpu.unpack_subelements %get3A_917, 0 {pack_format = #tpu.pack_format<interleaved>} : vector<32xbf16> -> vector<16xf32>
        %unpack3A_919 = tpu.unpack_subelements %get3A_917, 1 {pack_format = #tpu.pack_format<interleaved>} : vector<32xbf16> -> vector<16xf32>
        %add3A_920 = arith.addf %add3A_911, %unpack3A_918 : vector<16xf32>
        %add3A_921 = arith.addf %add3A_912, %unpack3A_919 : vector<16xf32>
        %add3A_922 = arith.constant 9 : i32
        %add3A_923 = arith.addi %add3A_620, %add3A_922 : i32
        %get3A_924 = arith.index_cast %add3A_923 : i32 to index
        %get3A_925 = arith.constant 32 : index
        %get3A_926 = tpu.vector_load %arg7[%get3A_924, %get3A_925] {strides = array<i32>} : memref<2000x64xbf16, #tpu.memory_space<vmem>>, vector<32xbf16>,
        %unpack3A_927 = tpu.unpack_subelements %get3A_926, 0 {pack_format = #tpu.pack_format<interleaved>} : vector<32xbf16> -> vector<16xf32>
        %unpack3A_928 = tpu.unpack_subelements %get3A_926, 1 {pack_format = #tpu.pack_format<interleaved>} : vector<32xbf16> -> vector<16xf32>
        %add3A_929 = arith.addf %add3A_920, %unpack3A_927 : vector<16xf32>
        %add3A_930 = arith.addf %add3A_921, %unpack3A_928 : vector<16xf32>
        %add3A_931 = arith.constant 10 : i32
        %add3A_932 = arith.addi %add3A_620, %add3A_931 : i32
        %get3A_933 = arith.index_cast %add3A_932 : i32 to index
        %get3A_934 = arith.constant 32 : index
        %get3A_935 = tpu.vector_load %arg7[%get3A_933, %get3A_934] {strides = array<i32>} : memref<2000x64xbf16, #tpu.memory_space<vmem>>, vector<32xbf16>,
        %unpack3A_936 = tpu.unpack_subelements %get3A_935, 0 {pack_format = #tpu.pack_format<interleaved>} : vector<32xbf16> -> vector<16xf32>
        %unpack3A_937 = tpu.unpack_subelements %get3A_935, 1 {pack_format = #tpu.pack_format<interleaved>} : vector<32xbf16> -> vector<16xf32>
        %add3A_938 = arith.addf %add3A_929, %unpack3A_936 : vector<16xf32>
        %add3A_939 = arith.addf %add3A_930, %unpack3A_937 : vector<16xf32>
        %add3A_940 = arith.constant 11 : i32
        %add3A_941 = arith.addi %add3A_620, %add3A_940 : i32
        %get3A_942 = arith.index_cast %add3A_941 : i32 to index
        %get3A_943 = arith.constant 32 : index
        %get3A_944 = tpu.vector_load %arg7[%get3A_942, %get3A_943] {strides = array<i32>} : memref<2000x64xbf16, #tpu.memory_space<vmem>>, vector<32xbf16>,
        %unpack3A_945 = tpu.unpack_subelements %get3A_944, 0 {pack_format = #tpu.pack_format<interleaved>} : vector<32xbf16> -> vector<16xf32>
        %unpack3A_946 = tpu.unpack_subelements %get3A_944, 1 {pack_format = #tpu.pack_format<interleaved>} : vector<32xbf16> -> vector<16xf32>
        %add3A_947 = arith.addf %add3A_938, %unpack3A_945 : vector<16xf32>
        %add3A_948 = arith.addf %add3A_939, %unpack3A_946 : vector<16xf32>
        %add3A_949 = arith.constant 12 : i32
        %add3A_950 = arith.addi %add3A_620, %add3A_949 : i32
        %get3A_951 = arith.index_cast %add3A_950 : i32 to index
        %get3A_952 = arith.constant 32 : index
        %get3A_953 = tpu.vector_load %arg7[%get3A_951, %get3A_952] {strides = array<i32>} : memref<2000x64xbf16, #tpu.memory_space<vmem>>, vector<32xbf16>,
        %unpack3A_954 = tpu.unpack_subelements %get3A_953, 0 {pack_format = #tpu.pack_format<interleaved>} : vector<32xbf16> -> vector<16xf32>
        %unpack3A_955 = tpu.unpack_subelements %get3A_953, 1 {pack_format = #tpu.pack_format<interleaved>} : vector<32xbf16> -> vector<16xf32>
        %add3A_956 = arith.addf %add3A_947, %unpack3A_954 : vector<16xf32>
        %add3A_957 = arith.addf %add3A_948, %unpack3A_955 : vector<16xf32>
        %add3A_958 = arith.constant 13 : i32
        %add3A_959 = arith.addi %add3A_620, %add3A_958 : i32
        %get3A_960 = arith.index_cast %add3A_959 : i32 to index
        %get3A_961 = arith.constant 32 : index
        %get3A_962 = tpu.vector_load %arg7[%get3A_960, %get3A_961] {strides = array<i32>} : memref<2000x64xbf16, #tpu.memory_space<vmem>>, vector<32xbf16>,
        %unpack3A_963 = tpu.unpack_subelements %get3A_962, 0 {pack_format = #tpu.pack_format<interleaved>} : vector<32xbf16> -> vector<16xf32>
        %unpack3A_964 = tpu.unpack_subelements %get3A_962, 1 {pack_format = #tpu.pack_format<interleaved>} : vector<32xbf16> -> vector<16xf32>
        %add3A_965 = arith.addf %add3A_956, %unpack3A_963 : vector<16xf32>
        %add3A_966 = arith.addf %add3A_957, %unpack3A_964 : vector<16xf32>
        %add3A_967 = arith.constant 14 : i32
        %add3A_968 = arith.addi %add3A_620, %add3A_967 : i32
        %get3A_969 = arith.index_cast %add3A_968 : i32 to index
        %get3A_970 = arith.constant 32 : index
        %get3A_971 = tpu.vector_load %arg7[%get3A_969, %get3A_970] {strides = array<i32>} : memref<2000x64xbf16, #tpu.memory_space<vmem>>, vector<32xbf16>,
        %unpack3A_972 = tpu.unpack_subelements %get3A_971, 0 {pack_format = #tpu.pack_format<interleaved>} : vector<32xbf16> -> vector<16xf32>
        %unpack3A_973 = tpu.unpack_subelements %get3A_971, 1 {pack_format = #tpu.pack_format<interleaved>} : vector<32xbf16> -> vector<16xf32>
        %add3A_974 = arith.addf %add3A_965, %unpack3A_972 : vector<16xf32>
        %add3A_975 = arith.addf %add3A_966, %unpack3A_973 : vector<16xf32>
        %add3A_976 = arith.constant 15 : i32
        %add3A_977 = arith.addi %add3A_620, %add3A_976 : i32
        %get3A_978 = arith.index_cast %add3A_977 : i32 to index
        %get3A_979 = arith.constant 32 : index
        %get3A_980 = tpu.vector_load %arg7[%get3A_978, %get3A_979] {strides = array<i32>} : memref<2000x64xbf16, #tpu.memory_space<vmem>>, vector<32xbf16>,
        %unpack3A_981 = tpu.unpack_subelements %get3A_980, 0 {pack_format = #tpu.pack_format<interleaved>} : vector<32xbf16> -> vector<16xf32>
        %unpack3A_982 = tpu.unpack_subelements %get3A_980, 1 {pack_format = #tpu.pack_format<interleaved>} : vector<32xbf16> -> vector<16xf32>
        %add3A_983 = arith.addf %add3A_974, %unpack3A_981 : vector<16xf32>
        %add3A_984 = arith.addf %add3A_975, %unpack3A_982 : vector<16xf32>
        %add3A_985 = arith.constant 16 : i32
        %add3A_986 = arith.addi %add3A_620, %add3A_985 : i32
        %get3A_987 = arith.index_cast %add3A_986 : i32 to index
        %get3A_988 = arith.constant 32 : index
        %get3A_989 = tpu.vector_load %arg7[%get3A_987, %get3A_988] {strides = array<i32>} : memref<2000x64xbf16, #tpu.memory_space<vmem>>, vector<32xbf16>,
        %unpack3A_990 = tpu.unpack_subelements %get3A_989, 0 {pack_format = #tpu.pack_format<interleaved>} : vector<32xbf16> -> vector<16xf32>
        %unpack3A_991 = tpu.unpack_subelements %get3A_989, 1 {pack_format = #tpu.pack_format<interleaved>} : vector<32xbf16> -> vector<16xf32>
        %add3A_992 = arith.addf %add3A_983, %unpack3A_990 : vector<16xf32>
        %add3A_993 = arith.addf %add3A_984, %unpack3A_991 : vector<16xf32>
        %add3A_994 = arith.constant 17 : i32
        %add3A_995 = arith.addi %add3A_620, %add3A_994 : i32
        %get3A_996 = arith.index_cast %add3A_995 : i32 to index
        %get3A_997 = arith.constant 32 : index
        %get3A_998 = tpu.vector_load %arg7[%get3A_996, %get3A_997] {strides = array<i32>} : memref<2000x64xbf16, #tpu.memory_space<vmem>>, vector<32xbf16>,
        %unpack3A_999 = tpu.unpack_subelements %get3A_998, 0 {pack_format = #tpu.pack_format<interleaved>} : vector<32xbf16> -> vector<16xf32>
        %unpack3A_1000 = tpu.unpack_subelements %get3A_998, 1 {pack_format = #tpu.pack_format<interleaved>} : vector<32xbf16> -> vector<16xf32>
        %add3A_1001 = arith.addf %add3A_992, %unpack3A_999 : vector<16xf32>
        %add3A_1002 = arith.addf %add3A_993, %unpack3A_1000 : vector<16xf32>
        %add3A_1003 = arith.constant 18 : i32
        %add3A_1004 = arith.addi %add3A_620, %add3A_1003 : i32
        %get3A_1005 = arith.index_cast %add3A_1004 : i32 to index
        %get3A_1006 = arith.constant 32 : index
        %get3A_1007 = tpu.vector_load %arg7[%get3A_1005, %get3A_1006] {strides = array<i32>} : memref<2000x64xbf16, #tpu.memory_space<vmem>>, vector<32xbf16>,
        %unpack3A_1008 = tpu.unpack_subelements %get3A_1007, 0 {pack_format = #tpu.pack_format<interleaved>} : vector<32xbf16> -> vector<16xf32>
        %unpack3A_1009 = tpu.unpack_subelements %get3A_1007, 1 {pack_format = #tpu.pack_format<interleaved>} : vector<32xbf16> -> vector<16xf32>
        %add3A_1010 = arith.addf %add3A_1001, %unpack3A_1008 : vector<16xf32>
        %add3A_1011 = arith.addf %add3A_1002, %unpack3A_1009 : vector<16xf32>
        %add3A_1012 = arith.constant 19 : i32
        %add3A_1013 = arith.addi %add3A_620, %add3A_1012 : i32
        %get3A_1014 = arith.index_cast %add3A_1013 : i32 to index
        %get3A_1015 = arith.constant 32 : index
        %get3A_1016 = tpu.vector_load %arg7[%get3A_1014, %get3A_1015] {strides = array<i32>} : memref<2000x64xbf16, #tpu.memory_space<vmem>>, vector<32xbf16>,
        %unpack3A_1017 = tpu.unpack_subelements %get3A_1016, 0 {pack_format = #tpu.pack_format<interleaved>} : vector<32xbf16> -> vector<16xf32>
        %unpack3A_1018 = tpu.unpack_subelements %get3A_1016, 1 {pack_format = #tpu.pack_format<interleaved>} : vector<32xbf16> -> vector<16xf32>
        %add3A_1019 = arith.addf %add3A_1010, %unpack3A_1017 : vector<16xf32>
        %add3A_1020 = arith.addf %add3A_1011, %unpack3A_1018 : vector<16xf32>
        %mul3A_1021 = arith.constant 64 : i32
        %mul3A_1022 = arith.muli %add3A_616, %mul3A_1021 : i32
        %add3A_1023 = arith.constant 3200 : i32
        %add3A_1024 = arith.addi %add3A_1023, %mul3A_1022 : i32
        %add3A_1025 = arith.constant 32 : i32
        %add3A_1026 = arith.addi %add3A_1024, %add3A_1025 : i32
        %add3A_1027 = vector.broadcast %add3A_1026 : i32 to vector<16xi32>
        %add3A_1028 = arith.addi %mul3A_174, %add3A_1027 : vector<16xi32>
        tpu.vector_store_idx %arg9[%add3A_1028], %add3A_1019 : memref<6400xf32, #tpu.memory_space<vmem>>[vector<16xi32>], vector<16xf32>,
        %add3A_1029 = arith.constant 1 : i32
        %add3A_1030 = arith.addi %add3A_1026, %add3A_1029 : i32
        %add3A_1031 = vector.broadcast %add3A_1030 : i32 to vector<16xi32>
        %add3A_1032 = arith.addi %mul3A_174, %add3A_1031 : vector<16xi32>
        tpu.vector_store_idx %arg9[%add3A_1032], %add3A_1020 : memref<6400xf32, #tpu.memory_space<vmem>>[vector<16xi32>], vector<16xf32>,
        %mul3A_1033 = arith.constant 5 : i32
        %mul3A_1034 = arith.muli %scan3A_194, %mul3A_1033 : i32
        %add3A_1035 = arith.constant 2 : i32
        %add3A_1036 = arith.addi %mul3A_1034, %add3A_1035 : i32
        %mul3A_1037 = arith.constant 20 : i32
        %mul3A_1038 = arith.muli %add3A_1036, %mul3A_1037 : i32
        %add3A_1039 = arith.constant 1000 : i32
        %add3A_1040 = arith.addi %add3A_1039, %mul3A_1038 : i32
        %mul3A_1041 = arith.constant 64 : i32
        %mul3A_1042 = arith.muli %add3A_1036, %mul3A_1041 : i32
        %add3A_1043 = arith.constant 0 : i32
        %add3A_1044 = arith.addi %mul3A_1042, %add3A_1043 : i32
        %get3A_1045 = arith.index_cast %add3A_1044 : i32 to index
        %get3A_1046 = tpu.vector_load %arg8[%get3A_1045] {strides = array<i32>} : memref<3584xf32, #tpu.memory_space<vmem>>, vector<16xf32>,
        %mul3A_1047 = arith.constant 64 : i32
        %mul3A_1048 = arith.muli %add3A_1036, %mul3A_1047 : i32
        %add3A_1049 = arith.constant 0 : i32
        %add3A_1050 = arith.addi %mul3A_1048, %add3A_1049 : i32
        %add3A_1051 = arith.constant 16 : i32
        %add3A_1052 = arith.addi %add3A_1050, %add3A_1051 : i32
        %get3A_1053 = arith.index_cast %add3A_1052 : i32 to index
        %get3A_1054 = tpu.vector_load %arg8[%get3A_1053] {strides = array<i32>} : memref<3584xf32, #tpu.memory_space<vmem>>, vector<16xf32>,
        %add3A_1055 = arith.constant 0 : i32
        %add3A_1056 = arith.addi %add3A_1040, %add3A_1055 : i32
        %get3A_1057 = arith.index_cast %add3A_1056 : i32 to index
        %get3A_1058 = arith.constant 0 : index
        %get3A_1059 = tpu.vector_load %arg7[%get3A_1057, %get3A_1058] {strides = array<i32>} : memref<2000x64xbf16, #tpu.memory_space<vmem>>, vector<32xbf16>,
        %unpack3A_1060 = tpu.unpack_subelements %get3A_1059, 0 {pack_format = #tpu.pack_format<interleaved>} : vector<32xbf16> -> vector<16xf32>
        %unpack3A_1061 = tpu.unpack_subelements %get3A_1059, 1 {pack_format = #tpu.pack_format<interleaved>} : vector<32xbf16> -> vector<16xf32>
        %add3A_1062 = arith.addf %get3A_1046, %unpack3A_1060 : vector<16xf32>
        %add3A_1063 = arith.addf %get3A_1054, %unpack3A_1061 : vector<16xf32>
        %add3A_1064 = arith.constant 1 : i32
        %add3A_1065 = arith.addi %add3A_1040, %add3A_1064 : i32
        %get3A_1066 = arith.index_cast %add3A_1065 : i32 to index
        %get3A_1067 = arith.constant 0 : index
        %get3A_1068 = tpu.vector_load %arg7[%get3A_1066, %get3A_1067] {strides = array<i32>} : memref<2000x64xbf16, #tpu.memory_space<vmem>>, vector<32xbf16>,
        %unpack3A_1069 = tpu.unpack_subelements %get3A_1068, 0 {pack_format = #tpu.pack_format<interleaved>} : vector<32xbf16> -> vector<16xf32>
        %unpack3A_1070 = tpu.unpack_subelements %get3A_1068, 1 {pack_format = #tpu.pack_format<interleaved>} : vector<32xbf16> -> vector<16xf32>
        %add3A_1071 = arith.addf %add3A_1062, %unpack3A_1069 : vector<16xf32>
        %add3A_1072 = arith.addf %add3A_1063, %unpack3A_1070 : vector<16xf32>
        %add3A_1073 = arith.constant 2 : i32
        %add3A_1074 = arith.addi %add3A_1040, %add3A_1073 : i32
        %get3A_1075 = arith.index_cast %add3A_1074 : i32 to index
        %get3A_1076 = arith.constant 0 : index
        %get3A_1077 = tpu.vector_load %arg7[%get3A_1075, %get3A_1076] {strides = array<i32>} : memref<2000x64xbf16, #tpu.memory_space<vmem>>, vector<32xbf16>,
        %unpack3A_1078 = tpu.unpack_subelements %get3A_1077, 0 {pack_format = #tpu.pack_format<interleaved>} : vector<32xbf16> -> vector<16xf32>
        %unpack3A_1079 = tpu.unpack_subelements %get3A_1077, 1 {pack_format = #tpu.pack_format<interleaved>} : vector<32xbf16> -> vector<16xf32>
        %add3A_1080 = arith.addf %add3A_1071, %unpack3A_1078 : vector<16xf32>
        %add3A_1081 = arith.addf %add3A_1072, %unpack3A_1079 : vector<16xf32>
        %add3A_1082 = arith.constant 3 : i32
        %add3A_1083 = arith.addi %add3A_1040, %add3A_1082 : i32
        %get3A_1084 = arith.index_cast %add3A_1083 : i32 to index
        %get3A_1085 = arith.constant 0 : index
        %get3A_1086 = tpu.vector_load %arg7[%get3A_1084, %get3A_1085] {strides = array<i32>} : memref<2000x64xbf16, #tpu.memory_space<vmem>>, vector<32xbf16>,
        %unpack3A_1087 = tpu.unpack_subelements %get3A_1086, 0 {pack_format = #tpu.pack_format<interleaved>} : vector<32xbf16> -> vector<16xf32>
        %unpack3A_1088 = tpu.unpack_subelements %get3A_1086, 1 {pack_format = #tpu.pack_format<interleaved>} : vector<32xbf16> -> vector<16xf32>
        %add3A_1089 = arith.addf %add3A_1080, %unpack3A_1087 : vector<16xf32>
        %add3A_1090 = arith.addf %add3A_1081, %unpack3A_1088 : vector<16xf32>
        %add3A_1091 = arith.constant 4 : i32
        %add3A_1092 = arith.addi %add3A_1040, %add3A_1091 : i32
        %get3A_1093 = arith.index_cast %add3A_1092 : i32 to index
        %get3A_1094 = arith.constant 0 : index
        %get3A_1095 = tpu.vector_load %arg7[%get3A_1093, %get3A_1094] {strides = array<i32>} : memref<2000x64xbf16, #tpu.memory_space<vmem>>, vector<32xbf16>,
        %unpack3A_1096 = tpu.unpack_subelements %get3A_1095, 0 {pack_format = #tpu.pack_format<interleaved>} : vector<32xbf16> -> vector<16xf32>
        %unpack3A_1097 = tpu.unpack_subelements %get3A_1095, 1 {pack_format = #tpu.pack_format<interleaved>} : vector<32xbf16> -> vector<16xf32>
        %add3A_1098 = arith.addf %add3A_1089, %unpack3A_1096 : vector<16xf32>
        %add3A_1099 = arith.addf %add3A_1090, %unpack3A_1097 : vector<16xf32>
        %add3A_1100 = arith.constant 5 : i32
        %add3A_1101 = arith.addi %add3A_1040, %add3A_1100 : i32
        %get3A_1102 = arith.index_cast %add3A_1101 : i32 to index
        %get3A_1103 = arith.constant 0 : index
        %get3A_1104 = tpu.vector_load %arg7[%get3A_1102, %get3A_1103] {strides = array<i32>} : memref<2000x64xbf16, #tpu.memory_space<vmem>>, vector<32xbf16>,
        %unpack3A_1105 = tpu.unpack_subelements %get3A_1104, 0 {pack_format = #tpu.pack_format<interleaved>} : vector<32xbf16> -> vector<16xf32>
        %unpack3A_1106 = tpu.unpack_subelements %get3A_1104, 1 {pack_format = #tpu.pack_format<interleaved>} : vector<32xbf16> -> vector<16xf32>
        %add3A_1107 = arith.addf %add3A_1098, %unpack3A_1105 : vector<16xf32>
        %add3A_1108 = arith.addf %add3A_1099, %unpack3A_1106 : vector<16xf32>
        %add3A_1109 = arith.constant 6 : i32
        %add3A_1110 = arith.addi %add3A_1040, %add3A_1109 : i32
        %get3A_1111 = arith.index_cast %add3A_1110 : i32 to index
        %get3A_1112 = arith.constant 0 : index
        %get3A_1113 = tpu.vector_load %arg7[%get3A_1111, %get3A_1112] {strides = array<i32>} : memref<2000x64xbf16, #tpu.memory_space<vmem>>, vector<32xbf16>,
        %unpack3A_1114 = tpu.unpack_subelements %get3A_1113, 0 {pack_format = #tpu.pack_format<interleaved>} : vector<32xbf16> -> vector<16xf32>
        %unpack3A_1115 = tpu.unpack_subelements %get3A_1113, 1 {pack_format = #tpu.pack_format<interleaved>} : vector<32xbf16> -> vector<16xf32>
        %add3A_1116 = arith.addf %add3A_1107, %unpack3A_1114 : vector<16xf32>
        %add3A_1117 = arith.addf %add3A_1108, %unpack3A_1115 : vector<16xf32>
        %add3A_1118 = arith.constant 7 : i32
        %add3A_1119 = arith.addi %add3A_1040, %add3A_1118 : i32
        %get3A_1120 = arith.index_cast %add3A_1119 : i32 to index
        %get3A_1121 = arith.constant 0 : index
        %get3A_1122 = tpu.vector_load %arg7[%get3A_1120, %get3A_1121] {strides = array<i32>} : memref<2000x64xbf16, #tpu.memory_space<vmem>>, vector<32xbf16>,
        %unpack3A_1123 = tpu.unpack_subelements %get3A_1122, 0 {pack_format = #tpu.pack_format<interleaved>} : vector<32xbf16> -> vector<16xf32>
        %unpack3A_1124 = tpu.unpack_subelements %get3A_1122, 1 {pack_format = #tpu.pack_format<interleaved>} : vector<32xbf16> -> vector<16xf32>
        %add3A_1125 = arith.addf %add3A_1116, %unpack3A_1123 : vector<16xf32>
        %add3A_1126 = arith.addf %add3A_1117, %unpack3A_1124 : vector<16xf32>
        %add3A_1127 = arith.constant 8 : i32
        %add3A_1128 = arith.addi %add3A_1040, %add3A_1127 : i32
        %get3A_1129 = arith.index_cast %add3A_1128 : i32 to index
        %get3A_1130 = arith.constant 0 : index
        %get3A_1131 = tpu.vector_load %arg7[%get3A_1129, %get3A_1130] {strides = array<i32>} : memref<2000x64xbf16, #tpu.memory_space<vmem>>, vector<32xbf16>,
        %unpack3A_1132 = tpu.unpack_subelements %get3A_1131, 0 {pack_format = #tpu.pack_format<interleaved>} : vector<32xbf16> -> vector<16xf32>
        %unpack3A_1133 = tpu.unpack_subelements %get3A_1131, 1 {pack_format = #tpu.pack_format<interleaved>} : vector<32xbf16> -> vector<16xf32>
        %add3A_1134 = arith.addf %add3A_1125, %unpack3A_1132 : vector<16xf32>
        %add3A_1135 = arith.addf %add3A_1126, %unpack3A_1133 : vector<16xf32>
        %add3A_1136 = arith.constant 9 : i32
        %add3A_1137 = arith.addi %add3A_1040, %add3A_1136 : i32
        %get3A_1138 = arith.index_cast %add3A_1137 : i32 to index
        %get3A_1139 = arith.constant 0 : index
        %get3A_1140 = tpu.vector_load %arg7[%get3A_1138, %get3A_1139] {strides = array<i32>} : memref<2000x64xbf16, #tpu.memory_space<vmem>>, vector<32xbf16>,
        %unpack3A_1141 = tpu.unpack_subelements %get3A_1140, 0 {pack_format = #tpu.pack_format<interleaved>} : vector<32xbf16> -> vector<16xf32>
        %unpack3A_1142 = tpu.unpack_subelements %get3A_1140, 1 {pack_format = #tpu.pack_format<interleaved>} : vector<32xbf16> -> vector<16xf32>
        %add3A_1143 = arith.addf %add3A_1134, %unpack3A_1141 : vector<16xf32>
        %add3A_1144 = arith.addf %add3A_1135, %unpack3A_1142 : vector<16xf32>
        %add3A_1145 = arith.constant 10 : i32
        %add3A_1146 = arith.addi %add3A_1040, %add3A_1145 : i32
        %get3A_1147 = arith.index_cast %add3A_1146 : i32 to index
        %get3A_1148 = arith.constant 0 : index
        %get3A_1149 = tpu.vector_load %arg7[%get3A_1147, %get3A_1148] {strides = array<i32>} : memref<2000x64xbf16, #tpu.memory_space<vmem>>, vector<32xbf16>,
        %unpack3A_1150 = tpu.unpack_subelements %get3A_1149, 0 {pack_format = #tpu.pack_format<interleaved>} : vector<32xbf16> -> vector<16xf32>
        %unpack3A_1151 = tpu.unpack_subelements %get3A_1149, 1 {pack_format = #tpu.pack_format<interleaved>} : vector<32xbf16> -> vector<16xf32>
        %add3A_1152 = arith.addf %add3A_1143, %unpack3A_1150 : vector<16xf32>
        %add3A_1153 = arith.addf %add3A_1144, %unpack3A_1151 : vector<16xf32>
        %add3A_1154 = arith.constant 11 : i32
        %add3A_1155 = arith.addi %add3A_1040, %add3A_1154 : i32
        %get3A_1156 = arith.index_cast %add3A_1155 : i32 to index
        %get3A_1157 = arith.constant 0 : index
        %get3A_1158 = tpu.vector_load %arg7[%get3A_1156, %get3A_1157] {strides = array<i32>} : memref<2000x64xbf16, #tpu.memory_space<vmem>>, vector<32xbf16>,
        %unpack3A_1159 = tpu.unpack_subelements %get3A_1158, 0 {pack_format = #tpu.pack_format<interleaved>} : vector<32xbf16> -> vector<16xf32>
        %unpack3A_1160 = tpu.unpack_subelements %get3A_1158, 1 {pack_format = #tpu.pack_format<interleaved>} : vector<32xbf16> -> vector<16xf32>
        %add3A_1161 = arith.addf %add3A_1152, %unpack3A_1159 : vector<16xf32>
        %add3A_1162 = arith.addf %add3A_1153, %unpack3A_1160 : vector<16xf32>
        %add3A_1163 = arith.constant 12 : i32
        %add3A_1164 = arith.addi %add3A_1040, %add3A_1163 : i32
        %get3A_1165 = arith.index_cast %add3A_1164 : i32 to index
        %get3A_1166 = arith.constant 0 : index
        %get3A_1167 = tpu.vector_load %arg7[%get3A_1165, %get3A_1166] {strides = array<i32>} : memref<2000x64xbf16, #tpu.memory_space<vmem>>, vector<32xbf16>,
        %unpack3A_1168 = tpu.unpack_subelements %get3A_1167, 0 {pack_format = #tpu.pack_format<interleaved>} : vector<32xbf16> -> vector<16xf32>
        %unpack3A_1169 = tpu.unpack_subelements %get3A_1167, 1 {pack_format = #tpu.pack_format<interleaved>} : vector<32xbf16> -> vector<16xf32>
        %add3A_1170 = arith.addf %add3A_1161, %unpack3A_1168 : vector<16xf32>
        %add3A_1171 = arith.addf %add3A_1162, %unpack3A_1169 : vector<16xf32>
        %add3A_1172 = arith.constant 13 : i32
        %add3A_1173 = arith.addi %add3A_1040, %add3A_1172 : i32
        %get3A_1174 = arith.index_cast %add3A_1173 : i32 to index
        %get3A_1175 = arith.constant 0 : index
        %get3A_1176 = tpu.vector_load %arg7[%get3A_1174, %get3A_1175] {strides = array<i32>} : memref<2000x64xbf16, #tpu.memory_space<vmem>>, vector<32xbf16>,
        %unpack3A_1177 = tpu.unpack_subelements %get3A_1176, 0 {pack_format = #tpu.pack_format<interleaved>} : vector<32xbf16> -> vector<16xf32>
        %unpack3A_1178 = tpu.unpack_subelements %get3A_1176, 1 {pack_format = #tpu.pack_format<interleaved>} : vector<32xbf16> -> vector<16xf32>
        %add3A_1179 = arith.addf %add3A_1170, %unpack3A_1177 : vector<16xf32>
        %add3A_1180 = arith.addf %add3A_1171, %unpack3A_1178 : vector<16xf32>
        %add3A_1181 = arith.constant 14 : i32
        %add3A_1182 = arith.addi %add3A_1040, %add3A_1181 : i32
        %get3A_1183 = arith.index_cast %add3A_1182 : i32 to index
        %get3A_1184 = arith.constant 0 : index
        %get3A_1185 = tpu.vector_load %arg7[%get3A_1183, %get3A_1184] {strides = array<i32>} : memref<2000x64xbf16, #tpu.memory_space<vmem>>, vector<32xbf16>,
        %unpack3A_1186 = tpu.unpack_subelements %get3A_1185, 0 {pack_format = #tpu.pack_format<interleaved>} : vector<32xbf16> -> vector<16xf32>
        %unpack3A_1187 = tpu.unpack_subelements %get3A_1185, 1 {pack_format = #tpu.pack_format<interleaved>} : vector<32xbf16> -> vector<16xf32>
        %add3A_1188 = arith.addf %add3A_1179, %unpack3A_1186 : vector<16xf32>
        %add3A_1189 = arith.addf %add3A_1180, %unpack3A_1187 : vector<16xf32>
        %add3A_1190 = arith.constant 15 : i32
        %add3A_1191 = arith.addi %add3A_1040, %add3A_1190 : i32
        %get3A_1192 = arith.index_cast %add3A_1191 : i32 to index
        %get3A_1193 = arith.constant 0 : index
        %get3A_1194 = tpu.vector_load %arg7[%get3A_1192, %get3A_1193] {strides = array<i32>} : memref<2000x64xbf16, #tpu.memory_space<vmem>>, vector<32xbf16>,
        %unpack3A_1195 = tpu.unpack_subelements %get3A_1194, 0 {pack_format = #tpu.pack_format<interleaved>} : vector<32xbf16> -> vector<16xf32>
        %unpack3A_1196 = tpu.unpack_subelements %get3A_1194, 1 {pack_format = #tpu.pack_format<interleaved>} : vector<32xbf16> -> vector<16xf32>
        %add3A_1197 = arith.addf %add3A_1188, %unpack3A_1195 : vector<16xf32>
        %add3A_1198 = arith.addf %add3A_1189, %unpack3A_1196 : vector<16xf32>
        %add3A_1199 = arith.constant 16 : i32
        %add3A_1200 = arith.addi %add3A_1040, %add3A_1199 : i32
        %get3A_1201 = arith.index_cast %add3A_1200 : i32 to index
        %get3A_1202 = arith.constant 0 : index
        %get3A_1203 = tpu.vector_load %arg7[%get3A_1201, %get3A_1202] {strides = array<i32>} : memref<2000x64xbf16, #tpu.memory_space<vmem>>, vector<32xbf16>,
        %unpack3A_1204 = tpu.unpack_subelements %get3A_1203, 0 {pack_format = #tpu.pack_format<interleaved>} : vector<32xbf16> -> vector<16xf32>
        %unpack3A_1205 = tpu.unpack_subelements %get3A_1203, 1 {pack_format = #tpu.pack_format<interleaved>} : vector<32xbf16> -> vector<16xf32>
        %add3A_1206 = arith.addf %add3A_1197, %unpack3A_1204 : vector<16xf32>
        %add3A_1207 = arith.addf %add3A_1198, %unpack3A_1205 : vector<16xf32>
        %add3A_1208 = arith.constant 17 : i32
        %add3A_1209 = arith.addi %add3A_1040, %add3A_1208 : i32
        %get3A_1210 = arith.index_cast %add3A_1209 : i32 to index
        %get3A_1211 = arith.constant 0 : index
        %get3A_1212 = tpu.vector_load %arg7[%get3A_1210, %get3A_1211] {strides = array<i32>} : memref<2000x64xbf16, #tpu.memory_space<vmem>>, vector<32xbf16>,
        %unpack3A_1213 = tpu.unpack_subelements %get3A_1212, 0 {pack_format = #tpu.pack_format<interleaved>} : vector<32xbf16> -> vector<16xf32>
        %unpack3A_1214 = tpu.unpack_subelements %get3A_1212, 1 {pack_format = #tpu.pack_format<interleaved>} : vector<32xbf16> -> vector<16xf32>
        %add3A_1215 = arith.addf %add3A_1206, %unpack3A_1213 : vector<16xf32>
        %add3A_1216 = arith.addf %add3A_1207, %unpack3A_1214 : vector<16xf32>
        %add3A_1217 = arith.constant 18 : i32
        %add3A_1218 = arith.addi %add3A_1040, %add3A_1217 : i32
        %get3A_1219 = arith.index_cast %add3A_1218 : i32 to index
        %get3A_1220 = arith.constant 0 : index
        %get3A_1221 = tpu.vector_load %arg7[%get3A_1219, %get3A_1220] {strides = array<i32>} : memref<2000x64xbf16, #tpu.memory_space<vmem>>, vector<32xbf16>,
        %unpack3A_1222 = tpu.unpack_subelements %get3A_1221, 0 {pack_format = #tpu.pack_format<interleaved>} : vector<32xbf16> -> vector<16xf32>
        %unpack3A_1223 = tpu.unpack_subelements %get3A_1221, 1 {pack_format = #tpu.pack_format<interleaved>} : vector<32xbf16> -> vector<16xf32>
        %add3A_1224 = arith.addf %add3A_1215, %unpack3A_1222 : vector<16xf32>
        %add3A_1225 = arith.addf %add3A_1216, %unpack3A_1223 : vector<16xf32>
        %add3A_1226 = arith.constant 19 : i32
        %add3A_1227 = arith.addi %add3A_1040, %add3A_1226 : i32
        %get3A_1228 = arith.index_cast %add3A_1227 : i32 to index
        %get3A_1229 = arith.constant 0 : index
        %get3A_1230 = tpu.vector_load %arg7[%get3A_1228, %get3A_1229] {strides = array<i32>} : memref<2000x64xbf16, #tpu.memory_space<vmem>>, vector<32xbf16>,
        %unpack3A_1231 = tpu.unpack_subelements %get3A_1230, 0 {pack_format = #tpu.pack_format<interleaved>} : vector<32xbf16> -> vector<16xf32>
        %unpack3A_1232 = tpu.unpack_subelements %get3A_1230, 1 {pack_format = #tpu.pack_format<interleaved>} : vector<32xbf16> -> vector<16xf32>
        %add3A_1233 = arith.addf %add3A_1224, %unpack3A_1231 : vector<16xf32>
        %add3A_1234 = arith.addf %add3A_1225, %unpack3A_1232 : vector<16xf32>
        %mul3A_1235 = arith.constant 64 : i32
        %mul3A_1236 = arith.muli %add3A_1036, %mul3A_1235 : i32
        %add3A_1237 = arith.constant 3200 : i32
        %add3A_1238 = arith.addi %add3A_1237, %mul3A_1236 : i32
        %add3A_1239 = arith.constant 0 : i32
        %add3A_1240 = arith.addi %add3A_1238, %add3A_1239 : i32
        %add3A_1241 = vector.broadcast %add3A_1240 : i32 to vector<16xi32>
        %add3A_1242 = arith.addi %mul3A_174, %add3A_1241 : vector<16xi32>
        tpu.vector_store_idx %arg9[%add3A_1242], %add3A_1233 : memref<6400xf32, #tpu.memory_space<vmem>>[vector<16xi32>], vector<16xf32>,
        %add3A_1243 = arith.constant 1 : i32
        %add3A_1244 = arith.addi %add3A_1240, %add3A_1243 : i32
        %add3A_1245 = vector.broadcast %add3A_1244 : i32 to vector<16xi32>
        %add3A_1246 = arith.addi %mul3A_174, %add3A_1245 : vector<16xi32>
        tpu.vector_store_idx %arg9[%add3A_1246], %add3A_1234 : memref<6400xf32, #tpu.memory_space<vmem>>[vector<16xi32>], vector<16xf32>,
        %mul3A_1247 = arith.constant 64 : i32
        %mul3A_1248 = arith.muli %add3A_1036, %mul3A_1247 : i32
        %add3A_1249 = arith.constant 32 : i32
        %add3A_1250 = arith.addi %mul3A_1248, %add3A_1249 : i32
        %get3A_1251 = arith.index_cast %add3A_1250 : i32 to index
        %get3A_1252 = tpu.vector_load %arg8[%get3A_1251] {strides = array<i32>} : memref<3584xf32, #tpu.memory_space<vmem>>, vector<16xf32>,
        %mul3A_1253 = arith.constant 64 : i32
        %mul3A_1254 = arith.muli %add3A_1036, %mul3A_1253 : i32
        %add3A_1255 = arith.constant 32 : i32
        %add3A_1256 = arith.addi %mul3A_1254, %add3A_1255 : i32
        %add3A_1257 = arith.constant 16 : i32
        %add3A_1258 = arith.addi %add3A_1256, %add3A_1257 : i32
        %get3A_1259 = arith.index_cast %add3A_1258 : i32 to index
        %get3A_1260 = tpu.vector_load %arg8[%get3A_1259] {strides = array<i32>} : memref<3584xf32, #tpu.memory_space<vmem>>, vector<16xf32>,
        %add3A_1261 = arith.constant 0 : i32
        %add3A_1262 = arith.addi %add3A_1040, %add3A_1261 : i32
        %get3A_1263 = arith.index_cast %add3A_1262 : i32 to index
        %get3A_1264 = arith.constant 32 : index
        %get3A_1265 = tpu.vector_load %arg7[%get3A_1263, %get3A_1264] {strides = array<i32>} : memref<2000x64xbf16, #tpu.memory_space<vmem>>, vector<32xbf16>,
        %unpack3A_1266 = tpu.unpack_subelements %get3A_1265, 0 {pack_format = #tpu.pack_format<interleaved>} : vector<32xbf16> -> vector<16xf32>
        %unpack3A_1267 = tpu.unpack_subelements %get3A_1265, 1 {pack_format = #tpu.pack_format<interleaved>} : vector<32xbf16> -> vector<16xf32>
        %add3A_1268 = arith.addf %get3A_1252, %unpack3A_1266 : vector<16xf32>
        %add3A_1269 = arith.addf %get3A_1260, %unpack3A_1267 : vector<16xf32>
        %add3A_1270 = arith.constant 1 : i32
        %add3A_1271 = arith.addi %add3A_1040, %add3A_1270 : i32
        %get3A_1272 = arith.index_cast %add3A_1271 : i32 to index
        %get3A_1273 = arith.constant 32 : index
        %get3A_1274 = tpu.vector_load %arg7[%get3A_1272, %get3A_1273] {strides = array<i32>} : memref<2000x64xbf16, #tpu.memory_space<vmem>>, vector<32xbf16>,
        %unpack3A_1275 = tpu.unpack_subelements %get3A_1274, 0 {pack_format = #tpu.pack_format<interleaved>} : vector<32xbf16> -> vector<16xf32>
        %unpack3A_1276 = tpu.unpack_subelements %get3A_1274, 1 {pack_format = #tpu.pack_format<interleaved>} : vector<32xbf16> -> vector<16xf32>
        %add3A_1277 = arith.addf %add3A_1268, %unpack3A_1275 : vector<16xf32>
        %add3A_1278 = arith.addf %add3A_1269, %unpack3A_1276 : vector<16xf32>
        %add3A_1279 = arith.constant 2 : i32
        %add3A_1280 = arith.addi %add3A_1040, %add3A_1279 : i32
        %get3A_1281 = arith.index_cast %add3A_1280 : i32 to index
        %get3A_1282 = arith.constant 32 : index
        %get3A_1283 = tpu.vector_load %arg7[%get3A_1281, %get3A_1282] {strides = array<i32>} : memref<2000x64xbf16, #tpu.memory_space<vmem>>, vector<32xbf16>,
        %unpack3A_1284 = tpu.unpack_subelements %get3A_1283, 0 {pack_format = #tpu.pack_format<interleaved>} : vector<32xbf16> -> vector<16xf32>
        %unpack3A_1285 = tpu.unpack_subelements %get3A_1283, 1 {pack_format = #tpu.pack_format<interleaved>} : vector<32xbf16> -> vector<16xf32>
        %add3A_1286 = arith.addf %add3A_1277, %unpack3A_1284 : vector<16xf32>
        %add3A_1287 = arith.addf %add3A_1278, %unpack3A_1285 : vector<16xf32>
        %add3A_1288 = arith.constant 3 : i32
        %add3A_1289 = arith.addi %add3A_1040, %add3A_1288 : i32
        %get3A_1290 = arith.index_cast %add3A_1289 : i32 to index
        %get3A_1291 = arith.constant 32 : index
        %get3A_1292 = tpu.vector_load %arg7[%get3A_1290, %get3A_1291] {strides = array<i32>} : memref<2000x64xbf16, #tpu.memory_space<vmem>>, vector<32xbf16>,
        %unpack3A_1293 = tpu.unpack_subelements %get3A_1292, 0 {pack_format = #tpu.pack_format<interleaved>} : vector<32xbf16> -> vector<16xf32>
        %unpack3A_1294 = tpu.unpack_subelements %get3A_1292, 1 {pack_format = #tpu.pack_format<interleaved>} : vector<32xbf16> -> vector<16xf32>
        %add3A_1295 = arith.addf %add3A_1286, %unpack3A_1293 : vector<16xf32>
        %add3A_1296 = arith.addf %add3A_1287, %unpack3A_1294 : vector<16xf32>
        %add3A_1297 = arith.constant 4 : i32
        %add3A_1298 = arith.addi %add3A_1040, %add3A_1297 : i32
        %get3A_1299 = arith.index_cast %add3A_1298 : i32 to index
        %get3A_1300 = arith.constant 32 : index
        %get3A_1301 = tpu.vector_load %arg7[%get3A_1299, %get3A_1300] {strides = array<i32>} : memref<2000x64xbf16, #tpu.memory_space<vmem>>, vector<32xbf16>,
        %unpack3A_1302 = tpu.unpack_subelements %get3A_1301, 0 {pack_format = #tpu.pack_format<interleaved>} : vector<32xbf16> -> vector<16xf32>
        %unpack3A_1303 = tpu.unpack_subelements %get3A_1301, 1 {pack_format = #tpu.pack_format<interleaved>} : vector<32xbf16> -> vector<16xf32>
        %add3A_1304 = arith.addf %add3A_1295, %unpack3A_1302 : vector<16xf32>
        %add3A_1305 = arith.addf %add3A_1296, %unpack3A_1303 : vector<16xf32>
        %add3A_1306 = arith.constant 5 : i32
        %add3A_1307 = arith.addi %add3A_1040, %add3A_1306 : i32
        %get3A_1308 = arith.index_cast %add3A_1307 : i32 to index
        %get3A_1309 = arith.constant 32 : index
        %get3A_1310 = tpu.vector_load %arg7[%get3A_1308, %get3A_1309] {strides = array<i32>} : memref<2000x64xbf16, #tpu.memory_space<vmem>>, vector<32xbf16>,
        %unpack3A_1311 = tpu.unpack_subelements %get3A_1310, 0 {pack_format = #tpu.pack_format<interleaved>} : vector<32xbf16> -> vector<16xf32>
        %unpack3A_1312 = tpu.unpack_subelements %get3A_1310, 1 {pack_format = #tpu.pack_format<interleaved>} : vector<32xbf16> -> vector<16xf32>
        %add3A_1313 = arith.addf %add3A_1304, %unpack3A_1311 : vector<16xf32>
        %add3A_1314 = arith.addf %add3A_1305, %unpack3A_1312 : vector<16xf32>
        %add3A_1315 = arith.constant 6 : i32
        %add3A_1316 = arith.addi %add3A_1040, %add3A_1315 : i32
        %get3A_1317 = arith.index_cast %add3A_1316 : i32 to index
        %get3A_1318 = arith.constant 32 : index
        %get3A_1319 = tpu.vector_load %arg7[%get3A_1317, %get3A_1318] {strides = array<i32>} : memref<2000x64xbf16, #tpu.memory_space<vmem>>, vector<32xbf16>,
        %unpack3A_1320 = tpu.unpack_subelements %get3A_1319, 0 {pack_format = #tpu.pack_format<interleaved>} : vector<32xbf16> -> vector<16xf32>
        %unpack3A_1321 = tpu.unpack_subelements %get3A_1319, 1 {pack_format = #tpu.pack_format<interleaved>} : vector<32xbf16> -> vector<16xf32>
        %add3A_1322 = arith.addf %add3A_1313, %unpack3A_1320 : vector<16xf32>
        %add3A_1323 = arith.addf %add3A_1314, %unpack3A_1321 : vector<16xf32>
        %add3A_1324 = arith.constant 7 : i32
        %add3A_1325 = arith.addi %add3A_1040, %add3A_1324 : i32
        %get3A_1326 = arith.index_cast %add3A_1325 : i32 to index
        %get3A_1327 = arith.constant 32 : index
        %get3A_1328 = tpu.vector_load %arg7[%get3A_1326, %get3A_1327] {strides = array<i32>} : memref<2000x64xbf16, #tpu.memory_space<vmem>>, vector<32xbf16>,
        %unpack3A_1329 = tpu.unpack_subelements %get3A_1328, 0 {pack_format = #tpu.pack_format<interleaved>} : vector<32xbf16> -> vector<16xf32>
        %unpack3A_1330 = tpu.unpack_subelements %get3A_1328, 1 {pack_format = #tpu.pack_format<interleaved>} : vector<32xbf16> -> vector<16xf32>
        %add3A_1331 = arith.addf %add3A_1322, %unpack3A_1329 : vector<16xf32>
        %add3A_1332 = arith.addf %add3A_1323, %unpack3A_1330 : vector<16xf32>
        %add3A_1333 = arith.constant 8 : i32
        %add3A_1334 = arith.addi %add3A_1040, %add3A_1333 : i32
        %get3A_1335 = arith.index_cast %add3A_1334 : i32 to index
        %get3A_1336 = arith.constant 32 : index
        %get3A_1337 = tpu.vector_load %arg7[%get3A_1335, %get3A_1336] {strides = array<i32>} : memref<2000x64xbf16, #tpu.memory_space<vmem>>, vector<32xbf16>,
        %unpack3A_1338 = tpu.unpack_subelements %get3A_1337, 0 {pack_format = #tpu.pack_format<interleaved>} : vector<32xbf16> -> vector<16xf32>
        %unpack3A_1339 = tpu.unpack_subelements %get3A_1337, 1 {pack_format = #tpu.pack_format<interleaved>} : vector<32xbf16> -> vector<16xf32>
        %add3A_1340 = arith.addf %add3A_1331, %unpack3A_1338 : vector<16xf32>
        %add3A_1341 = arith.addf %add3A_1332, %unpack3A_1339 : vector<16xf32>
        %add3A_1342 = arith.constant 9 : i32
        %add3A_1343 = arith.addi %add3A_1040, %add3A_1342 : i32
        %get3A_1344 = arith.index_cast %add3A_1343 : i32 to index
        %get3A_1345 = arith.constant 32 : index
        %get3A_1346 = tpu.vector_load %arg7[%get3A_1344, %get3A_1345] {strides = array<i32>} : memref<2000x64xbf16, #tpu.memory_space<vmem>>, vector<32xbf16>,
        %unpack3A_1347 = tpu.unpack_subelements %get3A_1346, 0 {pack_format = #tpu.pack_format<interleaved>} : vector<32xbf16> -> vector<16xf32>
        %unpack3A_1348 = tpu.unpack_subelements %get3A_1346, 1 {pack_format = #tpu.pack_format<interleaved>} : vector<32xbf16> -> vector<16xf32>
        %add3A_1349 = arith.addf %add3A_1340, %unpack3A_1347 : vector<16xf32>
        %add3A_1350 = arith.addf %add3A_1341, %unpack3A_1348 : vector<16xf32>
        %add3A_1351 = arith.constant 10 : i32
        %add3A_1352 = arith.addi %add3A_1040, %add3A_1351 : i32
        %get3A_1353 = arith.index_cast %add3A_1352 : i32 to index
        %get3A_1354 = arith.constant 32 : index
        %get3A_1355 = tpu.vector_load %arg7[%get3A_1353, %get3A_1354] {strides = array<i32>} : memref<2000x64xbf16, #tpu.memory_space<vmem>>, vector<32xbf16>,
        %unpack3A_1356 = tpu.unpack_subelements %get3A_1355, 0 {pack_format = #tpu.pack_format<interleaved>} : vector<32xbf16> -> vector<16xf32>
        %unpack3A_1357 = tpu.unpack_subelements %get3A_1355, 1 {pack_format = #tpu.pack_format<interleaved>} : vector<32xbf16> -> vector<16xf32>
        %add3A_1358 = arith.addf %add3A_1349, %unpack3A_1356 : vector<16xf32>
        %add3A_1359 = arith.addf %add3A_1350, %unpack3A_1357 : vector<16xf32>
        %add3A_1360 = arith.constant 11 : i32
        %add3A_1361 = arith.addi %add3A_1040, %add3A_1360 : i32
        %get3A_1362 = arith.index_cast %add3A_1361 : i32 to index
        %get3A_1363 = arith.constant 32 : index
        %get3A_1364 = tpu.vector_load %arg7[%get3A_1362, %get3A_1363] {strides = array<i32>} : memref<2000x64xbf16, #tpu.memory_space<vmem>>, vector<32xbf16>,
        %unpack3A_1365 = tpu.unpack_subelements %get3A_1364, 0 {pack_format = #tpu.pack_format<interleaved>} : vector<32xbf16> -> vector<16xf32>
        %unpack3A_1366 = tpu.unpack_subelements %get3A_1364, 1 {pack_format = #tpu.pack_format<interleaved>} : vector<32xbf16> -> vector<16xf32>
        %add3A_1367 = arith.addf %add3A_1358, %unpack3A_1365 : vector<16xf32>
        %add3A_1368 = arith.addf %add3A_1359, %unpack3A_1366 : vector<16xf32>
        %add3A_1369 = arith.constant 12 : i32
        %add3A_1370 = arith.addi %add3A_1040, %add3A_1369 : i32
        %get3A_1371 = arith.index_cast %add3A_1370 : i32 to index
        %get3A_1372 = arith.constant 32 : index
        %get3A_1373 = tpu.vector_load %arg7[%get3A_1371, %get3A_1372] {strides = array<i32>} : memref<2000x64xbf16, #tpu.memory_space<vmem>>, vector<32xbf16>,
        %unpack3A_1374 = tpu.unpack_subelements %get3A_1373, 0 {pack_format = #tpu.pack_format<interleaved>} : vector<32xbf16> -> vector<16xf32>
        %unpack3A_1375 = tpu.unpack_subelements %get3A_1373, 1 {pack_format = #tpu.pack_format<interleaved>} : vector<32xbf16> -> vector<16xf32>
        %add3A_1376 = arith.addf %add3A_1367, %unpack3A_1374 : vector<16xf32>
        %add3A_1377 = arith.addf %add3A_1368, %unpack3A_1375 : vector<16xf32>
        %add3A_1378 = arith.constant 13 : i32
        %add3A_1379 = arith.addi %add3A_1040, %add3A_1378 : i32
        %get3A_1380 = arith.index_cast %add3A_1379 : i32 to index
        %get3A_1381 = arith.constant 32 : index
        %get3A_1382 = tpu.vector_load %arg7[%get3A_1380, %get3A_1381] {strides = array<i32>} : memref<2000x64xbf16, #tpu.memory_space<vmem>>, vector<32xbf16>,
        %unpack3A_1383 = tpu.unpack_subelements %get3A_1382, 0 {pack_format = #tpu.pack_format<interleaved>} : vector<32xbf16> -> vector<16xf32>
        %unpack3A_1384 = tpu.unpack_subelements %get3A_1382, 1 {pack_format = #tpu.pack_format<interleaved>} : vector<32xbf16> -> vector<16xf32>
        %add3A_1385 = arith.addf %add3A_1376, %unpack3A_1383 : vector<16xf32>
        %add3A_1386 = arith.addf %add3A_1377, %unpack3A_1384 : vector<16xf32>
        %add3A_1387 = arith.constant 14 : i32
        %add3A_1388 = arith.addi %add3A_1040, %add3A_1387 : i32
        %get3A_1389 = arith.index_cast %add3A_1388 : i32 to index
        %get3A_1390 = arith.constant 32 : index
        %get3A_1391 = tpu.vector_load %arg7[%get3A_1389, %get3A_1390] {strides = array<i32>} : memref<2000x64xbf16, #tpu.memory_space<vmem>>, vector<32xbf16>,
        %unpack3A_1392 = tpu.unpack_subelements %get3A_1391, 0 {pack_format = #tpu.pack_format<interleaved>} : vector<32xbf16> -> vector<16xf32>
        %unpack3A_1393 = tpu.unpack_subelements %get3A_1391, 1 {pack_format = #tpu.pack_format<interleaved>} : vector<32xbf16> -> vector<16xf32>
        %add3A_1394 = arith.addf %add3A_1385, %unpack3A_1392 : vector<16xf32>
        %add3A_1395 = arith.addf %add3A_1386, %unpack3A_1393 : vector<16xf32>
        %add3A_1396 = arith.constant 15 : i32
        %add3A_1397 = arith.addi %add3A_1040, %add3A_1396 : i32
        %get3A_1398 = arith.index_cast %add3A_1397 : i32 to index
        %get3A_1399 = arith.constant 32 : index
        %get3A_1400 = tpu.vector_load %arg7[%get3A_1398, %get3A_1399] {strides = array<i32>} : memref<2000x64xbf16, #tpu.memory_space<vmem>>, vector<32xbf16>,
        %unpack3A_1401 = tpu.unpack_subelements %get3A_1400, 0 {pack_format = #tpu.pack_format<interleaved>} : vector<32xbf16> -> vector<16xf32>
        %unpack3A_1402 = tpu.unpack_subelements %get3A_1400, 1 {pack_format = #tpu.pack_format<interleaved>} : vector<32xbf16> -> vector<16xf32>
        %add3A_1403 = arith.addf %add3A_1394, %unpack3A_1401 : vector<16xf32>
        %add3A_1404 = arith.addf %add3A_1395, %unpack3A_1402 : vector<16xf32>
        %add3A_1405 = arith.constant 16 : i32
        %add3A_1406 = arith.addi %add3A_1040, %add3A_1405 : i32
        %get3A_1407 = arith.index_cast %add3A_1406 : i32 to index
        %get3A_1408 = arith.constant 32 : index
        %get3A_1409 = tpu.vector_load %arg7[%get3A_1407, %get3A_1408] {strides = array<i32>} : memref<2000x64xbf16, #tpu.memory_space<vmem>>, vector<32xbf16>,
        %unpack3A_1410 = tpu.unpack_subelements %get3A_1409, 0 {pack_format = #tpu.pack_format<interleaved>} : vector<32xbf16> -> vector<16xf32>
        %unpack3A_1411 = tpu.unpack_subelements %get3A_1409, 1 {pack_format = #tpu.pack_format<interleaved>} : vector<32xbf16> -> vector<16xf32>
        %add3A_1412 = arith.addf %add3A_1403, %unpack3A_1410 : vector<16xf32>
        %add3A_1413 = arith.addf %add3A_1404, %unpack3A_1411 : vector<16xf32>
        %add3A_1414 = arith.constant 17 : i32
        %add3A_1415 = arith.addi %add3A_1040, %add3A_1414 : i32
        %get3A_1416 = arith.index_cast %add3A_1415 : i32 to index
        %get3A_1417 = arith.constant 32 : index
        %get3A_1418 = tpu.vector_load %arg7[%get3A_1416, %get3A_1417] {strides = array<i32>} : memref<2000x64xbf16, #tpu.memory_space<vmem>>, vector<32xbf16>,
        %unpack3A_1419 = tpu.unpack_subelements %get3A_1418, 0 {pack_format = #tpu.pack_format<interleaved>} : vector<32xbf16> -> vector<16xf32>
        %unpack3A_1420 = tpu.unpack_subelements %get3A_1418, 1 {pack_format = #tpu.pack_format<interleaved>} : vector<32xbf16> -> vector<16xf32>
        %add3A_1421 = arith.addf %add3A_1412, %unpack3A_1419 : vector<16xf32>
        %add3A_1422 = arith.addf %add3A_1413, %unpack3A_1420 : vector<16xf32>
        %add3A_1423 = arith.constant 18 : i32
        %add3A_1424 = arith.addi %add3A_1040, %add3A_1423 : i32
        %get3A_1425 = arith.index_cast %add3A_1424 : i32 to index
        %get3A_1426 = arith.constant 32 : index
        %get3A_1427 = tpu.vector_load %arg7[%get3A_1425, %get3A_1426] {strides = array<i32>} : memref<2000x64xbf16, #tpu.memory_space<vmem>>, vector<32xbf16>,
        %unpack3A_1428 = tpu.unpack_subelements %get3A_1427, 0 {pack_format = #tpu.pack_format<interleaved>} : vector<32xbf16> -> vector<16xf32>
        %unpack3A_1429 = tpu.unpack_subelements %get3A_1427, 1 {pack_format = #tpu.pack_format<interleaved>} : vector<32xbf16> -> vector<16xf32>
        %add3A_1430 = arith.addf %add3A_1421, %unpack3A_1428 : vector<16xf32>
        %add3A_1431 = arith.addf %add3A_1422, %unpack3A_1429 : vector<16xf32>
        %add3A_1432 = arith.constant 19 : i32
        %add3A_1433 = arith.addi %add3A_1040, %add3A_1432 : i32
        %get3A_1434 = arith.index_cast %add3A_1433 : i32 to index
        %get3A_1435 = arith.constant 32 : index
        %get3A_1436 = tpu.vector_load %arg7[%get3A_1434, %get3A_1435] {strides = array<i32>} : memref<2000x64xbf16, #tpu.memory_space<vmem>>, vector<32xbf16>,
        %unpack3A_1437 = tpu.unpack_subelements %get3A_1436, 0 {pack_format = #tpu.pack_format<interleaved>} : vector<32xbf16> -> vector<16xf32>
        %unpack3A_1438 = tpu.unpack_subelements %get3A_1436, 1 {pack_format = #tpu.pack_format<interleaved>} : vector<32xbf16> -> vector<16xf32>
        %add3A_1439 = arith.addf %add3A_1430, %unpack3A_1437 : vector<16xf32>
        %add3A_1440 = arith.addf %add3A_1431, %unpack3A_1438 : vector<16xf32>
        %mul3A_1441 = arith.constant 64 : i32
        %mul3A_1442 = arith.muli %add3A_1036, %mul3A_1441 : i32
        %add3A_1443 = arith.constant 3200 : i32
        %add3A_1444 = arith.addi %add3A_1443, %mul3A_1442 : i32
        %add3A_1445 = arith.constant 32 : i32
        %add3A_1446 = arith.addi %add3A_1444, %add3A_1445 : i32
        %add3A_1447 = vector.broadcast %add3A_1446 : i32 to vector<16xi32>
        %add3A_1448 = arith.addi %mul3A_174, %add3A_1447 : vector<16xi32>
        tpu.vector_store_idx %arg9[%add3A_1448], %add3A_1439 : memref<6400xf32, #tpu.memory_space<vmem>>[vector<16xi32>], vector<16xf32>,
        %add3A_1449 = arith.constant 1 : i32
        %add3A_1450 = arith.addi %add3A_1446, %add3A_1449 : i32
        %add3A_1451 = vector.broadcast %add3A_1450 : i32 to vector<16xi32>
        %add3A_1452 = arith.addi %mul3A_174, %add3A_1451 : vector<16xi32>
        tpu.vector_store_idx %arg9[%add3A_1452], %add3A_1440 : memref<6400xf32, #tpu.memory_space<vmem>>[vector<16xi32>], vector<16xf32>,
        %mul3A_1453 = arith.constant 5 : i32
        %mul3A_1454 = arith.muli %scan3A_194, %mul3A_1453 : i32
        %add3A_1455 = arith.constant 3 : i32
        %add3A_1456 = arith.addi %mul3A_1454, %add3A_1455 : i32
        %mul3A_1457 = arith.constant 20 : i32
        %mul3A_1458 = arith.muli %add3A_1456, %mul3A_1457 : i32
        %add3A_1459 = arith.constant 1000 : i32
        %add3A_1460 = arith.addi %add3A_1459, %mul3A_1458 : i32
        %mul3A_1461 = arith.constant 64 : i32
        %mul3A_1462 = arith.muli %add3A_1456, %mul3A_1461 : i32
        %add3A_1463 = arith.constant 0 : i32
        %add3A_1464 = arith.addi %mul3A_1462, %add3A_1463 : i32
        %get3A_1465 = arith.index_cast %add3A_1464 : i32 to index
        %get3A_1466 = tpu.vector_load %arg8[%get3A_1465] {strides = array<i32>} : memref<3584xf32, #tpu.memory_space<vmem>>, vector<16xf32>,
        %mul3A_1467 = arith.constant 64 : i32
        %mul3A_1468 = arith.muli %add3A_1456, %mul3A_1467 : i32
        %add3A_1469 = arith.constant 0 : i32
        %add3A_1470 = arith.addi %mul3A_1468, %add3A_1469 : i32
        %add3A_1471 = arith.constant 16 : i32
        %add3A_1472 = arith.addi %add3A_1470, %add3A_1471 : i32
        %get3A_1473 = arith.index_cast %add3A_1472 : i32 to index
        %get3A_1474 = tpu.vector_load %arg8[%get3A_1473] {strides = array<i32>} : memref<3584xf32, #tpu.memory_space<vmem>>, vector<16xf32>,
        %add3A_1475 = arith.constant 0 : i32
        %add3A_1476 = arith.addi %add3A_1460, %add3A_1475 : i32
        %get3A_1477 = arith.index_cast %add3A_1476 : i32 to index
        %get3A_1478 = arith.constant 0 : index
        %get3A_1479 = tpu.vector_load %arg7[%get3A_1477, %get3A_1478] {strides = array<i32>} : memref<2000x64xbf16, #tpu.memory_space<vmem>>, vector<32xbf16>,
        %unpack3A_1480 = tpu.unpack_subelements %get3A_1479, 0 {pack_format = #tpu.pack_format<interleaved>} : vector<32xbf16> -> vector<16xf32>
        %unpack3A_1481 = tpu.unpack_subelements %get3A_1479, 1 {pack_format = #tpu.pack_format<interleaved>} : vector<32xbf16> -> vector<16xf32>
        %add3A_1482 = arith.addf %get3A_1466, %unpack3A_1480 : vector<16xf32>
        %add3A_1483 = arith.addf %get3A_1474, %unpack3A_1481 : vector<16xf32>
        %add3A_1484 = arith.constant 1 : i32
        %add3A_1485 = arith.addi %add3A_1460, %add3A_1484 : i32
        %get3A_1486 = arith.index_cast %add3A_1485 : i32 to index
        %get3A_1487 = arith.constant 0 : index
        %get3A_1488 = tpu.vector_load %arg7[%get3A_1486, %get3A_1487] {strides = array<i32>} : memref<2000x64xbf16, #tpu.memory_space<vmem>>, vector<32xbf16>,
        %unpack3A_1489 = tpu.unpack_subelements %get3A_1488, 0 {pack_format = #tpu.pack_format<interleaved>} : vector<32xbf16> -> vector<16xf32>
        %unpack3A_1490 = tpu.unpack_subelements %get3A_1488, 1 {pack_format = #tpu.pack_format<interleaved>} : vector<32xbf16> -> vector<16xf32>
        %add3A_1491 = arith.addf %add3A_1482, %unpack3A_1489 : vector<16xf32>
        %add3A_1492 = arith.addf %add3A_1483, %unpack3A_1490 : vector<16xf32>
        %add3A_1493 = arith.constant 2 : i32
        %add3A_1494 = arith.addi %add3A_1460, %add3A_1493 : i32
        %get3A_1495 = arith.index_cast %add3A_1494 : i32 to index
        %get3A_1496 = arith.constant 0 : index
        %get3A_1497 = tpu.vector_load %arg7[%get3A_1495, %get3A_1496] {strides = array<i32>} : memref<2000x64xbf16, #tpu.memory_space<vmem>>, vector<32xbf16>,
        %unpack3A_1498 = tpu.unpack_subelements %get3A_1497, 0 {pack_format = #tpu.pack_format<interleaved>} : vector<32xbf16> -> vector<16xf32>
        %unpack3A_1499 = tpu.unpack_subelements %get3A_1497, 1 {pack_format = #tpu.pack_format<interleaved>} : vector<32xbf16> -> vector<16xf32>
        %add3A_1500 = arith.addf %add3A_1491, %unpack3A_1498 : vector<16xf32>
        %add3A_1501 = arith.addf %add3A_1492, %unpack3A_1499 : vector<16xf32>
        %add3A_1502 = arith.constant 3 : i32
        %add3A_1503 = arith.addi %add3A_1460, %add3A_1502 : i32
        %get3A_1504 = arith.index_cast %add3A_1503 : i32 to index
        %get3A_1505 = arith.constant 0 : index
        %get3A_1506 = tpu.vector_load %arg7[%get3A_1504, %get3A_1505] {strides = array<i32>} : memref<2000x64xbf16, #tpu.memory_space<vmem>>, vector<32xbf16>,
        %unpack3A_1507 = tpu.unpack_subelements %get3A_1506, 0 {pack_format = #tpu.pack_format<interleaved>} : vector<32xbf16> -> vector<16xf32>
        %unpack3A_1508 = tpu.unpack_subelements %get3A_1506, 1 {pack_format = #tpu.pack_format<interleaved>} : vector<32xbf16> -> vector<16xf32>
        %add3A_1509 = arith.addf %add3A_1500, %unpack3A_1507 : vector<16xf32>
        %add3A_1510 = arith.addf %add3A_1501, %unpack3A_1508 : vector<16xf32>
        %add3A_1511 = arith.constant 4 : i32
        %add3A_1512 = arith.addi %add3A_1460, %add3A_1511 : i32
        %get3A_1513 = arith.index_cast %add3A_1512 : i32 to index
        %get3A_1514 = arith.constant 0 : index
        %get3A_1515 = tpu.vector_load %arg7[%get3A_1513, %get3A_1514] {strides = array<i32>} : memref<2000x64xbf16, #tpu.memory_space<vmem>>, vector<32xbf16>,
        %unpack3A_1516 = tpu.unpack_subelements %get3A_1515, 0 {pack_format = #tpu.pack_format<interleaved>} : vector<32xbf16> -> vector<16xf32>
        %unpack3A_1517 = tpu.unpack_subelements %get3A_1515, 1 {pack_format = #tpu.pack_format<interleaved>} : vector<32xbf16> -> vector<16xf32>
        %add3A_1518 = arith.addf %add3A_1509, %unpack3A_1516 : vector<16xf32>
        %add3A_1519 = arith.addf %add3A_1510, %unpack3A_1517 : vector<16xf32>
        %add3A_1520 = arith.constant 5 : i32
        %add3A_1521 = arith.addi %add3A_1460, %add3A_1520 : i32
        %get3A_1522 = arith.index_cast %add3A_1521 : i32 to index
        %get3A_1523 = arith.constant 0 : index
        %get3A_1524 = tpu.vector_load %arg7[%get3A_1522, %get3A_1523] {strides = array<i32>} : memref<2000x64xbf16, #tpu.memory_space<vmem>>, vector<32xbf16>,
        %unpack3A_1525 = tpu.unpack_subelements %get3A_1524, 0 {pack_format = #tpu.pack_format<interleaved>} : vector<32xbf16> -> vector<16xf32>
        %unpack3A_1526 = tpu.unpack_subelements %get3A_1524, 1 {pack_format = #tpu.pack_format<interleaved>} : vector<32xbf16> -> vector<16xf32>
        %add3A_1527 = arith.addf %add3A_1518, %unpack3A_1525 : vector<16xf32>
        %add3A_1528 = arith.addf %add3A_1519, %unpack3A_1526 : vector<16xf32>
        %add3A_1529 = arith.constant 6 : i32
        %add3A_1530 = arith.addi %add3A_1460, %add3A_1529 : i32
        %get3A_1531 = arith.index_cast %add3A_1530 : i32 to index
        %get3A_1532 = arith.constant 0 : index
        %get3A_1533 = tpu.vector_load %arg7[%get3A_1531, %get3A_1532] {strides = array<i32>} : memref<2000x64xbf16, #tpu.memory_space<vmem>>, vector<32xbf16>,
        %unpack3A_1534 = tpu.unpack_subelements %get3A_1533, 0 {pack_format = #tpu.pack_format<interleaved>} : vector<32xbf16> -> vector<16xf32>
        %unpack3A_1535 = tpu.unpack_subelements %get3A_1533, 1 {pack_format = #tpu.pack_format<interleaved>} : vector<32xbf16> -> vector<16xf32>
        %add3A_1536 = arith.addf %add3A_1527, %unpack3A_1534 : vector<16xf32>
        %add3A_1537 = arith.addf %add3A_1528, %unpack3A_1535 : vector<16xf32>
        %add3A_1538 = arith.constant 7 : i32
        %add3A_1539 = arith.addi %add3A_1460, %add3A_1538 : i32
        %get3A_1540 = arith.index_cast %add3A_1539 : i32 to index
        %get3A_1541 = arith.constant 0 : index
        %get3A_1542 = tpu.vector_load %arg7[%get3A_1540, %get3A_1541] {strides = array<i32>} : memref<2000x64xbf16, #tpu.memory_space<vmem>>, vector<32xbf16>,
        %unpack3A_1543 = tpu.unpack_subelements %get3A_1542, 0 {pack_format = #tpu.pack_format<interleaved>} : vector<32xbf16> -> vector<16xf32>
        %unpack3A_1544 = tpu.unpack_subelements %get3A_1542, 1 {pack_format = #tpu.pack_format<interleaved>} : vector<32xbf16> -> vector<16xf32>
        %add3A_1545 = arith.addf %add3A_1536, %unpack3A_1543 : vector<16xf32>
        %add3A_1546 = arith.addf %add3A_1537, %unpack3A_1544 : vector<16xf32>
        %add3A_1547 = arith.constant 8 : i32
        %add3A_1548 = arith.addi %add3A_1460, %add3A_1547 : i32
        %get3A_1549 = arith.index_cast %add3A_1548 : i32 to index
        %get3A_1550 = arith.constant 0 : index
        %get3A_1551 = tpu.vector_load %arg7[%get3A_1549, %get3A_1550] {strides = array<i32>} : memref<2000x64xbf16, #tpu.memory_space<vmem>>, vector<32xbf16>,
        %unpack3A_1552 = tpu.unpack_subelements %get3A_1551, 0 {pack_format = #tpu.pack_format<interleaved>} : vector<32xbf16> -> vector<16xf32>
        %unpack3A_1553 = tpu.unpack_subelements %get3A_1551, 1 {pack_format = #tpu.pack_format<interleaved>} : vector<32xbf16> -> vector<16xf32>
        %add3A_1554 = arith.addf %add3A_1545, %unpack3A_1552 : vector<16xf32>
        %add3A_1555 = arith.addf %add3A_1546, %unpack3A_1553 : vector<16xf32>
        %add3A_1556 = arith.constant 9 : i32
        %add3A_1557 = arith.addi %add3A_1460, %add3A_1556 : i32
        %get3A_1558 = arith.index_cast %add3A_1557 : i32 to index
        %get3A_1559 = arith.constant 0 : index
        %get3A_1560 = tpu.vector_load %arg7[%get3A_1558, %get3A_1559] {strides = array<i32>} : memref<2000x64xbf16, #tpu.memory_space<vmem>>, vector<32xbf16>,
        %unpack3A_1561 = tpu.unpack_subelements %get3A_1560, 0 {pack_format = #tpu.pack_format<interleaved>} : vector<32xbf16> -> vector<16xf32>
        %unpack3A_1562 = tpu.unpack_subelements %get3A_1560, 1 {pack_format = #tpu.pack_format<interleaved>} : vector<32xbf16> -> vector<16xf32>
        %add3A_1563 = arith.addf %add3A_1554, %unpack3A_1561 : vector<16xf32>
        %add3A_1564 = arith.addf %add3A_1555, %unpack3A_1562 : vector<16xf32>
        %add3A_1565 = arith.constant 10 : i32
        %add3A_1566 = arith.addi %add3A_1460, %add3A_1565 : i32
        %get3A_1567 = arith.index_cast %add3A_1566 : i32 to index
        %get3A_1568 = arith.constant 0 : index
        %get3A_1569 = tpu.vector_load %arg7[%get3A_1567, %get3A_1568] {strides = array<i32>} : memref<2000x64xbf16, #tpu.memory_space<vmem>>, vector<32xbf16>,
        %unpack3A_1570 = tpu.unpack_subelements %get3A_1569, 0 {pack_format = #tpu.pack_format<interleaved>} : vector<32xbf16> -> vector<16xf32>
        %unpack3A_1571 = tpu.unpack_subelements %get3A_1569, 1 {pack_format = #tpu.pack_format<interleaved>} : vector<32xbf16> -> vector<16xf32>
        %add3A_1572 = arith.addf %add3A_1563, %unpack3A_1570 : vector<16xf32>
        %add3A_1573 = arith.addf %add3A_1564, %unpack3A_1571 : vector<16xf32>
        %add3A_1574 = arith.constant 11 : i32
        %add3A_1575 = arith.addi %add3A_1460, %add3A_1574 : i32
        %get3A_1576 = arith.index_cast %add3A_1575 : i32 to index
        %get3A_1577 = arith.constant 0 : index
        %get3A_1578 = tpu.vector_load %arg7[%get3A_1576, %get3A_1577] {strides = array<i32>} : memref<2000x64xbf16, #tpu.memory_space<vmem>>, vector<32xbf16>,
        %unpack3A_1579 = tpu.unpack_subelements %get3A_1578, 0 {pack_format = #tpu.pack_format<interleaved>} : vector<32xbf16> -> vector<16xf32>
        %unpack3A_1580 = tpu.unpack_subelements %get3A_1578, 1 {pack_format = #tpu.pack_format<interleaved>} : vector<32xbf16> -> vector<16xf32>
        %add3A_1581 = arith.addf %add3A_1572, %unpack3A_1579 : vector<16xf32>
        %add3A_1582 = arith.addf %add3A_1573, %unpack3A_1580 : vector<16xf32>
        %add3A_1583 = arith.constant 12 : i32
        %add3A_1584 = arith.addi %add3A_1460, %add3A_1583 : i32
        %get3A_1585 = arith.index_cast %add3A_1584 : i32 to index
        %get3A_1586 = arith.constant 0 : index
        %get3A_1587 = tpu.vector_load %arg7[%get3A_1585, %get3A_1586] {strides = array<i32>} : memref<2000x64xbf16, #tpu.memory_space<vmem>>, vector<32xbf16>,
        %unpack3A_1588 = tpu.unpack_subelements %get3A_1587, 0 {pack_format = #tpu.pack_format<interleaved>} : vector<32xbf16> -> vector<16xf32>
        %unpack3A_1589 = tpu.unpack_subelements %get3A_1587, 1 {pack_format = #tpu.pack_format<interleaved>} : vector<32xbf16> -> vector<16xf32>
        %add3A_1590 = arith.addf %add3A_1581, %unpack3A_1588 : vector<16xf32>
        %add3A_1591 = arith.addf %add3A_1582, %unpack3A_1589 : vector<16xf32>
        %add3A_1592 = arith.constant 13 : i32
        %add3A_1593 = arith.addi %add3A_1460, %add3A_1592 : i32
        %get3A_1594 = arith.index_cast %add3A_1593 : i32 to index
        %get3A_1595 = arith.constant 0 : index
        %get3A_1596 = tpu.vector_load %arg7[%get3A_1594, %get3A_1595] {strides = array<i32>} : memref<2000x64xbf16, #tpu.memory_space<vmem>>, vector<32xbf16>,
        %unpack3A_1597 = tpu.unpack_subelements %get3A_1596, 0 {pack_format = #tpu.pack_format<interleaved>} : vector<32xbf16> -> vector<16xf32>
        %unpack3A_1598 = tpu.unpack_subelements %get3A_1596, 1 {pack_format = #tpu.pack_format<interleaved>} : vector<32xbf16> -> vector<16xf32>
        %add3A_1599 = arith.addf %add3A_1590, %unpack3A_1597 : vector<16xf32>
        %add3A_1600 = arith.addf %add3A_1591, %unpack3A_1598 : vector<16xf32>
        %add3A_1601 = arith.constant 14 : i32
        %add3A_1602 = arith.addi %add3A_1460, %add3A_1601 : i32
        %get3A_1603 = arith.index_cast %add3A_1602 : i32 to index
        %get3A_1604 = arith.constant 0 : index
        %get3A_1605 = tpu.vector_load %arg7[%get3A_1603, %get3A_1604] {strides = array<i32>} : memref<2000x64xbf16, #tpu.memory_space<vmem>>, vector<32xbf16>,
        %unpack3A_1606 = tpu.unpack_subelements %get3A_1605, 0 {pack_format = #tpu.pack_format<interleaved>} : vector<32xbf16> -> vector<16xf32>
        %unpack3A_1607 = tpu.unpack_subelements %get3A_1605, 1 {pack_format = #tpu.pack_format<interleaved>} : vector<32xbf16> -> vector<16xf32>
        %add3A_1608 = arith.addf %add3A_1599, %unpack3A_1606 : vector<16xf32>
        %add3A_1609 = arith.addf %add3A_1600, %unpack3A_1607 : vector<16xf32>
        %add3A_1610 = arith.constant 15 : i32
        %add3A_1611 = arith.addi %add3A_1460, %add3A_1610 : i32
        %get3A_1612 = arith.index_cast %add3A_1611 : i32 to index
        %get3A_1613 = arith.constant 0 : index
        %get3A_1614 = tpu.vector_load %arg7[%get3A_1612, %get3A_1613] {strides = array<i32>} : memref<2000x64xbf16, #tpu.memory_space<vmem>>, vector<32xbf16>,
        %unpack3A_1615 = tpu.unpack_subelements %get3A_1614, 0 {pack_format = #tpu.pack_format<interleaved>} : vector<32xbf16> -> vector<16xf32>
        %unpack3A_1616 = tpu.unpack_subelements %get3A_1614, 1 {pack_format = #tpu.pack_format<interleaved>} : vector<32xbf16> -> vector<16xf32>
        %add3A_1617 = arith.addf %add3A_1608, %unpack3A_1615 : vector<16xf32>
        %add3A_1618 = arith.addf %add3A_1609, %unpack3A_1616 : vector<16xf32>
        %add3A_1619 = arith.constant 16 : i32
        %add3A_1620 = arith.addi %add3A_1460, %add3A_1619 : i32
        %get3A_1621 = arith.index_cast %add3A_1620 : i32 to index
        %get3A_1622 = arith.constant 0 : index
        %get3A_1623 = tpu.vector_load %arg7[%get3A_1621, %get3A_1622] {strides = array<i32>} : memref<2000x64xbf16, #tpu.memory_space<vmem>>, vector<32xbf16>,
        %unpack3A_1624 = tpu.unpack_subelements %get3A_1623, 0 {pack_format = #tpu.pack_format<interleaved>} : vector<32xbf16> -> vector<16xf32>
        %unpack3A_1625 = tpu.unpack_subelements %get3A_1623, 1 {pack_format = #tpu.pack_format<interleaved>} : vector<32xbf16> -> vector<16xf32>
        %add3A_1626 = arith.addf %add3A_1617, %unpack3A_1624 : vector<16xf32>
        %add3A_1627 = arith.addf %add3A_1618, %unpack3A_1625 : vector<16xf32>
        %add3A_1628 = arith.constant 17 : i32
        %add3A_1629 = arith.addi %add3A_1460, %add3A_1628 : i32
        %get3A_1630 = arith.index_cast %add3A_1629 : i32 to index
        %get3A_1631 = arith.constant 0 : index
        %get3A_1632 = tpu.vector_load %arg7[%get3A_1630, %get3A_1631] {strides = array<i32>} : memref<2000x64xbf16, #tpu.memory_space<vmem>>, vector<32xbf16>,
        %unpack3A_1633 = tpu.unpack_subelements %get3A_1632, 0 {pack_format = #tpu.pack_format<interleaved>} : vector<32xbf16> -> vector<16xf32>
        %unpack3A_1634 = tpu.unpack_subelements %get3A_1632, 1 {pack_format = #tpu.pack_format<interleaved>} : vector<32xbf16> -> vector<16xf32>
        %add3A_1635 = arith.addf %add3A_1626, %unpack3A_1633 : vector<16xf32>
        %add3A_1636 = arith.addf %add3A_1627, %unpack3A_1634 : vector<16xf32>
        %add3A_1637 = arith.constant 18 : i32
        %add3A_1638 = arith.addi %add3A_1460, %add3A_1637 : i32
        %get3A_1639 = arith.index_cast %add3A_1638 : i32 to index
        %get3A_1640 = arith.constant 0 : index
        %get3A_1641 = tpu.vector_load %arg7[%get3A_1639, %get3A_1640] {strides = array<i32>} : memref<2000x64xbf16, #tpu.memory_space<vmem>>, vector<32xbf16>,
        %unpack3A_1642 = tpu.unpack_subelements %get3A_1641, 0 {pack_format = #tpu.pack_format<interleaved>} : vector<32xbf16> -> vector<16xf32>
        %unpack3A_1643 = tpu.unpack_subelements %get3A_1641, 1 {pack_format = #tpu.pack_format<interleaved>} : vector<32xbf16> -> vector<16xf32>
        %add3A_1644 = arith.addf %add3A_1635, %unpack3A_1642 : vector<16xf32>
        %add3A_1645 = arith.addf %add3A_1636, %unpack3A_1643 : vector<16xf32>
        %add3A_1646 = arith.constant 19 : i32
        %add3A_1647 = arith.addi %add3A_1460, %add3A_1646 : i32
        %get3A_1648 = arith.index_cast %add3A_1647 : i32 to index
        %get3A_1649 = arith.constant 0 : index
        %get3A_1650 = tpu.vector_load %arg7[%get3A_1648, %get3A_1649] {strides = array<i32>} : memref<2000x64xbf16, #tpu.memory_space<vmem>>, vector<32xbf16>,
        %unpack3A_1651 = tpu.unpack_subelements %get3A_1650, 0 {pack_format = #tpu.pack_format<interleaved>} : vector<32xbf16> -> vector<16xf32>
        %unpack3A_1652 = tpu.unpack_subelements %get3A_1650, 1 {pack_format = #tpu.pack_format<interleaved>} : vector<32xbf16> -> vector<16xf32>
        %add3A_1653 = arith.addf %add3A_1644, %unpack3A_1651 : vector<16xf32>
        %add3A_1654 = arith.addf %add3A_1645, %unpack3A_1652 : vector<16xf32>
        %mul3A_1655 = arith.constant 64 : i32
        %mul3A_1656 = arith.muli %add3A_1456, %mul3A_1655 : i32
        %add3A_1657 = arith.constant 3200 : i32
        %add3A_1658 = arith.addi %add3A_1657, %mul3A_1656 : i32
        %add3A_1659 = arith.constant 0 : i32
        %add3A_1660 = arith.addi %add3A_1658, %add3A_1659 : i32
        %add3A_1661 = vector.broadcast %add3A_1660 : i32 to vector<16xi32>
        %add3A_1662 = arith.addi %mul3A_174, %add3A_1661 : vector<16xi32>
        tpu.vector_store_idx %arg9[%add3A_1662], %add3A_1653 : memref<6400xf32, #tpu.memory_space<vmem>>[vector<16xi32>], vector<16xf32>,
        %add3A_1663 = arith.constant 1 : i32
        %add3A_1664 = arith.addi %add3A_1660, %add3A_1663 : i32
        %add3A_1665 = vector.broadcast %add3A_1664 : i32 to vector<16xi32>
        %add3A_1666 = arith.addi %mul3A_174, %add3A_1665 : vector<16xi32>
        tpu.vector_store_idx %arg9[%add3A_1666], %add3A_1654 : memref<6400xf32, #tpu.memory_space<vmem>>[vector<16xi32>], vector<16xf32>,
        %mul3A_1667 = arith.constant 64 : i32
        %mul3A_1668 = arith.muli %add3A_1456, %mul3A_1667 : i32
        %add3A_1669 = arith.constant 32 : i32
        %add3A_1670 = arith.addi %mul3A_1668, %add3A_1669 : i32
        %get3A_1671 = arith.index_cast %add3A_1670 : i32 to index
        %get3A_1672 = tpu.vector_load %arg8[%get3A_1671] {strides = array<i32>} : memref<3584xf32, #tpu.memory_space<vmem>>, vector<16xf32>,
        %mul3A_1673 = arith.constant 64 : i32
        %mul3A_1674 = arith.muli %add3A_1456, %mul3A_1673 : i32
        %add3A_1675 = arith.constant 32 : i32
        %add3A_1676 = arith.addi %mul3A_1674, %add3A_1675 : i32
        %add3A_1677 = arith.constant 16 : i32
        %add3A_1678 = arith.addi %add3A_1676, %add3A_1677 : i32
        %get3A_1679 = arith.index_cast %add3A_1678 : i32 to index
        %get3A_1680 = tpu.vector_load %arg8[%get3A_1679] {strides = array<i32>} : memref<3584xf32, #tpu.memory_space<vmem>>, vector<16xf32>,
        %add3A_1681 = arith.constant 0 : i32
        %add3A_1682 = arith.addi %add3A_1460, %add3A_1681 : i32
        %get3A_1683 = arith.index_cast %add3A_1682 : i32 to index
        %get3A_1684 = arith.constant 32 : index
        %get3A_1685 = tpu.vector_load %arg7[%get3A_1683, %get3A_1684] {strides = array<i32>} : memref<2000x64xbf16, #tpu.memory_space<vmem>>, vector<32xbf16>,
        %unpack3A_1686 = tpu.unpack_subelements %get3A_1685, 0 {pack_format = #tpu.pack_format<interleaved>} : vector<32xbf16> -> vector<16xf32>
        %unpack3A_1687 = tpu.unpack_subelements %get3A_1685, 1 {pack_format = #tpu.pack_format<interleaved>} : vector<32xbf16> -> vector<16xf32>
        %add3A_1688 = arith.addf %get3A_1672, %unpack3A_1686 : vector<16xf32>
        %add3A_1689 = arith.addf %get3A_1680, %unpack3A_1687 : vector<16xf32>
        %add3A_1690 = arith.constant 1 : i32
        %add3A_1691 = arith.addi %add3A_1460, %add3A_1690 : i32
        %get3A_1692 = arith.index_cast %add3A_1691 : i32 to index
        %get3A_1693 = arith.constant 32 : index
        %get3A_1694 = tpu.vector_load %arg7[%get3A_1692, %get3A_1693] {strides = array<i32>} : memref<2000x64xbf16, #tpu.memory_space<vmem>>, vector<32xbf16>,
        %unpack3A_1695 = tpu.unpack_subelements %get3A_1694, 0 {pack_format = #tpu.pack_format<interleaved>} : vector<32xbf16> -> vector<16xf32>
        %unpack3A_1696 = tpu.unpack_subelements %get3A_1694, 1 {pack_format = #tpu.pack_format<interleaved>} : vector<32xbf16> -> vector<16xf32>
        %add3A_1697 = arith.addf %add3A_1688, %unpack3A_1695 : vector<16xf32>
        %add3A_1698 = arith.addf %add3A_1689, %unpack3A_1696 : vector<16xf32>
        %add3A_1699 = arith.constant 2 : i32
        %add3A_1700 = arith.addi %add3A_1460, %add3A_1699 : i32
        %get3A_1701 = arith.index_cast %add3A_1700 : i32 to index
        %get3A_1702 = arith.constant 32 : index
        %get3A_1703 = tpu.vector_load %arg7[%get3A_1701, %get3A_1702] {strides = array<i32>} : memref<2000x64xbf16, #tpu.memory_space<vmem>>, vector<32xbf16>,
        %unpack3A_1704 = tpu.unpack_subelements %get3A_1703, 0 {pack_format = #tpu.pack_format<interleaved>} : vector<32xbf16> -> vector<16xf32>
        %unpack3A_1705 = tpu.unpack_subelements %get3A_1703, 1 {pack_format = #tpu.pack_format<interleaved>} : vector<32xbf16> -> vector<16xf32>
        %add3A_1706 = arith.addf %add3A_1697, %unpack3A_1704 : vector<16xf32>
        %add3A_1707 = arith.addf %add3A_1698, %unpack3A_1705 : vector<16xf32>
        %add3A_1708 = arith.constant 3 : i32
        %add3A_1709 = arith.addi %add3A_1460, %add3A_1708 : i32
        %get3A_1710 = arith.index_cast %add3A_1709 : i32 to index
        %get3A_1711 = arith.constant 32 : index
        %get3A_1712 = tpu.vector_load %arg7[%get3A_1710, %get3A_1711] {strides = array<i32>} : memref<2000x64xbf16, #tpu.memory_space<vmem>>, vector<32xbf16>,
        %unpack3A_1713 = tpu.unpack_subelements %get3A_1712, 0 {pack_format = #tpu.pack_format<interleaved>} : vector<32xbf16> -> vector<16xf32>
        %unpack3A_1714 = tpu.unpack_subelements %get3A_1712, 1 {pack_format = #tpu.pack_format<interleaved>} : vector<32xbf16> -> vector<16xf32>
        %add3A_1715 = arith.addf %add3A_1706, %unpack3A_1713 : vector<16xf32>
        %add3A_1716 = arith.addf %add3A_1707, %unpack3A_1714 : vector<16xf32>
        %add3A_1717 = arith.constant 4 : i32
        %add3A_1718 = arith.addi %add3A_1460, %add3A_1717 : i32
        %get3A_1719 = arith.index_cast %add3A_1718 : i32 to index
        %get3A_1720 = arith.constant 32 : index
        %get3A_1721 = tpu.vector_load %arg7[%get3A_1719, %get3A_1720] {strides = array<i32>} : memref<2000x64xbf16, #tpu.memory_space<vmem>>, vector<32xbf16>,
        %unpack3A_1722 = tpu.unpack_subelements %get3A_1721, 0 {pack_format = #tpu.pack_format<interleaved>} : vector<32xbf16> -> vector<16xf32>
        %unpack3A_1723 = tpu.unpack_subelements %get3A_1721, 1 {pack_format = #tpu.pack_format<interleaved>} : vector<32xbf16> -> vector<16xf32>
        %add3A_1724 = arith.addf %add3A_1715, %unpack3A_1722 : vector<16xf32>
        %add3A_1725 = arith.addf %add3A_1716, %unpack3A_1723 : vector<16xf32>
        %add3A_1726 = arith.constant 5 : i32
        %add3A_1727 = arith.addi %add3A_1460, %add3A_1726 : i32
        %get3A_1728 = arith.index_cast %add3A_1727 : i32 to index
        %get3A_1729 = arith.constant 32 : index
        %get3A_1730 = tpu.vector_load %arg7[%get3A_1728, %get3A_1729] {strides = array<i32>} : memref<2000x64xbf16, #tpu.memory_space<vmem>>, vector<32xbf16>,
        %unpack3A_1731 = tpu.unpack_subelements %get3A_1730, 0 {pack_format = #tpu.pack_format<interleaved>} : vector<32xbf16> -> vector<16xf32>
        %unpack3A_1732 = tpu.unpack_subelements %get3A_1730, 1 {pack_format = #tpu.pack_format<interleaved>} : vector<32xbf16> -> vector<16xf32>
        %add3A_1733 = arith.addf %add3A_1724, %unpack3A_1731 : vector<16xf32>
        %add3A_1734 = arith.addf %add3A_1725, %unpack3A_1732 : vector<16xf32>
        %add3A_1735 = arith.constant 6 : i32
        %add3A_1736 = arith.addi %add3A_1460, %add3A_1735 : i32
        %get3A_1737 = arith.index_cast %add3A_1736 : i32 to index
        %get3A_1738 = arith.constant 32 : index
        %get3A_1739 = tpu.vector_load %arg7[%get3A_1737, %get3A_1738] {strides = array<i32>} : memref<2000x64xbf16, #tpu.memory_space<vmem>>, vector<32xbf16>,
        %unpack3A_1740 = tpu.unpack_subelements %get3A_1739, 0 {pack_format = #tpu.pack_format<interleaved>} : vector<32xbf16> -> vector<16xf32>
        %unpack3A_1741 = tpu.unpack_subelements %get3A_1739, 1 {pack_format = #tpu.pack_format<interleaved>} : vector<32xbf16> -> vector<16xf32>
        %add3A_1742 = arith.addf %add3A_1733, %unpack3A_1740 : vector<16xf32>
        %add3A_1743 = arith.addf %add3A_1734, %unpack3A_1741 : vector<16xf32>
        %add3A_1744 = arith.constant 7 : i32
        %add3A_1745 = arith.addi %add3A_1460, %add3A_1744 : i32
        %get3A_1746 = arith.index_cast %add3A_1745 : i32 to index
        %get3A_1747 = arith.constant 32 : index
        %get3A_1748 = tpu.vector_load %arg7[%get3A_1746, %get3A_1747] {strides = array<i32>} : memref<2000x64xbf16, #tpu.memory_space<vmem>>, vector<32xbf16>,
        %unpack3A_1749 = tpu.unpack_subelements %get3A_1748, 0 {pack_format = #tpu.pack_format<interleaved>} : vector<32xbf16> -> vector<16xf32>
        %unpack3A_1750 = tpu.unpack_subelements %get3A_1748, 1 {pack_format = #tpu.pack_format<interleaved>} : vector<32xbf16> -> vector<16xf32>
        %add3A_1751 = arith.addf %add3A_1742, %unpack3A_1749 : vector<16xf32>
        %add3A_1752 = arith.addf %add3A_1743, %unpack3A_1750 : vector<16xf32>
        %add3A_1753 = arith.constant 8 : i32
        %add3A_1754 = arith.addi %add3A_1460, %add3A_1753 : i32
        %get3A_1755 = arith.index_cast %add3A_1754 : i32 to index
        %get3A_1756 = arith.constant 32 : index
        %get3A_1757 = tpu.vector_load %arg7[%get3A_1755, %get3A_1756] {strides = array<i32>} : memref<2000x64xbf16, #tpu.memory_space<vmem>>, vector<32xbf16>,
        %unpack3A_1758 = tpu.unpack_subelements %get3A_1757, 0 {pack_format = #tpu.pack_format<interleaved>} : vector<32xbf16> -> vector<16xf32>
        %unpack3A_1759 = tpu.unpack_subelements %get3A_1757, 1 {pack_format = #tpu.pack_format<interleaved>} : vector<32xbf16> -> vector<16xf32>
        %add3A_1760 = arith.addf %add3A_1751, %unpack3A_1758 : vector<16xf32>
        %add3A_1761 = arith.addf %add3A_1752, %unpack3A_1759 : vector<16xf32>
        %add3A_1762 = arith.constant 9 : i32
        %add3A_1763 = arith.addi %add3A_1460, %add3A_1762 : i32
        %get3A_1764 = arith.index_cast %add3A_1763 : i32 to index
        %get3A_1765 = arith.constant 32 : index
        %get3A_1766 = tpu.vector_load %arg7[%get3A_1764, %get3A_1765] {strides = array<i32>} : memref<2000x64xbf16, #tpu.memory_space<vmem>>, vector<32xbf16>,
        %unpack3A_1767 = tpu.unpack_subelements %get3A_1766, 0 {pack_format = #tpu.pack_format<interleaved>} : vector<32xbf16> -> vector<16xf32>
        %unpack3A_1768 = tpu.unpack_subelements %get3A_1766, 1 {pack_format = #tpu.pack_format<interleaved>} : vector<32xbf16> -> vector<16xf32>
        %add3A_1769 = arith.addf %add3A_1760, %unpack3A_1767 : vector<16xf32>
        %add3A_1770 = arith.addf %add3A_1761, %unpack3A_1768 : vector<16xf32>
        %add3A_1771 = arith.constant 10 : i32
        %add3A_1772 = arith.addi %add3A_1460, %add3A_1771 : i32
        %get3A_1773 = arith.index_cast %add3A_1772 : i32 to index
        %get3A_1774 = arith.constant 32 : index
        %get3A_1775 = tpu.vector_load %arg7[%get3A_1773, %get3A_1774] {strides = array<i32>} : memref<2000x64xbf16, #tpu.memory_space<vmem>>, vector<32xbf16>,
        %unpack3A_1776 = tpu.unpack_subelements %get3A_1775, 0 {pack_format = #tpu.pack_format<interleaved>} : vector<32xbf16> -> vector<16xf32>
        %unpack3A_1777 = tpu.unpack_subelements %get3A_1775, 1 {pack_format = #tpu.pack_format<interleaved>} : vector<32xbf16> -> vector<16xf32>
        %add3A_1778 = arith.addf %add3A_1769, %unpack3A_1776 : vector<16xf32>
        %add3A_1779 = arith.addf %add3A_1770, %unpack3A_1777 : vector<16xf32>
        %add3A_1780 = arith.constant 11 : i32
        %add3A_1781 = arith.addi %add3A_1460, %add3A_1780 : i32
        %get3A_1782 = arith.index_cast %add3A_1781 : i32 to index
        %get3A_1783 = arith.constant 32 : index
        %get3A_1784 = tpu.vector_load %arg7[%get3A_1782, %get3A_1783] {strides = array<i32>} : memref<2000x64xbf16, #tpu.memory_space<vmem>>, vector<32xbf16>,
        %unpack3A_1785 = tpu.unpack_subelements %get3A_1784, 0 {pack_format = #tpu.pack_format<interleaved>} : vector<32xbf16> -> vector<16xf32>
        %unpack3A_1786 = tpu.unpack_subelements %get3A_1784, 1 {pack_format = #tpu.pack_format<interleaved>} : vector<32xbf16> -> vector<16xf32>
        %add3A_1787 = arith.addf %add3A_1778, %unpack3A_1785 : vector<16xf32>
        %add3A_1788 = arith.addf %add3A_1779, %unpack3A_1786 : vector<16xf32>
        %add3A_1789 = arith.constant 12 : i32
        %add3A_1790 = arith.addi %add3A_1460, %add3A_1789 : i32
        %get3A_1791 = arith.index_cast %add3A_1790 : i32 to index
        %get3A_1792 = arith.constant 32 : index
        %get3A_1793 = tpu.vector_load %arg7[%get3A_1791, %get3A_1792] {strides = array<i32>} : memref<2000x64xbf16, #tpu.memory_space<vmem>>, vector<32xbf16>,
        %unpack3A_1794 = tpu.unpack_subelements %get3A_1793, 0 {pack_format = #tpu.pack_format<interleaved>} : vector<32xbf16> -> vector<16xf32>
        %unpack3A_1795 = tpu.unpack_subelements %get3A_1793, 1 {pack_format = #tpu.pack_format<interleaved>} : vector<32xbf16> -> vector<16xf32>
        %add3A_1796 = arith.addf %add3A_1787, %unpack3A_1794 : vector<16xf32>
        %add3A_1797 = arith.addf %add3A_1788, %unpack3A_1795 : vector<16xf32>
        %add3A_1798 = arith.constant 13 : i32
        %add3A_1799 = arith.addi %add3A_1460, %add3A_1798 : i32
        %get3A_1800 = arith.index_cast %add3A_1799 : i32 to index
        %get3A_1801 = arith.constant 32 : index
        %get3A_1802 = tpu.vector_load %arg7[%get3A_1800, %get3A_1801] {strides = array<i32>} : memref<2000x64xbf16, #tpu.memory_space<vmem>>, vector<32xbf16>,
        %unpack3A_1803 = tpu.unpack_subelements %get3A_1802, 0 {pack_format = #tpu.pack_format<interleaved>} : vector<32xbf16> -> vector<16xf32>
        %unpack3A_1804 = tpu.unpack_subelements %get3A_1802, 1 {pack_format = #tpu.pack_format<interleaved>} : vector<32xbf16> -> vector<16xf32>
        %add3A_1805 = arith.addf %add3A_1796, %unpack3A_1803 : vector<16xf32>
        %add3A_1806 = arith.addf %add3A_1797, %unpack3A_1804 : vector<16xf32>
        %add3A_1807 = arith.constant 14 : i32
        %add3A_1808 = arith.addi %add3A_1460, %add3A_1807 : i32
        %get3A_1809 = arith.index_cast %add3A_1808 : i32 to index
        %get3A_1810 = arith.constant 32 : index
        %get3A_1811 = tpu.vector_load %arg7[%get3A_1809, %get3A_1810] {strides = array<i32>} : memref<2000x64xbf16, #tpu.memory_space<vmem>>, vector<32xbf16>,
        %unpack3A_1812 = tpu.unpack_subelements %get3A_1811, 0 {pack_format = #tpu.pack_format<interleaved>} : vector<32xbf16> -> vector<16xf32>
        %unpack3A_1813 = tpu.unpack_subelements %get3A_1811, 1 {pack_format = #tpu.pack_format<interleaved>} : vector<32xbf16> -> vector<16xf32>
        %add3A_1814 = arith.addf %add3A_1805, %unpack3A_1812 : vector<16xf32>
        %add3A_1815 = arith.addf %add3A_1806, %unpack3A_1813 : vector<16xf32>
        %add3A_1816 = arith.constant 15 : i32
        %add3A_1817 = arith.addi %add3A_1460, %add3A_1816 : i32
        %get3A_1818 = arith.index_cast %add3A_1817 : i32 to index
        %get3A_1819 = arith.constant 32 : index
        %get3A_1820 = tpu.vector_load %arg7[%get3A_1818, %get3A_1819] {strides = array<i32>} : memref<2000x64xbf16, #tpu.memory_space<vmem>>, vector<32xbf16>,
        %unpack3A_1821 = tpu.unpack_subelements %get3A_1820, 0 {pack_format = #tpu.pack_format<interleaved>} : vector<32xbf16> -> vector<16xf32>
        %unpack3A_1822 = tpu.unpack_subelements %get3A_1820, 1 {pack_format = #tpu.pack_format<interleaved>} : vector<32xbf16> -> vector<16xf32>
        %add3A_1823 = arith.addf %add3A_1814, %unpack3A_1821 : vector<16xf32>
        %add3A_1824 = arith.addf %add3A_1815, %unpack3A_1822 : vector<16xf32>
        %add3A_1825 = arith.constant 16 : i32
        %add3A_1826 = arith.addi %add3A_1460, %add3A_1825 : i32
        %get3A_1827 = arith.index_cast %add3A_1826 : i32 to index
        %get3A_1828 = arith.constant 32 : index
        %get3A_1829 = tpu.vector_load %arg7[%get3A_1827, %get3A_1828] {strides = array<i32>} : memref<2000x64xbf16, #tpu.memory_space<vmem>>, vector<32xbf16>,
        %unpack3A_1830 = tpu.unpack_subelements %get3A_1829, 0 {pack_format = #tpu.pack_format<interleaved>} : vector<32xbf16> -> vector<16xf32>
        %unpack3A_1831 = tpu.unpack_subelements %get3A_1829, 1 {pack_format = #tpu.pack_format<interleaved>} : vector<32xbf16> -> vector<16xf32>
        %add3A_1832 = arith.addf %add3A_1823, %unpack3A_1830 : vector<16xf32>
        %add3A_1833 = arith.addf %add3A_1824, %unpack3A_1831 : vector<16xf32>
        %add3A_1834 = arith.constant 17 : i32
        %add3A_1835 = arith.addi %add3A_1460, %add3A_1834 : i32
        %get3A_1836 = arith.index_cast %add3A_1835 : i32 to index
        %get3A_1837 = arith.constant 32 : index
        %get3A_1838 = tpu.vector_load %arg7[%get3A_1836, %get3A_1837] {strides = array<i32>} : memref<2000x64xbf16, #tpu.memory_space<vmem>>, vector<32xbf16>,
        %unpack3A_1839 = tpu.unpack_subelements %get3A_1838, 0 {pack_format = #tpu.pack_format<interleaved>} : vector<32xbf16> -> vector<16xf32>
        %unpack3A_1840 = tpu.unpack_subelements %get3A_1838, 1 {pack_format = #tpu.pack_format<interleaved>} : vector<32xbf16> -> vector<16xf32>
        %add3A_1841 = arith.addf %add3A_1832, %unpack3A_1839 : vector<16xf32>
        %add3A_1842 = arith.addf %add3A_1833, %unpack3A_1840 : vector<16xf32>
        %add3A_1843 = arith.constant 18 : i32
        %add3A_1844 = arith.addi %add3A_1460, %add3A_1843 : i32
        %get3A_1845 = arith.index_cast %add3A_1844 : i32 to index
        %get3A_1846 = arith.constant 32 : index
        %get3A_1847 = tpu.vector_load %arg7[%get3A_1845, %get3A_1846] {strides = array<i32>} : memref<2000x64xbf16, #tpu.memory_space<vmem>>, vector<32xbf16>,
        %unpack3A_1848 = tpu.unpack_subelements %get3A_1847, 0 {pack_format = #tpu.pack_format<interleaved>} : vector<32xbf16> -> vector<16xf32>
        %unpack3A_1849 = tpu.unpack_subelements %get3A_1847, 1 {pack_format = #tpu.pack_format<interleaved>} : vector<32xbf16> -> vector<16xf32>
        %add3A_1850 = arith.addf %add3A_1841, %unpack3A_1848 : vector<16xf32>
        %add3A_1851 = arith.addf %add3A_1842, %unpack3A_1849 : vector<16xf32>
        %add3A_1852 = arith.constant 19 : i32
        %add3A_1853 = arith.addi %add3A_1460, %add3A_1852 : i32
        %get3A_1854 = arith.index_cast %add3A_1853 : i32 to index
        %get3A_1855 = arith.constant 32 : index
        %get3A_1856 = tpu.vector_load %arg7[%get3A_1854, %get3A_1855] {strides = array<i32>} : memref<2000x64xbf16, #tpu.memory_space<vmem>>, vector<32xbf16>,
        %unpack3A_1857 = tpu.unpack_subelements %get3A_1856, 0 {pack_format = #tpu.pack_format<interleaved>} : vector<32xbf16> -> vector<16xf32>
        %unpack3A_1858 = tpu.unpack_subelements %get3A_1856, 1 {pack_format = #tpu.pack_format<interleaved>} : vector<32xbf16> -> vector<16xf32>
        %add3A_1859 = arith.addf %add3A_1850, %unpack3A_1857 : vector<16xf32>
        %add3A_1860 = arith.addf %add3A_1851, %unpack3A_1858 : vector<16xf32>
        %mul3A_1861 = arith.constant 64 : i32
        %mul3A_1862 = arith.muli %add3A_1456, %mul3A_1861 : i32
        %add3A_1863 = arith.constant 3200 : i32
        %add3A_1864 = arith.addi %add3A_1863, %mul3A_1862 : i32
        %add3A_1865 = arith.constant 32 : i32
        %add3A_1866 = arith.addi %add3A_1864, %add3A_1865 : i32
        %add3A_1867 = vector.broadcast %add3A_1866 : i32 to vector<16xi32>
        %add3A_1868 = arith.addi %mul3A_174, %add3A_1867 : vector<16xi32>
        tpu.vector_store_idx %arg9[%add3A_1868], %add3A_1859 : memref<6400xf32, #tpu.memory_space<vmem>>[vector<16xi32>], vector<16xf32>,
        %add3A_1869 = arith.constant 1 : i32
        %add3A_1870 = arith.addi %add3A_1866, %add3A_1869 : i32
        %add3A_1871 = vector.broadcast %add3A_1870 : i32 to vector<16xi32>
        %add3A_1872 = arith.addi %mul3A_174, %add3A_1871 : vector<16xi32>
        tpu.vector_store_idx %arg9[%add3A_1872], %add3A_1860 : memref<6400xf32, #tpu.memory_space<vmem>>[vector<16xi32>], vector<16xf32>,
        %mul3A_1873 = arith.constant 5 : i32
        %mul3A_1874 = arith.muli %scan3A_194, %mul3A_1873 : i32
        %add3A_1875 = arith.constant 4 : i32
        %add3A_1876 = arith.addi %mul3A_1874, %add3A_1875 : i32
        %mul3A_1877 = arith.constant 20 : i32
        %mul3A_1878 = arith.muli %add3A_1876, %mul3A_1877 : i32
        %add3A_1879 = arith.constant 1000 : i32
        %add3A_1880 = arith.addi %add3A_1879, %mul3A_1878 : i32
        %mul3A_1881 = arith.constant 64 : i32
        %mul3A_1882 = arith.muli %add3A_1876, %mul3A_1881 : i32
        %add3A_1883 = arith.constant 0 : i32
        %add3A_1884 = arith.addi %mul3A_1882, %add3A_1883 : i32
        %get3A_1885 = arith.index_cast %add3A_1884 : i32 to index
        %get3A_1886 = tpu.vector_load %arg8[%get3A_1885] {strides = array<i32>} : memref<3584xf32, #tpu.memory_space<vmem>>, vector<16xf32>,
        %mul3A_1887 = arith.constant 64 : i32
        %mul3A_1888 = arith.muli %add3A_1876, %mul3A_1887 : i32
        %add3A_1889 = arith.constant 0 : i32
        %add3A_1890 = arith.addi %mul3A_1888, %add3A_1889 : i32
        %add3A_1891 = arith.constant 16 : i32
        %add3A_1892 = arith.addi %add3A_1890, %add3A_1891 : i32
        %get3A_1893 = arith.index_cast %add3A_1892 : i32 to index
        %get3A_1894 = tpu.vector_load %arg8[%get3A_1893] {strides = array<i32>} : memref<3584xf32, #tpu.memory_space<vmem>>, vector<16xf32>,
        %add3A_1895 = arith.constant 0 : i32
        %add3A_1896 = arith.addi %add3A_1880, %add3A_1895 : i32
        %get3A_1897 = arith.index_cast %add3A_1896 : i32 to index
        %get3A_1898 = arith.constant 0 : index
        %get3A_1899 = tpu.vector_load %arg7[%get3A_1897, %get3A_1898] {strides = array<i32>} : memref<2000x64xbf16, #tpu.memory_space<vmem>>, vector<32xbf16>,
        %unpack3A_1900 = tpu.unpack_subelements %get3A_1899, 0 {pack_format = #tpu.pack_format<interleaved>} : vector<32xbf16> -> vector<16xf32>
        %unpack3A_1901 = tpu.unpack_subelements %get3A_1899, 1 {pack_format = #tpu.pack_format<interleaved>} : vector<32xbf16> -> vector<16xf32>
        %add3A_1902 = arith.addf %get3A_1886, %unpack3A_1900 : vector<16xf32>
        %add3A_1903 = arith.addf %get3A_1894, %unpack3A_1901 : vector<16xf32>
        %add3A_1904 = arith.constant 1 : i32
        %add3A_1905 = arith.addi %add3A_1880, %add3A_1904 : i32
        %get3A_1906 = arith.index_cast %add3A_1905 : i32 to index
        %get3A_1907 = arith.constant 0 : index
        %get3A_1908 = tpu.vector_load %arg7[%get3A_1906, %get3A_1907] {strides = array<i32>} : memref<2000x64xbf16, #tpu.memory_space<vmem>>, vector<32xbf16>,
        %unpack3A_1909 = tpu.unpack_subelements %get3A_1908, 0 {pack_format = #tpu.pack_format<interleaved>} : vector<32xbf16> -> vector<16xf32>
        %unpack3A_1910 = tpu.unpack_subelements %get3A_1908, 1 {pack_format = #tpu.pack_format<interleaved>} : vector<32xbf16> -> vector<16xf32>
        %add3A_1911 = arith.addf %add3A_1902, %unpack3A_1909 : vector<16xf32>
        %add3A_1912 = arith.addf %add3A_1903, %unpack3A_1910 : vector<16xf32>
        %add3A_1913 = arith.constant 2 : i32
        %add3A_1914 = arith.addi %add3A_1880, %add3A_1913 : i32
        %get3A_1915 = arith.index_cast %add3A_1914 : i32 to index
        %get3A_1916 = arith.constant 0 : index
        %get3A_1917 = tpu.vector_load %arg7[%get3A_1915, %get3A_1916] {strides = array<i32>} : memref<2000x64xbf16, #tpu.memory_space<vmem>>, vector<32xbf16>,
        %unpack3A_1918 = tpu.unpack_subelements %get3A_1917, 0 {pack_format = #tpu.pack_format<interleaved>} : vector<32xbf16> -> vector<16xf32>
        %unpack3A_1919 = tpu.unpack_subelements %get3A_1917, 1 {pack_format = #tpu.pack_format<interleaved>} : vector<32xbf16> -> vector<16xf32>
        %add3A_1920 = arith.addf %add3A_1911, %unpack3A_1918 : vector<16xf32>
        %add3A_1921 = arith.addf %add3A_1912, %unpack3A_1919 : vector<16xf32>
        %add3A_1922 = arith.constant 3 : i32
        %add3A_1923 = arith.addi %add3A_1880, %add3A_1922 : i32
        %get3A_1924 = arith.index_cast %add3A_1923 : i32 to index
        %get3A_1925 = arith.constant 0 : index
        %get3A_1926 = tpu.vector_load %arg7[%get3A_1924, %get3A_1925] {strides = array<i32>} : memref<2000x64xbf16, #tpu.memory_space<vmem>>, vector<32xbf16>,
        %unpack3A_1927 = tpu.unpack_subelements %get3A_1926, 0 {pack_format = #tpu.pack_format<interleaved>} : vector<32xbf16> -> vector<16xf32>
        %unpack3A_1928 = tpu.unpack_subelements %get3A_1926, 1 {pack_format = #tpu.pack_format<interleaved>} : vector<32xbf16> -> vector<16xf32>
        %add3A_1929 = arith.addf %add3A_1920, %unpack3A_1927 : vector<16xf32>
        %add3A_1930 = arith.addf %add3A_1921, %unpack3A_1928 : vector<16xf32>
        %add3A_1931 = arith.constant 4 : i32
        %add3A_1932 = arith.addi %add3A_1880, %add3A_1931 : i32
        %get3A_1933 = arith.index_cast %add3A_1932 : i32 to index
        %get3A_1934 = arith.constant 0 : index
        %get3A_1935 = tpu.vector_load %arg7[%get3A_1933, %get3A_1934] {strides = array<i32>} : memref<2000x64xbf16, #tpu.memory_space<vmem>>, vector<32xbf16>,
        %unpack3A_1936 = tpu.unpack_subelements %get3A_1935, 0 {pack_format = #tpu.pack_format<interleaved>} : vector<32xbf16> -> vector<16xf32>
        %unpack3A_1937 = tpu.unpack_subelements %get3A_1935, 1 {pack_format = #tpu.pack_format<interleaved>} : vector<32xbf16> -> vector<16xf32>
        %add3A_1938 = arith.addf %add3A_1929, %unpack3A_1936 : vector<16xf32>
        %add3A_1939 = arith.addf %add3A_1930, %unpack3A_1937 : vector<16xf32>
        %add3A_1940 = arith.constant 5 : i32
        %add3A_1941 = arith.addi %add3A_1880, %add3A_1940 : i32
        %get3A_1942 = arith.index_cast %add3A_1941 : i32 to index
        %get3A_1943 = arith.constant 0 : index
        %get3A_1944 = tpu.vector_load %arg7[%get3A_1942, %get3A_1943] {strides = array<i32>} : memref<2000x64xbf16, #tpu.memory_space<vmem>>, vector<32xbf16>,
        %unpack3A_1945 = tpu.unpack_subelements %get3A_1944, 0 {pack_format = #tpu.pack_format<interleaved>} : vector<32xbf16> -> vector<16xf32>
        %unpack3A_1946 = tpu.unpack_subelements %get3A_1944, 1 {pack_format = #tpu.pack_format<interleaved>} : vector<32xbf16> -> vector<16xf32>
        %add3A_1947 = arith.addf %add3A_1938, %unpack3A_1945 : vector<16xf32>
        %add3A_1948 = arith.addf %add3A_1939, %unpack3A_1946 : vector<16xf32>
        %add3A_1949 = arith.constant 6 : i32
        %add3A_1950 = arith.addi %add3A_1880, %add3A_1949 : i32
        %get3A_1951 = arith.index_cast %add3A_1950 : i32 to index
        %get3A_1952 = arith.constant 0 : index
        %get3A_1953 = tpu.vector_load %arg7[%get3A_1951, %get3A_1952] {strides = array<i32>} : memref<2000x64xbf16, #tpu.memory_space<vmem>>, vector<32xbf16>,
        %unpack3A_1954 = tpu.unpack_subelements %get3A_1953, 0 {pack_format = #tpu.pack_format<interleaved>} : vector<32xbf16> -> vector<16xf32>
        %unpack3A_1955 = tpu.unpack_subelements %get3A_1953, 1 {pack_format = #tpu.pack_format<interleaved>} : vector<32xbf16> -> vector<16xf32>
        %add3A_1956 = arith.addf %add3A_1947, %unpack3A_1954 : vector<16xf32>
        %add3A_1957 = arith.addf %add3A_1948, %unpack3A_1955 : vector<16xf32>
        %add3A_1958 = arith.constant 7 : i32
        %add3A_1959 = arith.addi %add3A_1880, %add3A_1958 : i32
        %get3A_1960 = arith.index_cast %add3A_1959 : i32 to index
        %get3A_1961 = arith.constant 0 : index
        %get3A_1962 = tpu.vector_load %arg7[%get3A_1960, %get3A_1961] {strides = array<i32>} : memref<2000x64xbf16, #tpu.memory_space<vmem>>, vector<32xbf16>,
        %unpack3A_1963 = tpu.unpack_subelements %get3A_1962, 0 {pack_format = #tpu.pack_format<interleaved>} : vector<32xbf16> -> vector<16xf32>
        %unpack3A_1964 = tpu.unpack_subelements %get3A_1962, 1 {pack_format = #tpu.pack_format<interleaved>} : vector<32xbf16> -> vector<16xf32>
        %add3A_1965 = arith.addf %add3A_1956, %unpack3A_1963 : vector<16xf32>
        %add3A_1966 = arith.addf %add3A_1957, %unpack3A_1964 : vector<16xf32>
        %add3A_1967 = arith.constant 8 : i32
        %add3A_1968 = arith.addi %add3A_1880, %add3A_1967 : i32
        %get3A_1969 = arith.index_cast %add3A_1968 : i32 to index
        %get3A_1970 = arith.constant 0 : index
        %get3A_1971 = tpu.vector_load %arg7[%get3A_1969, %get3A_1970] {strides = array<i32>} : memref<2000x64xbf16, #tpu.memory_space<vmem>>, vector<32xbf16>,
        %unpack3A_1972 = tpu.unpack_subelements %get3A_1971, 0 {pack_format = #tpu.pack_format<interleaved>} : vector<32xbf16> -> vector<16xf32>
        %unpack3A_1973 = tpu.unpack_subelements %get3A_1971, 1 {pack_format = #tpu.pack_format<interleaved>} : vector<32xbf16> -> vector<16xf32>
        %add3A_1974 = arith.addf %add3A_1965, %unpack3A_1972 : vector<16xf32>
        %add3A_1975 = arith.addf %add3A_1966, %unpack3A_1973 : vector<16xf32>
        %add3A_1976 = arith.constant 9 : i32
        %add3A_1977 = arith.addi %add3A_1880, %add3A_1976 : i32
        %get3A_1978 = arith.index_cast %add3A_1977 : i32 to index
        %get3A_1979 = arith.constant 0 : index
        %get3A_1980 = tpu.vector_load %arg7[%get3A_1978, %get3A_1979] {strides = array<i32>} : memref<2000x64xbf16, #tpu.memory_space<vmem>>, vector<32xbf16>,
        %unpack3A_1981 = tpu.unpack_subelements %get3A_1980, 0 {pack_format = #tpu.pack_format<interleaved>} : vector<32xbf16> -> vector<16xf32>
        %unpack3A_1982 = tpu.unpack_subelements %get3A_1980, 1 {pack_format = #tpu.pack_format<interleaved>} : vector<32xbf16> -> vector<16xf32>
        %add3A_1983 = arith.addf %add3A_1974, %unpack3A_1981 : vector<16xf32>
        %add3A_1984 = arith.addf %add3A_1975, %unpack3A_1982 : vector<16xf32>
        %add3A_1985 = arith.constant 10 : i32
        %add3A_1986 = arith.addi %add3A_1880, %add3A_1985 : i32
        %get3A_1987 = arith.index_cast %add3A_1986 : i32 to index
        %get3A_1988 = arith.constant 0 : index
        %get3A_1989 = tpu.vector_load %arg7[%get3A_1987, %get3A_1988] {strides = array<i32>} : memref<2000x64xbf16, #tpu.memory_space<vmem>>, vector<32xbf16>,
        %unpack3A_1990 = tpu.unpack_subelements %get3A_1989, 0 {pack_format = #tpu.pack_format<interleaved>} : vector<32xbf16> -> vector<16xf32>
        %unpack3A_1991 = tpu.unpack_subelements %get3A_1989, 1 {pack_format = #tpu.pack_format<interleaved>} : vector<32xbf16> -> vector<16xf32>
        %add3A_1992 = arith.addf %add3A_1983, %unpack3A_1990 : vector<16xf32>
        %add3A_1993 = arith.addf %add3A_1984, %unpack3A_1991 : vector<16xf32>
        %add3A_1994 = arith.constant 11 : i32
        %add3A_1995 = arith.addi %add3A_1880, %add3A_1994 : i32
        %get3A_1996 = arith.index_cast %add3A_1995 : i32 to index
        %get3A_1997 = arith.constant 0 : index
        %get3A_1998 = tpu.vector_load %arg7[%get3A_1996, %get3A_1997] {strides = array<i32>} : memref<2000x64xbf16, #tpu.memory_space<vmem>>, vector<32xbf16>,
        %unpack3A_1999 = tpu.unpack_subelements %get3A_1998, 0 {pack_format = #tpu.pack_format<interleaved>} : vector<32xbf16> -> vector<16xf32>
        %unpack3A_2000 = tpu.unpack_subelements %get3A_1998, 1 {pack_format = #tpu.pack_format<interleaved>} : vector<32xbf16> -> vector<16xf32>
        %add3A_2001 = arith.addf %add3A_1992, %unpack3A_1999 : vector<16xf32>
        %add3A_2002 = arith.addf %add3A_1993, %unpack3A_2000 : vector<16xf32>
        %add3A_2003 = arith.constant 12 : i32
        %add3A_2004 = arith.addi %add3A_1880, %add3A_2003 : i32
        %get3A_2005 = arith.index_cast %add3A_2004 : i32 to index
        %get3A_2006 = arith.constant 0 : index
        %get3A_2007 = tpu.vector_load %arg7[%get3A_2005, %get3A_2006] {strides = array<i32>} : memref<2000x64xbf16, #tpu.memory_space<vmem>>, vector<32xbf16>,
        %unpack3A_2008 = tpu.unpack_subelements %get3A_2007, 0 {pack_format = #tpu.pack_format<interleaved>} : vector<32xbf16> -> vector<16xf32>
        %unpack3A_2009 = tpu.unpack_subelements %get3A_2007, 1 {pack_format = #tpu.pack_format<interleaved>} : vector<32xbf16> -> vector<16xf32>
        %add3A_2010 = arith.addf %add3A_2001, %unpack3A_2008 : vector<16xf32>
        %add3A_2011 = arith.addf %add3A_2002, %unpack3A_2009 : vector<16xf32>
        %add3A_2012 = arith.constant 13 : i32
        %add3A_2013 = arith.addi %add3A_1880, %add3A_2012 : i32
        %get3A_2014 = arith.index_cast %add3A_2013 : i32 to index
        %get3A_2015 = arith.constant 0 : index
        %get3A_2016 = tpu.vector_load %arg7[%get3A_2014, %get3A_2015] {strides = array<i32>} : memref<2000x64xbf16, #tpu.memory_space<vmem>>, vector<32xbf16>,
        %unpack3A_2017 = tpu.unpack_subelements %get3A_2016, 0 {pack_format = #tpu.pack_format<interleaved>} : vector<32xbf16> -> vector<16xf32>
        %unpack3A_2018 = tpu.unpack_subelements %get3A_2016, 1 {pack_format = #tpu.pack_format<interleaved>} : vector<32xbf16> -> vector<16xf32>
        %add3A_2019 = arith.addf %add3A_2010, %unpack3A_2017 : vector<16xf32>
        %add3A_2020 = arith.addf %add3A_2011, %unpack3A_2018 : vector<16xf32>
        %add3A_2021 = arith.constant 14 : i32
        %add3A_2022 = arith.addi %add3A_1880, %add3A_2021 : i32
        %get3A_2023 = arith.index_cast %add3A_2022 : i32 to index
        %get3A_2024 = arith.constant 0 : index
        %get3A_2025 = tpu.vector_load %arg7[%get3A_2023, %get3A_2024] {strides = array<i32>} : memref<2000x64xbf16, #tpu.memory_space<vmem>>, vector<32xbf16>,
        %unpack3A_2026 = tpu.unpack_subelements %get3A_2025, 0 {pack_format = #tpu.pack_format<interleaved>} : vector<32xbf16> -> vector<16xf32>
        %unpack3A_2027 = tpu.unpack_subelements %get3A_2025, 1 {pack_format = #tpu.pack_format<interleaved>} : vector<32xbf16> -> vector<16xf32>
        %add3A_2028 = arith.addf %add3A_2019, %unpack3A_2026 : vector<16xf32>
        %add3A_2029 = arith.addf %add3A_2020, %unpack3A_2027 : vector<16xf32>
        %add3A_2030 = arith.constant 15 : i32
        %add3A_2031 = arith.addi %add3A_1880, %add3A_2030 : i32
        %get3A_2032 = arith.index_cast %add3A_2031 : i32 to index
        %get3A_2033 = arith.constant 0 : index
        %get3A_2034 = tpu.vector_load %arg7[%get3A_2032, %get3A_2033] {strides = array<i32>} : memref<2000x64xbf16, #tpu.memory_space<vmem>>, vector<32xbf16>,
        %unpack3A_2035 = tpu.unpack_subelements %get3A_2034, 0 {pack_format = #tpu.pack_format<interleaved>} : vector<32xbf16> -> vector<16xf32>
        %unpack3A_2036 = tpu.unpack_subelements %get3A_2034, 1 {pack_format = #tpu.pack_format<interleaved>} : vector<32xbf16> -> vector<16xf32>
        %add3A_2037 = arith.addf %add3A_2028, %unpack3A_2035 : vector<16xf32>
        %add3A_2038 = arith.addf %add3A_2029, %unpack3A_2036 : vector<16xf32>
        %add3A_2039 = arith.constant 16 : i32
        %add3A_2040 = arith.addi %add3A_1880, %add3A_2039 : i32
        %get3A_2041 = arith.index_cast %add3A_2040 : i32 to index
        %get3A_2042 = arith.constant 0 : index
        %get3A_2043 = tpu.vector_load %arg7[%get3A_2041, %get3A_2042] {strides = array<i32>} : memref<2000x64xbf16, #tpu.memory_space<vmem>>, vector<32xbf16>,
        %unpack3A_2044 = tpu.unpack_subelements %get3A_2043, 0 {pack_format = #tpu.pack_format<interleaved>} : vector<32xbf16> -> vector<16xf32>
        %unpack3A_2045 = tpu.unpack_subelements %get3A_2043, 1 {pack_format = #tpu.pack_format<interleaved>} : vector<32xbf16> -> vector<16xf32>
        %add3A_2046 = arith.addf %add3A_2037, %unpack3A_2044 : vector<16xf32>
        %add3A_2047 = arith.addf %add3A_2038, %unpack3A_2045 : vector<16xf32>
        %add3A_2048 = arith.constant 17 : i32
        %add3A_2049 = arith.addi %add3A_1880, %add3A_2048 : i32
        %get3A_2050 = arith.index_cast %add3A_2049 : i32 to index
        %get3A_2051 = arith.constant 0 : index
        %get3A_2052 = tpu.vector_load %arg7[%get3A_2050, %get3A_2051] {strides = array<i32>} : memref<2000x64xbf16, #tpu.memory_space<vmem>>, vector<32xbf16>,
        %unpack3A_2053 = tpu.unpack_subelements %get3A_2052, 0 {pack_format = #tpu.pack_format<interleaved>} : vector<32xbf16> -> vector<16xf32>
        %unpack3A_2054 = tpu.unpack_subelements %get3A_2052, 1 {pack_format = #tpu.pack_format<interleaved>} : vector<32xbf16> -> vector<16xf32>
        %add3A_2055 = arith.addf %add3A_2046, %unpack3A_2053 : vector<16xf32>
        %add3A_2056 = arith.addf %add3A_2047, %unpack3A_2054 : vector<16xf32>
        %add3A_2057 = arith.constant 18 : i32
        %add3A_2058 = arith.addi %add3A_1880, %add3A_2057 : i32
        %get3A_2059 = arith.index_cast %add3A_2058 : i32 to index
        %get3A_2060 = arith.constant 0 : index
        %get3A_2061 = tpu.vector_load %arg7[%get3A_2059, %get3A_2060] {strides = array<i32>} : memref<2000x64xbf16, #tpu.memory_space<vmem>>, vector<32xbf16>,
        %unpack3A_2062 = tpu.unpack_subelements %get3A_2061, 0 {pack_format = #tpu.pack_format<interleaved>} : vector<32xbf16> -> vector<16xf32>
        %unpack3A_2063 = tpu.unpack_subelements %get3A_2061, 1 {pack_format = #tpu.pack_format<interleaved>} : vector<32xbf16> -> vector<16xf32>
        %add3A_2064 = arith.addf %add3A_2055, %unpack3A_2062 : vector<16xf32>
        %add3A_2065 = arith.addf %add3A_2056, %unpack3A_2063 : vector<16xf32>
        %add3A_2066 = arith.constant 19 : i32
        %add3A_2067 = arith.addi %add3A_1880, %add3A_2066 : i32
        %get3A_2068 = arith.index_cast %add3A_2067 : i32 to index
        %get3A_2069 = arith.constant 0 : index
        %get3A_2070 = tpu.vector_load %arg7[%get3A_2068, %get3A_2069] {strides = array<i32>} : memref<2000x64xbf16, #tpu.memory_space<vmem>>, vector<32xbf16>,
        %unpack3A_2071 = tpu.unpack_subelements %get3A_2070, 0 {pack_format = #tpu.pack_format<interleaved>} : vector<32xbf16> -> vector<16xf32>
        %unpack3A_2072 = tpu.unpack_subelements %get3A_2070, 1 {pack_format = #tpu.pack_format<interleaved>} : vector<32xbf16> -> vector<16xf32>
        %add3A_2073 = arith.addf %add3A_2064, %unpack3A_2071 : vector<16xf32>
        %add3A_2074 = arith.addf %add3A_2065, %unpack3A_2072 : vector<16xf32>
        %mul3A_2075 = arith.constant 64 : i32
        %mul3A_2076 = arith.muli %add3A_1876, %mul3A_2075 : i32
        %add3A_2077 = arith.constant 3200 : i32
        %add3A_2078 = arith.addi %add3A_2077, %mul3A_2076 : i32
        %add3A_2079 = arith.constant 0 : i32
        %add3A_2080 = arith.addi %add3A_2078, %add3A_2079 : i32
        %add3A_2081 = vector.broadcast %add3A_2080 : i32 to vector<16xi32>
        %add3A_2082 = arith.addi %mul3A_174, %add3A_2081 : vector<16xi32>
        tpu.vector_store_idx %arg9[%add3A_2082], %add3A_2073 : memref<6400xf32, #tpu.memory_space<vmem>>[vector<16xi32>], vector<16xf32>,
        %add3A_2083 = arith.constant 1 : i32
        %add3A_2084 = arith.addi %add3A_2080, %add3A_2083 : i32
        %add3A_2085 = vector.broadcast %add3A_2084 : i32 to vector<16xi32>
        %add3A_2086 = arith.addi %mul3A_174, %add3A_2085 : vector<16xi32>
        tpu.vector_store_idx %arg9[%add3A_2086], %add3A_2074 : memref<6400xf32, #tpu.memory_space<vmem>>[vector<16xi32>], vector<16xf32>,
        %mul3A_2087 = arith.constant 64 : i32
        %mul3A_2088 = arith.muli %add3A_1876, %mul3A_2087 : i32
        %add3A_2089 = arith.constant 32 : i32
        %add3A_2090 = arith.addi %mul3A_2088, %add3A_2089 : i32
        %get3A_2091 = arith.index_cast %add3A_2090 : i32 to index
        %get3A_2092 = tpu.vector_load %arg8[%get3A_2091] {strides = array<i32>} : memref<3584xf32, #tpu.memory_space<vmem>>, vector<16xf32>,
        %mul3A_2093 = arith.constant 64 : i32
        %mul3A_2094 = arith.muli %add3A_1876, %mul3A_2093 : i32
        %add3A_2095 = arith.constant 32 : i32
        %add3A_2096 = arith.addi %mul3A_2094, %add3A_2095 : i32
        %add3A_2097 = arith.constant 16 : i32
        %add3A_2098 = arith.addi %add3A_2096, %add3A_2097 : i32
        %get3A_2099 = arith.index_cast %add3A_2098 : i32 to index
        %get3A_2100 = tpu.vector_load %arg8[%get3A_2099] {strides = array<i32>} : memref<3584xf32, #tpu.memory_space<vmem>>, vector<16xf32>,
        %add3A_2101 = arith.constant 0 : i32
        %add3A_2102 = arith.addi %add3A_1880, %add3A_2101 : i32
        %get3A_2103 = arith.index_cast %add3A_2102 : i32 to index
        %get3A_2104 = arith.constant 32 : index
        %get3A_2105 = tpu.vector_load %arg7[%get3A_2103, %get3A_2104] {strides = array<i32>} : memref<2000x64xbf16, #tpu.memory_space<vmem>>, vector<32xbf16>,
        %unpack3A_2106 = tpu.unpack_subelements %get3A_2105, 0 {pack_format = #tpu.pack_format<interleaved>} : vector<32xbf16> -> vector<16xf32>
        %unpack3A_2107 = tpu.unpack_subelements %get3A_2105, 1 {pack_format = #tpu.pack_format<interleaved>} : vector<32xbf16> -> vector<16xf32>
        %add3A_2108 = arith.addf %get3A_2092, %unpack3A_2106 : vector<16xf32>
        %add3A_2109 = arith.addf %get3A_2100, %unpack3A_2107 : vector<16xf32>
        %add3A_2110 = arith.constant 1 : i32
        %add3A_2111 = arith.addi %add3A_1880, %add3A_2110 : i32
        %get3A_2112 = arith.index_cast %add3A_2111 : i32 to index
        %get3A_2113 = arith.constant 32 : index
        %get3A_2114 = tpu.vector_load %arg7[%get3A_2112, %get3A_2113] {strides = array<i32>} : memref<2000x64xbf16, #tpu.memory_space<vmem>>, vector<32xbf16>,
        %unpack3A_2115 = tpu.unpack_subelements %get3A_2114, 0 {pack_format = #tpu.pack_format<interleaved>} : vector<32xbf16> -> vector<16xf32>
        %unpack3A_2116 = tpu.unpack_subelements %get3A_2114, 1 {pack_format = #tpu.pack_format<interleaved>} : vector<32xbf16> -> vector<16xf32>
        %add3A_2117 = arith.addf %add3A_2108, %unpack3A_2115 : vector<16xf32>
        %add3A_2118 = arith.addf %add3A_2109, %unpack3A_2116 : vector<16xf32>
        %add3A_2119 = arith.constant 2 : i32
        %add3A_2120 = arith.addi %add3A_1880, %add3A_2119 : i32
        %get3A_2121 = arith.index_cast %add3A_2120 : i32 to index
        %get3A_2122 = arith.constant 32 : index
        %get3A_2123 = tpu.vector_load %arg7[%get3A_2121, %get3A_2122] {strides = array<i32>} : memref<2000x64xbf16, #tpu.memory_space<vmem>>, vector<32xbf16>,
        %unpack3A_2124 = tpu.unpack_subelements %get3A_2123, 0 {pack_format = #tpu.pack_format<interleaved>} : vector<32xbf16> -> vector<16xf32>
        %unpack3A_2125 = tpu.unpack_subelements %get3A_2123, 1 {pack_format = #tpu.pack_format<interleaved>} : vector<32xbf16> -> vector<16xf32>
        %add3A_2126 = arith.addf %add3A_2117, %unpack3A_2124 : vector<16xf32>
        %add3A_2127 = arith.addf %add3A_2118, %unpack3A_2125 : vector<16xf32>
        %add3A_2128 = arith.constant 3 : i32
        %add3A_2129 = arith.addi %add3A_1880, %add3A_2128 : i32
        %get3A_2130 = arith.index_cast %add3A_2129 : i32 to index
        %get3A_2131 = arith.constant 32 : index
        %get3A_2132 = tpu.vector_load %arg7[%get3A_2130, %get3A_2131] {strides = array<i32>} : memref<2000x64xbf16, #tpu.memory_space<vmem>>, vector<32xbf16>,
        %unpack3A_2133 = tpu.unpack_subelements %get3A_2132, 0 {pack_format = #tpu.pack_format<interleaved>} : vector<32xbf16> -> vector<16xf32>
        %unpack3A_2134 = tpu.unpack_subelements %get3A_2132, 1 {pack_format = #tpu.pack_format<interleaved>} : vector<32xbf16> -> vector<16xf32>
        %add3A_2135 = arith.addf %add3A_2126, %unpack3A_2133 : vector<16xf32>
        %add3A_2136 = arith.addf %add3A_2127, %unpack3A_2134 : vector<16xf32>
        %add3A_2137 = arith.constant 4 : i32
        %add3A_2138 = arith.addi %add3A_1880, %add3A_2137 : i32
        %get3A_2139 = arith.index_cast %add3A_2138 : i32 to index
        %get3A_2140 = arith.constant 32 : index
        %get3A_2141 = tpu.vector_load %arg7[%get3A_2139, %get3A_2140] {strides = array<i32>} : memref<2000x64xbf16, #tpu.memory_space<vmem>>, vector<32xbf16>,
        %unpack3A_2142 = tpu.unpack_subelements %get3A_2141, 0 {pack_format = #tpu.pack_format<interleaved>} : vector<32xbf16> -> vector<16xf32>
        %unpack3A_2143 = tpu.unpack_subelements %get3A_2141, 1 {pack_format = #tpu.pack_format<interleaved>} : vector<32xbf16> -> vector<16xf32>
        %add3A_2144 = arith.addf %add3A_2135, %unpack3A_2142 : vector<16xf32>
        %add3A_2145 = arith.addf %add3A_2136, %unpack3A_2143 : vector<16xf32>
        %add3A_2146 = arith.constant 5 : i32
        %add3A_2147 = arith.addi %add3A_1880, %add3A_2146 : i32
        %get3A_2148 = arith.index_cast %add3A_2147 : i32 to index
        %get3A_2149 = arith.constant 32 : index
        %get3A_2150 = tpu.vector_load %arg7[%get3A_2148, %get3A_2149] {strides = array<i32>} : memref<2000x64xbf16, #tpu.memory_space<vmem>>, vector<32xbf16>,
        %unpack3A_2151 = tpu.unpack_subelements %get3A_2150, 0 {pack_format = #tpu.pack_format<interleaved>} : vector<32xbf16> -> vector<16xf32>
        %unpack3A_2152 = tpu.unpack_subelements %get3A_2150, 1 {pack_format = #tpu.pack_format<interleaved>} : vector<32xbf16> -> vector<16xf32>
        %add3A_2153 = arith.addf %add3A_2144, %unpack3A_2151 : vector<16xf32>
        %add3A_2154 = arith.addf %add3A_2145, %unpack3A_2152 : vector<16xf32>
        %add3A_2155 = arith.constant 6 : i32
        %add3A_2156 = arith.addi %add3A_1880, %add3A_2155 : i32
        %get3A_2157 = arith.index_cast %add3A_2156 : i32 to index
        %get3A_2158 = arith.constant 32 : index
        %get3A_2159 = tpu.vector_load %arg7[%get3A_2157, %get3A_2158] {strides = array<i32>} : memref<2000x64xbf16, #tpu.memory_space<vmem>>, vector<32xbf16>,
        %unpack3A_2160 = tpu.unpack_subelements %get3A_2159, 0 {pack_format = #tpu.pack_format<interleaved>} : vector<32xbf16> -> vector<16xf32>
        %unpack3A_2161 = tpu.unpack_subelements %get3A_2159, 1 {pack_format = #tpu.pack_format<interleaved>} : vector<32xbf16> -> vector<16xf32>
        %add3A_2162 = arith.addf %add3A_2153, %unpack3A_2160 : vector<16xf32>
        %add3A_2163 = arith.addf %add3A_2154, %unpack3A_2161 : vector<16xf32>
        %add3A_2164 = arith.constant 7 : i32
        %add3A_2165 = arith.addi %add3A_1880, %add3A_2164 : i32
        %get3A_2166 = arith.index_cast %add3A_2165 : i32 to index
        %get3A_2167 = arith.constant 32 : index
        %get3A_2168 = tpu.vector_load %arg7[%get3A_2166, %get3A_2167] {strides = array<i32>} : memref<2000x64xbf16, #tpu.memory_space<vmem>>, vector<32xbf16>,
        %unpack3A_2169 = tpu.unpack_subelements %get3A_2168, 0 {pack_format = #tpu.pack_format<interleaved>} : vector<32xbf16> -> vector<16xf32>
        %unpack3A_2170 = tpu.unpack_subelements %get3A_2168, 1 {pack_format = #tpu.pack_format<interleaved>} : vector<32xbf16> -> vector<16xf32>
        %add3A_2171 = arith.addf %add3A_2162, %unpack3A_2169 : vector<16xf32>
        %add3A_2172 = arith.addf %add3A_2163, %unpack3A_2170 : vector<16xf32>
        %add3A_2173 = arith.constant 8 : i32
        %add3A_2174 = arith.addi %add3A_1880, %add3A_2173 : i32
        %get3A_2175 = arith.index_cast %add3A_2174 : i32 to index
        %get3A_2176 = arith.constant 32 : index
        %get3A_2177 = tpu.vector_load %arg7[%get3A_2175, %get3A_2176] {strides = array<i32>} : memref<2000x64xbf16, #tpu.memory_space<vmem>>, vector<32xbf16>,
        %unpack3A_2178 = tpu.unpack_subelements %get3A_2177, 0 {pack_format = #tpu.pack_format<interleaved>} : vector<32xbf16> -> vector<16xf32>
        %unpack3A_2179 = tpu.unpack_subelements %get3A_2177, 1 {pack_format = #tpu.pack_format<interleaved>} : vector<32xbf16> -> vector<16xf32>
        %add3A_2180 = arith.addf %add3A_2171, %unpack3A_2178 : vector<16xf32>
        %add3A_2181 = arith.addf %add3A_2172, %unpack3A_2179 : vector<16xf32>
        %add3A_2182 = arith.constant 9 : i32
        %add3A_2183 = arith.addi %add3A_1880, %add3A_2182 : i32
        %get3A_2184 = arith.index_cast %add3A_2183 : i32 to index
        %get3A_2185 = arith.constant 32 : index
        %get3A_2186 = tpu.vector_load %arg7[%get3A_2184, %get3A_2185] {strides = array<i32>} : memref<2000x64xbf16, #tpu.memory_space<vmem>>, vector<32xbf16>,
        %unpack3A_2187 = tpu.unpack_subelements %get3A_2186, 0 {pack_format = #tpu.pack_format<interleaved>} : vector<32xbf16> -> vector<16xf32>
        %unpack3A_2188 = tpu.unpack_subelements %get3A_2186, 1 {pack_format = #tpu.pack_format<interleaved>} : vector<32xbf16> -> vector<16xf32>
        %add3A_2189 = arith.addf %add3A_2180, %unpack3A_2187 : vector<16xf32>
        %add3A_2190 = arith.addf %add3A_2181, %unpack3A_2188 : vector<16xf32>
        %add3A_2191 = arith.constant 10 : i32
        %add3A_2192 = arith.addi %add3A_1880, %add3A_2191 : i32
        %get3A_2193 = arith.index_cast %add3A_2192 : i32 to index
        %get3A_2194 = arith.constant 32 : index
        %get3A_2195 = tpu.vector_load %arg7[%get3A_2193, %get3A_2194] {strides = array<i32>} : memref<2000x64xbf16, #tpu.memory_space<vmem>>, vector<32xbf16>,
        %unpack3A_2196 = tpu.unpack_subelements %get3A_2195, 0 {pack_format = #tpu.pack_format<interleaved>} : vector<32xbf16> -> vector<16xf32>
        %unpack3A_2197 = tpu.unpack_subelements %get3A_2195, 1 {pack_format = #tpu.pack_format<interleaved>} : vector<32xbf16> -> vector<16xf32>
        %add3A_2198 = arith.addf %add3A_2189, %unpack3A_2196 : vector<16xf32>
        %add3A_2199 = arith.addf %add3A_2190, %unpack3A_2197 : vector<16xf32>
        %add3A_2200 = arith.constant 11 : i32
        %add3A_2201 = arith.addi %add3A_1880, %add3A_2200 : i32
        %get3A_2202 = arith.index_cast %add3A_2201 : i32 to index
        %get3A_2203 = arith.constant 32 : index
        %get3A_2204 = tpu.vector_load %arg7[%get3A_2202, %get3A_2203] {strides = array<i32>} : memref<2000x64xbf16, #tpu.memory_space<vmem>>, vector<32xbf16>,
        %unpack3A_2205 = tpu.unpack_subelements %get3A_2204, 0 {pack_format = #tpu.pack_format<interleaved>} : vector<32xbf16> -> vector<16xf32>
        %unpack3A_2206 = tpu.unpack_subelements %get3A_2204, 1 {pack_format = #tpu.pack_format<interleaved>} : vector<32xbf16> -> vector<16xf32>
        %add3A_2207 = arith.addf %add3A_2198, %unpack3A_2205 : vector<16xf32>
        %add3A_2208 = arith.addf %add3A_2199, %unpack3A_2206 : vector<16xf32>
        %add3A_2209 = arith.constant 12 : i32
        %add3A_2210 = arith.addi %add3A_1880, %add3A_2209 : i32
        %get3A_2211 = arith.index_cast %add3A_2210 : i32 to index
        %get3A_2212 = arith.constant 32 : index
        %get3A_2213 = tpu.vector_load %arg7[%get3A_2211, %get3A_2212] {strides = array<i32>} : memref<2000x64xbf16, #tpu.memory_space<vmem>>, vector<32xbf16>,
        %unpack3A_2214 = tpu.unpack_subelements %get3A_2213, 0 {pack_format = #tpu.pack_format<interleaved>} : vector<32xbf16> -> vector<16xf32>
        %unpack3A_2215 = tpu.unpack_subelements %get3A_2213, 1 {pack_format = #tpu.pack_format<interleaved>} : vector<32xbf16> -> vector<16xf32>
        %add3A_2216 = arith.addf %add3A_2207, %unpack3A_2214 : vector<16xf32>
        %add3A_2217 = arith.addf %add3A_2208, %unpack3A_2215 : vector<16xf32>
        %add3A_2218 = arith.constant 13 : i32
        %add3A_2219 = arith.addi %add3A_1880, %add3A_2218 : i32
        %get3A_2220 = arith.index_cast %add3A_2219 : i32 to index
        %get3A_2221 = arith.constant 32 : index
        %get3A_2222 = tpu.vector_load %arg7[%get3A_2220, %get3A_2221] {strides = array<i32>} : memref<2000x64xbf16, #tpu.memory_space<vmem>>, vector<32xbf16>,
        %unpack3A_2223 = tpu.unpack_subelements %get3A_2222, 0 {pack_format = #tpu.pack_format<interleaved>} : vector<32xbf16> -> vector<16xf32>
        %unpack3A_2224 = tpu.unpack_subelements %get3A_2222, 1 {pack_format = #tpu.pack_format<interleaved>} : vector<32xbf16> -> vector<16xf32>
        %add3A_2225 = arith.addf %add3A_2216, %unpack3A_2223 : vector<16xf32>
        %add3A_2226 = arith.addf %add3A_2217, %unpack3A_2224 : vector<16xf32>
        %add3A_2227 = arith.constant 14 : i32
        %add3A_2228 = arith.addi %add3A_1880, %add3A_2227 : i32
        %get3A_2229 = arith.index_cast %add3A_2228 : i32 to index
        %get3A_2230 = arith.constant 32 : index
        %get3A_2231 = tpu.vector_load %arg7[%get3A_2229, %get3A_2230] {strides = array<i32>} : memref<2000x64xbf16, #tpu.memory_space<vmem>>, vector<32xbf16>,
        %unpack3A_2232 = tpu.unpack_subelements %get3A_2231, 0 {pack_format = #tpu.pack_format<interleaved>} : vector<32xbf16> -> vector<16xf32>
        %unpack3A_2233 = tpu.unpack_subelements %get3A_2231, 1 {pack_format = #tpu.pack_format<interleaved>} : vector<32xbf16> -> vector<16xf32>
        %add3A_2234 = arith.addf %add3A_2225, %unpack3A_2232 : vector<16xf32>
        %add3A_2235 = arith.addf %add3A_2226, %unpack3A_2233 : vector<16xf32>
        %add3A_2236 = arith.constant 15 : i32
        %add3A_2237 = arith.addi %add3A_1880, %add3A_2236 : i32
        %get3A_2238 = arith.index_cast %add3A_2237 : i32 to index
        %get3A_2239 = arith.constant 32 : index
        %get3A_2240 = tpu.vector_load %arg7[%get3A_2238, %get3A_2239] {strides = array<i32>} : memref<2000x64xbf16, #tpu.memory_space<vmem>>, vector<32xbf16>,
        %unpack3A_2241 = tpu.unpack_subelements %get3A_2240, 0 {pack_format = #tpu.pack_format<interleaved>} : vector<32xbf16> -> vector<16xf32>
        %unpack3A_2242 = tpu.unpack_subelements %get3A_2240, 1 {pack_format = #tpu.pack_format<interleaved>} : vector<32xbf16> -> vector<16xf32>
        %add3A_2243 = arith.addf %add3A_2234, %unpack3A_2241 : vector<16xf32>
        %add3A_2244 = arith.addf %add3A_2235, %unpack3A_2242 : vector<16xf32>
        %add3A_2245 = arith.constant 16 : i32
        %add3A_2246 = arith.addi %add3A_1880, %add3A_2245 : i32
        %get3A_2247 = arith.index_cast %add3A_2246 : i32 to index
        %get3A_2248 = arith.constant 32 : index
        %get3A_2249 = tpu.vector_load %arg7[%get3A_2247, %get3A_2248] {strides = array<i32>} : memref<2000x64xbf16, #tpu.memory_space<vmem>>, vector<32xbf16>,
        %unpack3A_2250 = tpu.unpack_subelements %get3A_2249, 0 {pack_format = #tpu.pack_format<interleaved>} : vector<32xbf16> -> vector<16xf32>
        %unpack3A_2251 = tpu.unpack_subelements %get3A_2249, 1 {pack_format = #tpu.pack_format<interleaved>} : vector<32xbf16> -> vector<16xf32>
        %add3A_2252 = arith.addf %add3A_2243, %unpack3A_2250 : vector<16xf32>
        %add3A_2253 = arith.addf %add3A_2244, %unpack3A_2251 : vector<16xf32>
        %add3A_2254 = arith.constant 17 : i32
        %add3A_2255 = arith.addi %add3A_1880, %add3A_2254 : i32
        %get3A_2256 = arith.index_cast %add3A_2255 : i32 to index
        %get3A_2257 = arith.constant 32 : index
        %get3A_2258 = tpu.vector_load %arg7[%get3A_2256, %get3A_2257] {strides = array<i32>} : memref<2000x64xbf16, #tpu.memory_space<vmem>>, vector<32xbf16>,
        %unpack3A_2259 = tpu.unpack_subelements %get3A_2258, 0 {pack_format = #tpu.pack_format<interleaved>} : vector<32xbf16> -> vector<16xf32>
        %unpack3A_2260 = tpu.unpack_subelements %get3A_2258, 1 {pack_format = #tpu.pack_format<interleaved>} : vector<32xbf16> -> vector<16xf32>
        %add3A_2261 = arith.addf %add3A_2252, %unpack3A_2259 : vector<16xf32>
        %add3A_2262 = arith.addf %add3A_2253, %unpack3A_2260 : vector<16xf32>
        %add3A_2263 = arith.constant 18 : i32
        %add3A_2264 = arith.addi %add3A_1880, %add3A_2263 : i32
        %get3A_2265 = arith.index_cast %add3A_2264 : i32 to index
        %get3A_2266 = arith.constant 32 : index
        %get3A_2267 = tpu.vector_load %arg7[%get3A_2265, %get3A_2266] {strides = array<i32>} : memref<2000x64xbf16, #tpu.memory_space<vmem>>, vector<32xbf16>,
        %unpack3A_2268 = tpu.unpack_subelements %get3A_2267, 0 {pack_format = #tpu.pack_format<interleaved>} : vector<32xbf16> -> vector<16xf32>
        %unpack3A_2269 = tpu.unpack_subelements %get3A_2267, 1 {pack_format = #tpu.pack_format<interleaved>} : vector<32xbf16> -> vector<16xf32>
        %add3A_2270 = arith.addf %add3A_2261, %unpack3A_2268 : vector<16xf32>
        %add3A_2271 = arith.addf %add3A_2262, %unpack3A_2269 : vector<16xf32>
        %add3A_2272 = arith.constant 19 : i32
        %add3A_2273 = arith.addi %add3A_1880, %add3A_2272 : i32
        %get3A_2274 = arith.index_cast %add3A_2273 : i32 to index
        %get3A_2275 = arith.constant 32 : index
        %get3A_2276 = tpu.vector_load %arg7[%get3A_2274, %get3A_2275] {strides = array<i32>} : memref<2000x64xbf16, #tpu.memory_space<vmem>>, vector<32xbf16>,
        %unpack3A_2277 = tpu.unpack_subelements %get3A_2276, 0 {pack_format = #tpu.pack_format<interleaved>} : vector<32xbf16> -> vector<16xf32>
        %unpack3A_2278 = tpu.unpack_subelements %get3A_2276, 1 {pack_format = #tpu.pack_format<interleaved>} : vector<32xbf16> -> vector<16xf32>
        %add3A_2279 = arith.addf %add3A_2270, %unpack3A_2277 : vector<16xf32>
        %add3A_2280 = arith.addf %add3A_2271, %unpack3A_2278 : vector<16xf32>
        %mul3A_2281 = arith.constant 64 : i32
        %mul3A_2282 = arith.muli %add3A_1876, %mul3A_2281 : i32
        %add3A_2283 = arith.constant 3200 : i32
        %add3A_2284 = arith.addi %add3A_2283, %mul3A_2282 : i32
        %add3A_2285 = arith.constant 32 : i32
        %add3A_2286 = arith.addi %add3A_2284, %add3A_2285 : i32
        %add3A_2287 = vector.broadcast %add3A_2286 : i32 to vector<16xi32>
        %add3A_2288 = arith.addi %mul3A_174, %add3A_2287 : vector<16xi32>
        tpu.vector_store_idx %arg9[%add3A_2288], %add3A_2279 : memref<6400xf32, #tpu.memory_space<vmem>>[vector<16xi32>], vector<16xf32>,
        %add3A_2289 = arith.constant 1 : i32
        %add3A_2290 = arith.addi %add3A_2286, %add3A_2289 : i32
        %add3A_2291 = vector.broadcast %add3A_2290 : i32 to vector<16xi32>
        %add3A_2292 = arith.addi %mul3A_174, %add3A_2291 : vector<16xi32>
        tpu.vector_store_idx %arg9[%add3A_2292], %add3A_2280 : memref<6400xf32, #tpu.memory_space<vmem>>[vector<16xi32>], vector<16xf32>,
      }
      %scan3A_180 = arith.constant 10 : i32
      %mul3A_181 = arith.constant 128 : i32
      %mul3A_182 = arith.muli %add3A, %mul3A_181 : i32
      %add3A_183 = arith.addi %mul3A_182, %add3A_139 : i32
      %dma_start3A_184 = arith.constant 3200 : i32
      %dma_start3A_185 = tpu.memref_slice %arg9[%dma_start3A_184] : memref<6400xf32, #tpu.memory_space<vmem>> -> memref<3200xf32, #tpu.memory_space<vmem>>
      %dma_start3A_186 = arith.constant 0 : i32
      %dma_start3A_187 = tpu.memref_slice %arg5[%add3A_183, %dma_start3A_186] : memref<4096x3200xf32, #tpu.memory_space<hbm>> -> memref<1x3200xf32, #tpu.memory_space<hbm>>
      %dma_start3A_188 = tpu.memref_squeeze %dma_start3A_187 : memref<1x3200xf32, #tpu.memory_space<hbm>> -> memref<3200xf32, #tpu.memory_space<hbm>>
      %dma_start3A_189 = arith.constant 0 : i32
      %dma_start3A_190 = tpu.memref_slice %arg5[%add3A_183, %dma_start3A_189] : memref<4096x3200xf32, #tpu.memory_space<hbm>> -> memref<1x3200xf32, #tpu.memory_space<hbm>>
      %dma_start3A_191 = tpu.memref_squeeze %dma_start3A_190 : memref<1x3200xf32, #tpu.memory_space<hbm>> -> memref<3200xf32, #tpu.memory_space<hbm>>
      %dma_start3A_192 = arith.constant 3200 : i32
      %dma_start3A_193 = tpu.memref_slice %arg9[%dma_start3A_192] : memref<6400xf32, #tpu.memory_space<vmem>> -> memref<3200xf32, #tpu.memory_space<vmem>>
      tpu.enqueue_dma source(%dma_start3A_193 : memref<3200xf32, #tpu.memory_space<vmem>>) target(%dma_start3A_191 : memref<3200xf32, #tpu.memory_space<hbm>>) target_semaphore(%arg15 : memref<!tpu.dma_semaphore, #tpu.memory_space<semaphore_mem>>)
    }
    %scan3A_61 = arith.constant 64 : i32
    %dma_wait3A_62 = arith.constant 0 : i32
    %dma_wait3A_63 = arith.constant 0 : i32
    %dma_wait3A_64 = tpu.memref_slice %arg9[%dma_wait3A_63] : memref<6400xf32, #tpu.memory_space<vmem>> -> memref<3200xf32, #tpu.memory_space<vmem>>
    %dma_wait3A_65 = arith.constant 0 : i32
    %dma_wait3A_66 = tpu.memref_slice %arg5[%dma_wait3A_62, %dma_wait3A_65] : memref<4096x3200xf32, #tpu.memory_space<hbm>> -> memref<1x3200xf32, #tpu.memory_space<hbm>>
    %dma_wait3A_67 = tpu.memref_squeeze %dma_wait3A_66 : memref<1x3200xf32, #tpu.memory_space<hbm>> -> memref<3200xf32, #tpu.memory_space<hbm>>
    %dma_wait3A_68 = arith.constant 0 : i32
    %dma_wait3A_69 = tpu.memref_slice %arg5[%dma_wait3A_62, %dma_wait3A_68] : memref<4096x3200xf32, #tpu.memory_space<hbm>> -> memref<1x3200xf32, #tpu.memory_space<hbm>>
    %dma_wait3A_70 = tpu.memref_squeeze %dma_wait3A_69 : memref<1x3200xf32, #tpu.memory_space<hbm>> -> memref<3200xf32, #tpu.memory_space<hbm>>
    %dma_wait3A_71 = arith.constant 0 : i32
    %dma_wait3A_72 = tpu.memref_slice %arg9[%dma_wait3A_71] : memref<6400xf32, #tpu.memory_space<vmem>> -> memref<3200xf32, #tpu.memory_space<vmem>>
    tpu.wait_dma2 semaphore(%arg14 : memref<!tpu.dma_semaphore, #tpu.memory_space<semaphore_mem>>) src(%dma_wait3A_72 : memref<3200xf32, #tpu.memory_space<vmem>>) dst(%dma_wait3A_70 : memref<3200xf32, #tpu.memory_space<hbm>>)
    %dma_wait3A_73 = arith.constant 0 : i32
    %dma_wait3A_74 = arith.constant 0 : i32
    %dma_wait3A_75 = tpu.memref_slice %arg9[%dma_wait3A_74] : memref<6400xf32, #tpu.memory_space<vmem>> -> memref<3200xf32, #tpu.memory_space<vmem>>
    %dma_wait3A_76 = arith.constant 0 : i32
    %dma_wait3A_77 = tpu.memref_slice %arg5[%dma_wait3A_73, %dma_wait3A_76] : memref<4096x3200xf32, #tpu.memory_space<hbm>> -> memref<1x3200xf32, #tpu.memory_space<hbm>>
    %dma_wait3A_78 = tpu.memref_squeeze %dma_wait3A_77 : memref<1x3200xf32, #tpu.memory_space<hbm>> -> memref<3200xf32, #tpu.memory_space<hbm>>
    %dma_wait3A_79 = arith.constant 0 : i32
    %dma_wait3A_80 = tpu.memref_slice %arg5[%dma_wait3A_73, %dma_wait3A_79] : memref<4096x3200xf32, #tpu.memory_space<hbm>> -> memref<1x3200xf32, #tpu.memory_space<hbm>>
    %dma_wait3A_81 = tpu.memref_squeeze %dma_wait3A_80 : memref<1x3200xf32, #tpu.memory_space<hbm>> -> memref<3200xf32, #tpu.memory_space<hbm>>
    %dma_wait3A_82 = arith.constant 0 : i32
    %dma_wait3A_83 = tpu.memref_slice %arg9[%dma_wait3A_82] : memref<6400xf32, #tpu.memory_space<vmem>> -> memref<3200xf32, #tpu.memory_space<vmem>>
    tpu.wait_dma2 semaphore(%arg15 : memref<!tpu.dma_semaphore, #tpu.memory_space<semaphore_mem>>) src(%dma_wait3A_83 : memref<3200xf32, #tpu.memory_space<vmem>>) dst(%dma_wait3A_81 : memref<3200xf32, #tpu.memory_space<hbm>>)
    return
  }
}

</mosaic_0001>

<sc_bundles>
// kernel: kernel.3.cloned.1.call-start
scs
__scs_entry_jumppad:
0x0: {  	(pc) =	sbr.rel $0x88, $3  }
0x1: {  	(tag) =	ssettag $0x0;
	lr =	simm.s32 $0x1  }
0x2: {  	[smem:$0x3F9E] =	sst lr;
	_ =	strace $0xD0000000  }
0x3: {  	_ = 	snop  }
0x4: {  	_ = 	snop  }
0x5: {  	_ = 	snop  }
0x6: {  	_ = 	snop  }
0x7: {  	_ = 	snop  }
__scs_overlays_trampoline_lowered:
0x8: {  	[smem:$0x3FAD] =	sst s0  }
0x9: {  	[smem:$0x3FAE] =	sst s1  }
0xa: {  	[smem:$0x3FAF] =	sst s2  }
0xb: {  	[smem:$0x3FB0] =	sst s3  }
0xc: {  	[smem:$0x3FB1] =	sst s4  }
0xd: {  	[smem:$0x3FB2] =	sst s5  }
0xe: {  	[smem:$0x3FB3] =	sst s6  }
0xf: {  	[smem:$0x3FB4] =	sst s7  }
0x10: {  	[smem:$0x3FB5] =	sst s8  }
0x11: {  	[smem:$0x3FB6] =	sst s9;
	s0 =	simm.s32 @!p0 $0x0  }
0x12: {  	s1 =	sld [smem:$0x3F9C];
	s0 =	simm.s32 @p0 $0x1  }
0x13: {  	[smem:$0x3FB7] =	sst s0;
	s0 =	simm.s32 @!p1 $0x0  }
0x14: {  	s2 =	sld [smem:$0x3F9B];
	s0 =	simm.s32 @p1 $0x1  }
0x15: {  	[smem:$0x3FB8] =	sst s0;
	s0 =	simm.s32 @!p2 $0x0  }
0x16: {  	s3 =	sld [smem:$0x3FDB];
	s0 =	simm.s32 @p2 $0x1  }
0x17: {  	s4 =	simm.s32 $0x1BF5;
	[smem:$0x3FBA] =	sst s0  }
0x18: {  	s0 =	sld [smem:$0x3F9D];
	_ =	swait.ge [sflag:s4], $0x0  }
0x19: {  	s7 =	sld [smem:$0x3F9E]  }
0x1a: {  	s8 =	sadd.s32 $0xFFFFE003, lr  }
0x1b: {  	s9 =	sadd.s32 $0xFFFFFEF7, lr;
	s5 =	simm.s32 $0xFFFFFFFF;
	p2 =	slt.u32 s8, $0xFFFFF086  }
0x1c: {  	p1 =	slt.u32 s9, $0xF7A;
	s5 =	simm.s32 @!p2 $0x0  }
0x1d: {  	s5 =	simm.s32 @p1 $0x1;
	p0 =	seq.s32 s7, s2  }
0x1e: {  	s7 =	smul.u32 @!p0 $0xF7A, s2;
	p2 =	seq.s32 @!p0 s5, $0x0  }
0x1f: {  	s9 =	smul.u32 $0xF7A, s1;
	s8 =	simm.s32 @!p0 $0x1BF5;
	p2 =	por !p2, p0  }
0x20: {  	[sflag:s8] =	ssyncset.s32 @!p0 $0xFFFFF086;
	s6 =	sadd.s32 @!p0 s3, s7;
	s7 =	simm.s32 @!p0 $0x108  }
0x21: {  	s3 =	sadd.s32 s3, s9;
	s6 =	sadd.s32 @!p0 $0x88, s6;
	s7 =	simm.s32 @p2 $0x1082  }
0x22: {  	[simem:s7], [sflag:s8] =	dma.local @!p0 [hbm:s6], $0xF7A  }
0x23: {  	s9 =	sor.u32 $0xD0000000, s2;
	s6 =	simm.s32 $0x108;
	_ =	swait.ge @!p0 [sflag:s8], $0x0  }
0x24: {  	s3 =	sadd.s32 $0x88, s3;
	s6 =	simm.s32 @!p1 $0x1082;
	[sflag:s4] =	ssyncset.s32 $0xFFFFF086  }
0x25: {  	[simem:s6], [sflag:s4] =	dma.local [hbm:s3], $0xF7A  }
0x26: {  	[smem:$0x3F9E] =	sst s1;
	(tag) =	ssettag s2;
	_ =	strace s9  }
0x27: {  	s1 =	sld [smem:$0x3FAE]  }
0x28: {  	s2 =	sld [smem:$0x3FAF]  }
0x29: {  	s4 =	sld [smem:$0x3FB1]  }
0x2a: {  	p0 =	seq.s32 s5, $0x0;
	s5 =	sld [smem:$0x3FB2]  }
0x2b: {  	s6 =	sld [smem:$0x3FB3]  }
0x2c: {  	s7 =	sld [smem:$0x3FB4]  }
0x2d: {  	s3 =	simm.s32 $0x108;
	s8 =	sld [smem:$0x3FB5]  }
0x2e: {  	s3 =	simm.s32 @!p0 $0x1082;
	s9 =	sld [smem:$0x3FB6]  }
0x2f: {  	lr =	sadd.s32 s0, s3;
	s0 =	sld [smem:$0x3FAD]  }
0x30: {  	s3 =	sld [smem:$0x3FB0]  }
0x31: {  	[smem:$0x3FB9] =	sst s10  }
0x32: {  	s10 =	sld [smem:$0x3FB7];
	_ =	sdelay $0x3  }
0x33: {  	p0 =	seq.s32 s10, $0x1;
	s10 =	sld [smem:$0x3FB9];
	_ =	sdelay $0x3  }
0x34: {  	[smem:$0x3FB9] =	sst s10  }
0x35: {  	s10 =	sld [smem:$0x3FB8];
	_ =	sdelay $0x3  }
0x36: {  	p1 =	seq.s32 s10, $0x1;
	s10 =	sld [smem:$0x3FB9];
	_ =	sdelay $0x3  }
0x37: {  	[smem:$0x3FB9] =	sst s10  }
0x38: {  	s10 =	sld [smem:$0x3FBA]  }
0x39: {  	_ = 	snop;
	(pc) =	sbr.ind lr, $3  }
0x3a: {  	_ = 	snop  }
0x3b: {  	_ = 	snop  }
0x3c: {  	p2 =	seq.s32 s10, $0x1;
	s10 =	sld [smem:$0x3FB9]  }
0x3d: {  	_ =	shalt  }
0x3e: {  	_ =	shalt  }
0x3f: {  	_ =	shalt  }
0x40: {  	_ =	shalt  }
0x41: {  	_ =	shalt  }
0x42: {  	_ =	shalt  }
0x43: {  	_ =	shalt  }
0x44: {  	_ =	shalt  }
0x45: {  	_ =	shalt  }
0x46: {  	_ =	shalt  }
0x47: {  	_ =	shalt  }
0x48: {  	_ =	shalt  }
0x49: {  	_ =	shalt  }
0x4a: {  	_ =	shalt  }
0x4b: {  	_ =	shalt  }
0x4c: {  	_ =	shalt  }
0x4d: {  	_ =	shalt  }
0x4e: {  	_ =	shalt  }
0x4f: {  	_ =	shalt  }
0x50: {  	_ =	shalt  }
0x51: {  	_ =	shalt  }
0x52: {  	_ =	shalt  }
0x53: {  	_ =	shalt  }
0x54: {  	_ =	shalt  }
0x55: {  	_ =	shalt  }
0x56: {  	_ =	shalt  }
0x57: {  	_ =	shalt  }
0x58: {  	_ =	shalt  }
0x59: {  	_ =	shalt  }
0x5a: {  	_ =	shalt  }
0x5b: {  	_ =	shalt  }
0x5c: {  	_ =	shalt  }
0x5d: {  	_ =	shalt  }
0x5e: {  	_ =	shalt  }
0x5f: {  	_ =	shalt  }
0x60: {  	_ =	shalt  }
0x61: {  	_ =	shalt  }
0x62: {  	_ =	shalt  }
0x63: {  	_ =	shalt  }
0x64: {  	_ =	shalt  }
0x65: {  	_ =	shalt  }
0x66: {  	_ =	shalt  }
0x67: {  	_ =	shalt  }
0x68: {  	_ =	shalt  }
0x69: {  	_ =	shalt  }
0x6a: {  	_ =	shalt  }
0x6b: {  	_ =	shalt  }
0x6c: {  	_ =	shalt  }
0x6d: {  	_ =	shalt  }
0x6e: {  	_ =	shalt  }
0x6f: {  	_ =	shalt  }
0x70: {  	_ =	shalt  }
0x71: {  	_ =	shalt  }
0x72: {  	_ =	shalt  }
0x73: {  	_ =	shalt  }
0x74: {  	_ =	shalt  }
0x75: {  	_ =	shalt  }
0x76: {  	_ =	shalt  }
0x77: {  	_ =	shalt  }
0x78: {  	_ =	shalt  }
0x79: {  	_ =	shalt  }
0x7a: {  	_ =	shalt  }
0x7b: {  	_ =	shalt  }
0x7c: {  	_ =	shalt  }
0x7d: {  	_ =	shalt  }
0x7e: {  	_ =	shalt  }
0x7f: {  	_ =	shalt  }
0x80: {  	_ =	shalt  }
0x81: {  	_ =	shalt  }
0x82: {  	_ =	shalt  }
0x83: {  	_ =	shalt  }
0x84: {  	_ =	shalt  }
0x85: {  	_ =	shalt  }
0x86: {  	_ =	shalt  }
0x87: {  	_ =	shalt  }
.Lfunc_end0:
.L_simem_size_0:
called_computation.1_lowered:
.L_overlay_start_0:
0x88: {  	s2 =	sld [smem:$0x3FD9]  }
0x89: {  	s3 =	sld [smem:$0x3FFE];
	_ =	sdelay $0x1  }
0x8a: {  	s1 =	srdreg.scid  }
0x8b: {  	s0 =	sand.u32 $0x1, s1  }
0x8c: {  	s17 =	sshll.u32 s0, $0xA;
	s2 =	sadd.s32 s3, s2  }
0x8d: {  	s2 =	sadd.s32 s2, s17  }
0x8e: {  	[smem:$0x3FC5] =	sst s2  }
0x8f: {  	_ = 	snop  }
0x90: {  	s2 =	sld [smem:$0x3FD0];
	(tm) =	ssettm $0x1  }
0x91: {  	s18 =	sld [smem:$0x3FFB];
	_ =	sdelay $0x3  }
0x92: {  	_ =	strace s18  }
0x93: {  	s3 =	sld [smem:$0x3FFC];
	_ =	sdelay $0x3  }
0x94: {  	_ =	strace s3  }
0x95: {  	s3 =	sld [smem:$0x3FFD];
	_ =	sdelay $0x3  }
0x96: {  	_ =	strace s3  }
0x97: {  	_ =	strace $0x8FFFFFFF  }
0x98: {  	s19 =	sld [smem:$0x3FDB];
	_ =	sdelay $0x1  }
0x99: {  	s4 =	simm.s32 $_scs_section_size  }
0x9a: {  	s5 =	simm.s32 $_size__tile_overlayer_lowered;
	s6 =	simm.s32 $_tile_overlayer_lowered  }
0x9b: {  	s22 =	simm.s32 $0x1BFF;
	s21 =	sshll.u32 s6, $0x1;
	s3 =	sadd.s32 s4, s19  }
0x9c: {  	s7 =	simm.s32 $0x0;
	s20 =	sshll.u32 s5, $0x1;
	s5 =	sadd.s32 s21, s3  }
0x9d: {  	[timem:s7], [sflag:s22] =	dma.local [hbm:s5], s20  }
0x9e: {  	_ =	swait.ge [sflag:s22], s20  }
0x9f: {  	s4 =	ssub.s32 $0x0, s20;
	[sflag:s22] =	ssyncset.done $0x0  }
0xa0: {  	[sflag:s22] =	ssyncadd.s32 s4;
	_ =	sdelay $0x1  }
0xa1: {  	s23 =	simm.s32 $0x1B8B  }
0xa2: {  	_ =	swait.ge [sflag:s23], $0x1  }
0xa3: {  	[sflag:s23] =	ssyncset.done $0x0  }
0xa4: {  	s25 =	simm.s32 $0x1B8E;
	s24 =	sld [smem:$0x3FFE];
	[sflag:s23] =	ssyncadd.s32 $0xFFFFFFFF  }
0xa5: {  	s26 =	simm.s32 $execute0_lowered;
	[smem:$0x3FD2] =	sst s25  }
0xa6: {  	s5 =	sshll.u32 s26, $0x1;
	_ =	strace $0x80000046;
	[dreg:$0x1] =	wrdreg $0xFFFFFFFF  }
0xa7: {  	s28 =	simm.s32 $_size_execute0_lowered;
	s3 =	sadd.s32 s3, s5;
	[dreg:$0x0] =	wrdreg $0x0  }
0xa8: {  	s5 =	sshll.u32 s28, $0x1;
	[dreg:$0x2] =	wrdreg s3  }
0xa9: {  	[dreg:$0x3] =	wrdreg s5  }
0xaa: {  	[dreg:$0x4] =	wrdreg $0xC0  }
0xab: {  	_ =	task [dreg:s7], $0x5FFFF  }
0xac: {  	[dreg:$0x1] =	wrdreg $0xFFFFFFFF  }
0xad: {  	[dreg:$0x0] =	wrdreg $0x60  }
0xae: {  	[dreg:$0x2] =	wrdreg s24  }
0xaf: {  	[dreg:$0x3] =	wrdreg s2  }
0xb0: {  	[dreg:$0x4] =	wrdreg $0x9  }
0xb1: {  	_ =	task.clear_ibuf [dreg:s7], $0x5FFFF;
	_ =	strace $0x90000046  }
0xb2: {  	s29 =	simm.s32 $0x9;
	_ =	strace $0x80000048  }
0xb3: {  	_ =	swait.ge [sflag:s29], $0x1  }
0xb4: {  	[sflag:s29] =	ssyncadd.s32 $0xFFFFFFFF  }
0xb5: {  	_ =	strace $0x90000048  }
0xb6: {  	_ =	sfence  }
0xb7: {  	s30 =	sld [smem:$0x0];
	_ =	sdelay $0x2  }
0xb8: {  	s31 =	sshll.u32 s1, $0xD;
	s1 =	sshrl.u32 s1, $0x2  }
0xb9: {  	s3 =	sand.u32 $0x4000, s31;
	s1 =	sadd.s32 s1, s30  }
0xba: {  	s0 =	sor.u32 s3, s0;
	s1 =	sshll.u32 s1, $0x11  }
0xbb: {  	s0 =	sor.u32 s1, s0  }
0xbc: {  	s0 =	sadd.s32 $0x8F2B, s0  }
0xbd: {  	[sflag:s0] =	ssyncadd.remote.s32 $0x1  }
0xbe: {  	_ =	sfence.sel $0xFFFF  }
0xbf: {  	[dreg:$0x0] =	wrdreg $0xFFFFFFFF;
	(pc) =	sbr.abs _section_cstart, $3  }
0xc0: {  	[dreg:$0x1] =	wrdreg $0xFFFFFFFF  }
0xc1: {  	_ =	task.clear_ibuf [dreg:s7], $0x2FFFF;
	_ =	strace $0x9FFFFFFF  }
0xc2: {  	(tm) =	ssettm $0x7FFFFFFF  }
0xc3: {  	_ =	shalt  }
tec
execute0_lowered:
.L_overlay_start_1:
0x0: {  	(tag) =	ssettag $0x1  }
0x1: {  	s0 =	rddreg [dreg:$0x0]  }
0x2: {  	s2 =	rddreg [dreg:$0x1];
	s1 =	srdreg.scid  }
0x3: {  	s4 =	stileid.u32;
	s3 =	simm.s32 $0x0;
	s14 =	simm.s32 $0x7  }
0x4: {  	s15 =	simm.s32 $0x3E8;
	s16 =	simm.s32 $0x3;
	s18 =	simm.s32 $0x1  }
0x5: {  	s19 =	simm.s32 $0x4;
	s20 =	simm.s32 $0x84D0;
	s21 =	simm.s32 $0x10FD0  }
0x6: {  	s22 =	simm.s32 $0x2;
	s23 =	simm.s32 $0x11C50;
	s24 =	simm.s32 $0x5  }
0x7: {  	s25 =	simm.s32 $0x6;
	s26 =	simm.s32 $0x0;
	s1 =	sand.u32 $0x1, s1  }
0x8: {  	s4 =	sshll.u32 s4, $0x8;
	[smem:$0x7FF] =	sst s3;
	s5 =	sshll.u32 s1, $0x7  }
0x9: {  	s6 =	sadd.s32 $0x2800, s0;
	s1 =	ssub.s32 $0x2, s1;
	s4 =	sor.u32 s5, s4  }
0xa: {  	s5 =	sadd.s32 $0x64400, s0;
	s0 =	sadd.s32 $0x1800, s0;
	s8 =	smul.u32 $0x7D, s4  }
0xb: {  	_ =	strace $0x80000047;
	s9 =	sshrl.u32 s1, $0x1;
	[dreg:$0x3] =	wrdreg s0  }
0xc: {  	v0 =	vlaneseq.u32;
	s31 =	ssub.s32 s1, s9;
	s10 =	sor.u32 $0x2, s4;
	s8 =	sadd.s32 s5, s8  }
0xd: {  	v0 =	vmul.u32 $0x2, v0;
	s11 =	sor.u32 $0x3, s4;
	s12 =	smax.u32 s31, $0x1;
	s9 =	sadd.s32 $0x7D, s8  }
.LBB2_1:
0xe: {  	s0 =	rddreg [dreg:$0x3];
	s1 =	simm.s32 $0x101D0  }
0xf: {  	[tilespmem:s1], [sflag:$0x7] =	stream.linear.gather [hbm4b:s0+s3], $0xE00, $0x38;
	[tilespmem:$0x128D0] =	vst v63  }
0x10: {  	_ =	swait.ge [sflag:s14], $0xE00  }
0x11: {  	[sflag:s14] =	ssyncset.done $0x0  }
0x12: {  	[sflag:s14] =	ssyncadd.s32 $0xFFFFF200  }
0x13: {  	[tilespmem:s3], [sflag:$0x3] =	stream.linear.gather [hbm4b:s8+s3], $0x3E8, $0x38;
	[tilespmem:$0x128D0] =	vst v63  }
0x14: {  	_ = 	snop  }
0x15: {  	[tilespmem:s15], [sflag:$0x4] =	stream.linear.gather [hbm4b:s9+s3], $0x3E8, $0x38;
	[tilespmem:$0x128D0] =	vst v63  }
0x16: {  	_ =	swait.ge [sflag:s16], $0x3E8  }
0x17: {  	[sflag:s16] =	ssyncset.done $0x0  }
0x18: {  	s31 =	simm.s32 $0x7D0;
	s28 =	simm.s32 $0x0;
	[sflag:s16] =	ssyncadd.s32 $0xFFFFFC18  }
0x19: {  	[tilespmem:s31], [sflag:$0x1] =	stream.indirect.gather [hbm4b:s6+s15], $0x20, s3, s15, $0xb8;
	[tilespmem:$0x128D0] =	vst v63  }
.LBB2_2:
0x1a: {  	s30 =	sshll.u32 s28, $0x1;
	p0 =	seq.s32 s28, $0x3F  }
0x1b: {  	s0 =	sadd.s32 @!p0 s30, s10  }
0x1c: {  	_ =	swait.ge [sflag:s18], $0x7D00;
	s0 =	smul.u32 @!p0 $0x7D, s0  }
0x1d: {  	[sflag:s18] =	ssyncset.done $0x0  }
0x1e: {  	s1 =	simm.s32 @!p0 $0x0;
	[sflag:s18] =	ssyncadd.s32 $0xFFFF8300;
	s0 =	sadd.s32 @!p0 s5, s0  }
0x1f: {  	[tilespmem:s1], [sflag:$0x3] =	stream.linear.gather @!p0 [hbm4b:s0+s1], $0x3E8, $0x38;
	[tilespmem:$0x128D0] =	vst v63  }
0x20: {  	_ =	swait.ge [sflag:s19], $0x3E8  }
0x21: {  	p1 =	seq.s32 s28, $0x0;
	[sflag:s19] =	ssyncset.done $0x0  }
0x22: {  	s0 =	simm.s32 @!p1 $0x5;
	[sflag:s19] =	ssyncadd.s32 $0xFFFFFC18  }
0x23: {  	[tilespmem:s20], [sflag:$0x2] =	stream.indirect.gather [hbm4b:s6+s15], $0x20, s15, s15, $0xb8;
	[tilespmem:$0x128D0] =	vst v63  }
0x24: {  	_ =	swait.ge @!p1 [sflag:s0], $0xC80  }
0x25: {  	[sflag:s0] =	ssyncset.done @!p1 $0x0  }
0x26: {  	s31 =	simm.s32 $0x0;
	s29 =	sor.u32 $0x1, s30;
	[sflag:s0] =	ssyncadd.s32 @!p1 $0xFFFFF380  }
.LBB2_3:
0x27: {  	s1 =	smul.u32 $0x140, s31  }
0x28: {  	s0 =	smul.u32 $0x3200, s31;
	_ =	sdelay $0x1  }
0x29: {  	v1 =	vld [tilespmem:s1+$0x101D0];
	s13 =	sshra.s32 s0, $0x2  }
0x2a: {  	v2 =	vld [tilespmem:s13+$0x7D0]  }
0x2b: {  	v3 =	vld [tilespmem:s1+$0x101E0]  }
0x2c: {  	v4 =	vld [tilespmem:s13+$0x7F0];
	_ =	sdelay $0x1  }
0x2d: {  	v5 =	vld [tilespmem:s13+$0x810]  }
0x2e: {  	v6 =	vunpack.i.l.bf16.f32 v2  }
0x2f: {  	v51 =	vld [tilespmem:s13+$0x830];
	v2 =	vunpack.i.u.bf16.f32 v2;
	v1 =	vadd.f32 v6, v1  }
0x30: {  	v2 =	vadd.f32 v2, v3;
	v3 =	vunpack.i.l.bf16.f32 v4  }
0x31: {  	v4 =	vunpack.i.u.bf16.f32 v4;
	v1 =	vadd.f32 v3, v1;
	v3 =	vld [tilespmem:s13+$0x850]  }
0x32: {  	v52 =	vunpack.i.l.bf16.f32 v5;
	v2 =	vadd.f32 v4, v2  }
0x33: {  	v53 =	vld [tilespmem:s13+$0x870];
	v5 =	vunpack.i.u.bf16.f32 v5;
	v1 =	vadd.f32 v52, v1  }
0x34: {  	v54 =	vunpack.i.l.bf16.f32 v51;
	v2 =	vadd.f32 v5, v2  }
0x35: {  	v55 =	vld [tilespmem:s13+$0x890];
	v6 =	vunpack.i.u.bf16.f32 v51;
	v1 =	vadd.f32 v54, v1  }
0x36: {  	v2 =	vadd.f32 v6, v2;
	v56 =	vunpack.i.l.bf16.f32 v3  }
0x37: {  	v57 =	vld [tilespmem:s13+$0x8B0];
	v3 =	vunpack.i.u.bf16.f32 v3;
	v1 =	vadd.f32 v56, v1  }
0x38: {  	v2 =	vadd.f32 v3, v2;
	v3 =	vunpack.i.l.bf16.f32 v53  }
0x39: {  	v4 =	vunpack.i.u.bf16.f32 v53;
	v1 =	vadd.f32 v3, v1;
	v3 =	vld [tilespmem:s13+$0x8D0]  }
0x3a: {  	v58 =	vunpack.i.l.bf16.f32 v55;
	v2 =	vadd.f32 v4, v2  }
0x3b: {  	v59 =	vld [tilespmem:s13+$0x8F0];
	v5 =	vunpack.i.u.bf16.f32 v55;
	v1 =	vadd.f32 v58, v1  }
0x3c: {  	v60 =	vunpack.i.l.bf16.f32 v57;
	v2 =	vadd.f32 v5, v2  }
0x3d: {  	v61 =	vld [tilespmem:s13+$0x910];
	v6 =	vunpack.i.u.bf16.f32 v57;
	v1 =	vadd.f32 v60, v1  }
0x3e: {  	v2 =	vadd.f32 v6, v2;
	v62 =	vunpack.i.l.bf16.f32 v3  }
0x3f: {  	v63 =	vld [tilespmem:s13+$0x930];
	v3 =	vunpack.i.u.bf16.f32 v3;
	v1 =	vadd.f32 v62, v1  }
0x40: {  	v2 =	vadd.f32 v3, v2;
	v3 =	vunpack.i.l.bf16.f32 v59  }
0x41: {  	v4 =	vunpack.i.u.bf16.f32 v59;
	v1 =	vadd.f32 v3, v1;
	v3 =	vld [tilespmem:s13+$0x950]  }
0x42: {  	v9 =	vunpack.i.l.bf16.f32 v61;
	v2 =	vadd.f32 v4, v2  }
0x43: {  	v10 =	vld [tilespmem:s13+$0x970];
	v5 =	vunpack.i.u.bf16.f32 v61;
	v1 =	vadd.f32 v9, v1  }
0x44: {  	v11 =	vunpack.i.l.bf16.f32 v63;
	v2 =	vadd.f32 v5, v2  }
0x45: {  	v12 =	vld [tilespmem:s13+$0x990];
	v6 =	vunpack.i.u.bf16.f32 v63;
	v1 =	vadd.f32 v11, v1  }
0x46: {  	v2 =	vadd.f32 v6, v2;
	v13 =	vunpack.i.l.bf16.f32 v3  }
0x47: {  	v14 =	vld [tilespmem:s13+$0x9B0];
	v3 =	vunpack.i.u.bf16.f32 v3;
	v1 =	vadd.f32 v13, v1  }
0x48: {  	v2 =	vadd.f32 v3, v2;
	v3 =	vunpack.i.l.bf16.f32 v10  }
0x49: {  	v4 =	vunpack.i.u.bf16.f32 v10;
	v1 =	vadd.f32 v3, v1;
	v3 =	vld [tilespmem:s13+$0x9D0]  }
0x4a: {  	v15 =	vunpack.i.l.bf16.f32 v12;
	v2 =	vadd.f32 v4, v2  }
0x4b: {  	v16 =	vld [tilespmem:s13+$0x9F0];
	v5 =	vunpack.i.u.bf16.f32 v12;
	v1 =	vadd.f32 v15, v1  }
0x4c: {  	v17 =	vunpack.i.l.bf16.f32 v14;
	v2 =	vadd.f32 v5, v2  }
0x4d: {  	v18 =	vld [tilespmem:s13+$0xA10];
	v6 =	vunpack.i.u.bf16.f32 v14;
	v1 =	vadd.f32 v17, v1  }
0x4e: {  	v2 =	vadd.f32 v6, v2;
	v19 =	vunpack.i.l.bf16.f32 v3  }
0x4f: {  	v20 =	vld [tilespmem:s13+$0xA30];
	v3 =	vunpack.i.u.bf16.f32 v3;
	v1 =	vadd.f32 v19, v1  }
0x50: {  	v2 =	vadd.f32 v3, v2;
	v3 =	vunpack.i.l.bf16.f32 v16  }
0x51: {  	v4 =	vunpack.i.u.bf16.f32 v16;
	v1 =	vadd.f32 v3, v1  }
0x52: {  	v21 =	vor.u32 s1, v0;
	s17 =	sor.u32 $0x1, s1;
	v2 =	vadd.f32 v4, v2;
	v3 =	vunpack.i.l.bf16.f32 v18  }
0x53: {  	v5 =	vunpack.i.u.bf16.f32 v18;
	v1 =	vadd.f32 v3, v1;
	v3 =	vor.u32 s17, v0  }
0x54: {  	v22 =	vunpack.i.l.bf16.f32 v20;
	v2 =	vadd.f32 v5, v2  }
0x55: {  	v6 =	vunpack.i.u.bf16.f32 v20;
	v1 =	vadd.f32 v22, v1  }
0x56: {  	v2 =	vadd.f32 v6, v2  }
0x57: {  	[tilespmem:v21+s21+$0x0] =	vst.idx.msk $0xffff, v1  }
0x58: {  	[tilespmem:v3+s21+$0x0] =	vst.idx.msk $0xffff, v2  }
0x59: {  	v1 =	vld [tilespmem:s1+$0x101F0]  }
0x5a: {  	v2 =	vld [tilespmem:s13+$0x7E0]  }
0x5b: {  	v3 =	vld [tilespmem:s1+$0x10200]  }
0x5c: {  	v4 =	vld [tilespmem:s13+$0x800];
	_ =	sdelay $0x1  }
0x5d: {  	v23 =	vld [tilespmem:s13+$0x820]  }
0x5e: {  	v24 =	vunpack.i.l.bf16.f32 v2  }
0x5f: {  	v25 =	vld [tilespmem:s13+$0x840];
	v2 =	vunpack.i.u.bf16.f32 v2;
	v1 =	vadd.f32 v24, v1  }
0x60: {  	v2 =	vadd.f32 v2, v3;
	v3 =	vunpack.i.l.bf16.f32 v4  }
0x61: {  	v4 =	vunpack.i.u.bf16.f32 v4;
	v1 =	vadd.f32 v3, v1;
	v3 =	vld [tilespmem:s13+$0x860]  }
0x62: {  	v26 =	vunpack.i.l.bf16.f32 v23;
	v2 =	vadd.f32 v4, v2  }
0x63: {  	v27 =	vld [tilespmem:s13+$0x880];
	v5 =	vunpack.i.u.bf16.f32 v23;
	v1 =	vadd.f32 v26, v1  }
0x64: {  	v28 =	vunpack.i.l.bf16.f32 v25;
	v2 =	vadd.f32 v5, v2  }
0x65: {  	v29 =	vld [tilespmem:s13+$0x8A0];
	v6 =	vunpack.i.u.bf16.f32 v25;
	v1 =	vadd.f32 v28, v1  }
0x66: {  	v2 =	vadd.f32 v6, v2;
	v30 =	vunpack.i.l.bf16.f32 v3  }
0x67: {  	v31 =	vld [tilespmem:s13+$0x8C0];
	v3 =	vunpack.i.u.bf16.f32 v3;
	v1 =	vadd.f32 v30, v1  }
0x68: {  	v2 =	vadd.f32 v3, v2;
	v3 =	vunpack.i.l.bf16.f32 v27  }
0x69: {  	v4 =	vunpack.i.u.bf16.f32 v27;
	v1 =	vadd.f32 v3, v1;
	v3 =	vld [tilespmem:s13+$0x8E0]  }
0x6a: {  	v32 =	vunpack.i.l.bf16.f32 v29;
	v2 =	vadd.f32 v4, v2  }
0x6b: {  	v33 =	vld [tilespmem:s13+$0x900];
	v5 =	vunpack.i.u.bf16.f32 v29;
	v1 =	vadd.f32 v32, v1  }
0x6c: {  	v34 =	vunpack.i.l.bf16.f32 v31;
	v2 =	vadd.f32 v5, v2  }
0x6d: {  	v35 =	vld [tilespmem:s13+$0x920];
	v6 =	vunpack.i.u.bf16.f32 v31;
	v1 =	vadd.f32 v34, v1  }
0x6e: {  	v2 =	vadd.f32 v6, v2;
	v36 =	vunpack.i.l.bf16.f32 v3  }
0x6f: {  	v37 =	vld [tilespmem:s13+$0x940];
	v3 =	vunpack.i.u.bf16.f32 v3;
	v1 =	vadd.f32 v36, v1  }
0x70: {  	v2 =	vadd.f32 v3, v2;
	v3 =	vunpack.i.l.bf16.f32 v33  }
0x71: {  	v4 =	vunpack.i.u.bf16.f32 v33;
	v1 =	vadd.f32 v3, v1;
	v3 =	vld [tilespmem:s13+$0x960]  }
0x72: {  	v38 =	vunpack.i.l.bf16.f32 v35;
	v2 =	vadd.f32 v4, v2  }
0x73: {  	v39 =	vld [tilespmem:s13+$0x980];
	v5 =	vunpack.i.u.bf16.f32 v35;
	v1 =	vadd.f32 v38, v1  }
0x74: {  	v40 =	vunpack.i.l.bf16.f32 v37;
	v2 =	vadd.f32 v5, v2  }
0x75: {  	v41 =	vld [tilespmem:s13+$0x9A0];
	v6 =	vunpack.i.u.bf16.f32 v37;
	v1 =	vadd.f32 v40, v1  }
0x76: {  	v2 =	vadd.f32 v6, v2;
	v42 =	vunpack.i.l.bf16.f32 v3  }
0x77: {  	v43 =	vld [tilespmem:s13+$0x9C0];
	v3 =	vunpack.i.u.bf16.f32 v3;
	v1 =	vadd.f32 v42, v1  }
0x78: {  	v2 =	vadd.f32 v3, v2;
	v3 =	vunpack.i.l.bf16.f32 v39  }
0x79: {  	v4 =	vunpack.i.u.bf16.f32 v39;
	v1 =	vadd.f32 v3, v1;
	v3 =	vld [tilespmem:s13+$0x9E0]  }
0x7a: {  	v44 =	vunpack.i.l.bf16.f32 v41;
	v2 =	vadd.f32 v4, v2  }
0x7b: {  	v45 =	vld [tilespmem:s13+$0xA00];
	v5 =	vunpack.i.u.bf16.f32 v41;
	v1 =	vadd.f32 v44, v1  }
0x7c: {  	v46 =	vunpack.i.l.bf16.f32 v43;
	v2 =	vadd.f32 v5, v2  }
0x7d: {  	v47 =	vld [tilespmem:s13+$0xA20];
	v6 =	vunpack.i.u.bf16.f32 v43;
	v1 =	vadd.f32 v46, v1  }
0x7e: {  	v2 =	vadd.f32 v6, v2;
	v48 =	vunpack.i.l.bf16.f32 v3  }
0x7f: {  	v49 =	vld [tilespmem:s13+$0xA40];
	v3 =	vunpack.i.u.bf16.f32 v3;
	v1 =	vadd.f32 v48, v1  }
0x80: {  	v2 =	vadd.f32 v3, v2;
	v3 =	vunpack.i.l.bf16.f32 v45  }
0x81: {  	s7 =	sor.u32 $0x20, s1;
	v4 =	vunpack.i.u.bf16.f32 v45;
	v1 =	vadd.f32 v3, v1  }
0x82: {  	v50 =	vor.u32 s7, v0;
	s1 =	sor.u32 $0x21, s1;
	v2 =	vadd.f32 v4, v2;
	v3 =	vunpack.i.l.bf16.f32 v47  }
0x83: {  	v5 =	vunpack.i.u.bf16.f32 v47;
	v1 =	vadd.f32 v3, v1;
	v3 =	vor.u32 s1, v0  }
0x84: {  	v51 =	vunpack.i.l.bf16.f32 v49;
	v2 =	vadd.f32 v5, v2;
	s1 =	smul.u32 $0x5, s31  }
0x85: {  	v6 =	vunpack.i.u.bf16.f32 v49;
	v1 =	vadd.f32 v51, v1  }
0x86: {  	v2 =	vadd.f32 v6, v2;
	s17 =	sadd.s32 $0x1, s1  }
0x87: {  	s7 =	smul.u32 $0xA00, s17;
	[tilespmem:v50+s21+$0x0] =	vst.idx.msk $0xffff, v1  }
0x88: {  	s13 =	sshll.u32 s17, $0x6;
	[tilespmem:v3+s21+$0x0] =	vst.idx.msk $0xffff, v2  }
0x89: {  	s17 =	sshra.s32 s7, $0x2;
	v1 =	vld [tilespmem:s13+$0x101D0]  }
0x8a: {  	v2 =	vld [tilespmem:s17+$0x7D0]  }
0x8b: {  	v3 =	vld [tilespmem:s13+$0x101E0]  }
0x8c: {  	v4 =	vld [tilespmem:s17+$0x7F0];
	_ =	sdelay $0x1  }
0x8d: {  	v52 =	vld [tilespmem:s17+$0x810]  }
0x8e: {  	v53 =	vunpack.i.l.bf16.f32 v2  }
0x8f: {  	v54 =	vld [tilespmem:s17+$0x830];
	v2 =	vunpack.i.u.bf16.f32 v2;
	v1 =	vadd.f32 v53, v1  }
0x90: {  	v2 =	vadd.f32 v2, v3;
	v3 =	vunpack.i.l.bf16.f32 v4  }
0x91: {  	v4 =	vunpack.i.u.bf16.f32 v4;
	v1 =	vadd.f32 v3, v1;
	v3 =	vld [tilespmem:s17+$0x850]  }
0x92: {  	v55 =	vunpack.i.l.bf16.f32 v52;
	v2 =	vadd.f32 v4, v2  }
0x93: {  	v56 =	vld [tilespmem:s17+$0x870];
	v5 =	vunpack.i.u.bf16.f32 v52;
	v1 =	vadd.f32 v55, v1  }
0x94: {  	v57 =	vunpack.i.l.bf16.f32 v54;
	v2 =	vadd.f32 v5, v2  }
0x95: {  	v58 =	vld [tilespmem:s17+$0x890];
	v6 =	vunpack.i.u.bf16.f32 v54;
	v1 =	vadd.f32 v57, v1  }
0x96: {  	v2 =	vadd.f32 v6, v2;
	v59 =	vunpack.i.l.bf16.f32 v3  }
0x97: {  	v60 =	vld [tilespmem:s17+$0x8B0];
	v3 =	vunpack.i.u.bf16.f32 v3;
	v1 =	vadd.f32 v59, v1  }
0x98: {  	v2 =	vadd.f32 v3, v2;
	v3 =	vunpack.i.l.bf16.f32 v56  }
0x99: {  	v4 =	vunpack.i.u.bf16.f32 v56;
	v1 =	vadd.f32 v3, v1;
	v3 =	vld [tilespmem:s17+$0x8D0]  }
0x9a: {  	v61 =	vunpack.i.l.bf16.f32 v58;
	v2 =	vadd.f32 v4, v2  }
0x9b: {  	v62 =	vld [tilespmem:s17+$0x8F0];
	v5 =	vunpack.i.u.bf16.f32 v58;
	v1 =	vadd.f32 v61, v1  }
0x9c: {  	v63 =	vunpack.i.l.bf16.f32 v60;
	v2 =	vadd.f32 v5, v2  }
0x9d: {  	v9 =	vld [tilespmem:s17+$0x910];
	v6 =	vunpack.i.u.bf16.f32 v60;
	v1 =	vadd.f32 v63, v1  }
0x9e: {  	v2 =	vadd.f32 v6, v2;
	v10 =	vunpack.i.l.bf16.f32 v3  }
0x9f: {  	v11 =	vld [tilespmem:s17+$0x930];
	v3 =	vunpack.i.u.bf16.f32 v3;
	v1 =	vadd.f32 v10, v1  }
0xa0: {  	v2 =	vadd.f32 v3, v2;
	v3 =	vunpack.i.l.bf16.f32 v62  }
0xa1: {  	v4 =	vunpack.i.u.bf16.f32 v62;
	v1 =	vadd.f32 v3, v1;
	v3 =	vld [tilespmem:s17+$0x950]  }
0xa2: {  	v12 =	vunpack.i.l.bf16.f32 v9;
	v2 =	vadd.f32 v4, v2  }
0xa3: {  	v13 =	vld [tilespmem:s17+$0x970];
	v5 =	vunpack.i.u.bf16.f32 v9;
	v1 =	vadd.f32 v12, v1  }
0xa4: {  	v14 =	vunpack.i.l.bf16.f32 v11;
	v2 =	vadd.f32 v5, v2  }
0xa5: {  	v15 =	vld [tilespmem:s17+$0x990];
	v6 =	vunpack.i.u.bf16.f32 v11;
	v1 =	vadd.f32 v14, v1  }
0xa6: {  	v2 =	vadd.f32 v6, v2;
	v16 =	vunpack.i.l.bf16.f32 v3  }
0xa7: {  	v17 =	vld [tilespmem:s17+$0x9B0];
	v3 =	vunpack.i.u.bf16.f32 v3;
	v1 =	vadd.f32 v16, v1  }
0xa8: {  	v2 =	vadd.f32 v3, v2;
	v3 =	vunpack.i.l.bf16.f32 v13  }
0xa9: {  	v4 =	vunpack.i.u.bf16.f32 v13;
	v1 =	vadd.f32 v3, v1;
	v3 =	vld [tilespmem:s17+$0x9D0]  }
0xaa: {  	v18 =	vunpack.i.l.bf16.f32 v15;
	v2 =	vadd.f32 v4, v2  }
0xab: {  	v19 =	vld [tilespmem:s17+$0x9F0];
	v5 =	vunpack.i.u.bf16.f32 v15;
	v1 =	vadd.f32 v18, v1  }
0xac: {  	v20 =	vunpack.i.l.bf16.f32 v17;
	v2 =	vadd.f32 v5, v2  }
0xad: {  	v21 =	vld [tilespmem:s17+$0xA10];
	v6 =	vunpack.i.u.bf16.f32 v17;
	v1 =	vadd.f32 v20, v1  }
0xae: {  	v2 =	vadd.f32 v6, v2;
	v22 =	vunpack.i.l.bf16.f32 v3  }
0xaf: {  	v23 =	vld [tilespmem:s17+$0xA30];
	v3 =	vunpack.i.u.bf16.f32 v3;
	v1 =	vadd.f32 v22, v1  }
0xb0: {  	v2 =	vadd.f32 v3, v2;
	v3 =	vunpack.i.l.bf16.f32 v19  }
0xb1: {  	v4 =	vunpack.i.u.bf16.f32 v19;
	v1 =	vadd.f32 v3, v1  }
0xb2: {  	v24 =	vor.u32 s13, v0;
	s7 =	sor.u32 $0x1, s13;
	v2 =	vadd.f32 v4, v2;
	v3 =	vunpack.i.l.bf16.f32 v21  }
0xb3: {  	v5 =	vunpack.i.u.bf16.f32 v21;
	v1 =	vadd.f32 v3, v1;
	v3 =	vor.u32 s7, v0  }
0xb4: {  	v25 =	vunpack.i.l.bf16.f32 v23;
	v2 =	vadd.f32 v5, v2  }
0xb5: {  	v6 =	vunpack.i.u.bf16.f32 v23;
	v1 =	vadd.f32 v25, v1  }
0xb6: {  	v2 =	vadd.f32 v6, v2  }
0xb7: {  	[tilespmem:v24+s21+$0x0] =	vst.idx.msk $0xffff, v1  }
0xb8: {  	[tilespmem:v3+s21+$0x0] =	vst.idx.msk $0xffff, v2  }
0xb9: {  	v1 =	vld [tilespmem:s13+$0x101F0]  }
0xba: {  	v2 =	vld [tilespmem:s17+$0x7E0]  }
0xbb: {  	v3 =	vld [tilespmem:s13+$0x10200]  }
0xbc: {  	v4 =	vld [tilespmem:s17+$0x800];
	_ =	sdelay $0x1  }
0xbd: {  	v26 =	vld [tilespmem:s17+$0x820]  }
0xbe: {  	v27 =	vunpack.i.l.bf16.f32 v2  }
0xbf: {  	v28 =	vld [tilespmem:s17+$0x840];
	v2 =	vunpack.i.u.bf16.f32 v2;
	v1 =	vadd.f32 v27, v1  }
0xc0: {  	v2 =	vadd.f32 v2, v3;
	v3 =	vunpack.i.l.bf16.f32 v4  }
0xc1: {  	v4 =	vunpack.i.u.bf16.f32 v4;
	v1 =	vadd.f32 v3, v1;
	v3 =	vld [tilespmem:s17+$0x860]  }
0xc2: {  	v29 =	vunpack.i.l.bf16.f32 v26;
	v2 =	vadd.f32 v4, v2  }
0xc3: {  	v30 =	vld [tilespmem:s17+$0x880];
	v5 =	vunpack.i.u.bf16.f32 v26;
	v1 =	vadd.f32 v29, v1  }
0xc4: {  	v31 =	vunpack.i.l.bf16.f32 v28;
	v2 =	vadd.f32 v5, v2  }
0xc5: {  	v32 =	vld [tilespmem:s17+$0x8A0];
	v6 =	vunpack.i.u.bf16.f32 v28;
	v1 =	vadd.f32 v31, v1  }
0xc6: {  	v2 =	vadd.f32 v6, v2;
	v33 =	vunpack.i.l.bf16.f32 v3  }
0xc7: {  	v34 =	vld [tilespmem:s17+$0x8C0];
	v3 =	vunpack.i.u.bf16.f32 v3;
	v1 =	vadd.f32 v33, v1  }
0xc8: {  	v2 =	vadd.f32 v3, v2;
	v3 =	vunpack.i.l.bf16.f32 v30  }
0xc9: {  	v4 =	vunpack.i.u.bf16.f32 v30;
	v1 =	vadd.f32 v3, v1;
	v3 =	vld [tilespmem:s17+$0x8E0]  }
0xca: {  	v35 =	vunpack.i.l.bf16.f32 v32;
	v2 =	vadd.f32 v4, v2  }
0xcb: {  	v36 =	vld [tilespmem:s17+$0x900];
	v5 =	vunpack.i.u.bf16.f32 v32;
	v1 =	vadd.f32 v35, v1  }
0xcc: {  	v37 =	vunpack.i.l.bf16.f32 v34;
	v2 =	vadd.f32 v5, v2  }
0xcd: {  	v38 =	vld [tilespmem:s17+$0x920];
	v6 =	vunpack.i.u.bf16.f32 v34;
	v1 =	vadd.f32 v37, v1  }
0xce: {  	v2 =	vadd.f32 v6, v2;
	v39 =	vunpack.i.l.bf16.f32 v3  }
0xcf: {  	v40 =	vld [tilespmem:s17+$0x940];
	v3 =	vunpack.i.u.bf16.f32 v3;
	v1 =	vadd.f32 v39, v1  }
0xd0: {  	v2 =	vadd.f32 v3, v2;
	v3 =	vunpack.i.l.bf16.f32 v36  }
0xd1: {  	v4 =	vunpack.i.u.bf16.f32 v36;
	v1 =	vadd.f32 v3, v1;
	v3 =	vld [tilespmem:s17+$0x960]  }
0xd2: {  	v41 =	vunpack.i.l.bf16.f32 v38;
	v2 =	vadd.f32 v4, v2  }
0xd3: {  	v42 =	vld [tilespmem:s17+$0x980];
	v5 =	vunpack.i.u.bf16.f32 v38;
	v1 =	vadd.f32 v41, v1  }
0xd4: {  	v43 =	vunpack.i.l.bf16.f32 v40;
	v2 =	vadd.f32 v5, v2  }
0xd5: {  	v44 =	vld [tilespmem:s17+$0x9A0];
	v6 =	vunpack.i.u.bf16.f32 v40;
	v1 =	vadd.f32 v43, v1  }
0xd6: {  	v2 =	vadd.f32 v6, v2;
	v45 =	vunpack.i.l.bf16.f32 v3  }
0xd7: {  	v46 =	vld [tilespmem:s17+$0x9C0];
	v3 =	vunpack.i.u.bf16.f32 v3;
	v1 =	vadd.f32 v45, v1  }
0xd8: {  	v2 =	vadd.f32 v3, v2;
	v3 =	vunpack.i.l.bf16.f32 v42  }
0xd9: {  	v4 =	vunpack.i.u.bf16.f32 v42;
	v1 =	vadd.f32 v3, v1;
	v3 =	vld [tilespmem:s17+$0x9E0]  }
0xda: {  	v47 =	vunpack.i.l.bf16.f32 v44;
	v2 =	vadd.f32 v4, v2  }
0xdb: {  	v48 =	vld [tilespmem:s17+$0xA00];
	v5 =	vunpack.i.u.bf16.f32 v44;
	v1 =	vadd.f32 v47, v1  }
0xdc: {  	v49 =	vunpack.i.l.bf16.f32 v46;
	v2 =	vadd.f32 v5, v2  }
0xdd: {  	v50 =	vld [tilespmem:s17+$0xA20];
	v6 =	vunpack.i.u.bf16.f32 v46;
	v1 =	vadd.f32 v49, v1  }
0xde: {  	v2 =	vadd.f32 v6, v2;
	v51 =	vunpack.i.l.bf16.f32 v3  }
0xdf: {  	v52 =	vld [tilespmem:s17+$0xA40];
	v3 =	vunpack.i.u.bf16.f32 v3;
	v1 =	vadd.f32 v51, v1  }
0xe0: {  	v2 =	vadd.f32 v3, v2;
	v3 =	vunpack.i.l.bf16.f32 v48  }
0xe1: {  	s17 =	sor.u32 $0x20, s13;
	v4 =	vunpack.i.u.bf16.f32 v48;
	v1 =	vadd.f32 v3, v1  }
0xe2: {  	v53 =	vor.u32 s17, v0;
	s17 =	sor.u32 $0x21, s13;
	v2 =	vadd.f32 v4, v2;
	v3 =	vunpack.i.l.bf16.f32 v50  }
0xe3: {  	v5 =	vunpack.i.u.bf16.f32 v50;
	v1 =	vadd.f32 v3, v1;
	v3 =	vor.u32 s17, v0  }
0xe4: {  	v54 =	vunpack.i.l.bf16.f32 v52;
	v2 =	vadd.f32 v5, v2  }
0xe5: {  	v6 =	vunpack.i.u.bf16.f32 v52;
	v1 =	vadd.f32 v54, v1  }
0xe6: {  	v2 =	vadd.f32 v6, v2  }
0xe7: {  	[tilespmem:v53+s21+$0x0] =	vst.idx.msk $0xffff, v1  }
0xe8: {  	s1 =	sshll.u32 s1, $0x6;
	s13 =	sadd.s32 $0x1400, s0;
	[tilespmem:v3+s21+$0x0] =	vst.idx.msk $0xffff, v2  }
0xe9: {  	s13 =	sshra.s32 s13, $0x2;
	v1 =	vld [tilespmem:s1+$0x10250]  }
0xea: {  	v2 =	vld [tilespmem:s13+$0x7D0]  }
0xeb: {  	v3 =	vld [tilespmem:s1+$0x10260]  }
0xec: {  	v4 =	vld [tilespmem:s13+$0x7F0];
	_ =	sdelay $0x1  }
0xed: {  	v55 =	vld [tilespmem:s13+$0x810]  }
0xee: {  	v56 =	vunpack.i.l.bf16.f32 v2  }
0xef: {  	v57 =	vld [tilespmem:s13+$0x830];
	v2 =	vunpack.i.u.bf16.f32 v2;
	v1 =	vadd.f32 v56, v1  }
0xf0: {  	v2 =	vadd.f32 v2, v3;
	v3 =	vunpack.i.l.bf16.f32 v4  }
0xf1: {  	v4 =	vunpack.i.u.bf16.f32 v4;
	v1 =	vadd.f32 v3, v1;
	v3 =	vld [tilespmem:s13+$0x850]  }
0xf2: {  	v58 =	vunpack.i.l.bf16.f32 v55;
	v2 =	vadd.f32 v4, v2  }
0xf3: {  	v59 =	vld [tilespmem:s13+$0x870];
	v5 =	vunpack.i.u.bf16.f32 v55;
	v1 =	vadd.f32 v58, v1  }
0xf4: {  	v60 =	vunpack.i.l.bf16.f32 v57;
	v2 =	vadd.f32 v5, v2  }
0xf5: {  	v61 =	vld [tilespmem:s13+$0x890];
	v6 =	vunpack.i.u.bf16.f32 v57;
	v1 =	vadd.f32 v60, v1  }
0xf6: {  	v2 =	vadd.f32 v6, v2;
	v62 =	vunpack.i.l.bf16.f32 v3  }
0xf7: {  	v63 =	vld [tilespmem:s13+$0x8B0];
	v3 =	vunpack.i.u.bf16.f32 v3;
	v1 =	vadd.f32 v62, v1  }
0xf8: {  	v2 =	vadd.f32 v3, v2;
	v3 =	vunpack.i.l.bf16.f32 v59  }
0xf9: {  	v4 =	vunpack.i.u.bf16.f32 v59;
	v1 =	vadd.f32 v3, v1;
	v3 =	vld [tilespmem:s13+$0x8D0]  }
0xfa: {  	v9 =	vunpack.i.l.bf16.f32 v61;
	v2 =	vadd.f32 v4, v2  }
0xfb: {  	v10 =	vld [tilespmem:s13+$0x8F0];
	v5 =	vunpack.i.u.bf16.f32 v61;
	v1 =	vadd.f32 v9, v1  }
0xfc: {  	v11 =	vunpack.i.l.bf16.f32 v63;
	v2 =	vadd.f32 v5, v2  }
0xfd: {  	v12 =	vld [tilespmem:s13+$0x910];
	v6 =	vunpack.i.u.bf16.f32 v63;
	v1 =	vadd.f32 v11, v1  }
0xfe: {  	v2 =	vadd.f32 v6, v2;
	v13 =	vunpack.i.l.bf16.f32 v3  }
0xff: {  	v14 =	vld [tilespmem:s13+$0x930];
	v3 =	vunpack.i.u.bf16.f32 v3;
	v1 =	vadd.f32 v13, v1  }
0x100: {  	v2 =	vadd.f32 v3, v2;
	v3 =	vunpack.i.l.bf16.f32 v10  }
0x101: {  	v4 =	vunpack.i.u.bf16.f32 v10;
	v1 =	vadd.f32 v3, v1;
	v3 =	vld [tilespmem:s13+$0x950]  }
0x102: {  	v15 =	vunpack.i.l.bf16.f32 v12;
	v2 =	vadd.f32 v4, v2  }
0x103: {  	v16 =	vld [tilespmem:s13+$0x970];
	v5 =	vunpack.i.u.bf16.f32 v12;
	v1 =	vadd.f32 v15, v1  }
0x104: {  	v17 =	vunpack.i.l.bf16.f32 v14;
	v2 =	vadd.f32 v5, v2  }
0x105: {  	v18 =	vld [tilespmem:s13+$0x990];
	v6 =	vunpack.i.u.bf16.f32 v14;
	v1 =	vadd.f32 v17, v1  }
0x106: {  	v2 =	vadd.f32 v6, v2;
	v19 =	vunpack.i.l.bf16.f32 v3  }
0x107: {  	v20 =	vld [tilespmem:s13+$0x9B0];
	v3 =	vunpack.i.u.bf16.f32 v3;
	v1 =	vadd.f32 v19, v1  }
0x108: {  	v2 =	vadd.f32 v3, v2;
	v3 =	vunpack.i.l.bf16.f32 v16  }
0x109: {  	v4 =	vunpack.i.u.bf16.f32 v16;
	v1 =	vadd.f32 v3, v1;
	v3 =	vld [tilespmem:s13+$0x9D0]  }
0x10a: {  	v21 =	vunpack.i.l.bf16.f32 v18;
	v2 =	vadd.f32 v4, v2  }
0x10b: {  	v22 =	vld [tilespmem:s13+$0x9F0];
	v5 =	vunpack.i.u.bf16.f32 v18;
	v1 =	vadd.f32 v21, v1  }
0x10c: {  	v23 =	vunpack.i.l.bf16.f32 v20;
	v2 =	vadd.f32 v5, v2  }
0x10d: {  	v24 =	vld [tilespmem:s13+$0xA10];
	v6 =	vunpack.i.u.bf16.f32 v20;
	v1 =	vadd.f32 v23, v1  }
0x10e: {  	v2 =	vadd.f32 v6, v2;
	v25 =	vunpack.i.l.bf16.f32 v3  }
0x10f: {  	v26 =	vld [tilespmem:s13+$0xA30];
	v3 =	vunpack.i.u.bf16.f32 v3;
	v1 =	vadd.f32 v25, v1  }
0x110: {  	v2 =	vadd.f32 v3, v2;
	v3 =	vunpack.i.l.bf16.f32 v22  }
0x111: {  	s17 =	sadd.s32 $0x80, s1;
	v4 =	vunpack.i.u.bf16.f32 v22;
	v1 =	vadd.f32 v3, v1  }
0x112: {  	v27 =	vor.u32 s17, v0;
	s17 =	sadd.s32 $0x81, s1;
	v2 =	vadd.f32 v4, v2;
	v3 =	vunpack.i.l.bf16.f32 v24  }
0x113: {  	v5 =	vunpack.i.u.bf16.f32 v24;
	v1 =	vadd.f32 v3, v1;
	v3 =	vor.u32 s17, v0  }
0x114: {  	v28 =	vunpack.i.l.bf16.f32 v26;
	v2 =	vadd.f32 v5, v2  }
0x115: {  	v6 =	vunpack.i.u.bf16.f32 v26;
	v1 =	vadd.f32 v28, v1  }
0x116: {  	v2 =	vadd.f32 v6, v2  }
0x117: {  	[tilespmem:v27+s21+$0x0] =	vst.idx.msk $0xffff, v1  }
0x118: {  	[tilespmem:v3+s21+$0x0] =	vst.idx.msk $0xffff, v2  }
0x119: {  	v1 =	vld [tilespmem:s1+$0x10270]  }
0x11a: {  	v2 =	vld [tilespmem:s13+$0x7E0]  }
0x11b: {  	v3 =	vld [tilespmem:s1+$0x10280]  }
0x11c: {  	v4 =	vld [tilespmem:s13+$0x800];
	_ =	sdelay $0x1  }
0x11d: {  	v29 =	vld [tilespmem:s13+$0x820]  }
0x11e: {  	v30 =	vunpack.i.l.bf16.f32 v2  }
0x11f: {  	v31 =	vld [tilespmem:s13+$0x840];
	v2 =	vunpack.i.u.bf16.f32 v2;
	v1 =	vadd.f32 v30, v1  }
0x120: {  	v2 =	vadd.f32 v2, v3;
	v3 =	vunpack.i.l.bf16.f32 v4  }
0x121: {  	v4 =	vunpack.i.u.bf16.f32 v4;
	v1 =	vadd.f32 v3, v1;
	v3 =	vld [tilespmem:s13+$0x860]  }
0x122: {  	v32 =	vunpack.i.l.bf16.f32 v29;
	v2 =	vadd.f32 v4, v2  }
0x123: {  	v33 =	vld [tilespmem:s13+$0x880];
	v5 =	vunpack.i.u.bf16.f32 v29;
	v1 =	vadd.f32 v32, v1  }
0x124: {  	v34 =	vunpack.i.l.bf16.f32 v31;
	v2 =	vadd.f32 v5, v2  }
0x125: {  	v35 =	vld [tilespmem:s13+$0x8A0];
	v6 =	vunpack.i.u.bf16.f32 v31;
	v1 =	vadd.f32 v34, v1  }
0x126: {  	v2 =	vadd.f32 v6, v2;
	v36 =	vunpack.i.l.bf16.f32 v3  }
0x127: {  	v37 =	vld [tilespmem:s13+$0x8C0];
	v3 =	vunpack.i.u.bf16.f32 v3;
	v1 =	vadd.f32 v36, v1  }
0x128: {  	v2 =	vadd.f32 v3, v2;
	v3 =	vunpack.i.l.bf16.f32 v33  }
0x129: {  	v4 =	vunpack.i.u.bf16.f32 v33;
	v1 =	vadd.f32 v3, v1;
	v3 =	vld [tilespmem:s13+$0x8E0]  }
0x12a: {  	v38 =	vunpack.i.l.bf16.f32 v35;
	v2 =	vadd.f32 v4, v2  }
0x12b: {  	v39 =	vld [tilespmem:s13+$0x900];
	v5 =	vunpack.i.u.bf16.f32 v35;
	v1 =	vadd.f32 v38, v1  }
0x12c: {  	v40 =	vunpack.i.l.bf16.f32 v37;
	v2 =	vadd.f32 v5, v2  }
0x12d: {  	v41 =	vld [tilespmem:s13+$0x920];
	v6 =	vunpack.i.u.bf16.f32 v37;
	v1 =	vadd.f32 v40, v1  }
0x12e: {  	v2 =	vadd.f32 v6, v2;
	v42 =	vunpack.i.l.bf16.f32 v3  }
0x12f: {  	v43 =	vld [tilespmem:s13+$0x940];
	v3 =	vunpack.i.u.bf16.f32 v3;
	v1 =	vadd.f32 v42, v1  }
0x130: {  	v2 =	vadd.f32 v3, v2;
	v3 =	vunpack.i.l.bf16.f32 v39  }
0x131: {  	v4 =	vunpack.i.u.bf16.f32 v39;
	v1 =	vadd.f32 v3, v1;
	v3 =	vld [tilespmem:s13+$0x960]  }
0x132: {  	v44 =	vunpack.i.l.bf16.f32 v41;
	v2 =	vadd.f32 v4, v2  }
0x133: {  	v45 =	vld [tilespmem:s13+$0x980];
	v5 =	vunpack.i.u.bf16.f32 v41;
	v1 =	vadd.f32 v44, v1  }
0x134: {  	v46 =	vunpack.i.l.bf16.f32 v43;
	v2 =	vadd.f32 v5, v2  }
0x135: {  	v47 =	vld [tilespmem:s13+$0x9A0];
	v6 =	vunpack.i.u.bf16.f32 v43;
	v1 =	vadd.f32 v46, v1  }
0x136: {  	v2 =	vadd.f32 v6, v2;
	v48 =	vunpack.i.l.bf16.f32 v3  }
0x137: {  	v49 =	vld [tilespmem:s13+$0x9C0];
	v3 =	vunpack.i.u.bf16.f32 v3;
	v1 =	vadd.f32 v48, v1  }
0x138: {  	v2 =	vadd.f32 v3, v2;
	v3 =	vunpack.i.l.bf16.f32 v45  }
0x139: {  	v4 =	vunpack.i.u.bf16.f32 v45;
	v1 =	vadd.f32 v3, v1;
	v3 =	vld [tilespmem:s13+$0x9E0]  }
0x13a: {  	v50 =	vunpack.i.l.bf16.f32 v47;
	v2 =	vadd.f32 v4, v2  }
0x13b: {  	v51 =	vld [tilespmem:s13+$0xA00];
	v5 =	vunpack.i.u.bf16.f32 v47;
	v1 =	vadd.f32 v50, v1  }
0x13c: {  	v52 =	vunpack.i.l.bf16.f32 v49;
	v2 =	vadd.f32 v5, v2  }
0x13d: {  	v53 =	vld [tilespmem:s13+$0xA20];
	v6 =	vunpack.i.u.bf16.f32 v49;
	v1 =	vadd.f32 v52, v1  }
0x13e: {  	v2 =	vadd.f32 v6, v2;
	v54 =	vunpack.i.l.bf16.f32 v3  }
0x13f: {  	v55 =	vld [tilespmem:s13+$0xA40];
	v3 =	vunpack.i.u.bf16.f32 v3;
	v1 =	vadd.f32 v54, v1  }
0x140: {  	v2 =	vadd.f32 v3, v2;
	v3 =	vunpack.i.l.bf16.f32 v51  }
0x141: {  	s13 =	sadd.s32 $0xA0, s1;
	v4 =	vunpack.i.u.bf16.f32 v51;
	v1 =	vadd.f32 v3, v1  }
0x142: {  	s17 =	sadd.s32 $0xA1, s1;
	v56 =	vor.u32 s13, v0;
	v2 =	vadd.f32 v4, v2;
	v3 =	vunpack.i.l.bf16.f32 v53  }
0x143: {  	v5 =	vunpack.i.u.bf16.f32 v53;
	v1 =	vadd.f32 v3, v1;
	v3 =	vor.u32 s17, v0  }
0x144: {  	v57 =	vunpack.i.l.bf16.f32 v55;
	v2 =	vadd.f32 v5, v2  }
0x145: {  	v6 =	vunpack.i.u.bf16.f32 v55;
	v1 =	vadd.f32 v57, v1  }
0x146: {  	v2 =	vadd.f32 v6, v2  }
0x147: {  	[tilespmem:v56+s21+$0x0] =	vst.idx.msk $0xffff, v1  }
0x148: {  	s13 =	sadd.s32 $0x1E00, s0;
	[tilespmem:v3+s21+$0x0] =	vst.idx.msk $0xffff, v2  }
0x149: {  	s13 =	sshra.s32 s13, $0x2;
	v1 =	vld [tilespmem:s1+$0x10290]  }
0x14a: {  	v2 =	vld [tilespmem:s13+$0x7D0]  }
0x14b: {  	v3 =	vld [tilespmem:s1+$0x102A0]  }
0x14c: {  	v4 =	vld [tilespmem:s13+$0x7F0];
	_ =	sdelay $0x1  }
0x14d: {  	v58 =	vld [tilespmem:s13+$0x810]  }
0x14e: {  	v59 =	vunpack.i.l.bf16.f32 v2  }
0x14f: {  	v60 =	vld [tilespmem:s13+$0x830];
	v2 =	vunpack.i.u.bf16.f32 v2;
	v1 =	vadd.f32 v59, v1  }
0x150: {  	v2 =	vadd.f32 v2, v3;
	v3 =	vunpack.i.l.bf16.f32 v4  }
0x151: {  	v4 =	vunpack.i.u.bf16.f32 v4;
	v1 =	vadd.f32 v3, v1;
	v3 =	vld [tilespmem:s13+$0x850]  }
0x152: {  	v61 =	vunpack.i.l.bf16.f32 v58;
	v2 =	vadd.f32 v4, v2  }
0x153: {  	v62 =	vld [tilespmem:s13+$0x870];
	v5 =	vunpack.i.u.bf16.f32 v58;
	v1 =	vadd.f32 v61, v1  }
0x154: {  	v63 =	vunpack.i.l.bf16.f32 v60;
	v2 =	vadd.f32 v5, v2  }
0x155: {  	v9 =	vld [tilespmem:s13+$0x890];
	v6 =	vunpack.i.u.bf16.f32 v60;
	v1 =	vadd.f32 v63, v1  }
0x156: {  	v2 =	vadd.f32 v6, v2;
	v10 =	vunpack.i.l.bf16.f32 v3  }
0x157: {  	v11 =	vld [tilespmem:s13+$0x8B0];
	v3 =	vunpack.i.u.bf16.f32 v3;
	v1 =	vadd.f32 v10, v1  }
0x158: {  	v2 =	vadd.f32 v3, v2;
	v3 =	vunpack.i.l.bf16.f32 v62  }
0x159: {  	v4 =	vunpack.i.u.bf16.f32 v62;
	v1 =	vadd.f32 v3, v1;
	v3 =	vld [tilespmem:s13+$0x8D0]  }
0x15a: {  	v12 =	vunpack.i.l.bf16.f32 v9;
	v2 =	vadd.f32 v4, v2  }
0x15b: {  	v13 =	vld [tilespmem:s13+$0x8F0];
	v5 =	vunpack.i.u.bf16.f32 v9;
	v1 =	vadd.f32 v12, v1  }
0x15c: {  	v14 =	vunpack.i.l.bf16.f32 v11;
	v2 =	vadd.f32 v5, v2  }
0x15d: {  	v15 =	vld [tilespmem:s13+$0x910];
	v6 =	vunpack.i.u.bf16.f32 v11;
	v1 =	vadd.f32 v14, v1  }
0x15e: {  	v2 =	vadd.f32 v6, v2;
	v16 =	vunpack.i.l.bf16.f32 v3  }
0x15f: {  	v17 =	vld [tilespmem:s13+$0x930];
	v3 =	vunpack.i.u.bf16.f32 v3;
	v1 =	vadd.f32 v16, v1  }
0x160: {  	v2 =	vadd.f32 v3, v2;
	v3 =	vunpack.i.l.bf16.f32 v13  }
0x161: {  	v4 =	vunpack.i.u.bf16.f32 v13;
	v1 =	vadd.f32 v3, v1;
	v3 =	vld [tilespmem:s13+$0x950]  }
0x162: {  	v18 =	vunpack.i.l.bf16.f32 v15;
	v2 =	vadd.f32 v4, v2  }
0x163: {  	v19 =	vld [tilespmem:s13+$0x970];
	v5 =	vunpack.i.u.bf16.f32 v15;
	v1 =	vadd.f32 v18, v1  }
0x164: {  	v20 =	vunpack.i.l.bf16.f32 v17;
	v2 =	vadd.f32 v5, v2  }
0x165: {  	v21 =	vld [tilespmem:s13+$0x990];
	v6 =	vunpack.i.u.bf16.f32 v17;
	v1 =	vadd.f32 v20, v1  }
0x166: {  	v2 =	vadd.f32 v6, v2;
	v22 =	vunpack.i.l.bf16.f32 v3  }
0x167: {  	v23 =	vld [tilespmem:s13+$0x9B0];
	v3 =	vunpack.i.u.bf16.f32 v3;
	v1 =	vadd.f32 v22, v1  }
0x168: {  	v2 =	vadd.f32 v3, v2;
	v3 =	vunpack.i.l.bf16.f32 v19  }
0x169: {  	v4 =	vunpack.i.u.bf16.f32 v19;
	v1 =	vadd.f32 v3, v1;
	v3 =	vld [tilespmem:s13+$0x9D0]  }
0x16a: {  	v24 =	vunpack.i.l.bf16.f32 v21;
	v2 =	vadd.f32 v4, v2  }
0x16b: {  	v25 =	vld [tilespmem:s13+$0x9F0];
	v5 =	vunpack.i.u.bf16.f32 v21;
	v1 =	vadd.f32 v24, v1  }
0x16c: {  	v26 =	vunpack.i.l.bf16.f32 v23;
	v2 =	vadd.f32 v5, v2  }
0x16d: {  	v27 =	vld [tilespmem:s13+$0xA10];
	v6 =	vunpack.i.u.bf16.f32 v23;
	v1 =	vadd.f32 v26, v1  }
0x16e: {  	v2 =	vadd.f32 v6, v2;
	v28 =	vunpack.i.l.bf16.f32 v3  }
0x16f: {  	v29 =	vld [tilespmem:s13+$0xA30];
	v3 =	vunpack.i.u.bf16.f32 v3;
	v1 =	vadd.f32 v28, v1  }
0x170: {  	v2 =	vadd.f32 v3, v2;
	v3 =	vunpack.i.l.bf16.f32 v25  }
0x171: {  	s17 =	sadd.s32 $0xC0, s1;
	v4 =	vunpack.i.u.bf16.f32 v25;
	v1 =	vadd.f32 v3, v1  }
0x172: {  	v30 =	vor.u32 s17, v0;
	s17 =	sadd.s32 $0xC1, s1;
	v2 =	vadd.f32 v4, v2;
	v3 =	vunpack.i.l.bf16.f32 v27  }
0x173: {  	v5 =	vunpack.i.u.bf16.f32 v27;
	v1 =	vadd.f32 v3, v1;
	v3 =	vor.u32 s17, v0  }
0x174: {  	v31 =	vunpack.i.l.bf16.f32 v29;
	v2 =	vadd.f32 v5, v2  }
0x175: {  	v6 =	vunpack.i.u.bf16.f32 v29;
	v1 =	vadd.f32 v31, v1  }
0x176: {  	v2 =	vadd.f32 v6, v2  }
0x177: {  	[tilespmem:v30+s21+$0x0] =	vst.idx.msk $0xffff, v1  }
0x178: {  	[tilespmem:v3+s21+$0x0] =	vst.idx.msk $0xffff, v2  }
0x179: {  	v1 =	vld [tilespmem:s1+$0x102B0]  }
0x17a: {  	v2 =	vld [tilespmem:s13+$0x7E0]  }
0x17b: {  	v3 =	vld [tilespmem:s1+$0x102C0]  }
0x17c: {  	v4 =	vld [tilespmem:s13+$0x800];
	_ =	sdelay $0x1  }
0x17d: {  	v32 =	vld [tilespmem:s13+$0x820]  }
0x17e: {  	v33 =	vunpack.i.l.bf16.f32 v2  }
0x17f: {  	v34 =	vld [tilespmem:s13+$0x840];
	v2 =	vunpack.i.u.bf16.f32 v2;
	v1 =	vadd.f32 v33, v1  }
0x180: {  	v2 =	vadd.f32 v2, v3;
	v3 =	vunpack.i.l.bf16.f32 v4  }
0x181: {  	v4 =	vunpack.i.u.bf16.f32 v4;
	v1 =	vadd.f32 v3, v1;
	v3 =	vld [tilespmem:s13+$0x860]  }
0x182: {  	v35 =	vunpack.i.l.bf16.f32 v32;
	v2 =	vadd.f32 v4, v2  }
0x183: {  	v36 =	vld [tilespmem:s13+$0x880];
	v5 =	vunpack.i.u.bf16.f32 v32;
	v1 =	vadd.f32 v35, v1  }
0x184: {  	v37 =	vunpack.i.l.bf16.f32 v34;
	v2 =	vadd.f32 v5, v2  }
0x185: {  	v38 =	vld [tilespmem:s13+$0x8A0];
	v6 =	vunpack.i.u.bf16.f32 v34;
	v1 =	vadd.f32 v37, v1  }
0x186: {  	v2 =	vadd.f32 v6, v2;
	v39 =	vunpack.i.l.bf16.f32 v3  }
0x187: {  	v40 =	vld [tilespmem:s13+$0x8C0];
	v3 =	vunpack.i.u.bf16.f32 v3;
	v1 =	vadd.f32 v39, v1  }
0x188: {  	v2 =	vadd.f32 v3, v2;
	v3 =	vunpack.i.l.bf16.f32 v36  }
0x189: {  	v4 =	vunpack.i.u.bf16.f32 v36;
	v1 =	vadd.f32 v3, v1;
	v3 =	vld [tilespmem:s13+$0x8E0]  }
0x18a: {  	v41 =	vunpack.i.l.bf16.f32 v38;
	v2 =	vadd.f32 v4, v2  }
0x18b: {  	v42 =	vld [tilespmem:s13+$0x900];
	v5 =	vunpack.i.u.bf16.f32 v38;
	v1 =	vadd.f32 v41, v1  }
0x18c: {  	v43 =	vunpack.i.l.bf16.f32 v40;
	v2 =	vadd.f32 v5, v2  }
0x18d: {  	v44 =	vld [tilespmem:s13+$0x920];
	v6 =	vunpack.i.u.bf16.f32 v40;
	v1 =	vadd.f32 v43, v1  }
0x18e: {  	v2 =	vadd.f32 v6, v2;
	v45 =	vunpack.i.l.bf16.f32 v3  }
0x18f: {  	v46 =	vld [tilespmem:s13+$0x940];
	v3 =	vunpack.i.u.bf16.f32 v3;
	v1 =	vadd.f32 v45, v1  }
0x190: {  	v2 =	vadd.f32 v3, v2;
	v3 =	vunpack.i.l.bf16.f32 v42  }
0x191: {  	v4 =	vunpack.i.u.bf16.f32 v42;
	v1 =	vadd.f32 v3, v1;
	v3 =	vld [tilespmem:s13+$0x960]  }
0x192: {  	v47 =	vunpack.i.l.bf16.f32 v44;
	v2 =	vadd.f32 v4, v2  }
0x193: {  	v48 =	vld [tilespmem:s13+$0x980];
	v5 =	vunpack.i.u.bf16.f32 v44;
	v1 =	vadd.f32 v47, v1  }
0x194: {  	v49 =	vunpack.i.l.bf16.f32 v46;
	v2 =	vadd.f32 v5, v2  }
0x195: {  	v50 =	vld [tilespmem:s13+$0x9A0];
	v6 =	vunpack.i.u.bf16.f32 v46;
	v1 =	vadd.f32 v49, v1  }
0x196: {  	v2 =	vadd.f32 v6, v2;
	v51 =	vunpack.i.l.bf16.f32 v3  }
0x197: {  	v52 =	vld [tilespmem:s13+$0x9C0];
	v3 =	vunpack.i.u.bf16.f32 v3;
	v1 =	vadd.f32 v51, v1  }
0x198: {  	v2 =	vadd.f32 v3, v2;
	v3 =	vunpack.i.l.bf16.f32 v48  }
0x199: {  	v4 =	vunpack.i.u.bf16.f32 v48;
	v1 =	vadd.f32 v3, v1;
	v3 =	vld [tilespmem:s13+$0x9E0]  }
0x19a: {  	v53 =	vunpack.i.l.bf16.f32 v50;
	v2 =	vadd.f32 v4, v2  }
0x19b: {  	v54 =	vld [tilespmem:s13+$0xA00];
	v5 =	vunpack.i.u.bf16.f32 v50;
	v1 =	vadd.f32 v53, v1  }
0x19c: {  	v55 =	vunpack.i.l.bf16.f32 v52;
	v2 =	vadd.f32 v5, v2  }
0x19d: {  	v56 =	vld [tilespmem:s13+$0xA20];
	v6 =	vunpack.i.u.bf16.f32 v52;
	v1 =	vadd.f32 v55, v1  }
0x19e: {  	v2 =	vadd.f32 v6, v2;
	v57 =	vunpack.i.l.bf16.f32 v3  }
0x19f: {  	v58 =	vld [tilespmem:s13+$0xA40];
	v3 =	vunpack.i.u.bf16.f32 v3;
	v1 =	vadd.f32 v57, v1  }
0x1a0: {  	v2 =	vadd.f32 v3, v2;
	v3 =	vunpack.i.l.bf16.f32 v54  }
0x1a1: {  	s13 =	sadd.s32 $0xE0, s1;
	v4 =	vunpack.i.u.bf16.f32 v54;
	v1 =	vadd.f32 v3, v1  }
0x1a2: {  	s17 =	sadd.s32 $0xE1, s1;
	v59 =	vor.u32 s13, v0;
	v2 =	vadd.f32 v4, v2;
	v3 =	vunpack.i.l.bf16.f32 v56  }
0x1a3: {  	v5 =	vunpack.i.u.bf16.f32 v56;
	v1 =	vadd.f32 v3, v1;
	v3 =	vor.u32 s17, v0  }
0x1a4: {  	v60 =	vunpack.i.l.bf16.f32 v58;
	v2 =	vadd.f32 v5, v2  }
0x1a5: {  	v6 =	vunpack.i.u.bf16.f32 v58;
	v1 =	vadd.f32 v60, v1  }
0x1a6: {  	v2 =	vadd.f32 v6, v2  }
0x1a7: {  	[tilespmem:v59+s21+$0x0] =	vst.idx.msk $0xffff, v1  }
0x1a8: {  	s0 =	sadd.s32 $0x2800, s0;
	[tilespmem:v3+s21+$0x0] =	vst.idx.msk $0xffff, v2  }
0x1a9: {  	s0 =	sshra.s32 s0, $0x2;
	v1 =	vld [tilespmem:s1+$0x102D0]  }
0x1aa: {  	v2 =	vld [tilespmem:s0+$0x7D0]  }
0x1ab: {  	v3 =	vld [tilespmem:s1+$0x102E0]  }
0x1ac: {  	v4 =	vld [tilespmem:s0+$0x7F0];
	_ =	sdelay $0x1  }
0x1ad: {  	v61 =	vld [tilespmem:s0+$0x810]  }
0x1ae: {  	v62 =	vunpack.i.l.bf16.f32 v2  }
0x1af: {  	v63 =	vld [tilespmem:s0+$0x830];
	v2 =	vunpack.i.u.bf16.f32 v2;
	v1 =	vadd.f32 v62, v1  }
0x1b0: {  	v2 =	vadd.f32 v2, v3;
	v3 =	vunpack.i.l.bf16.f32 v4  }
0x1b1: {  	v4 =	vunpack.i.u.bf16.f32 v4;
	v1 =	vadd.f32 v3, v1;
	v3 =	vld [tilespmem:s0+$0x850]  }
0x1b2: {  	v8 =	vunpack.i.l.bf16.f32 v61;
	v2 =	vadd.f32 v4, v2  }
0x1b3: {  	v9 =	vld [tilespmem:s0+$0x870];
	v5 =	vunpack.i.u.bf16.f32 v61;
	v1 =	vadd.f32 v8, v1  }
0x1b4: {  	v10 =	vunpack.i.l.bf16.f32 v63;
	v2 =	vadd.f32 v5, v2  }
0x1b5: {  	v11 =	vld [tilespmem:s0+$0x890];
	v6 =	vunpack.i.u.bf16.f32 v63;
	v1 =	vadd.f32 v10, v1  }
0x1b6: {  	v2 =	vadd.f32 v6, v2;
	v12 =	vunpack.i.l.bf16.f32 v3  }
0x1b7: {  	v13 =	vld [tilespmem:s0+$0x8B0];
	v3 =	vunpack.i.u.bf16.f32 v3;
	v1 =	vadd.f32 v12, v1  }
0x1b8: {  	v2 =	vadd.f32 v3, v2;
	v3 =	vunpack.i.l.bf16.f32 v9  }
0x1b9: {  	v4 =	vunpack.i.u.bf16.f32 v9;
	v1 =	vadd.f32 v3, v1;
	v3 =	vld [tilespmem:s0+$0x8D0]  }
0x1ba: {  	v14 =	vunpack.i.l.bf16.f32 v11;
	v2 =	vadd.f32 v4, v2  }
0x1bb: {  	v15 =	vld [tilespmem:s0+$0x8F0];
	v5 =	vunpack.i.u.bf16.f32 v11;
	v1 =	vadd.f32 v14, v1  }
0x1bc: {  	v16 =	vunpack.i.l.bf16.f32 v13;
	v2 =	vadd.f32 v5, v2  }
0x1bd: {  	v17 =	vld [tilespmem:s0+$0x910];
	v6 =	vunpack.i.u.bf16.f32 v13;
	v1 =	vadd.f32 v16, v1  }
0x1be: {  	v2 =	vadd.f32 v6, v2;
	v18 =	vunpack.i.l.bf16.f32 v3  }
0x1bf: {  	v19 =	vld [tilespmem:s0+$0x930];
	v3 =	vunpack.i.u.bf16.f32 v3;
	v1 =	vadd.f32 v18, v1  }
0x1c0: {  	v2 =	vadd.f32 v3, v2;
	v3 =	vunpack.i.l.bf16.f32 v15  }
0x1c1: {  	v4 =	vunpack.i.u.bf16.f32 v15;
	v1 =	vadd.f32 v3, v1;
	v3 =	vld [tilespmem:s0+$0x950]  }
0x1c2: {  	v20 =	vunpack.i.l.bf16.f32 v17;
	v2 =	vadd.f32 v4, v2  }
0x1c3: {  	v21 =	vld [tilespmem:s0+$0x970];
	v5 =	vunpack.i.u.bf16.f32 v17;
	v1 =	vadd.f32 v20, v1  }
0x1c4: {  	v22 =	vunpack.i.l.bf16.f32 v19;
	v2 =	vadd.f32 v5, v2  }
0x1c5: {  	v23 =	vld [tilespmem:s0+$0x990];
	v6 =	vunpack.i.u.bf16.f32 v19;
	v1 =	vadd.f32 v22, v1  }
0x1c6: {  	v2 =	vadd.f32 v6, v2;
	v24 =	vunpack.i.l.bf16.f32 v3  }
0x1c7: {  	v25 =	vld [tilespmem:s0+$0x9B0];
	v3 =	vunpack.i.u.bf16.f32 v3;
	v1 =	vadd.f32 v24, v1  }
0x1c8: {  	v2 =	vadd.f32 v3, v2;
	v3 =	vunpack.i.l.bf16.f32 v21  }
0x1c9: {  	v4 =	vunpack.i.u.bf16.f32 v21;
	v1 =	vadd.f32 v3, v1;
	v3 =	vld [tilespmem:s0+$0x9D0]  }
0x1ca: {  	v26 =	vunpack.i.l.bf16.f32 v23;
	v2 =	vadd.f32 v4, v2  }
0x1cb: {  	v27 =	vld [tilespmem:s0+$0x9F0];
	v5 =	vunpack.i.u.bf16.f32 v23;
	v1 =	vadd.f32 v26, v1  }
0x1cc: {  	v28 =	vunpack.i.l.bf16.f32 v25;
	v2 =	vadd.f32 v5, v2  }
0x1cd: {  	v29 =	vld [tilespmem:s0+$0xA10];
	v6 =	vunpack.i.u.bf16.f32 v25;
	v1 =	vadd.f32 v28, v1  }
0x1ce: {  	v2 =	vadd.f32 v6, v2;
	v30 =	vunpack.i.l.bf16.f32 v3  }
0x1cf: {  	v31 =	vld [tilespmem:s0+$0xA30];
	v3 =	vunpack.i.u.bf16.f32 v3;
	v1 =	vadd.f32 v30, v1  }
0x1d0: {  	v2 =	vadd.f32 v3, v2;
	v3 =	vunpack.i.l.bf16.f32 v27  }
0x1d1: {  	s13 =	sadd.s32 $0x100, s1;
	v4 =	vunpack.i.u.bf16.f32 v27;
	v1 =	vadd.f32 v3, v1  }
0x1d2: {  	v32 =	vor.u32 s13, v0;
	s17 =	sadd.s32 $0x101, s1;
	v2 =	vadd.f32 v4, v2;
	v3 =	vunpack.i.l.bf16.f32 v29  }
0x1d3: {  	v5 =	vunpack.i.u.bf16.f32 v29;
	v1 =	vadd.f32 v3, v1;
	v3 =	vor.u32 s17, v0  }
0x1d4: {  	v33 =	vunpack.i.l.bf16.f32 v31;
	v2 =	vadd.f32 v5, v2  }
0x1d5: {  	v6 =	vunpack.i.u.bf16.f32 v31;
	v1 =	vadd.f32 v33, v1  }
0x1d6: {  	v2 =	vadd.f32 v6, v2  }
0x1d7: {  	[tilespmem:v32+s21+$0x0] =	vst.idx.msk $0xffff, v1  }
0x1d8: {  	[tilespmem:v3+s21+$0x0] =	vst.idx.msk $0xffff, v2  }
0x1d9: {  	v1 =	vld [tilespmem:s1+$0x102F0]  }
0x1da: {  	v2 =	vld [tilespmem:s0+$0x7E0]  }
0x1db: {  	v3 =	vld [tilespmem:s1+$0x10300]  }
0x1dc: {  	v4 =	vld [tilespmem:s0+$0x800];
	_ =	sdelay $0x1  }
0x1dd: {  	v34 =	vld [tilespmem:s0+$0x820]  }
0x1de: {  	v35 =	vunpack.i.l.bf16.f32 v2  }
0x1df: {  	v36 =	vld [tilespmem:s0+$0x840];
	v2 =	vunpack.i.u.bf16.f32 v2;
	v1 =	vadd.f32 v35, v1  }
0x1e0: {  	v2 =	vadd.f32 v2, v3;
	v3 =	vunpack.i.l.bf16.f32 v4  }
0x1e1: {  	v4 =	vunpack.i.u.bf16.f32 v4;
	v1 =	vadd.f32 v3, v1;
	v3 =	vld [tilespmem:s0+$0x860]  }
0x1e2: {  	v37 =	vunpack.i.l.bf16.f32 v34;
	v2 =	vadd.f32 v4, v2  }
0x1e3: {  	v38 =	vld [tilespmem:s0+$0x880];
	v5 =	vunpack.i.u.bf16.f32 v34;
	v1 =	vadd.f32 v37, v1  }
0x1e4: {  	v39 =	vunpack.i.l.bf16.f32 v36;
	v2 =	vadd.f32 v5, v2  }
0x1e5: {  	v40 =	vld [tilespmem:s0+$0x8A0];
	v6 =	vunpack.i.u.bf16.f32 v36;
	v1 =	vadd.f32 v39, v1  }
0x1e6: {  	v2 =	vadd.f32 v6, v2;
	v41 =	vunpack.i.l.bf16.f32 v3  }
0x1e7: {  	v42 =	vld [tilespmem:s0+$0x8C0];
	v3 =	vunpack.i.u.bf16.f32 v3;
	v1 =	vadd.f32 v41, v1  }
0x1e8: {  	v2 =	vadd.f32 v3, v2;
	v3 =	vunpack.i.l.bf16.f32 v38  }
0x1e9: {  	v4 =	vunpack.i.u.bf16.f32 v38;
	v1 =	vadd.f32 v3, v1;
	v3 =	vld [tilespmem:s0+$0x8E0]  }
0x1ea: {  	v43 =	vunpack.i.l.bf16.f32 v40;
	v2 =	vadd.f32 v4, v2  }
0x1eb: {  	v44 =	vld [tilespmem:s0+$0x900];
	v5 =	vunpack.i.u.bf16.f32 v40;
	v1 =	vadd.f32 v43, v1  }
0x1ec: {  	v45 =	vunpack.i.l.bf16.f32 v42;
	v2 =	vadd.f32 v5, v2  }
0x1ed: {  	v46 =	vld [tilespmem:s0+$0x920];
	v6 =	vunpack.i.u.bf16.f32 v42;
	v1 =	vadd.f32 v45, v1  }
0x1ee: {  	v2 =	vadd.f32 v6, v2;
	v47 =	vunpack.i.l.bf16.f32 v3  }
0x1ef: {  	v48 =	vld [tilespmem:s0+$0x940];
	v3 =	vunpack.i.u.bf16.f32 v3;
	v1 =	vadd.f32 v47, v1  }
0x1f0: {  	v2 =	vadd.f32 v3, v2;
	v3 =	vunpack.i.l.bf16.f32 v44  }
0x1f1: {  	v4 =	vunpack.i.u.bf16.f32 v44;
	v1 =	vadd.f32 v3, v1;
	v3 =	vld [tilespmem:s0+$0x960]  }
0x1f2: {  	v49 =	vunpack.i.l.bf16.f32 v46;
	v2 =	vadd.f32 v4, v2  }
0x1f3: {  	v50 =	vld [tilespmem:s0+$0x980];
	v5 =	vunpack.i.u.bf16.f32 v46;
	v1 =	vadd.f32 v49, v1  }
0x1f4: {  	v51 =	vunpack.i.l.bf16.f32 v48;
	v2 =	vadd.f32 v5, v2  }
0x1f5: {  	v52 =	vld [tilespmem:s0+$0x9A0];
	v6 =	vunpack.i.u.bf16.f32 v48;
	v1 =	vadd.f32 v51, v1  }
0x1f6: {  	v2 =	vadd.f32 v6, v2;
	v53 =	vunpack.i.l.bf16.f32 v3  }
0x1f7: {  	v54 =	vld [tilespmem:s0+$0x9C0];
	v3 =	vunpack.i.u.bf16.f32 v3;
	v1 =	vadd.f32 v53, v1  }
0x1f8: {  	v2 =	vadd.f32 v3, v2;
	v3 =	vunpack.i.l.bf16.f32 v50  }
0x1f9: {  	v4 =	vunpack.i.u.bf16.f32 v50;
	v1 =	vadd.f32 v3, v1;
	v3 =	vld [tilespmem:s0+$0x9E0]  }
0x1fa: {  	v55 =	vunpack.i.l.bf16.f32 v52;
	v2 =	vadd.f32 v4, v2  }
0x1fb: {  	v56 =	vld [tilespmem:s0+$0xA00];
	v5 =	vunpack.i.u.bf16.f32 v52;
	v1 =	vadd.f32 v55, v1  }
0x1fc: {  	v57 =	vunpack.i.l.bf16.f32 v54;
	v2 =	vadd.f32 v5, v2  }
0x1fd: {  	v58 =	vld [tilespmem:s0+$0xA20];
	v6 =	vunpack.i.u.bf16.f32 v54;
	v1 =	vadd.f32 v57, v1  }
0x1fe: {  	v2 =	vadd.f32 v6, v2;
	v59 =	vunpack.i.l.bf16.f32 v3  }
0x1ff: {  	v60 =	vld [tilespmem:s0+$0xA40];
	v3 =	vunpack.i.u.bf16.f32 v3;
	v1 =	vadd.f32 v59, v1  }
0x200: {  	v2 =	vadd.f32 v3, v2;
	v3 =	vunpack.i.l.bf16.f32 v56  }
0x201: {  	s13 =	sadd.s32 $0x120, s1;
	v4 =	vunpack.i.u.bf16.f32 v56;
	v1 =	vadd.f32 v3, v1  }
0x202: {  	v61 =	vor.u32 s13, v0;
	s17 =	sadd.s32 $0x121, s1;
	v2 =	vadd.f32 v4, v2;
	v3 =	vunpack.i.l.bf16.f32 v58  }
0x203: {  	p1 =	sne.s32 s31, $0x9;
	v5 =	vunpack.i.u.bf16.f32 v58;
	v1 =	vadd.f32 v3, v1;
	v3 =	vor.u32 s17, v0  }
.Ltmp0:
0x204: {  	v62 =	vunpack.i.l.bf16.f32 v60;
	v2 =	vadd.f32 v5, v2;
	(pc) =	sbr.rel @p1 .LBB2_3-.Ltmp0, $4  }
0x205: {  	v63 =	vunpack.i.u.bf16.f32 v60;
	v1 =	vadd.f32 v62, v1  }
0x206: {  	v2 =	vadd.f32 v63, v2  }
0x207: {  	[tilespmem:v61+s21+$0x0] =	vst.idx.msk $0xffff, v1  }
0x208: {  	s31 =	sadd.s32 $0x1, s31;
	[tilespmem:v3+s21+$0x0] =	vst.idx.msk $0xffff, v2  }
0x209: {  	s0 =	sadd.s32 s4, s30  }
0x20a: {  	s0 =	smul.u32 $0x190, s0;
	_ =	sdelay $0x1  }
0x20b: {  	s0 =	sadd.s32 s2, s0  }
0x20c: {  	[hbm4b:s0+s3] =	stream.linear.scatter [tilespmem:s21], [sflag:$0x5], $0xC80, $0x38;
	[tilespmem:$0x128D0] =	vst v63  }
0x20d: {  	s0 =	sadd.s32 @!p0 s30, s11  }
0x20e: {  	_ =	swait.ge [sflag:s22], $0x7D00;
	s0 =	smul.u32 @!p0 $0x7D, s0  }
0x20f: {  	s1 =	simm.s32 @!p0 $0x0;
	[sflag:s22] =	ssyncset.done $0x0  }
0x210: {  	s7 =	simm.s32 @!p0 $0x3E8;
	[sflag:s22] =	ssyncadd.s32 $0xFFFF8300;
	s0 =	sadd.s32 @!p0 s5, s0  }
0x211: {  	[tilespmem:s7], [sflag:$0x4] =	stream.linear.gather @!p0 [hbm4b:s0+s1], $0x3E8, $0x38;
	[tilespmem:$0x128D0] =	vst v63  }
0x212: {  	s0 =	simm.s32 @!p0 $0x3  }
0x213: {  	_ =	swait.ge @!p0 [sflag:s0], $0x3E8  }
0x214: {  	[sflag:s0] =	ssyncset.done @!p0 $0x0  }
0x215: {  	p1 =	seq.s32 @!p0 s28, $0x0;
	[sflag:s0] =	ssyncadd.s32 @!p0 $0xFFFFFC18;
	s0 =	simm.s32 @!p0 $0x7D0  }
0x216: {  	[tilespmem:s0], [sflag:$0x1] =	stream.indirect.gather @!p0 [hbm4b:s6+s7], $0x20, s1, s7, $0xb8;
	[tilespmem:$0x128D0] =	vst v63  }
0x217: {  	p0 =	por p0, !p1  }
0x218: {  	_ =	swait.ge @p0 [sflag:s25], $0xC80  }
0x219: {  	[sflag:s25] =	ssyncset.done @p0 $0x0  }
0x21a: {  	s30 =	simm.s32 $0x0;
	[sflag:s25] =	ssyncadd.s32 @p0 $0xFFFFF380  }
.LBB2_5:
0x21b: {  	s0 =	smul.u32 $0x140, s30  }
0x21c: {  	s31 =	smul.u32 $0x3200, s30;
	_ =	sdelay $0x1  }
0x21d: {  	v1 =	vld [tilespmem:s0+$0x101D0];
	s1 =	sshra.s32 s31, $0x2  }
0x21e: {  	v2 =	vld [tilespmem:s1+$0x84D0]  }
0x21f: {  	v3 =	vld [tilespmem:s0+$0x101E0]  }
0x220: {  	v4 =	vld [tilespmem:s1+$0x84F0];
	_ =	sdelay $0x1  }
0x221: {  	v5 =	vld [tilespmem:s1+$0x8510]  }
0x222: {  	v6 =	vunpack.i.l.bf16.f32 v2  }
0x223: {  	v51 =	vld [tilespmem:s1+$0x8530];
	v2 =	vunpack.i.u.bf16.f32 v2;
	v1 =	vadd.f32 v6, v1  }
0x224: {  	v2 =	vadd.f32 v2, v3;
	v3 =	vunpack.i.l.bf16.f32 v4  }
0x225: {  	v4 =	vunpack.i.u.bf16.f32 v4;
	v1 =	vadd.f32 v3, v1;
	v3 =	vld [tilespmem:s1+$0x8550]  }
0x226: {  	v52 =	vunpack.i.l.bf16.f32 v5;
	v2 =	vadd.f32 v4, v2  }
0x227: {  	v53 =	vld [tilespmem:s1+$0x8570];
	v5 =	vunpack.i.u.bf16.f32 v5;
	v1 =	vadd.f32 v52, v1  }
0x228: {  	v54 =	vunpack.i.l.bf16.f32 v51;
	v2 =	vadd.f32 v5, v2  }
0x229: {  	v55 =	vld [tilespmem:s1+$0x8590];
	v6 =	vunpack.i.u.bf16.f32 v51;
	v1 =	vadd.f32 v54, v1  }
0x22a: {  	v2 =	vadd.f32 v6, v2;
	v56 =	vunpack.i.l.bf16.f32 v3  }
0x22b: {  	v57 =	vld [tilespmem:s1+$0x85B0];
	v3 =	vunpack.i.u.bf16.f32 v3;
	v1 =	vadd.f32 v56, v1  }
0x22c: {  	v2 =	vadd.f32 v3, v2;
	v3 =	vunpack.i.l.bf16.f32 v53  }
0x22d: {  	v4 =	vunpack.i.u.bf16.f32 v53;
	v1 =	vadd.f32 v3, v1;
	v3 =	vld [tilespmem:s1+$0x85D0]  }
0x22e: {  	v58 =	vunpack.i.l.bf16.f32 v55;
	v2 =	vadd.f32 v4, v2  }
0x22f: {  	v59 =	vld [tilespmem:s1+$0x85F0];
	v5 =	vunpack.i.u.bf16.f32 v55;
	v1 =	vadd.f32 v58, v1  }
0x230: {  	v60 =	vunpack.i.l.bf16.f32 v57;
	v2 =	vadd.f32 v5, v2  }
0x231: {  	v61 =	vld [tilespmem:s1+$0x8610];
	v6 =	vunpack.i.u.bf16.f32 v57;
	v1 =	vadd.f32 v60, v1  }
0x232: {  	v2 =	vadd.f32 v6, v2;
	v62 =	vunpack.i.l.bf16.f32 v3  }
0x233: {  	v63 =	vld [tilespmem:s1+$0x8630];
	v3 =	vunpack.i.u.bf16.f32 v3;
	v1 =	vadd.f32 v62, v1  }
0x234: {  	v2 =	vadd.f32 v3, v2;
	v3 =	vunpack.i.l.bf16.f32 v59  }
0x235: {  	v4 =	vunpack.i.u.bf16.f32 v59;
	v1 =	vadd.f32 v3, v1;
	v3 =	vld [tilespmem:s1+$0x8650]  }
0x236: {  	v9 =	vunpack.i.l.bf16.f32 v61;
	v2 =	vadd.f32 v4, v2  }
0x237: {  	v10 =	vld [tilespmem:s1+$0x8670];
	v5 =	vunpack.i.u.bf16.f32 v61;
	v1 =	vadd.f32 v9, v1  }
0x238: {  	v11 =	vunpack.i.l.bf16.f32 v63;
	v2 =	vadd.f32 v5, v2  }
0x239: {  	v12 =	vld [tilespmem:s1+$0x8690];
	v6 =	vunpack.i.u.bf16.f32 v63;
	v1 =	vadd.f32 v11, v1  }
0x23a: {  	v2 =	vadd.f32 v6, v2;
	v13 =	vunpack.i.l.bf16.f32 v3  }
0x23b: {  	v14 =	vld [tilespmem:s1+$0x86B0];
	v3 =	vunpack.i.u.bf16.f32 v3;
	v1 =	vadd.f32 v13, v1  }
0x23c: {  	v2 =	vadd.f32 v3, v2;
	v3 =	vunpack.i.l.bf16.f32 v10  }
0x23d: {  	v4 =	vunpack.i.u.bf16.f32 v10;
	v1 =	vadd.f32 v3, v1;
	v3 =	vld [tilespmem:s1+$0x86D0]  }
0x23e: {  	v15 =	vunpack.i.l.bf16.f32 v12;
	v2 =	vadd.f32 v4, v2  }
0x23f: {  	v16 =	vld [tilespmem:s1+$0x86F0];
	v5 =	vunpack.i.u.bf16.f32 v12;
	v1 =	vadd.f32 v15, v1  }
0x240: {  	v17 =	vunpack.i.l.bf16.f32 v14;
	v2 =	vadd.f32 v5, v2  }
0x241: {  	v18 =	vld [tilespmem:s1+$0x8710];
	v6 =	vunpack.i.u.bf16.f32 v14;
	v1 =	vadd.f32 v17, v1  }
0x242: {  	v2 =	vadd.f32 v6, v2;
	v19 =	vunpack.i.l.bf16.f32 v3  }
0x243: {  	v20 =	vld [tilespmem:s1+$0x8730];
	v3 =	vunpack.i.u.bf16.f32 v3;
	v1 =	vadd.f32 v19, v1  }
0x244: {  	v2 =	vadd.f32 v3, v2;
	v3 =	vunpack.i.l.bf16.f32 v16  }
0x245: {  	s7 =	sadd.s32 $0xC80, s0;
	v4 =	vunpack.i.u.bf16.f32 v16;
	v1 =	vadd.f32 v3, v1  }
0x246: {  	s13 =	sadd.s32 $0xC81, s0;
	v21 =	vor.u32 s7, v0;
	v2 =	vadd.f32 v4, v2;
	v3 =	vunpack.i.l.bf16.f32 v18  }
0x247: {  	v5 =	vunpack.i.u.bf16.f32 v18;
	v1 =	vadd.f32 v3, v1;
	v3 =	vor.u32 s13, v0  }
0x248: {  	v22 =	vunpack.i.l.bf16.f32 v20;
	v2 =	vadd.f32 v5, v2  }
0x249: {  	v6 =	vunpack.i.u.bf16.f32 v20;
	v1 =	vadd.f32 v22, v1  }
0x24a: {  	v2 =	vadd.f32 v6, v2  }
0x24b: {  	[tilespmem:v21+s21+$0x0] =	vst.idx.msk $0xffff, v1  }
0x24c: {  	[tilespmem:v3+s21+$0x0] =	vst.idx.msk $0xffff, v2  }
0x24d: {  	v1 =	vld [tilespmem:s0+$0x101F0]  }
0x24e: {  	v2 =	vld [tilespmem:s1+$0x84E0]  }
0x24f: {  	v3 =	vld [tilespmem:s0+$0x10200]  }
0x250: {  	v4 =	vld [tilespmem:s1+$0x8500];
	_ =	sdelay $0x1  }
0x251: {  	v23 =	vld [tilespmem:s1+$0x8520]  }
0x252: {  	v24 =	vunpack.i.l.bf16.f32 v2  }
0x253: {  	v25 =	vld [tilespmem:s1+$0x8540];
	v2 =	vunpack.i.u.bf16.f32 v2;
	v1 =	vadd.f32 v24, v1  }
0x254: {  	v2 =	vadd.f32 v2, v3;
	v3 =	vunpack.i.l.bf16.f32 v4  }
0x255: {  	v4 =	vunpack.i.u.bf16.f32 v4;
	v1 =	vadd.f32 v3, v1;
	v3 =	vld [tilespmem:s1+$0x8560]  }
0x256: {  	v26 =	vunpack.i.l.bf16.f32 v23;
	v2 =	vadd.f32 v4, v2  }
0x257: {  	v27 =	vld [tilespmem:s1+$0x8580];
	v5 =	vunpack.i.u.bf16.f32 v23;
	v1 =	vadd.f32 v26, v1  }
0x258: {  	v28 =	vunpack.i.l.bf16.f32 v25;
	v2 =	vadd.f32 v5, v2  }
0x259: {  	v29 =	vld [tilespmem:s1+$0x85A0];
	v6 =	vunpack.i.u.bf16.f32 v25;
	v1 =	vadd.f32 v28, v1  }
0x25a: {  	v2 =	vadd.f32 v6, v2;
	v30 =	vunpack.i.l.bf16.f32 v3  }
0x25b: {  	v31 =	vld [tilespmem:s1+$0x85C0];
	v3 =	vunpack.i.u.bf16.f32 v3;
	v1 =	vadd.f32 v30, v1  }
0x25c: {  	v2 =	vadd.f32 v3, v2;
	v3 =	vunpack.i.l.bf16.f32 v27  }
0x25d: {  	v4 =	vunpack.i.u.bf16.f32 v27;
	v1 =	vadd.f32 v3, v1;
	v3 =	vld [tilespmem:s1+$0x85E0]  }
0x25e: {  	v32 =	vunpack.i.l.bf16.f32 v29;
	v2 =	vadd.f32 v4, v2  }
0x25f: {  	v33 =	vld [tilespmem:s1+$0x8600];
	v5 =	vunpack.i.u.bf16.f32 v29;
	v1 =	vadd.f32 v32, v1  }
0x260: {  	v34 =	vunpack.i.l.bf16.f32 v31;
	v2 =	vadd.f32 v5, v2  }
0x261: {  	v35 =	vld [tilespmem:s1+$0x8620];
	v6 =	vunpack.i.u.bf16.f32 v31;
	v1 =	vadd.f32 v34, v1  }
0x262: {  	v2 =	vadd.f32 v6, v2;
	v36 =	vunpack.i.l.bf16.f32 v3  }
0x263: {  	v37 =	vld [tilespmem:s1+$0x8640];
	v3 =	vunpack.i.u.bf16.f32 v3;
	v1 =	vadd.f32 v36, v1  }
0x264: {  	v2 =	vadd.f32 v3, v2;
	v3 =	vunpack.i.l.bf16.f32 v33  }
0x265: {  	v4 =	vunpack.i.u.bf16.f32 v33;
	v1 =	vadd.f32 v3, v1;
	v3 =	vld [tilespmem:s1+$0x8660]  }
0x266: {  	v38 =	vunpack.i.l.bf16.f32 v35;
	v2 =	vadd.f32 v4, v2  }
0x267: {  	v39 =	vld [tilespmem:s1+$0x8680];
	v5 =	vunpack.i.u.bf16.f32 v35;
	v1 =	vadd.f32 v38, v1  }
0x268: {  	v40 =	vunpack.i.l.bf16.f32 v37;
	v2 =	vadd.f32 v5, v2  }
0x269: {  	v41 =	vld [tilespmem:s1+$0x86A0];
	v6 =	vunpack.i.u.bf16.f32 v37;
	v1 =	vadd.f32 v40, v1  }
0x26a: {  	v2 =	vadd.f32 v6, v2;
	v42 =	vunpack.i.l.bf16.f32 v3  }
0x26b: {  	v43 =	vld [tilespmem:s1+$0x86C0];
	v3 =	vunpack.i.u.bf16.f32 v3;
	v1 =	vadd.f32 v42, v1  }
0x26c: {  	v2 =	vadd.f32 v3, v2;
	v3 =	vunpack.i.l.bf16.f32 v39  }
0x26d: {  	v4 =	vunpack.i.u.bf16.f32 v39;
	v1 =	vadd.f32 v3, v1;
	v3 =	vld [tilespmem:s1+$0x86E0]  }
0x26e: {  	v44 =	vunpack.i.l.bf16.f32 v41;
	v2 =	vadd.f32 v4, v2  }
0x26f: {  	v45 =	vld [tilespmem:s1+$0x8700];
	v5 =	vunpack.i.u.bf16.f32 v41;
	v1 =	vadd.f32 v44, v1  }
0x270: {  	v46 =	vunpack.i.l.bf16.f32 v43;
	v2 =	vadd.f32 v5, v2  }
0x271: {  	v47 =	vld [tilespmem:s1+$0x8720];
	v6 =	vunpack.i.u.bf16.f32 v43;
	v1 =	vadd.f32 v46, v1  }
0x272: {  	v2 =	vadd.f32 v6, v2;
	v48 =	vunpack.i.l.bf16.f32 v3  }
0x273: {  	v49 =	vld [tilespmem:s1+$0x8740];
	v3 =	vunpack.i.u.bf16.f32 v3;
	v1 =	vadd.f32 v48, v1  }
0x274: {  	v2 =	vadd.f32 v3, v2;
	v3 =	vunpack.i.l.bf16.f32 v45  }
0x275: {  	s17 =	sadd.s32 $0xCA0, s0;
	v4 =	vunpack.i.u.bf16.f32 v45;
	v1 =	vadd.f32 v3, v1  }
0x276: {  	v50 =	vor.u32 s17, v0;
	s0 =	sadd.s32 $0xCA1, s0;
	v2 =	vadd.f32 v4, v2;
	v3 =	vunpack.i.l.bf16.f32 v47  }
0x277: {  	v5 =	vunpack.i.u.bf16.f32 v47;
	v1 =	vadd.f32 v3, v1;
	v3 =	vor.u32 s0, v0  }
0x278: {  	v51 =	vunpack.i.l.bf16.f32 v49;
	v2 =	vadd.f32 v5, v2;
	s0 =	smul.u32 $0x5, s30  }
0x279: {  	v6 =	vunpack.i.u.bf16.f32 v49;
	v1 =	vadd.f32 v51, v1  }
0x27a: {  	v2 =	vadd.f32 v6, v2;
	s7 =	sadd.s32 $0x1, s0  }
0x27b: {  	s13 =	smul.u32 $0xA00, s7;
	[tilespmem:v50+s21+$0x0] =	vst.idx.msk $0xffff, v1  }
0x27c: {  	s1 =	sshll.u32 s7, $0x6;
	[tilespmem:v3+s21+$0x0] =	vst.idx.msk $0xffff, v2  }
0x27d: {  	s13 =	sshra.s32 s13, $0x2;
	v1 =	vld [tilespmem:s1+$0x101D0]  }
0x27e: {  	v2 =	vld [tilespmem:s13+$0x84D0]  }
0x27f: {  	v3 =	vld [tilespmem:s1+$0x101E0]  }
0x280: {  	v4 =	vld [tilespmem:s13+$0x84F0];
	_ =	sdelay $0x1  }
0x281: {  	v52 =	vld [tilespmem:s13+$0x8510]  }
0x282: {  	v53 =	vunpack.i.l.bf16.f32 v2  }
0x283: {  	v54 =	vld [tilespmem:s13+$0x8530];
	v2 =	vunpack.i.u.bf16.f32 v2;
	v1 =	vadd.f32 v53, v1  }
0x284: {  	v2 =	vadd.f32 v2, v3;
	v3 =	vunpack.i.l.bf16.f32 v4  }
0x285: {  	v4 =	vunpack.i.u.bf16.f32 v4;
	v1 =	vadd.f32 v3, v1;
	v3 =	vld [tilespmem:s13+$0x8550]  }
0x286: {  	v55 =	vunpack.i.l.bf16.f32 v52;
	v2 =	vadd.f32 v4, v2  }
0x287: {  	v56 =	vld [tilespmem:s13+$0x8570];
	v5 =	vunpack.i.u.bf16.f32 v52;
	v1 =	vadd.f32 v55, v1  }
0x288: {  	v57 =	vunpack.i.l.bf16.f32 v54;
	v2 =	vadd.f32 v5, v2  }
0x289: {  	v58 =	vld [tilespmem:s13+$0x8590];
	v6 =	vunpack.i.u.bf16.f32 v54;
	v1 =	vadd.f32 v57, v1  }
0x28a: {  	v2 =	vadd.f32 v6, v2;
	v59 =	vunpack.i.l.bf16.f32 v3  }
0x28b: {  	v60 =	vld [tilespmem:s13+$0x85B0];
	v3 =	vunpack.i.u.bf16.f32 v3;
	v1 =	vadd.f32 v59, v1  }
0x28c: {  	v2 =	vadd.f32 v3, v2;
	v3 =	vunpack.i.l.bf16.f32 v56  }
0x28d: {  	v4 =	vunpack.i.u.bf16.f32 v56;
	v1 =	vadd.f32 v3, v1;
	v3 =	vld [tilespmem:s13+$0x85D0]  }
0x28e: {  	v61 =	vunpack.i.l.bf16.f32 v58;
	v2 =	vadd.f32 v4, v2  }
0x28f: {  	v62 =	vld [tilespmem:s13+$0x85F0];
	v5 =	vunpack.i.u.bf16.f32 v58;
	v1 =	vadd.f32 v61, v1  }
0x290: {  	v63 =	vunpack.i.l.bf16.f32 v60;
	v2 =	vadd.f32 v5, v2  }
0x291: {  	v9 =	vld [tilespmem:s13+$0x8610];
	v6 =	vunpack.i.u.bf16.f32 v60;
	v1 =	vadd.f32 v63, v1  }
0x292: {  	v2 =	vadd.f32 v6, v2;
	v10 =	vunpack.i.l.bf16.f32 v3  }
0x293: {  	v11 =	vld [tilespmem:s13+$0x8630];
	v3 =	vunpack.i.u.bf16.f32 v3;
	v1 =	vadd.f32 v10, v1  }
0x294: {  	v2 =	vadd.f32 v3, v2;
	v3 =	vunpack.i.l.bf16.f32 v62  }
0x295: {  	v4 =	vunpack.i.u.bf16.f32 v62;
	v1 =	vadd.f32 v3, v1;
	v3 =	vld [tilespmem:s13+$0x8650]  }
0x296: {  	v12 =	vunpack.i.l.bf16.f32 v9;
	v2 =	vadd.f32 v4, v2  }
0x297: {  	v13 =	vld [tilespmem:s13+$0x8670];
	v5 =	vunpack.i.u.bf16.f32 v9;
	v1 =	vadd.f32 v12, v1  }
0x298: {  	v14 =	vunpack.i.l.bf16.f32 v11;
	v2 =	vadd.f32 v5, v2  }
0x299: {  	v15 =	vld [tilespmem:s13+$0x8690];
	v6 =	vunpack.i.u.bf16.f32 v11;
	v1 =	vadd.f32 v14, v1  }
0x29a: {  	v2 =	vadd.f32 v6, v2;
	v16 =	vunpack.i.l.bf16.f32 v3  }
0x29b: {  	v17 =	vld [tilespmem:s13+$0x86B0];
	v3 =	vunpack.i.u.bf16.f32 v3;
	v1 =	vadd.f32 v16, v1  }
0x29c: {  	v2 =	vadd.f32 v3, v2;
	v3 =	vunpack.i.l.bf16.f32 v13  }
0x29d: {  	v4 =	vunpack.i.u.bf16.f32 v13;
	v1 =	vadd.f32 v3, v1;
	v3 =	vld [tilespmem:s13+$0x86D0]  }
0x29e: {  	v18 =	vunpack.i.l.bf16.f32 v15;
	v2 =	vadd.f32 v4, v2  }
0x29f: {  	v19 =	vld [tilespmem:s13+$0x86F0];
	v5 =	vunpack.i.u.bf16.f32 v15;
	v1 =	vadd.f32 v18, v1  }
0x2a0: {  	v20 =	vunpack.i.l.bf16.f32 v17;
	v2 =	vadd.f32 v5, v2  }
0x2a1: {  	v21 =	vld [tilespmem:s13+$0x8710];
	v6 =	vunpack.i.u.bf16.f32 v17;
	v1 =	vadd.f32 v20, v1  }
0x2a2: {  	v2 =	vadd.f32 v6, v2;
	v22 =	vunpack.i.l.bf16.f32 v3  }
0x2a3: {  	v23 =	vld [tilespmem:s13+$0x8730];
	v3 =	vunpack.i.u.bf16.f32 v3;
	v1 =	vadd.f32 v22, v1  }
0x2a4: {  	v2 =	vadd.f32 v3, v2;
	v3 =	vunpack.i.l.bf16.f32 v19  }
0x2a5: {  	s17 =	sadd.s32 $0xC80, s1;
	v4 =	vunpack.i.u.bf16.f32 v19;
	v1 =	vadd.f32 v3, v1  }
0x2a6: {  	v24 =	vor.u32 s17, v0;
	s17 =	sadd.s32 $0xC81, s1;
	v2 =	vadd.f32 v4, v2;
	v3 =	vunpack.i.l.bf16.f32 v21  }
0x2a7: {  	v5 =	vunpack.i.u.bf16.f32 v21;
	v1 =	vadd.f32 v3, v1;
	v3 =	vor.u32 s17, v0  }
0x2a8: {  	v25 =	vunpack.i.l.bf16.f32 v23;
	v2 =	vadd.f32 v5, v2  }
0x2a9: {  	v6 =	vunpack.i.u.bf16.f32 v23;
	v1 =	vadd.f32 v25, v1  }
0x2aa: {  	v2 =	vadd.f32 v6, v2  }
0x2ab: {  	[tilespmem:v24+s21+$0x0] =	vst.idx.msk $0xffff, v1  }
0x2ac: {  	[tilespmem:v3+s21+$0x0] =	vst.idx.msk $0xffff, v2  }
0x2ad: {  	v1 =	vld [tilespmem:s1+$0x101F0]  }
0x2ae: {  	v2 =	vld [tilespmem:s13+$0x84E0]  }
0x2af: {  	v3 =	vld [tilespmem:s1+$0x10200]  }
0x2b0: {  	v4 =	vld [tilespmem:s13+$0x8500];
	_ =	sdelay $0x1  }
0x2b1: {  	v26 =	vld [tilespmem:s13+$0x8520]  }
0x2b2: {  	v27 =	vunpack.i.l.bf16.f32 v2  }
0x2b3: {  	v28 =	vld [tilespmem:s13+$0x8540];
	v2 =	vunpack.i.u.bf16.f32 v2;
	v1 =	vadd.f32 v27, v1  }
0x2b4: {  	v2 =	vadd.f32 v2, v3;
	v3 =	vunpack.i.l.bf16.f32 v4  }
0x2b5: {  	v4 =	vunpack.i.u.bf16.f32 v4;
	v1 =	vadd.f32 v3, v1;
	v3 =	vld [tilespmem:s13+$0x8560]  }
0x2b6: {  	v29 =	vunpack.i.l.bf16.f32 v26;
	v2 =	vadd.f32 v4, v2  }
0x2b7: {  	v30 =	vld [tilespmem:s13+$0x8580];
	v5 =	vunpack.i.u.bf16.f32 v26;
	v1 =	vadd.f32 v29, v1  }
0x2b8: {  	v31 =	vunpack.i.l.bf16.f32 v28;
	v2 =	vadd.f32 v5, v2  }
0x2b9: {  	v32 =	vld [tilespmem:s13+$0x85A0];
	v6 =	vunpack.i.u.bf16.f32 v28;
	v1 =	vadd.f32 v31, v1  }
0x2ba: {  	v2 =	vadd.f32 v6, v2;
	v33 =	vunpack.i.l.bf16.f32 v3  }
0x2bb: {  	v34 =	vld [tilespmem:s13+$0x85C0];
	v3 =	vunpack.i.u.bf16.f32 v3;
	v1 =	vadd.f32 v33, v1  }
0x2bc: {  	v2 =	vadd.f32 v3, v2;
	v3 =	vunpack.i.l.bf16.f32 v30  }
0x2bd: {  	v4 =	vunpack.i.u.bf16.f32 v30;
	v1 =	vadd.f32 v3, v1;
	v3 =	vld [tilespmem:s13+$0x85E0]  }
0x2be: {  	v35 =	vunpack.i.l.bf16.f32 v32;
	v2 =	vadd.f32 v4, v2  }
0x2bf: {  	v36 =	vld [tilespmem:s13+$0x8600];
	v5 =	vunpack.i.u.bf16.f32 v32;
	v1 =	vadd.f32 v35, v1  }
0x2c0: {  	v37 =	vunpack.i.l.bf16.f32 v34;
	v2 =	vadd.f32 v5, v2  }
0x2c1: {  	v38 =	vld [tilespmem:s13+$0x8620];
	v6 =	vunpack.i.u.bf16.f32 v34;
	v1 =	vadd.f32 v37, v1  }
0x2c2: {  	v2 =	vadd.f32 v6, v2;
	v39 =	vunpack.i.l.bf16.f32 v3  }
0x2c3: {  	v40 =	vld [tilespmem:s13+$0x8640];
	v3 =	vunpack.i.u.bf16.f32 v3;
	v1 =	vadd.f32 v39, v1  }
0x2c4: {  	v2 =	vadd.f32 v3, v2;
	v3 =	vunpack.i.l.bf16.f32 v36  }
0x2c5: {  	v4 =	vunpack.i.u.bf16.f32 v36;
	v1 =	vadd.f32 v3, v1;
	v3 =	vld [tilespmem:s13+$0x8660]  }
0x2c6: {  	v41 =	vunpack.i.l.bf16.f32 v38;
	v2 =	vadd.f32 v4, v2  }
0x2c7: {  	v42 =	vld [tilespmem:s13+$0x8680];
	v5 =	vunpack.i.u.bf16.f32 v38;
	v1 =	vadd.f32 v41, v1  }
0x2c8: {  	v43 =	vunpack.i.l.bf16.f32 v40;
	v2 =	vadd.f32 v5, v2  }
0x2c9: {  	v44 =	vld [tilespmem:s13+$0x86A0];
	v6 =	vunpack.i.u.bf16.f32 v40;
	v1 =	vadd.f32 v43, v1  }
0x2ca: {  	v2 =	vadd.f32 v6, v2;
	v45 =	vunpack.i.l.bf16.f32 v3  }
0x2cb: {  	v46 =	vld [tilespmem:s13+$0x86C0];
	v3 =	vunpack.i.u.bf16.f32 v3;
	v1 =	vadd.f32 v45, v1  }
0x2cc: {  	v2 =	vadd.f32 v3, v2;
	v3 =	vunpack.i.l.bf16.f32 v42  }
0x2cd: {  	v4 =	vunpack.i.u.bf16.f32 v42;
	v1 =	vadd.f32 v3, v1;
	v3 =	vld [tilespmem:s13+$0x86E0]  }
0x2ce: {  	v47 =	vunpack.i.l.bf16.f32 v44;
	v2 =	vadd.f32 v4, v2  }
0x2cf: {  	v48 =	vld [tilespmem:s13+$0x8700];
	v5 =	vunpack.i.u.bf16.f32 v44;
	v1 =	vadd.f32 v47, v1  }
0x2d0: {  	v49 =	vunpack.i.l.bf16.f32 v46;
	v2 =	vadd.f32 v5, v2  }
0x2d1: {  	v50 =	vld [tilespmem:s13+$0x8720];
	v6 =	vunpack.i.u.bf16.f32 v46;
	v1 =	vadd.f32 v49, v1  }
0x2d2: {  	v2 =	vadd.f32 v6, v2;
	v51 =	vunpack.i.l.bf16.f32 v3  }
0x2d3: {  	v52 =	vld [tilespmem:s13+$0x8740];
	v3 =	vunpack.i.u.bf16.f32 v3;
	v1 =	vadd.f32 v51, v1  }
0x2d4: {  	v2 =	vadd.f32 v3, v2;
	v3 =	vunpack.i.l.bf16.f32 v48  }
0x2d5: {  	s17 =	sadd.s32 $0xCA0, s1;
	v4 =	vunpack.i.u.bf16.f32 v48;
	v1 =	vadd.f32 v3, v1  }
0x2d6: {  	v53 =	vor.u32 s17, v0;
	s1 =	sadd.s32 $0xCA1, s1;
	v2 =	vadd.f32 v4, v2;
	v3 =	vunpack.i.l.bf16.f32 v50  }
0x2d7: {  	v5 =	vunpack.i.u.bf16.f32 v50;
	v1 =	vadd.f32 v3, v1;
	v3 =	vor.u32 s1, v0  }
0x2d8: {  	v54 =	vunpack.i.l.bf16.f32 v52;
	v2 =	vadd.f32 v5, v2  }
0x2d9: {  	v6 =	vunpack.i.u.bf16.f32 v52;
	v1 =	vadd.f32 v54, v1  }
0x2da: {  	v2 =	vadd.f32 v6, v2  }
0x2db: {  	[tilespmem:v53+s21+$0x0] =	vst.idx.msk $0xffff, v1  }
0x2dc: {  	s0 =	sshll.u32 s0, $0x6;
	s7 =	sadd.s32 $0x1400, s31;
	[tilespmem:v3+s21+$0x0] =	vst.idx.msk $0xffff, v2  }
0x2dd: {  	s1 =	sshra.s32 s7, $0x2;
	v1 =	vld [tilespmem:s0+$0x10250]  }
0x2de: {  	v2 =	vld [tilespmem:s1+$0x84D0]  }
0x2df: {  	v3 =	vld [tilespmem:s0+$0x10260]  }
0x2e0: {  	v4 =	vld [tilespmem:s1+$0x84F0];
	_ =	sdelay $0x1  }
0x2e1: {  	v55 =	vld [tilespmem:s1+$0x8510]  }
0x2e2: {  	v56 =	vunpack.i.l.bf16.f32 v2  }
0x2e3: {  	v57 =	vld [tilespmem:s1+$0x8530];
	v2 =	vunpack.i.u.bf16.f32 v2;
	v1 =	vadd.f32 v56, v1  }
0x2e4: {  	v2 =	vadd.f32 v2, v3;
	v3 =	vunpack.i.l.bf16.f32 v4  }
0x2e5: {  	v4 =	vunpack.i.u.bf16.f32 v4;
	v1 =	vadd.f32 v3, v1;
	v3 =	vld [tilespmem:s1+$0x8550]  }
0x2e6: {  	v58 =	vunpack.i.l.bf16.f32 v55;
	v2 =	vadd.f32 v4, v2  }
0x2e7: {  	v59 =	vld [tilespmem:s1+$0x8570];
	v5 =	vunpack.i.u.bf16.f32 v55;
	v1 =	vadd.f32 v58, v1  }
0x2e8: {  	v60 =	vunpack.i.l.bf16.f32 v57;
	v2 =	vadd.f32 v5, v2  }
0x2e9: {  	v61 =	vld [tilespmem:s1+$0x8590];
	v6 =	vunpack.i.u.bf16.f32 v57;
	v1 =	vadd.f32 v60, v1  }
0x2ea: {  	v2 =	vadd.f32 v6, v2;
	v62 =	vunpack.i.l.bf16.f32 v3  }
0x2eb: {  	v63 =	vld [tilespmem:s1+$0x85B0];
	v3 =	vunpack.i.u.bf16.f32 v3;
	v1 =	vadd.f32 v62, v1  }
0x2ec: {  	v2 =	vadd.f32 v3, v2;
	v3 =	vunpack.i.l.bf16.f32 v59  }
0x2ed: {  	v4 =	vunpack.i.u.bf16.f32 v59;
	v1 =	vadd.f32 v3, v1;
	v3 =	vld [tilespmem:s1+$0x85D0]  }
0x2ee: {  	v9 =	vunpack.i.l.bf16.f32 v61;
	v2 =	vadd.f32 v4, v2  }
0x2ef: {  	v10 =	vld [tilespmem:s1+$0x85F0];
	v5 =	vunpack.i.u.bf16.f32 v61;
	v1 =	vadd.f32 v9, v1  }
0x2f0: {  	v11 =	vunpack.i.l.bf16.f32 v63;
	v2 =	vadd.f32 v5, v2  }
0x2f1: {  	v12 =	vld [tilespmem:s1+$0x8610];
	v6 =	vunpack.i.u.bf16.f32 v63;
	v1 =	vadd.f32 v11, v1  }
0x2f2: {  	v2 =	vadd.f32 v6, v2;
	v13 =	vunpack.i.l.bf16.f32 v3  }
0x2f3: {  	v14 =	vld [tilespmem:s1+$0x8630];
	v3 =	vunpack.i.u.bf16.f32 v3;
	v1 =	vadd.f32 v13, v1  }
0x2f4: {  	v2 =	vadd.f32 v3, v2;
	v3 =	vunpack.i.l.bf16.f32 v10  }
0x2f5: {  	v4 =	vunpack.i.u.bf16.f32 v10;
	v1 =	vadd.f32 v3, v1;
	v3 =	vld [tilespmem:s1+$0x8650]  }
0x2f6: {  	v15 =	vunpack.i.l.bf16.f32 v12;
	v2 =	vadd.f32 v4, v2  }
0x2f7: {  	v16 =	vld [tilespmem:s1+$0x8670];
	v5 =	vunpack.i.u.bf16.f32 v12;
	v1 =	vadd.f32 v15, v1  }
0x2f8: {  	v17 =	vunpack.i.l.bf16.f32 v14;
	v2 =	vadd.f32 v5, v2  }
0x2f9: {  	v18 =	vld [tilespmem:s1+$0x8690];
	v6 =	vunpack.i.u.bf16.f32 v14;
	v1 =	vadd.f32 v17, v1  }
0x2fa: {  	v2 =	vadd.f32 v6, v2;
	v19 =	vunpack.i.l.bf16.f32 v3  }
0x2fb: {  	v20 =	vld [tilespmem:s1+$0x86B0];
	v3 =	vunpack.i.u.bf16.f32 v3;
	v1 =	vadd.f32 v19, v1  }
0x2fc: {  	v2 =	vadd.f32 v3, v2;
	v3 =	vunpack.i.l.bf16.f32 v16  }
0x2fd: {  	v4 =	vunpack.i.u.bf16.f32 v16;
	v1 =	vadd.f32 v3, v1;
	v3 =	vld [tilespmem:s1+$0x86D0]  }
0x2fe: {  	v21 =	vunpack.i.l.bf16.f32 v18;
	v2 =	vadd.f32 v4, v2  }
0x2ff: {  	v22 =	vld [tilespmem:s1+$0x86F0];
	v5 =	vunpack.i.u.bf16.f32 v18;
	v1 =	vadd.f32 v21, v1  }
0x300: {  	v23 =	vunpack.i.l.bf16.f32 v20;
	v2 =	vadd.f32 v5, v2  }
0x301: {  	v24 =	vld [tilespmem:s1+$0x8710];
	v6 =	vunpack.i.u.bf16.f32 v20;
	v1 =	vadd.f32 v23, v1  }
0x302: {  	v2 =	vadd.f32 v6, v2;
	v25 =	vunpack.i.l.bf16.f32 v3  }
0x303: {  	v26 =	vld [tilespmem:s1+$0x8730];
	v3 =	vunpack.i.u.bf16.f32 v3;
	v1 =	vadd.f32 v25, v1  }
0x304: {  	v2 =	vadd.f32 v3, v2;
	v3 =	vunpack.i.l.bf16.f32 v22  }
0x305: {  	s13 =	sadd.s32 $0xD00, s0;
	v4 =	vunpack.i.u.bf16.f32 v22;
	v1 =	vadd.f32 v3, v1  }
0x306: {  	s17 =	sadd.s32 $0xD01, s0;
	v27 =	vor.u32 s13, v0;
	v2 =	vadd.f32 v4, v2;
	v3 =	vunpack.i.l.bf16.f32 v24  }
0x307: {  	v5 =	vunpack.i.u.bf16.f32 v24;
	v1 =	vadd.f32 v3, v1;
	v3 =	vor.u32 s17, v0  }
0x308: {  	v28 =	vunpack.i.l.bf16.f32 v26;
	v2 =	vadd.f32 v5, v2  }
0x309: {  	v6 =	vunpack.i.u.bf16.f32 v26;
	v1 =	vadd.f32 v28, v1  }
0x30a: {  	v2 =	vadd.f32 v6, v2  }
0x30b: {  	[tilespmem:v27+s21+$0x0] =	vst.idx.msk $0xffff, v1  }
0x30c: {  	[tilespmem:v3+s21+$0x0] =	vst.idx.msk $0xffff, v2  }
0x30d: {  	v1 =	vld [tilespmem:s0+$0x10270]  }
0x30e: {  	v2 =	vld [tilespmem:s1+$0x84E0]  }
0x30f: {  	v3 =	vld [tilespmem:s0+$0x10280]  }
0x310: {  	v4 =	vld [tilespmem:s1+$0x8500];
	_ =	sdelay $0x1  }
0x311: {  	v29 =	vld [tilespmem:s1+$0x8520]  }
0x312: {  	v30 =	vunpack.i.l.bf16.f32 v2  }
0x313: {  	v31 =	vld [tilespmem:s1+$0x8540];
	v2 =	vunpack.i.u.bf16.f32 v2;
	v1 =	vadd.f32 v30, v1  }
0x314: {  	v2 =	vadd.f32 v2, v3;
	v3 =	vunpack.i.l.bf16.f32 v4  }
0x315: {  	v4 =	vunpack.i.u.bf16.f32 v4;
	v1 =	vadd.f32 v3, v1;
	v3 =	vld [tilespmem:s1+$0x8560]  }
0x316: {  	v32 =	vunpack.i.l.bf16.f32 v29;
	v2 =	vadd.f32 v4, v2  }
0x317: {  	v33 =	vld [tilespmem:s1+$0x8580];
	v5 =	vunpack.i.u.bf16.f32 v29;
	v1 =	vadd.f32 v32, v1  }
0x318: {  	v34 =	vunpack.i.l.bf16.f32 v31;
	v2 =	vadd.f32 v5, v2  }
0x319: {  	v35 =	vld [tilespmem:s1+$0x85A0];
	v6 =	vunpack.i.u.bf16.f32 v31;
	v1 =	vadd.f32 v34, v1  }
0x31a: {  	v2 =	vadd.f32 v6, v2;
	v36 =	vunpack.i.l.bf16.f32 v3  }
0x31b: {  	v37 =	vld [tilespmem:s1+$0x85C0];
	v3 =	vunpack.i.u.bf16.f32 v3;
	v1 =	vadd.f32 v36, v1  }
0x31c: {  	v2 =	vadd.f32 v3, v2;
	v3 =	vunpack.i.l.bf16.f32 v33  }
0x31d: {  	v4 =	vunpack.i.u.bf16.f32 v33;
	v1 =	vadd.f32 v3, v1;
	v3 =	vld [tilespmem:s1+$0x85E0]  }
0x31e: {  	v38 =	vunpack.i.l.bf16.f32 v35;
	v2 =	vadd.f32 v4, v2  }
0x31f: {  	v39 =	vld [tilespmem:s1+$0x8600];
	v5 =	vunpack.i.u.bf16.f32 v35;
	v1 =	vadd.f32 v38, v1  }
0x320: {  	v40 =	vunpack.i.l.bf16.f32 v37;
	v2 =	vadd.f32 v5, v2  }
0x321: {  	v41 =	vld [tilespmem:s1+$0x8620];
	v6 =	vunpack.i.u.bf16.f32 v37;
	v1 =	vadd.f32 v40, v1  }
0x322: {  	v2 =	vadd.f32 v6, v2;
	v42 =	vunpack.i.l.bf16.f32 v3  }
0x323: {  	v43 =	vld [tilespmem:s1+$0x8640];
	v3 =	vunpack.i.u.bf16.f32 v3;
	v1 =	vadd.f32 v42, v1  }
0x324: {  	v2 =	vadd.f32 v3, v2;
	v3 =	vunpack.i.l.bf16.f32 v39  }
0x325: {  	v4 =	vunpack.i.u.bf16.f32 v39;
	v1 =	vadd.f32 v3, v1;
	v3 =	vld [tilespmem:s1+$0x8660]  }
0x326: {  	v44 =	vunpack.i.l.bf16.f32 v41;
	v2 =	vadd.f32 v4, v2  }
0x327: {  	v45 =	vld [tilespmem:s1+$0x8680];
	v5 =	vunpack.i.u.bf16.f32 v41;
	v1 =	vadd.f32 v44, v1  }
0x328: {  	v46 =	vunpack.i.l.bf16.f32 v43;
	v2 =	vadd.f32 v5, v2  }
0x329: {  	v47 =	vld [tilespmem:s1+$0x86A0];
	v6 =	vunpack.i.u.bf16.f32 v43;
	v1 =	vadd.f32 v46, v1  }
0x32a: {  	v2 =	vadd.f32 v6, v2;
	v48 =	vunpack.i.l.bf16.f32 v3  }
0x32b: {  	v49 =	vld [tilespmem:s1+$0x86C0];
	v3 =	vunpack.i.u.bf16.f32 v3;
	v1 =	vadd.f32 v48, v1  }
0x32c: {  	v2 =	vadd.f32 v3, v2;
	v3 =	vunpack.i.l.bf16.f32 v45  }
0x32d: {  	v4 =	vunpack.i.u.bf16.f32 v45;
	v1 =	vadd.f32 v3, v1;
	v3 =	vld [tilespmem:s1+$0x86E0]  }
0x32e: {  	v50 =	vunpack.i.l.bf16.f32 v47;
	v2 =	vadd.f32 v4, v2  }
0x32f: {  	v51 =	vld [tilespmem:s1+$0x8700];
	v5 =	vunpack.i.u.bf16.f32 v47;
	v1 =	vadd.f32 v50, v1  }
0x330: {  	v52 =	vunpack.i.l.bf16.f32 v49;
	v2 =	vadd.f32 v5, v2  }
0x331: {  	v53 =	vld [tilespmem:s1+$0x8720];
	v6 =	vunpack.i.u.bf16.f32 v49;
	v1 =	vadd.f32 v52, v1  }
0x332: {  	v2 =	vadd.f32 v6, v2;
	v54 =	vunpack.i.l.bf16.f32 v3  }
0x333: {  	v55 =	vld [tilespmem:s1+$0x8740];
	v3 =	vunpack.i.u.bf16.f32 v3;
	v1 =	vadd.f32 v54, v1  }
0x334: {  	v2 =	vadd.f32 v3, v2;
	v3 =	vunpack.i.l.bf16.f32 v51  }
0x335: {  	s13 =	sadd.s32 $0xD20, s0;
	v4 =	vunpack.i.u.bf16.f32 v51;
	v1 =	vadd.f32 v3, v1  }
0x336: {  	v56 =	vor.u32 s13, v0;
	s17 =	sadd.s32 $0xD21, s0;
	v2 =	vadd.f32 v4, v2;
	v3 =	vunpack.i.l.bf16.f32 v53  }
0x337: {  	v5 =	vunpack.i.u.bf16.f32 v53;
	v1 =	vadd.f32 v3, v1;
	v3 =	vor.u32 s17, v0  }
0x338: {  	v57 =	vunpack.i.l.bf16.f32 v55;
	v2 =	vadd.f32 v5, v2  }
0x339: {  	v6 =	vunpack.i.u.bf16.f32 v55;
	v1 =	vadd.f32 v57, v1  }
0x33a: {  	v2 =	vadd.f32 v6, v2  }
0x33b: {  	[tilespmem:v56+s21+$0x0] =	vst.idx.msk $0xffff, v1  }
0x33c: {  	s7 =	sadd.s32 $0x1E00, s31;
	[tilespmem:v3+s21+$0x0] =	vst.idx.msk $0xffff, v2  }
0x33d: {  	s1 =	sshra.s32 s7, $0x2;
	v1 =	vld [tilespmem:s0+$0x10290]  }
0x33e: {  	v2 =	vld [tilespmem:s1+$0x84D0]  }
0x33f: {  	v3 =	vld [tilespmem:s0+$0x102A0]  }
0x340: {  	v4 =	vld [tilespmem:s1+$0x84F0];
	_ =	sdelay $0x1  }
0x341: {  	v58 =	vld [tilespmem:s1+$0x8510]  }
0x342: {  	v59 =	vunpack.i.l.bf16.f32 v2  }
0x343: {  	v60 =	vld [tilespmem:s1+$0x8530];
	v2 =	vunpack.i.u.bf16.f32 v2;
	v1 =	vadd.f32 v59, v1  }
0x344: {  	v2 =	vadd.f32 v2, v3;
	v3 =	vunpack.i.l.bf16.f32 v4  }
0x345: {  	v4 =	vunpack.i.u.bf16.f32 v4;
	v1 =	vadd.f32 v3, v1;
	v3 =	vld [tilespmem:s1+$0x8550]  }
0x346: {  	v61 =	vunpack.i.l.bf16.f32 v58;
	v2 =	vadd.f32 v4, v2  }
0x347: {  	v62 =	vld [tilespmem:s1+$0x8570];
	v5 =	vunpack.i.u.bf16.f32 v58;
	v1 =	vadd.f32 v61, v1  }
0x348: {  	v63 =	vunpack.i.l.bf16.f32 v60;
	v2 =	vadd.f32 v5, v2  }
0x349: {  	v9 =	vld [tilespmem:s1+$0x8590];
	v6 =	vunpack.i.u.bf16.f32 v60;
	v1 =	vadd.f32 v63, v1  }
0x34a: {  	v2 =	vadd.f32 v6, v2;
	v10 =	vunpack.i.l.bf16.f32 v3  }
0x34b: {  	v11 =	vld [tilespmem:s1+$0x85B0];
	v3 =	vunpack.i.u.bf16.f32 v3;
	v1 =	vadd.f32 v10, v1  }
0x34c: {  	v2 =	vadd.f32 v3, v2;
	v3 =	vunpack.i.l.bf16.f32 v62  }
0x34d: {  	v4 =	vunpack.i.u.bf16.f32 v62;
	v1 =	vadd.f32 v3, v1;
	v3 =	vld [tilespmem:s1+$0x85D0]  }
0x34e: {  	v12 =	vunpack.i.l.bf16.f32 v9;
	v2 =	vadd.f32 v4, v2  }
0x34f: {  	v13 =	vld [tilespmem:s1+$0x85F0];
	v5 =	vunpack.i.u.bf16.f32 v9;
	v1 =	vadd.f32 v12, v1  }
0x350: {  	v14 =	vunpack.i.l.bf16.f32 v11;
	v2 =	vadd.f32 v5, v2  }
0x351: {  	v15 =	vld [tilespmem:s1+$0x8610];
	v6 =	vunpack.i.u.bf16.f32 v11;
	v1 =	vadd.f32 v14, v1  }
0x352: {  	v2 =	vadd.f32 v6, v2;
	v16 =	vunpack.i.l.bf16.f32 v3  }
0x353: {  	v17 =	vld [tilespmem:s1+$0x8630];
	v3 =	vunpack.i.u.bf16.f32 v3;
	v1 =	vadd.f32 v16, v1  }
0x354: {  	v2 =	vadd.f32 v3, v2;
	v3 =	vunpack.i.l.bf16.f32 v13  }
0x355: {  	v4 =	vunpack.i.u.bf16.f32 v13;
	v1 =	vadd.f32 v3, v1;
	v3 =	vld [tilespmem:s1+$0x8650]  }
0x356: {  	v18 =	vunpack.i.l.bf16.f32 v15;
	v2 =	vadd.f32 v4, v2  }
0x357: {  	v19 =	vld [tilespmem:s1+$0x8670];
	v5 =	vunpack.i.u.bf16.f32 v15;
	v1 =	vadd.f32 v18, v1  }
0x358: {  	v20 =	vunpack.i.l.bf16.f32 v17;
	v2 =	vadd.f32 v5, v2  }
0x359: {  	v21 =	vld [tilespmem:s1+$0x8690];
	v6 =	vunpack.i.u.bf16.f32 v17;
	v1 =	vadd.f32 v20, v1  }
0x35a: {  	v2 =	vadd.f32 v6, v2;
	v22 =	vunpack.i.l.bf16.f32 v3  }
0x35b: {  	v23 =	vld [tilespmem:s1+$0x86B0];
	v3 =	vunpack.i.u.bf16.f32 v3;
	v1 =	vadd.f32 v22, v1  }
0x35c: {  	v2 =	vadd.f32 v3, v2;
	v3 =	vunpack.i.l.bf16.f32 v19  }
0x35d: {  	v4 =	vunpack.i.u.bf16.f32 v19;
	v1 =	vadd.f32 v3, v1;
	v3 =	vld [tilespmem:s1+$0x86D0]  }
0x35e: {  	v24 =	vunpack.i.l.bf16.f32 v21;
	v2 =	vadd.f32 v4, v2  }
0x35f: {  	v25 =	vld [tilespmem:s1+$0x86F0];
	v5 =	vunpack.i.u.bf16.f32 v21;
	v1 =	vadd.f32 v24, v1  }
0x360: {  	v26 =	vunpack.i.l.bf16.f32 v23;
	v2 =	vadd.f32 v5, v2  }
0x361: {  	v27 =	vld [tilespmem:s1+$0x8710];
	v6 =	vunpack.i.u.bf16.f32 v23;
	v1 =	vadd.f32 v26, v1  }
0x362: {  	v2 =	vadd.f32 v6, v2;
	v28 =	vunpack.i.l.bf16.f32 v3  }
0x363: {  	v29 =	vld [tilespmem:s1+$0x8730];
	v3 =	vunpack.i.u.bf16.f32 v3;
	v1 =	vadd.f32 v28, v1  }
0x364: {  	v2 =	vadd.f32 v3, v2;
	v3 =	vunpack.i.l.bf16.f32 v25  }
0x365: {  	s13 =	sadd.s32 $0xD40, s0;
	v4 =	vunpack.i.u.bf16.f32 v25;
	v1 =	vadd.f32 v3, v1  }
0x366: {  	v30 =	vor.u32 s13, v0;
	s17 =	sadd.s32 $0xD41, s0;
	v2 =	vadd.f32 v4, v2;
	v3 =	vunpack.i.l.bf16.f32 v27  }
0x367: {  	v5 =	vunpack.i.u.bf16.f32 v27;
	v1 =	vadd.f32 v3, v1;
	v3 =	vor.u32 s17, v0  }
0x368: {  	v31 =	vunpack.i.l.bf16.f32 v29;
	v2 =	vadd.f32 v5, v2  }
0x369: {  	v6 =	vunpack.i.u.bf16.f32 v29;
	v1 =	vadd.f32 v31, v1  }
0x36a: {  	v2 =	vadd.f32 v6, v2  }
0x36b: {  	[tilespmem:v30+s21+$0x0] =	vst.idx.msk $0xffff, v1  }
0x36c: {  	[tilespmem:v3+s21+$0x0] =	vst.idx.msk $0xffff, v2  }
0x36d: {  	v1 =	vld [tilespmem:s0+$0x102B0]  }
0x36e: {  	v2 =	vld [tilespmem:s1+$0x84E0]  }
0x36f: {  	v3 =	vld [tilespmem:s0+$0x102C0]  }
0x370: {  	v4 =	vld [tilespmem:s1+$0x8500];
	_ =	sdelay $0x1  }
0x371: {  	v32 =	vld [tilespmem:s1+$0x8520]  }
0x372: {  	v33 =	vunpack.i.l.bf16.f32 v2  }
0x373: {  	v34 =	vld [tilespmem:s1+$0x8540];
	v2 =	vunpack.i.u.bf16.f32 v2;
	v1 =	vadd.f32 v33, v1  }
0x374: {  	v2 =	vadd.f32 v2, v3;
	v3 =	vunpack.i.l.bf16.f32 v4  }
0x375: {  	v4 =	vunpack.i.u.bf16.f32 v4;
	v1 =	vadd.f32 v3, v1;
	v3 =	vld [tilespmem:s1+$0x8560]  }
0x376: {  	v35 =	vunpack.i.l.bf16.f32 v32;
	v2 =	vadd.f32 v4, v2  }
0x377: {  	v36 =	vld [tilespmem:s1+$0x8580];
	v5 =	vunpack.i.u.bf16.f32 v32;
	v1 =	vadd.f32 v35, v1  }
0x378: {  	v37 =	vunpack.i.l.bf16.f32 v34;
	v2 =	vadd.f32 v5, v2  }
0x379: {  	v38 =	vld [tilespmem:s1+$0x85A0];
	v6 =	vunpack.i.u.bf16.f32 v34;
	v1 =	vadd.f32 v37, v1  }
0x37a: {  	v2 =	vadd.f32 v6, v2;
	v39 =	vunpack.i.l.bf16.f32 v3  }
0x37b: {  	v40 =	vld [tilespmem:s1+$0x85C0];
	v3 =	vunpack.i.u.bf16.f32 v3;
	v1 =	vadd.f32 v39, v1  }
0x37c: {  	v2 =	vadd.f32 v3, v2;
	v3 =	vunpack.i.l.bf16.f32 v36  }
0x37d: {  	v4 =	vunpack.i.u.bf16.f32 v36;
	v1 =	vadd.f32 v3, v1;
	v3 =	vld [tilespmem:s1+$0x85E0]  }
0x37e: {  	v41 =	vunpack.i.l.bf16.f32 v38;
	v2 =	vadd.f32 v4, v2  }
0x37f: {  	v42 =	vld [tilespmem:s1+$0x8600];
	v5 =	vunpack.i.u.bf16.f32 v38;
	v1 =	vadd.f32 v41, v1  }
0x380: {  	v43 =	vunpack.i.l.bf16.f32 v40;
	v2 =	vadd.f32 v5, v2  }
0x381: {  	v44 =	vld [tilespmem:s1+$0x8620];
	v6 =	vunpack.i.u.bf16.f32 v40;
	v1 =	vadd.f32 v43, v1  }
0x382: {  	v2 =	vadd.f32 v6, v2;
	v45 =	vunpack.i.l.bf16.f32 v3  }
0x383: {  	v46 =	vld [tilespmem:s1+$0x8640];
	v3 =	vunpack.i.u.bf16.f32 v3;
	v1 =	vadd.f32 v45, v1  }
0x384: {  	v2 =	vadd.f32 v3, v2;
	v3 =	vunpack.i.l.bf16.f32 v42  }
0x385: {  	v4 =	vunpack.i.u.bf16.f32 v42;
	v1 =	vadd.f32 v3, v1;
	v3 =	vld [tilespmem:s1+$0x8660]  }
0x386: {  	v47 =	vunpack.i.l.bf16.f32 v44;
	v2 =	vadd.f32 v4, v2  }
0x387: {  	v48 =	vld [tilespmem:s1+$0x8680];
	v5 =	vunpack.i.u.bf16.f32 v44;
	v1 =	vadd.f32 v47, v1  }
0x388: {  	v49 =	vunpack.i.l.bf16.f32 v46;
	v2 =	vadd.f32 v5, v2  }
0x389: {  	v50 =	vld [tilespmem:s1+$0x86A0];
	v6 =	vunpack.i.u.bf16.f32 v46;
	v1 =	vadd.f32 v49, v1  }
0x38a: {  	v2 =	vadd.f32 v6, v2;
	v51 =	vunpack.i.l.bf16.f32 v3  }
0x38b: {  	v52 =	vld [tilespmem:s1+$0x86C0];
	v3 =	vunpack.i.u.bf16.f32 v3;
	v1 =	vadd.f32 v51, v1  }
0x38c: {  	v2 =	vadd.f32 v3, v2;
	v3 =	vunpack.i.l.bf16.f32 v48  }
0x38d: {  	v4 =	vunpack.i.u.bf16.f32 v48;
	v1 =	vadd.f32 v3, v1;
	v3 =	vld [tilespmem:s1+$0x86E0]  }
0x38e: {  	v53 =	vunpack.i.l.bf16.f32 v50;
	v2 =	vadd.f32 v4, v2  }
0x38f: {  	v54 =	vld [tilespmem:s1+$0x8700];
	v5 =	vunpack.i.u.bf16.f32 v50;
	v1 =	vadd.f32 v53, v1  }
0x390: {  	v55 =	vunpack.i.l.bf16.f32 v52;
	v2 =	vadd.f32 v5, v2  }
0x391: {  	v56 =	vld [tilespmem:s1+$0x8720];
	v6 =	vunpack.i.u.bf16.f32 v52;
	v1 =	vadd.f32 v55, v1  }
0x392: {  	v2 =	vadd.f32 v6, v2;
	v57 =	vunpack.i.l.bf16.f32 v3  }
0x393: {  	v58 =	vld [tilespmem:s1+$0x8740];
	v3 =	vunpack.i.u.bf16.f32 v3;
	v1 =	vadd.f32 v57, v1  }
0x394: {  	v2 =	vadd.f32 v3, v2;
	v3 =	vunpack.i.l.bf16.f32 v54  }
0x395: {  	s13 =	sadd.s32 $0xD60, s0;
	v4 =	vunpack.i.u.bf16.f32 v54;
	v1 =	vadd.f32 v3, v1  }
0x396: {  	v59 =	vor.u32 s13, v0;
	s17 =	sadd.s32 $0xD61, s0;
	v2 =	vadd.f32 v4, v2;
	v3 =	vunpack.i.l.bf16.f32 v56  }
0x397: {  	v5 =	vunpack.i.u.bf16.f32 v56;
	v1 =	vadd.f32 v3, v1;
	v3 =	vor.u32 s17, v0  }
0x398: {  	v60 =	vunpack.i.l.bf16.f32 v58;
	v2 =	vadd.f32 v5, v2  }
0x399: {  	v6 =	vunpack.i.u.bf16.f32 v58;
	v1 =	vadd.f32 v60, v1  }
0x39a: {  	v2 =	vadd.f32 v6, v2  }
0x39b: {  	[tilespmem:v59+s21+$0x0] =	vst.idx.msk $0xffff, v1  }
0x39c: {  	s7 =	sadd.s32 $0x2800, s31;
	[tilespmem:v3+s21+$0x0] =	vst.idx.msk $0xffff, v2  }
0x39d: {  	s1 =	sshra.s32 s7, $0x2;
	v1 =	vld [tilespmem:s0+$0x102D0]  }
0x39e: {  	v2 =	vld [tilespmem:s1+$0x84D0]  }
0x39f: {  	v3 =	vld [tilespmem:s0+$0x102E0]  }
0x3a0: {  	v4 =	vld [tilespmem:s1+$0x84F0];
	_ =	sdelay $0x1  }
0x3a1: {  	v61 =	vld [tilespmem:s1+$0x8510]  }
0x3a2: {  	v62 =	vunpack.i.l.bf16.f32 v2  }
0x3a3: {  	v63 =	vld [tilespmem:s1+$0x8530];
	v2 =	vunpack.i.u.bf16.f32 v2;
	v1 =	vadd.f32 v62, v1  }
0x3a4: {  	v2 =	vadd.f32 v2, v3;
	v3 =	vunpack.i.l.bf16.f32 v4  }
0x3a5: {  	v4 =	vunpack.i.u.bf16.f32 v4;
	v1 =	vadd.f32 v3, v1;
	v3 =	vld [tilespmem:s1+$0x8550]  }
0x3a6: {  	v8 =	vunpack.i.l.bf16.f32 v61;
	v2 =	vadd.f32 v4, v2  }
0x3a7: {  	v9 =	vld [tilespmem:s1+$0x8570];
	v5 =	vunpack.i.u.bf16.f32 v61;
	v1 =	vadd.f32 v8, v1  }
0x3a8: {  	v10 =	vunpack.i.l.bf16.f32 v63;
	v2 =	vadd.f32 v5, v2  }
0x3a9: {  	v11 =	vld [tilespmem:s1+$0x8590];
	v6 =	vunpack.i.u.bf16.f32 v63;
	v1 =	vadd.f32 v10, v1  }
0x3aa: {  	v2 =	vadd.f32 v6, v2;
	v12 =	vunpack.i.l.bf16.f32 v3  }
0x3ab: {  	v13 =	vld [tilespmem:s1+$0x85B0];
	v3 =	vunpack.i.u.bf16.f32 v3;
	v1 =	vadd.f32 v12, v1  }
0x3ac: {  	v2 =	vadd.f32 v3, v2;
	v3 =	vunpack.i.l.bf16.f32 v9  }
0x3ad: {  	v4 =	vunpack.i.u.bf16.f32 v9;
	v1 =	vadd.f32 v3, v1;
	v3 =	vld [tilespmem:s1+$0x85D0]  }
0x3ae: {  	v14 =	vunpack.i.l.bf16.f32 v11;
	v2 =	vadd.f32 v4, v2  }
0x3af: {  	v15 =	vld [tilespmem:s1+$0x85F0];
	v5 =	vunpack.i.u.bf16.f32 v11;
	v1 =	vadd.f32 v14, v1  }
0x3b0: {  	v16 =	vunpack.i.l.bf16.f32 v13;
	v2 =	vadd.f32 v5, v2  }
0x3b1: {  	v17 =	vld [tilespmem:s1+$0x8610];
	v6 =	vunpack.i.u.bf16.f32 v13;
	v1 =	vadd.f32 v16, v1  }
0x3b2: {  	v2 =	vadd.f32 v6, v2;
	v18 =	vunpack.i.l.bf16.f32 v3  }
0x3b3: {  	v19 =	vld [tilespmem:s1+$0x8630];
	v3 =	vunpack.i.u.bf16.f32 v3;
	v1 =	vadd.f32 v18, v1  }
0x3b4: {  	v2 =	vadd.f32 v3, v2;
	v3 =	vunpack.i.l.bf16.f32 v15  }
0x3b5: {  	v4 =	vunpack.i.u.bf16.f32 v15;
	v1 =	vadd.f32 v3, v1;
	v3 =	vld [tilespmem:s1+$0x8650]  }
0x3b6: {  	v20 =	vunpack.i.l.bf16.f32 v17;
	v2 =	vadd.f32 v4, v2  }
0x3b7: {  	v21 =	vld [tilespmem:s1+$0x8670];
	v5 =	vunpack.i.u.bf16.f32 v17;
	v1 =	vadd.f32 v20, v1  }
0x3b8: {  	v22 =	vunpack.i.l.bf16.f32 v19;
	v2 =	vadd.f32 v5, v2  }
0x3b9: {  	v23 =	vld [tilespmem:s1+$0x8690];
	v6 =	vunpack.i.u.bf16.f32 v19;
	v1 =	vadd.f32 v22, v1  }
0x3ba: {  	v2 =	vadd.f32 v6, v2;
	v24 =	vunpack.i.l.bf16.f32 v3  }
0x3bb: {  	v25 =	vld [tilespmem:s1+$0x86B0];
	v3 =	vunpack.i.u.bf16.f32 v3;
	v1 =	vadd.f32 v24, v1  }
0x3bc: {  	v2 =	vadd.f32 v3, v2;
	v3 =	vunpack.i.l.bf16.f32 v21  }
0x3bd: {  	v4 =	vunpack.i.u.bf16.f32 v21;
	v1 =	vadd.f32 v3, v1;
	v3 =	vld [tilespmem:s1+$0x86D0]  }
0x3be: {  	v26 =	vunpack.i.l.bf16.f32 v23;
	v2 =	vadd.f32 v4, v2  }
0x3bf: {  	v27 =	vld [tilespmem:s1+$0x86F0];
	v5 =	vunpack.i.u.bf16.f32 v23;
	v1 =	vadd.f32 v26, v1  }
0x3c0: {  	v28 =	vunpack.i.l.bf16.f32 v25;
	v2 =	vadd.f32 v5, v2  }
0x3c1: {  	v29 =	vld [tilespmem:s1+$0x8710];
	v6 =	vunpack.i.u.bf16.f32 v25;
	v1 =	vadd.f32 v28, v1  }
0x3c2: {  	v2 =	vadd.f32 v6, v2;
	v30 =	vunpack.i.l.bf16.f32 v3  }
0x3c3: {  	v31 =	vld [tilespmem:s1+$0x8730];
	v3 =	vunpack.i.u.bf16.f32 v3;
	v1 =	vadd.f32 v30, v1  }
0x3c4: {  	v2 =	vadd.f32 v3, v2;
	v3 =	vunpack.i.l.bf16.f32 v27  }
0x3c5: {  	s13 =	sadd.s32 $0xD80, s0;
	v4 =	vunpack.i.u.bf16.f32 v27;
	v1 =	vadd.f32 v3, v1  }
0x3c6: {  	v32 =	vor.u32 s13, v0;
	s17 =	sadd.s32 $0xD81, s0;
	v2 =	vadd.f32 v4, v2;
	v3 =	vunpack.i.l.bf16.f32 v29  }
0x3c7: {  	v5 =	vunpack.i.u.bf16.f32 v29;
	v1 =	vadd.f32 v3, v1;
	v3 =	vor.u32 s17, v0  }
0x3c8: {  	v33 =	vunpack.i.l.bf16.f32 v31;
	v2 =	vadd.f32 v5, v2  }
0x3c9: {  	v6 =	vunpack.i.u.bf16.f32 v31;
	v1 =	vadd.f32 v33, v1  }
0x3ca: {  	v2 =	vadd.f32 v6, v2  }
0x3cb: {  	[tilespmem:v32+s21+$0x0] =	vst.idx.msk $0xffff, v1  }
0x3cc: {  	[tilespmem:v3+s21+$0x0] =	vst.idx.msk $0xffff, v2  }
0x3cd: {  	v1 =	vld [tilespmem:s0+$0x102F0]  }
0x3ce: {  	v2 =	vld [tilespmem:s1+$0x84E0]  }
0x3cf: {  	v3 =	vld [tilespmem:s0+$0x10300]  }
0x3d0: {  	v4 =	vld [tilespmem:s1+$0x8500];
	_ =	sdelay $0x1  }
0x3d1: {  	v34 =	vld [tilespmem:s1+$0x8520]  }
0x3d2: {  	v35 =	vunpack.i.l.bf16.f32 v2  }
0x3d3: {  	v36 =	vld [tilespmem:s1+$0x8540];
	v2 =	vunpack.i.u.bf16.f32 v2;
	v1 =	vadd.f32 v35, v1  }
0x3d4: {  	v2 =	vadd.f32 v2, v3;
	v3 =	vunpack.i.l.bf16.f32 v4  }
0x3d5: {  	v4 =	vunpack.i.u.bf16.f32 v4;
	v1 =	vadd.f32 v3, v1;
	v3 =	vld [tilespmem:s1+$0x8560]  }
0x3d6: {  	v37 =	vunpack.i.l.bf16.f32 v34;
	v2 =	vadd.f32 v4, v2  }
0x3d7: {  	v38 =	vld [tilespmem:s1+$0x8580];
	v5 =	vunpack.i.u.bf16.f32 v34;
	v1 =	vadd.f32 v37, v1  }
0x3d8: {  	v39 =	vunpack.i.l.bf16.f32 v36;
	v2 =	vadd.f32 v5, v2  }
0x3d9: {  	v40 =	vld [tilespmem:s1+$0x85A0];
	v6 =	vunpack.i.u.bf16.f32 v36;
	v1 =	vadd.f32 v39, v1  }
0x3da: {  	v2 =	vadd.f32 v6, v2;
	v41 =	vunpack.i.l.bf16.f32 v3  }
0x3db: {  	v42 =	vld [tilespmem:s1+$0x85C0];
	v3 =	vunpack.i.u.bf16.f32 v3;
	v1 =	vadd.f32 v41, v1  }
0x3dc: {  	v2 =	vadd.f32 v3, v2;
	v3 =	vunpack.i.l.bf16.f32 v38  }
0x3dd: {  	v4 =	vunpack.i.u.bf16.f32 v38;
	v1 =	vadd.f32 v3, v1;
	v3 =	vld [tilespmem:s1+$0x85E0]  }
0x3de: {  	v43 =	vunpack.i.l.bf16.f32 v40;
	v2 =	vadd.f32 v4, v2  }
0x3df: {  	v44 =	vld [tilespmem:s1+$0x8600];
	v5 =	vunpack.i.u.bf16.f32 v40;
	v1 =	vadd.f32 v43, v1  }
0x3e0: {  	v45 =	vunpack.i.l.bf16.f32 v42;
	v2 =	vadd.f32 v5, v2  }
0x3e1: {  	v46 =	vld [tilespmem:s1+$0x8620];
	v6 =	vunpack.i.u.bf16.f32 v42;
	v1 =	vadd.f32 v45, v1  }
0x3e2: {  	v2 =	vadd.f32 v6, v2;
	v47 =	vunpack.i.l.bf16.f32 v3  }
0x3e3: {  	v48 =	vld [tilespmem:s1+$0x8640];
	v3 =	vunpack.i.u.bf16.f32 v3;
	v1 =	vadd.f32 v47, v1  }
0x3e4: {  	v2 =	vadd.f32 v3, v2;
	v3 =	vunpack.i.l.bf16.f32 v44  }
0x3e5: {  	v4 =	vunpack.i.u.bf16.f32 v44;
	v1 =	vadd.f32 v3, v1;
	v3 =	vld [tilespmem:s1+$0x8660]  }
0x3e6: {  	v49 =	vunpack.i.l.bf16.f32 v46;
	v2 =	vadd.f32 v4, v2  }
0x3e7: {  	v50 =	vld [tilespmem:s1+$0x8680];
	v5 =	vunpack.i.u.bf16.f32 v46;
	v1 =	vadd.f32 v49, v1  }
0x3e8: {  	v51 =	vunpack.i.l.bf16.f32 v48;
	v2 =	vadd.f32 v5, v2  }
0x3e9: {  	v52 =	vld [tilespmem:s1+$0x86A0];
	v6 =	vunpack.i.u.bf16.f32 v48;
	v1 =	vadd.f32 v51, v1  }
0x3ea: {  	v2 =	vadd.f32 v6, v2;
	v53 =	vunpack.i.l.bf16.f32 v3  }
0x3eb: {  	v54 =	vld [tilespmem:s1+$0x86C0];
	v3 =	vunpack.i.u.bf16.f32 v3;
	v1 =	vadd.f32 v53, v1  }
0x3ec: {  	v2 =	vadd.f32 v3, v2;
	v3 =	vunpack.i.l.bf16.f32 v50  }
0x3ed: {  	v4 =	vunpack.i.u.bf16.f32 v50;
	v1 =	vadd.f32 v3, v1;
	v3 =	vld [tilespmem:s1+$0x86E0]  }
0x3ee: {  	v55 =	vunpack.i.l.bf16.f32 v52;
	v2 =	vadd.f32 v4, v2  }
0x3ef: {  	v56 =	vld [tilespmem:s1+$0x8700];
	v5 =	vunpack.i.u.bf16.f32 v52;
	v1 =	vadd.f32 v55, v1  }
0x3f0: {  	v57 =	vunpack.i.l.bf16.f32 v54;
	v2 =	vadd.f32 v5, v2  }
0x3f1: {  	v58 =	vld [tilespmem:s1+$0x8720];
	v6 =	vunpack.i.u.bf16.f32 v54;
	v1 =	vadd.f32 v57, v1  }
0x3f2: {  	v2 =	vadd.f32 v6, v2;
	v59 =	vunpack.i.l.bf16.f32 v3  }
0x3f3: {  	v60 =	vld [tilespmem:s1+$0x8740];
	v3 =	vunpack.i.u.bf16.f32 v3;
	v1 =	vadd.f32 v59, v1  }
0x3f4: {  	v2 =	vadd.f32 v3, v2;
	v3 =	vunpack.i.l.bf16.f32 v56  }
0x3f5: {  	s31 =	sadd.s32 $0xDA0, s0;
	v4 =	vunpack.i.u.bf16.f32 v56;
	v1 =	vadd.f32 v3, v1  }
0x3f6: {  	v61 =	vor.u32 s31, v0;
	s0 =	sadd.s32 $0xDA1, s0;
	v2 =	vadd.f32 v4, v2;
	v3 =	vunpack.i.l.bf16.f32 v58  }
0x3f7: {  	p0 =	sne.s32 s30, $0x9;
	v5 =	vunpack.i.u.bf16.f32 v58;
	v1 =	vadd.f32 v3, v1;
	v3 =	vor.u32 s0, v0  }
.Ltmp1:
0x3f8: {  	v62 =	vunpack.i.l.bf16.f32 v60;
	v2 =	vadd.f32 v5, v2;
	(pc) =	sbr.rel @p0 .LBB2_5-.Ltmp1, $4  }
0x3f9: {  	v63 =	vunpack.i.u.bf16.f32 v60;
	v1 =	vadd.f32 v62, v1  }
0x3fa: {  	v2 =	vadd.f32 v63, v2  }
0x3fb: {  	[tilespmem:v61+s21+$0x0] =	vst.idx.msk $0xffff, v1  }
0x3fc: {  	s30 =	sadd.s32 $0x1, s30;
	[tilespmem:v3+s21+$0x0] =	vst.idx.msk $0xffff, v2  }
0x3fd: {  	s28 =	sadd.s32 $0x1, s28  }
0x3fe: {  	p0 =	sne.s32 s28, $0x40  }
.Ltmp2:
0x3ff: {  	s0 =	sadd.s32 s4, s29;
	(pc) =	sbr.rel @p0 .LBB2_2-.Ltmp2, $3  }
0x400: {  	s0 =	smul.u32 $0x190, s0;
	_ =	sdelay $0x1  }
0x401: {  	s0 =	sadd.s32 s2, s0  }
0x402: {  	[hbm4b:s0+s3] =	stream.linear.scatter [tilespmem:s23], [sflag:$0x6], $0xC80, $0x38;
	[tilespmem:$0x128D0] =	vst v63  }
0x403: {  	s26 =	sadd.s32 $0x1, s26  }
0x404: {  	_ =	swait.ge [sflag:s24], $0xC80;
	p0 =	sne.s32 s26, s12  }
.Ltmp3:
0x405: {  	[sflag:s24] =	ssyncset.done $0x0;
	(pc) =	sbr.rel @p0 .LBB2_1-.Ltmp3, $4  }
0x406: {  	[sflag:s24] =	ssyncadd.s32 $0xFFFFF380  }
0x407: {  	_ =	swait.ge [sflag:s25], $0xC80  }
0x408: {  	[sflag:s25] =	ssyncset.done $0x0  }
0x409: {  	[sflag:s25] =	ssyncadd.s32 $0xFFFFF380  }
0x40a: {  	_ =	sfence.sel $0x180000  }
0x40b: {  	[bflag:$0x0] =	sbarrier.arrive $0xFFFF  }
0x40c: {  	_ =	strace $0x90000047  }
0x40d: {  	s0 =	stileid.u32;
	[bflag:$0x2] =	sbarrier.arrive $0xFFFF  }
0x40e: {  	p0 =	sne.s32 s0, $0x0;
	s0 =	rddreg [dreg:$0x2]  }
0x40f: {  	s0 =	sadd.s32 @!p0 $0x100000, s0  }
0x410: {  	[sflag:s0] =	ssyncadd.tile.s32 @!p0 $0x1;
	_ =	shalt  }
.Lfunc_end2:
_tile_overlayer_lowered:
.L_overlay_start_2:
0x411: {  	(tag) =	ssettag $0x2  }
0x412: {  	s0 =	rddreg [dreg:$0x0];
	s2 =	stileid.u32  }
0x413: {  	s1 =	rddreg [dreg:$0x1];
	p0 =	sne.s32 s2, $0x0  }
0x414: {  	s3 =	rddreg [dreg:$0x2];
	[bflag:$0x3] =	sbarrier.arrive $0xFFFF;
	s2 =	simm.s32 @!p0 $0x1C07  }
0x415: {  	[timem:s3], [sflag:s2] =	dma.local @!p0 [hbm:s0], s1  }
0x416: {  	s0 =	simm.s32 @!p0 $0x7  }
0x417: {  	_ =	swait.ge @!p0 [sflag:s0], s1  }
0x418: {  	s1 =	ssub.s32 @!p0 $0x0, s1;
	[sflag:s0] =	ssyncset.done @!p0 $0x0  }
0x419: {  	[sflag:s0] =	ssyncadd.s32 @!p0 s1  }
0x41a: {  	[bflag:$0x3] =	sbarrier.arrive $0xFFFF  }
0x41b: {  	_ =	shalt  }

// kernel: sparse-core-data-format-call.cloned.1.call-start
scs
called_computation_lowered:
.L_overlay_start_0:
0x0: {  	s2 =	sld [smem:$0x3FD9]  }
0x1: {  	s3 =	sld [smem:$0x3FFE];
	_ =	sdelay $0x1  }
0x2: {  	s1 =	srdreg.scid  }
0x3: {  	s0 =	sand.u32 $0x1, s1  }
0x4: {  	s18 =	sshll.u32 s0, $0xA;
	s2 =	sadd.s32 s3, s2  }
0x5: {  	s2 =	sadd.s32 s2, s18  }
0x6: {  	[smem:$0x3FC5] =	sst s2  }
0x7: {  	_ = 	snop  }
0x8: {  	s2 =	sld [smem:$0x3FD0];
	(tm) =	ssettm $0x1  }
0x9: {  	s19 =	sld [smem:$0x3FFB];
	_ =	sdelay $0x3  }
0xa: {  	_ =	strace s19  }
0xb: {  	s3 =	sld [smem:$0x3FFC];
	_ =	sdelay $0x3  }
0xc: {  	_ =	strace s3  }
0xd: {  	s3 =	sld [smem:$0x3FFD];
	_ =	sdelay $0x3  }
0xe: {  	_ =	strace s3  }
0xf: {  	_ =	strace $0x8FFFFFFF  }
0x10: {  	s20 =	sld [smem:$0x3FDB];
	_ =	sdelay $0x1  }
0x11: {  	s4 =	simm.s32 $_scs_section_size  }
0x12: {  	s5 =	simm.s32 $_size__tile_overlayer_lowered;
	s6 =	simm.s32 $_tile_overlayer_lowered  }
0x13: {  	s23 =	simm.s32 $0x1BFF;
	s22 =	sshll.u32 s6, $0x1;
	s3 =	sadd.s32 s4, s20  }
0x14: {  	s7 =	simm.s32 $0x0;
	s21 =	sshll.u32 s5, $0x1;
	s5 =	sadd.s32 s22, s3  }
0x15: {  	[timem:s7], [sflag:s23] =	dma.local [hbm:s5], s21  }
0x16: {  	_ =	swait.ge [sflag:s23], s21  }
0x17: {  	s4 =	ssub.s32 $0x0, s21;
	[sflag:s23] =	ssyncset.done $0x0  }
0x18: {  	[sflag:s23] =	ssyncadd.s32 s4;
	_ =	sdelay $0x1  }
0x19: {  	s24 =	simm.s32 $0x1B8B  }
0x1a: {  	_ =	swait.ge [sflag:s24], $0x1  }
0x1b: {  	[sflag:s24] =	ssyncset.done $0x0  }
0x1c: {  	s26 =	simm.s32 $0x1B8E;
	s25 =	sld [smem:$0x3FFE];
	[sflag:s24] =	ssyncadd.s32 $0xFFFFFFFF  }
0x1d: {  	s27 =	simm.s32 $execute0_lowered;
	[smem:$0x3FD2] =	sst s26  }
0x1e: {  	s5 =	sshll.u32 s27, $0x1;
	_ =	strace $0x80000049;
	[dreg:$0x1] =	wrdreg $0xFFFFFFFF  }
0x1f: {  	s28 =	simm.s32 $_size_execute0_lowered;
	s3 =	sadd.s32 s3, s5;
	[dreg:$0x0] =	wrdreg $0x0  }
0x20: {  	s5 =	sshll.u32 s28, $0x1;
	[dreg:$0x2] =	wrdreg s3  }
0x21: {  	[dreg:$0x3] =	wrdreg s5  }
0x22: {  	[dreg:$0x4] =	wrdreg $0xC0  }
0x23: {  	_ =	task [dreg:s7], $0x5FFFF  }
0x24: {  	[dreg:$0x1] =	wrdreg $0xFFFFFFFF  }
0x25: {  	[dreg:$0x0] =	wrdreg $0x60  }
0x26: {  	[dreg:$0x2] =	wrdreg s25  }
0x27: {  	[dreg:$0x3] =	wrdreg s2  }
0x28: {  	[dreg:$0x4] =	wrdreg $0x9  }
0x29: {  	_ =	task.clear_ibuf [dreg:s7], $0x5FFFF;
	_ =	strace $0x90000049  }
0x2a: {  	s29 =	simm.s32 $0x9;
	_ =	strace $0x8000004B  }
0x2b: {  	_ =	swait.ge [sflag:s29], $0x1  }
0x2c: {  	[sflag:s29] =	ssyncadd.s32 $0xFFFFFFFF  }
0x2d: {  	_ =	strace $0x9000004B  }
0x2e: {  	_ =	sfence  }
0x2f: {  	s30 =	sld [smem:$0x0];
	_ =	sdelay $0x2  }
0x30: {  	s31 =	sshll.u32 s1, $0xD;
	s1 =	sshrl.u32 s1, $0x2  }
0x31: {  	s3 =	sand.u32 $0x4000, s31;
	s1 =	sadd.s32 s1, s30  }
0x32: {  	s0 =	sor.u32 s3, s0;
	s1 =	sshll.u32 s1, $0x11  }
0x33: {  	s0 =	sor.u32 s1, s0  }
0x34: {  	s0 =	sadd.s32 $0x8F2B, s0  }
0x35: {  	[sflag:s0] =	ssyncadd.remote.s32 $0x1  }
0x36: {  	_ =	sfence.sel $0xFFFF  }
0x37: {  	[dreg:$0x0] =	wrdreg $0xFFFFFFFF;
	(pc) =	sbr.abs _section_cstart, $3  }
0x38: {  	[dreg:$0x1] =	wrdreg $0xFFFFFFFF  }
0x39: {  	_ =	task.clear_ibuf [dreg:s7], $0x2FFFF;
	_ =	strace $0x9FFFFFFF  }
0x3a: {  	(tm) =	ssettm $0x7FFFFFFF  }
0x3b: {  	_ =	shalt  }
tec
execute0_lowered:
.L_overlay_start_1:
0x0: {  	(tag) =	ssettag $0x1  }
0x1: {  	s0 =	srdreg.scid  }
0x2: {  	s1 =	sshll.u32 s0, $0x4  }
0x3: {  	s0 =	stileid.u32;
	s1 =	sand.u32 $0x10, s1  }
0x4: {  	s1 =	sor.u32 s0, s1  }
0x5: {  	s6 =	rddreg [dreg:$0x0];
	s4 =	simm.s32 $0x1;
	s2 =	sshll.u32 s1, $0x7  }
0x6: {  	s7 =	simm.s32 $0x2;
	s13 =	simm.s32 $0x0;
	s1 =	ssub.s32 $0x1000, s2  }
0x7: {  	s8 =	simm.s32 $0x8000;
	s12 =	simm.s32 $0x0;
	s3 =	sand.u32 $0xF80, s1  }
0x8: {  	s9 =	simm.s32 $0x0;
	s5 =	sshrl.u32 s1, $0xC;
	p0 =	sne.s32 s3, $0x0  }
.Ltmp0:
0x9: {  	s1 =	rddreg [dreg:$0x2];
	s4 =	simm.s32 @!p0 $0x0;
	(pc) =	sbr.rel .LBB1_1-.Ltmp0, $4  }
0xa: {  	s11 =	simm.s32 $0x0;
	s3 =	rddreg [dreg:$0x1];
	s5 =	sadd.s32 s4, s5  }
0xb: {  	_ =	strace $0x8000004A;
	s4 =	simm.s32 $0x1;
	s5 =	smul.u32 $0x19, s5  }
0xc: {  	s6 =	sadd.s32 $0x1800, s6;
	s10 =	smov.u32 s2;
	[sflag:s4] =	ssyncpa.u1 $0x0  }
0xd: {  	p0 =	por $0x0, $0x0;
	[sflag:s7] =	ssyncpa.u1 $0x0;
	s7 =	sadd.s32 $0x1, s5  }
.LBB1_4:
0xe: {  	v5 =	vld [tilespmem:s16+$0xFFFFFFD0];
	[tilespmem:s17+$0x2040 ss:$0x81] =	vst.msk $0xffff, v3  }
0xf: {  	v58 =	vld [tilespmem:s16+$0xFFFFFFE0];
	[tilespmem:s17+$0x2850 ss:$0x81] =	vst.msk $0xffff, v4;
	s19 =	sshll.u32 s13, $0xC;
	s20 =	sshll.u32 s12, $0x3  }
0x10: {  	s18 =	sshra.s32 s18, $0x2;
	v59 =	vld [tilespmem:s16+$0xFFFFFFF0];
	[tilespmem:s17+$0x3060 ss:$0x81] =	vst.msk $0xffff, v2;
	s19 =	sand.u32 $0xFFFF8000, s19;
	s21 =	sand.u32 $0xFFFFFC00, s20  }
0x11: {  	[tilespmem:s17+$0x0 ss:$0x81] =	vst.msk $0xffff, v0;
	v60 =	vld [tilespmem:s16+$0x0];
	s15 =	sadd.s32 s18, s15;
	s25 =	sadd.s32 s21, s19  }
0x12: {  	v61 =	vld [tilespmem:s16+$0x10];
	[tilespmem:s15+$0x3870 ss:$0x81] =	vst.msk $0xffff, v1;
	s17 =	sshrl.u32 s25, $0xC  }
0x13: {  	v62 =	vld [tilespmem:s16+$0x20];
	s26 =	smulhi.u32 $0x147AE2, s17;
	[tilespmem:s15+$0x810 ss:$0x81] =	vst.msk $0xffff, v5  }
0x14: {  	v63 =	vld [tilespmem:s16+$0xFFFFFFC0];
	s27 =	sand.u32 $0x78, s12;
	s28 =	sshll.u32 s13, $0x7;
	s29 =	sand.u32 $0xC00, s20;
	[tilespmem:s15+$0x1020 ss:$0x81] =	vst.msk $0xffff, v58  }
0x15: {  	s13 =	sand.u32 $0x380, s28;
	s16 =	sor.u32 s27, s29;
	[tilespmem:s15+$0x1830 ss:$0x81] =	vst.msk $0xffff, v59;
	s18 =	smul.u32 $0xC80, s26  }
0x16: {  	s13 =	sor.u32 s13, s16;
	[tilespmem:s15+$0x2040 ss:$0x81] =	vst.msk $0xffff, v60  }
0x17: {  	s31 =	sand.u32 $0x7, s12;
	s13 =	sshrl.u32 s13, $0x3;
	[tilespmem:s15+$0x2850 ss:$0x81] =	vst.msk $0xffff, v61;
	s30 =	ssub.s32 s17, s18  }
0x18: {  	s12 =	sshll.u32 s31, $0x12;
	[tilespmem:s15+$0x3060 ss:$0x81] =	vst.msk $0xffff, v62;
	s13 =	sadd.s32 s3, s13;
	s16 =	sshll.u32 s30, $0x9  }
0x19: {  	s12 =	sor.u32 $0x400, s12;
	[tilespmem:s15+$0x0 ss:$0x81] =	vst.msk $0xffff, v63;
	s13 =	sadd.s32 s16, s13  }
0x1a: {  	[hbm4b:s13+s12] =	stream.strided.scatter [tilespmem:s14], [sflag:$0x2], $0x4000, s8, s12, $0x20;
	[tilespmem:$0x10100] =	vst v63  }
.LBB1_5:
0x1b: {  	s14 =	sadd.s32 $0x80, s9  }
0x1c: {  	s12 =	sadd.s32 $0x1000, s10;
	s16 =	smov.u32 s10;
	p2 =	sgt.s32 s14, $0xC7F  }
0x1d: {  	s16 =	smov.u32 @p2 s12  }
0x1e: {  	s14 =	simm.s32 @p2 $0x0;
	p2 =	sgt.s32 s16, $0xFFF  }
0x1f: {  	s16 =	smov.u32 @p2 s2;
	p2 =	sne.s32 s11, s7  }
.Ltmp1:
0x20: {  	p1 =	slt.u32 s11, $0x2;
	(pc) =	sbr.rel @!p2 .LBB1_6-.Ltmp1, $4  }
0x21: {  	s15 =	simm.s32 @!p1 $0x2  }
0x22: {  	s13 =	smov.u32 s9;
	p0 =	por !p0, !p0;
	_ =	swait.ge @!p1 [sflag:s15], $0x4000  }
0x23: {  	s12 =	smov.u32 s10;
	[sflag:s15] =	ssyncset.done @!p1 $0x0;
	s9 =	smov.u32 s14  }
0x24: {  	s11 =	sadd.s32 $0x1, s11;
	[sflag:s15] =	ssyncadd.s32 @!p1 $0xFFFFC000;
	s10 =	smov.u32 s16  }
.LBB1_1:
0x25: {  	p1 =	sge.u32 s11, s5  }
0x26: {  	s14 =	sshrl.u32 @!p1 s10, $0x3  }
0x27: {  	s15 =	sshll.u32 @!p1 s9, $0x3;
	s14 =	smul.u32 @!p1 $0x6400, s14  }
0x28: {  	s16 =	sshll.u32 @!p1 s10, $0x7;
	s15 =	sand.u32 @!p1 $0xFFFFFC00, s15  }
0x29: {  	s14 =	sadd.s32 @!p1 s14, s15;
	s15 =	sand.u32 @!p1 $0x380, s16  }
0x2a: {  	s16 =	sand.u32 @!p1 $0x7F, s9;
	s14 =	sor.u32 @!p1 s15, s14  }
0x2b: {  	s15 =	sor.u32 @!p1 s16, s14  }
0x2c: {  	s16 =	smulhi.u32 @!p1 $0x51EB851F, s15;
	_ =	sdelay $0x1  }
0x2d: {  	s14 =	smulhi.u32 @!p1 $0x51EB851F, s14;
	s16 =	sshrl.u32 @!p1 s16, $0xA  }
0x2e: {  	s16 =	smul.u32 @!p1 $0xC80, s16  }
0x2f: {  	s31 =	sadd.s32 $0xFFFFFFFF, s11;
	s17 =	sxor.u32 @!p1 $0xFFFFFFFF, s11;
	s14 =	sshrl.u32 @!p1 s14, $0xA  }
0x30: {  	s17 =	sshll.u32 @!p1 s17, $0xE;
	s14 =	sand.u32 @!p1 $0xFFF, s14;
	s15 =	ssub.s32 @!p1 s15, s16  }
0x31: {  	s14 =	smul.u32 @!p1 $0x190, s14;
	s16 =	sshrl.u32 @!p1 s15, $0x3;
	s15 =	sand.u32 @!p1 $0x7, s15  }
0x32: {  	s17 =	sand.u32 @!p1 $0x4000, s17;
	s16 =	sadd.s32 @!p1 s6, s16;
	s15 =	sshll.u32 @!p1 s15, $0x12  }
0x33: {  	s14 =	sadd.s32 @!p1 s14, s16;
	s15 =	sor.u32 @!p1 $0x400, s15;
	s16 =	simm.s32 @!p1 $0x6400  }
0x34: {  	[tilespmem:s17], [sflag:$0x1] =	stream.strided.gather @!p1 [hbm4b:s14+s15], $0x4000, s16, s15, $0x38;
	[tilespmem:$0x10100] =	vst v63  }
0x35: {  	p1 =	sge.u32 s31, s5  }
.Ltmp2:
0x36: {  	_ = 	snop;
	(pc) =	sbr.rel @p1 .LBB1_5-.Ltmp2, $1  }
0x37: {  	_ =	sdelay $0x3  }
0x38: {  	s14 =	simm.s32 $0x1  }
0x39: {  	_ =	swait.ge [sflag:s4], $0x4000;
	s14 =	simm.s32 @!p0 $0x0  }
0x3a: {  	[sflag:s4] =	ssyncset.done $0x0;
	s15 =	sshll.u32 s14, $0xE  }
0x3b: {  	[sflag:s4] =	ssyncadd.s32 $0xFFFFC000;
	s16 =	sor.u32 $0x40, s15  }
0x3c: {  	s14 =	smul.u32 $0x10200, s14;
	v0 =	vld [tilespmem:s16+$0x30]  }
0x3d: {  	v1 =	vld [tilespmem:s16+$0xFFFFFFD0]  }
0x3e: {  	s14 =	sshrl.u32 s14, $0x2;
	v5 =	vld [tilespmem:s16+$0xFFFFFFE0]  }
0x3f: {  	v6 =	vld [tilespmem:s16+$0xFFFFFFF0];
	s15 =	sor.u32 $0x8000, s14  }
0x40: {  	s31 =	sand.u32 $0x1, s11;
	v3 =	vld [tilespmem:s16+$0x0];
	s17 =	sadd.s32 $0x0, s15  }
0x41: {  	v4 =	vld [tilespmem:s16+$0x10];
	s14 =	smul.u32 $0x10200, s31;
	[tilespmem:s17+$0x3870 ss:$0x81] =	vst.msk $0xffff, v0  }
0x42: {  	v2 =	vld [tilespmem:s16+$0x20];
	[tilespmem:s17+$0x810 ss:$0x81] =	vst.msk $0xffff, v1  }
0x43: {  	s14 =	sshrl.u32 s14, $0x2;
	v0 =	vld [tilespmem:s16+$0xFFFFFFC0];
	[tilespmem:s17+$0x1020 ss:$0x81] =	vst.msk $0xffff, v5;
	s16 =	sadd.s32 $0x80, s16  }
0x44: {  	s18 =	simm.s32 $0x4;
	s19 =	simm.s32 $0x8;
	s14 =	sor.u32 $0x8000, s14;
	[tilespmem:s17+$0x1830 ss:$0x81] =	vst.msk $0xffff, v6;
	v1 =	vld [tilespmem:s16+$0x30]  }
.LBB1_3:
0x45: {  	p1 =	sne.s32 s19, $0x1FC;
	v5 =	vld [tilespmem:s16+$0xFFFFFFD0];
	[tilespmem:s17+$0x2040 ss:$0x81] =	vst.msk $0xffff, v3  }
0x46: {  	v6 =	vld [tilespmem:s16+$0xFFFFFFE0];
	[tilespmem:s17+$0x2850 ss:$0x81] =	vst.msk $0xffff, v4  }
0x47: {  	s20 =	sshra.s32 s18, $0x2;
	s18 =	smov.u32 s19;
	v7 =	vld [tilespmem:s16+$0xFFFFFFF0];
	[tilespmem:s17+$0x3060 ss:$0x81] =	vst.msk $0xffff, v2  }
.Ltmp3:
0x48: {  	v3 =	vld [tilespmem:s16+$0x0];
	[tilespmem:s17+$0x0 ss:$0x81] =	vst.msk $0xffff, v0;
	s17 =	sadd.s32 s20, s15;
	(pc) =	sbr.rel @p1 .LBB1_3-.Ltmp3, $4  }
0x49: {  	v4 =	vld [tilespmem:s16+$0x10];
	[tilespmem:s17+$0x3870 ss:$0x81] =	vst.msk $0xffff, v1  }
0x4a: {  	[tilespmem:s17+$0x810 ss:$0x81] =	vst.msk $0xffff, v5;
	v2 =	vld [tilespmem:s16+$0x20]  }
0x4b: {  	v0 =	vld [tilespmem:s16+$0xFFFFFFC0];
	[tilespmem:s17+$0x1020 ss:$0x81] =	vst.msk $0xffff, v6;
	s16 =	sadd.s32 $0x80, s16  }
0x4c: {  	s19 =	sadd.s32 $0x4, s19;
	v1 =	vld [tilespmem:s16+$0x30];
	[tilespmem:s17+$0x1830 ss:$0x81] =	vst.msk $0xffff, v7  }
.Ltmp4:
0x4d: {  	_ = 	snop;
	(pc) =	sbr.rel .LBB1_4-.Ltmp4, $1  }
0x4e: {  	_ =	sdelay $0x3  }
.LBB1_6:
0x4f: {  	_ =	sfence.sel $0x180000  }
0x50: {  	s2 =	simm.s32 $0x1;
	[bflag:$0x0] =	sbarrier.arrive $0xFFFF  }
0x51: {  	s31 =	simm.s32 $0x2;
	[sflag:s2] =	ssyncpa.u1 $0x1  }
0x52: {  	[sflag:s31] =	ssyncpa.u1 $0x1  }
0x53: {  	p0 =	sne.s32 s0, $0x0;
	_ =	strace $0x9000004A  }
0x54: {  	s0 =	sadd.s32 @!p0 $0x100000, s1;
	[bflag:$0x2] =	sbarrier.arrive $0xFFFF  }
0x55: {  	[sflag:s0] =	ssyncadd.tile.s32 @!p0 $0x1;
	_ =	shalt  }
.Lfunc_end1:
_tile_overlayer_lowered:
.L_overlay_start_2:
0x56: {  	(tag) =	ssettag $0x2  }
0x57: {  	s0 =	rddreg [dreg:$0x0];
	s2 =	stileid.u32  }
0x58: {  	s1 =	rddreg [dreg:$0x1];
	p0 =	sne.s32 s2, $0x0  }
0x59: {  	s3 =	rddreg [dreg:$0x2];
	[bflag:$0x3] =	sbarrier.arrive $0xFFFF;
	s2 =	simm.s32 @!p0 $0x1C01  }
0x5a: {  	[timem:s3], [sflag:s2] =	dma.local @!p0 [hbm:s0], s1  }
0x5b: {  	s0 =	simm.s32 @!p0 $0x1  }
0x5c: {  	_ =	swait.ge @!p0 [sflag:s0], s1  }
0x5d: {  	s1 =	ssub.s32 @!p0 $0x0, s1;
	[sflag:s0] =	ssyncset.done @!p0 $0x0  }
0x5e: {  	[sflag:s0] =	ssyncadd.s32 @!p0 s1  }
0x5f: {  	[bflag:$0x3] =	sbarrier.arrive $0xFFFF  }
0x60: {  	_ =	shalt  }

</sc_bundles>
